<compile_context>
chip_gen: v7x
topology: tpu7x:2x2x1
jax: 0.10.2.dev20260603
libtpu: 0.0.44.dev20260713+nightly
codegen_flags: <defaults>
</compile_context>

<pallas_src>
import functools

import jax
import jax.numpy as jnp
from jax import lax
from jax.experimental import pallas as pl
from jax.experimental.pallas import tpu as pltpu
from jax.experimental.pallas import tpu_sc as plsc

NN = 10000
NP = 10240
EE = 320000
RR = 4
DD = 128
GG = NP // 128
GB = 16
NBLK = GG // GB

NC = 2
NS = 16
EPT = EE // NS
EPT32 = EE // (NC * NS)
KE = 4000
KE2 = 2000
CAP = 20480
NPH = 5120
NRNG = 2
RPT = NPH // NS

def _mesh():
    return plsc.VectorSubcoreMesh(
        core_axis_name="c", subcore_axis_name="s",
        num_cores=NC, num_subcores=NS)


def _sc_counts_body(src_hbm, dst_hbm, typ_hbm, cnt_hbm, epk_hbm,
                    sbuf, dbuf, tbuf, pbuf, acc):
    c = lax.axis_index("c")
    s = lax.axis_index("s")
    wid = s * NC + c
    z16 = jnp.zeros((16,), jnp.float32)
    ones = jnp.ones((16,), jnp.float32)

    def zero(i, _):
        acc[pl.ds(i * 16, 16)] = z16
        return 0
    lax.fori_loop(0, RR * NP // 16, zero, 0)

    def stage(st, _):
        base = wid * EPT32 + st * KE2
        pltpu.sync_copy(src_hbm.at[pl.ds(base, KE2)], sbuf)
        pltpu.sync_copy(dst_hbm.at[pl.ds(base, KE2)], dbuf)
        pltpu.sync_copy(typ_hbm.at[pl.ds(base, KE2)], tbuf)

        def chunk(i, _):
            s16 = sbuf[pl.ds(i * 16, 16)]
            d16 = dbuf[pl.ds(i * 16, 16)]
            t16 = tbuf[pl.ds(i * 16, 16)]
            plsc.addupdate_scatter(acc, [t16 * NP + d16], ones)
            pbuf[pl.ds(i * 16, 16)] = t16 * 268435456 + s16 * 16384 + d16
            return 0
        lax.fori_loop(0, KE2 // 16, chunk, 0)
        pltpu.sync_copy(pbuf, epk_hbm.at[pl.ds(base, KE2)])
        return 0
    lax.fori_loop(0, EPT32 // KE2, stage, 0)
    pltpu.sync_copy(acc, cnt_hbm.at[wid])


@functools.cache
def _sc_counts():
    return pl.kernel(
        _sc_counts_body,
        out_type=(jax.ShapeDtypeStruct((NC * NS, RR * NP), jnp.float32),
                  jax.ShapeDtypeStruct((EE,), jnp.int32)),
        mesh=_mesh(),
        scratch_types=[
            pltpu.VMEM((KE2,), jnp.int32),
            pltpu.VMEM((KE2,), jnp.int32),
            pltpu.VMEM((KE2,), jnp.int32),
            pltpu.VMEM((KE2,), jnp.int32),
            pltpu.VMEM((RR * NP,), jnp.float32),
        ],
        compiler_params=pltpu.CompilerParams(needs_layout_passes=False),
    )


def _sc_msg_body(tab_hbm, epk_hbm, out_hbm,
                 sbuf, prel, qbuf, gidx2, dbuf2, rbuf, zbuf, acc, semA, semB):
    c = lax.axis_index("c")
    s = lax.axis_index("s")
    iota = lax.iota(jnp.int32, 16)
    z16 = jnp.zeros((16,), jnp.float32)

    def zrow(i, _):
        def zcol(k, _):
            zbuf[i, pl.ds(k * 16, 16)] = z16
            return 0
        lax.fori_loop(0, DD // 16, zcol, 0)
        return 0
    lax.fori_loop(0, 16, zrow, 0)

    def one_rel(p, _):
        r = 2 * c + p
        def rstage(st, offr):
            pltpu.sync_copy(epk_hbm.at[pl.ds(s * EPT + st * KE, KE)], sbuf)

            def rchunk(i, offr):
                p16 = sbuf[pl.ds(i * 16, 16)]
                m = (p16 // 268435456) == r
                plsc.store_compressed(prel.at[pl.ds(offr, 16)],
                                      p16 % 268435456, mask=m)
                return offr + jnp.sum(m.astype(jnp.int32))
            return lax.fori_loop(0, KE // 16, rchunk, offr)
        offr = lax.fori_loop(0, EPT // KE, rstage, 0)
        prel[pl.ds(offr, 16)] = jnp.full((16,), 268435455, jnp.int32)
        nrc = (offr + 15) // 16

        def one_rng(h, _):
            lo = h * NPH
            def zacc(k, _):
                pltpu.sync_copy(zbuf, acc.at[pl.ds(s * RPT + k * 16, 16)])
                return 0
            lax.fori_loop(0, RPT // 16, zacc, 0)
            plsc.subcore_barrier()

            def qchunk(i, off):
                q16 = prel[pl.ds(i * 16, 16)]
                d16 = q16 % 16384
                s16 = q16 // 16384
                dl = d16 - lo
                m = (dl >= 0) & (dl < NPH)
                plsc.store_compressed(qbuf.at[pl.ds(off, 16)],
                                      (r * NP + s16) * 8192 + dl, mask=m)
                return off + jnp.sum(m.astype(jnp.int32))
            off = lax.fori_loop(0, nrc, qchunk, 0)

            def pad(k, _):
                qbuf[pl.ds(off + k * 16, 16)] = (
                    (r * NP + NN + (k % 4) * 16 + iota) * 8192
                    + (k % 4) * 16 + iota)
                return 0
            lax.fori_loop(0, 16, pad, 0)
            nbp = ((off + 255) // 256) * 2

            def unpack(j, b):
                def cp16(k, _):
                    v = qbuf[pl.ds(j * 128 + k * 16, 16)]
                    gidx2[b, pl.ds(k * 16, 16)] = v // 8192
                    dbuf2[b, pl.ds(k * 16, 16)] = v % 8192
                    return 0
                lax.fori_loop(0, 8, cp16, 0)

            def fire(j, b, sem):
                unpack(j, b)
                pltpu.async_copy(tab_hbm.at[gidx2.at[b]], rbuf.at[b], sem)

            @pl.when(nbp > 0)
            def _prologue():
                fire(0, 0, semA)
                fire(1, 1, semB)

            def pair(jj, _):
                j0 = 2 * jj
                pltpu.make_async_copy(
                    tab_hbm.at[gidx2.at[0]], rbuf.at[0], semA).wait()
                pltpu.sync_copy(rbuf.at[0], acc.at[dbuf2.at[0]], add=True)

                @pl.when(j0 + 2 < nbp)
                def _():
                    fire(j0 + 2, 0, semA)
                pltpu.make_async_copy(
                    tab_hbm.at[gidx2.at[1]], rbuf.at[1], semB).wait()
                pltpu.sync_copy(rbuf.at[1], acc.at[dbuf2.at[1]], add=True)

                @pl.when(j0 + 3 < nbp)
                def _():
                    fire(j0 + 3, 1, semB)
                return 0
            lax.fori_loop(0, nbp // 2, pair, 0)
            plsc.subcore_barrier()

            grow = lo + s * RPT
            @pl.when(grow + RPT <= NP)
            def _writeback():
                pltpu.sync_copy(acc.at[pl.ds(s * RPT, RPT)],
                                out_hbm.at[pl.ds(r * NP + grow, RPT)])
            plsc.subcore_barrier()
            return 0
        lax.fori_loop(0, NRNG, one_rng, 0)
        return 0
    lax.fori_loop(0, 2, one_rel, 0)


@functools.cache
def _sc_msg():
    return pl.kernel(
        _sc_msg_body,
        out_type=jax.ShapeDtypeStruct((RR * NP, DD), jnp.float32),
        mesh=_mesh(),
        scratch_types=[
            pltpu.VMEM((KE,), jnp.int32),
            pltpu.VMEM((CAP,), jnp.int32),
            pltpu.VMEM((CAP,), jnp.int32),
            pltpu.VMEM((2, 128), jnp.int32),
            pltpu.VMEM((2, 128), jnp.int32),
            pltpu.VMEM((2, 128, DD), jnp.float32),
            pltpu.VMEM((16, DD), jnp.float32),
            pltpu.MemorySpace.VMEM_SHARED((NPH, DD), jnp.float32),
            pltpu.SemaphoreType.DMA,
            pltpu.SemaphoreType.DMA,
        ],
        compiler_params=pltpu.CompilerParams(needs_layout_passes=False),
    )


def _tc1_body(cntp_ref, x_ref, w1_ref, dis_ref, t1_ref):
    deg = jnp.sum(cntp_ref[:, 0], axis=0) + 1.0
    d = lax.rsqrt(deg)
    dis_ref[0] = d
    h = jnp.dot(jnp.reshape(x_ref[...], (GB * 128, DD)), w1_ref[0],
                preferred_element_type=jnp.float32)
    t1_ref[0] = jnp.reshape(h, (GB, 128, DD)) * d[:, :, None]


def _tc2_body(m1_ref, t1_ref, dis_ref, b1_ref, w2_ref, t2_ref):
    d = dis_ref[0]
    pre = (m1_ref[0] + t1_ref[0]) * d[:, :, None] + b1_ref[0, 0][None, None, :]
    h = jnp.maximum(pre, 0.0)
    h2 = jnp.dot(jnp.reshape(h, (GB * 128, DD)), w2_ref[0],
                 preferred_element_type=jnp.float32)
    i = pl.program_id(1)
    nid3 = (i * GB * 128
            + lax.broadcasted_iota(jnp.int32, (GB, 128, DD), 0) * 128
            + lax.broadcasted_iota(jnp.int32, (GB, 128, DD), 1))
    t2 = jnp.reshape(h2, (GB, 128, DD)) * d[:, :, None]
    t2_ref[0] = jnp.where(nid3 < NN, t2, 0.0)


def _tc3_body(m2_ref, t2_ref, dis_ref, b2_ref, wa_ref, out_ref):
    d = dis_ref[...]
    emb = ((m2_ref[...] + t2_ref[...]) * d[..., None]
           + b2_ref[:, 0][:, None, None, :])
    wa = wa_ref[0]
    logits = jnp.sum(emb * wa[None, None, None, :], axis=-1)
    mx = jnp.max(logits, axis=0)
    ex = jnp.exp(logits - mx[None])
    att = ex / jnp.sum(ex, axis=0)[None]
    out_ref[...] = jnp.sum(emb * att[..., None], axis=0)


def _tc1(cntp, x3, W1):
    return pl.pallas_call(
        _tc1_body,
        grid=(RR, NBLK),
        in_specs=[
            pl.BlockSpec((NC * NS, 1, GB, 128), lambda r, i: (0, r, i, 0)),
            pl.BlockSpec((GB, 128, DD), lambda r, i: (i, 0, 0)),
            pl.BlockSpec((1, DD, DD), lambda r, i: (r, 0, 0)),
        ],
        out_specs=[
            pl.BlockSpec((1, GB, 128), lambda r, i: (r, i, 0)),
            pl.BlockSpec((1, GB, 128, DD), lambda r, i: (r, i, 0, 0)),
        ],
        out_shape=[
            jax.ShapeDtypeStruct((RR, GG, 128), jnp.float32),
            jax.ShapeDtypeStruct((RR, GG, 128, DD), jnp.float32),
        ],
    )(cntp, x3, W1)


def _tc2(m1, t1, dis, b1, W2):
    return pl.pallas_call(
        _tc2_body,
        grid=(RR, NBLK),
        in_specs=[
            pl.BlockSpec((1, GB, 128, DD), lambda r, i: (r, i, 0, 0)),
            pl.BlockSpec((1, GB, 128, DD), lambda r, i: (r, i, 0, 0)),
            pl.BlockSpec((1, GB, 128), lambda r, i: (r, i, 0)),
            pl.BlockSpec((1, 1, DD), lambda r, i: (r, 0, 0)),
            pl.BlockSpec((1, DD, DD), lambda r, i: (r, 0, 0)),
        ],
        out_specs=pl.BlockSpec((1, GB, 128, DD), lambda r, i: (r, i, 0, 0)),
        out_shape=jax.ShapeDtypeStruct((RR, GG, 128, DD), jnp.float32),
    )(m1, t1, dis, b1, W2)


def _tc3(m2, t2, dis, b2, wa):
    return pl.pallas_call(
        _tc3_body,
        grid=(NBLK,),
        in_specs=[
            pl.BlockSpec((RR, GB, 128, DD), lambda i: (0, i, 0, 0)),
            pl.BlockSpec((RR, GB, 128, DD), lambda i: (0, i, 0, 0)),
            pl.BlockSpec((RR, GB, 128), lambda i: (0, i, 0)),
            pl.BlockSpec((RR, 1, DD), lambda i: (0, 0, 0)),
            pl.BlockSpec((1, DD), lambda i: (0, 0)),
        ],
        out_specs=pl.BlockSpec((GB, 128, DD), lambda i: (i, 0, 0)),
        out_shape=jax.ShapeDtypeStruct((GG, 128, DD), jnp.float32),
    )(m2, t2, dis, b2, wa)


def kernel(x, edge_index, edge_type, W1, b1, W2, b2, Wa, ba, relation_to_index):
    del ba, relation_to_index
    src = edge_index[0]
    dst = edge_index[1]
    typ = edge_type

    x3 = jnp.pad(x, ((0, NP - NN), (0, 0))).reshape(GG, 128, DD)

    cntp, epk = _sc_counts()(src, dst, typ)
    cntp = cntp.reshape(NC * NS, RR, GG, 128)
    dis, t1 = _tc1(cntp, x3, W1)
    m1 = _sc_msg()(t1.reshape(RR * NP, DD), epk)
    t2 = _tc2(m1.reshape(RR, GG, 128, DD), t1, dis, b1.reshape(RR, 1, DD), W2)
    m2 = _sc_msg()(t2.reshape(RR * NP, DD), epk)
    out = _tc3(m2.reshape(RR, GG, 128, DD), t2, dis, b2.reshape(RR, 1, DD),
               Wa.reshape(1, DD))
    return out.reshape(NP, DD)[:NN]

# --- scband reference (transcript-rebuilt; emitter-appended) ---
"""Pipeline reference for scband-heterogeneous-ontology-gnn-55259049230994 (READ-ONLY COPY).

The authoritative reference and input builder live on the scoring server;
editing this copy changes nothing except your own understanding.
"""

import jax, jax.numpy as jnp
import numpy as np

N = 10000
E = 320000
D_IN = 128
D_HID = 128
D_OUT = 128
R = 4


def setup_inputs(seed: int = 0) -> dict:
    key = jax.random.key(seed)
    ks = jax.random.split(key, 12)
    x = jax.random.normal(ks[0], (N, D_IN), dtype=jnp.float32)
    edge_index = jax.random.randint(ks[1], (2, E), 0, N, dtype=jnp.int32)
    edge_type = jax.random.randint(ks[2], (E,), 0, R, dtype=jnp.int32)
    s1 = 1.0 / np.sqrt(D_IN)
    s2 = 1.0 / np.sqrt(D_HID)
    W1 = jax.random.normal(ks[3], (R, D_IN, D_HID), dtype=jnp.float32) * s1
    b1 = jnp.zeros((R, D_HID), dtype=jnp.float32)
    W2 = jax.random.normal(ks[4], (R, D_HID, D_OUT), dtype=jnp.float32) * s2
    b2 = jnp.zeros((R, D_OUT), dtype=jnp.float32)
    Wa = jax.random.normal(ks[5], (D_OUT, 1), dtype=jnp.float32) * (1.0 / np.sqrt(D_OUT))
    ba = jnp.zeros((1,), dtype=jnp.float32)
    relation_to_index = {f"rel_{i}": i for i in range(R)}
    return {
        "x": x,
        "edge_index": edge_index,
        "edge_type": edge_type,
        "W1": W1,
        "b1": b1,
        "W2": W2,
        "b2": b2,
        "Wa": Wa,
        "ba": ba,
        "relation_to_index": relation_to_index,
    }


def _gcn_conv(x, W, b, src, dst, w, n_nodes):
    # PyG GCNConv with added self-loops and symmetric normalization.
    # Masked-out edges carry weight 0, so they contribute neither to degree
    # nor to messages (equivalent to edge_index[:, rel_mask]).
    h = x @ W
    deg = jnp.zeros((n_nodes,), jnp.float32).at[dst].add(w)
    dis = jnp.where(deg > 0, jax.lax.rsqrt(jnp.maximum(deg, 1e-12)), 0.0)
    norm = dis[src] * dis[dst] * w
    msgs = h[src] * norm[:, None]
    out = jnp.zeros((n_nodes, W.shape[1]), jnp.float32).at[dst].add(msgs)
    return out + b


def reference(x, edge_index, edge_type, W1, b1, W2, b2, Wa, ba, relation_to_index):
    n_nodes = x.shape[0]
    num_rel = W1.shape[0]
    loop = jnp.arange(n_nodes, dtype=edge_index.dtype)
    src = jnp.concatenate([edge_index[0], loop])
    dst = jnp.concatenate([edge_index[1], loop])
    self_w = jnp.ones((n_nodes,), jnp.float32)
    embs = []
    for r in range(num_rel):
        mask = (edge_type == r).astype(jnp.float32)
        w = jnp.concatenate([mask, self_w])
        h = _gcn_conv(x, W1[r], b1[r], src, dst, w, n_nodes)
        h = jax.nn.relu(h)
        # dropout p=0.0 -> identity
        h = _gcn_conv(h, W2[r], b2[r], src, dst, w, n_nodes)
        embs.append(h)
    stacked = jnp.stack(embs, axis=0)  # [R, N, D_OUT]
    att_logits = jnp.squeeze(stacked @ Wa + ba, -1)  # [R, N]
    att = jax.nn.softmax(att_logits, axis=0)
    combined = (stacked * att[..., None]).sum(axis=0)
    return combined

if __name__ == "__main__":
    import jax
    _d = setup_inputs()
    print(jax.jit(kernel)(*tuple(_d.values())))

</pallas_src>

<mosaic_0001>
#map = affine_map<(d0, d1) -> (0)>
#map1 = affine_map<(d0, d1) -> (0, 0)>
module attributes {stable_mosaic.version = 14 : i64} {
  func.func @_sc_counts_body(%arg0: i32, %arg1: i32, %arg2: memref<320000xi32, #tpu.memory_space<hbm>>, %arg3: memref<320000xi32, #tpu.memory_space<hbm>>, %arg4: memref<320000xi32, #tpu.memory_space<hbm>>, %arg5: memref<32x40960xf32, #tpu.memory_space<hbm>>, %arg6: memref<320000xi32, #tpu.memory_space<hbm>>, %arg7: memref<2000xi32, #tpu.memory_space<vmem>>, %arg8: memref<2000xi32, #tpu.memory_space<vmem>>, %arg9: memref<2000xi32, #tpu.memory_space<vmem>>, %arg10: memref<2000xi32, #tpu.memory_space<vmem>>, %arg11: memref<40960xf32, #tpu.memory_space<vmem>>) attributes {dimension_semantics = [#tpu.dimension_semantics<core_parallel>, #tpu.dimension_semantics<subcore_parallel>], iteration_bounds = array<i64: 2, 16>, scalar_prefetch = 0 : i64, scratch_operands = 5 : i64, tpu.core_type = #tpu.core_type<sc_vector_subcore>, window_params = [{transform_indices = #map}, {transform_indices = #map}, {transform_indices = #map}, {transform_indices = #map1}, {transform_indices = #map}]} {
    %mul3A = arith.constant 2 : i32
    %mul3A_0 = arith.muli %arg1, %mul3A : i32
    %add3A = arith.addi %mul3A_0, %arg0 : i32
    %broadcast_in_dim3A = arith.constant 0.000000e+00 : f32
    %broadcast_in_dim3A_1 = vector.broadcast %broadcast_in_dim3A : f32 to vector<16xf32>
    %broadcast_in_dim3A_2 = arith.constant 1.000000e+00 : f32
    %broadcast_in_dim3A_3 = vector.broadcast %broadcast_in_dim3A_2 : f32 to vector<16xf32>
    %scan3A = arith.constant 0 : i32
    %scan3A_4 = arith.constant 0 : i32
    %scan3A_5 = arith.constant 2560 : i32
    %scan3A_6 = arith.addi %scan3A_4, %scan3A_5 : i32
    %scan3A_7 = arith.constant 1 : i32
    %scan3A_8 = scf.for %scan3A_17 = %scan3A_4 to %scan3A_6 step %scan3A_7 iter_args(%scan3A_18 = %scan3A) -> (i32)  : i32 {
      %mul3A_19 = arith.constant 16 : i32
      %mul3A_20 = arith.muli %scan3A_17, %mul3A_19 : i32
      %swap3A = arith.index_cast %mul3A_20 : i32 to index
      %swap3A_21 = tpu.vector_load %arg11[%swap3A] {strides = array<i32>} : memref<40960xf32, #tpu.memory_space<vmem>>, vector<16xf32>,
      tpu.vector_store %arg11[%swap3A], %broadcast_in_dim3A_1 {strides = array<i32>} : memref<40960xf32, #tpu.memory_space<vmem>>, vector<16xf32>,
      %scan3A_22 = arith.constant 0 : i32
      scf.yield %scan3A_22 : i32
    }
    %scan3A_9 = arith.constant 2560 : i32
    %scan3A_10 = arith.constant 0 : i32
    %scan3A_11 = arith.constant 0 : i32
    %scan3A_12 = arith.constant 5 : i32
    %scan3A_13 = arith.addi %scan3A_11, %scan3A_12 : i32
    %scan3A_14 = arith.constant 1 : i32
    %scan3A_15 = scf.for %scan3A_17 = %scan3A_11 to %scan3A_13 step %scan3A_14 iter_args(%scan3A_18 = %scan3A_10) -> (i32)  : i32 {
      %mul3A_19 = arith.constant 10000 : i32
      %mul3A_20 = arith.muli %add3A, %mul3A_19 : i32
      %mul3A_21 = arith.constant 2000 : i32
      %mul3A_22 = arith.muli %scan3A_17, %mul3A_21 : i32
      %add3A_23 = arith.addi %mul3A_20, %mul3A_22 : i32
      "tpu.region"() ({
        %run_scoped3A = tpu.sem_alloc : memref<!tpu.dma_semaphore, #tpu.memory_space<semaphore_mem>>
        %dma_start3A = tpu.memref_slice %arg2[%add3A_23] : memref<320000xi32, #tpu.memory_space<hbm>> -> memref<2000xi32, #tpu.memory_space<hbm>>
        %dma_start3A_32 = tpu.memref_slice %arg2[%add3A_23] : memref<320000xi32, #tpu.memory_space<hbm>> -> memref<2000xi32, #tpu.memory_space<hbm>>
        tpu.enqueue_dma source(%dma_start3A_32 : memref<2000xi32, #tpu.memory_space<hbm>>) target(%arg7 : memref<2000xi32, #tpu.memory_space<vmem>>) target_semaphore(%run_scoped3A : memref<!tpu.dma_semaphore, #tpu.memory_space<semaphore_mem>>)
        %dma_wait3A = tpu.memref_slice %arg2[%add3A_23] : memref<320000xi32, #tpu.memory_space<hbm>> -> memref<2000xi32, #tpu.memory_space<hbm>>
        %dma_wait3A_33 = tpu.memref_slice %arg2[%add3A_23] : memref<320000xi32, #tpu.memory_space<hbm>> -> memref<2000xi32, #tpu.memory_space<hbm>>
        tpu.wait_dma2 semaphore(%run_scoped3A : memref<!tpu.dma_semaphore, #tpu.memory_space<semaphore_mem>>) src(%dma_wait3A_33 : memref<2000xi32, #tpu.memory_space<hbm>>) dst(%arg7 : memref<2000xi32, #tpu.memory_space<vmem>>)
        tpu.yield
      }) : () -> ()
      "tpu.region"() ({
        %run_scoped3A = tpu.sem_alloc : memref<!tpu.dma_semaphore, #tpu.memory_space<semaphore_mem>>
        %dma_start3A = tpu.memref_slice %arg3[%add3A_23] : memref<320000xi32, #tpu.memory_space<hbm>> -> memref<2000xi32, #tpu.memory_space<hbm>>
        %dma_start3A_32 = tpu.memref_slice %arg3[%add3A_23] : memref<320000xi32, #tpu.memory_space<hbm>> -> memref<2000xi32, #tpu.memory_space<hbm>>
        tpu.enqueue_dma source(%dma_start3A_32 : memref<2000xi32, #tpu.memory_space<hbm>>) target(%arg8 : memref<2000xi32, #tpu.memory_space<vmem>>) target_semaphore(%run_scoped3A : memref<!tpu.dma_semaphore, #tpu.memory_space<semaphore_mem>>)
        %dma_wait3A = tpu.memref_slice %arg3[%add3A_23] : memref<320000xi32, #tpu.memory_space<hbm>> -> memref<2000xi32, #tpu.memory_space<hbm>>
        %dma_wait3A_33 = tpu.memref_slice %arg3[%add3A_23] : memref<320000xi32, #tpu.memory_space<hbm>> -> memref<2000xi32, #tpu.memory_space<hbm>>
        tpu.wait_dma2 semaphore(%run_scoped3A : memref<!tpu.dma_semaphore, #tpu.memory_space<semaphore_mem>>) src(%dma_wait3A_33 : memref<2000xi32, #tpu.memory_space<hbm>>) dst(%arg8 : memref<2000xi32, #tpu.memory_space<vmem>>)
        tpu.yield
      }) : () -> ()
      "tpu.region"() ({
        %run_scoped3A = tpu.sem_alloc : memref<!tpu.dma_semaphore, #tpu.memory_space<semaphore_mem>>
        %dma_start3A = tpu.memref_slice %arg4[%add3A_23] : memref<320000xi32, #tpu.memory_space<hbm>> -> memref<2000xi32, #tpu.memory_space<hbm>>
        %dma_start3A_32 = tpu.memref_slice %arg4[%add3A_23] : memref<320000xi32, #tpu.memory_space<hbm>> -> memref<2000xi32, #tpu.memory_space<hbm>>
        tpu.enqueue_dma source(%dma_start3A_32 : memref<2000xi32, #tpu.memory_space<hbm>>) target(%arg9 : memref<2000xi32, #tpu.memory_space<vmem>>) target_semaphore(%run_scoped3A : memref<!tpu.dma_semaphore, #tpu.memory_space<semaphore_mem>>)
        %dma_wait3A = tpu.memref_slice %arg4[%add3A_23] : memref<320000xi32, #tpu.memory_space<hbm>> -> memref<2000xi32, #tpu.memory_space<hbm>>
        %dma_wait3A_33 = tpu.memref_slice %arg4[%add3A_23] : memref<320000xi32, #tpu.memory_space<hbm>> -> memref<2000xi32, #tpu.memory_space<hbm>>
        tpu.wait_dma2 semaphore(%run_scoped3A : memref<!tpu.dma_semaphore, #tpu.memory_space<semaphore_mem>>) src(%dma_wait3A_33 : memref<2000xi32, #tpu.memory_space<hbm>>) dst(%arg9 : memref<2000xi32, #tpu.memory_space<vmem>>)
        tpu.yield
      }) : () -> ()
      %scan3A_24 = arith.constant 0 : i32
      %scan3A_25 = arith.constant 0 : i32
      %scan3A_26 = arith.constant 125 : i32
      %scan3A_27 = arith.addi %scan3A_25, %scan3A_26 : i32
      %scan3A_28 = arith.constant 1 : i32
      %scan3A_29 = scf.for %scan3A_32 = %scan3A_25 to %scan3A_27 step %scan3A_28 iter_args(%scan3A_33 = %scan3A_24) -> (i32)  : i32 {
        %mul3A_34 = arith.constant 16 : i32
        %mul3A_35 = arith.muli %scan3A_32, %mul3A_34 : i32
        %get3A = arith.index_cast %mul3A_35 : i32 to index
        %get3A_36 = tpu.vector_load %arg7[%get3A] {strides = array<i32>} : memref<2000xi32, #tpu.memory_space<vmem>>, vector<16xi32>,
        %mul3A_37 = arith.constant 16 : i32
        %mul3A_38 = arith.muli %scan3A_32, %mul3A_37 : i32
        %get3A_39 = arith.index_cast %mul3A_38 : i32 to index
        %get3A_40 = tpu.vector_load %arg8[%get3A_39] {strides = array<i32>} : memref<2000xi32, #tpu.memory_space<vmem>>, vector<16xi32>,
        %mul3A_41 = arith.constant 16 : i32
        %mul3A_42 = arith.muli %scan3A_32, %mul3A_41 : i32
        %get3A_43 = arith.index_cast %mul3A_42 : i32 to index
        %get3A_44 = tpu.vector_load %arg9[%get3A_43] {strides = array<i32>} : memref<2000xi32, #tpu.memory_space<vmem>>, vector<16xi32>,
        %mul3A_45 = arith.constant 10240 : i32
        %mul3A_46 = vector.broadcast %mul3A_45 : i32 to vector<16xi32>
        %mul3A_47 = arith.muli %get3A_44, %mul3A_46 : vector<16xi32>
        %add3A_48 = arith.addi %mul3A_47, %get3A_40 : vector<16xi32>
        tpu.vector_store_idx %arg11[%add3A_48], %broadcast_in_dim3A_3 {add = true} : memref<40960xf32, #tpu.memory_space<vmem>>[vector<16xi32>], vector<16xf32>,
        %mul3A_49 = arith.constant 268435456 : i32
        %mul3A_50 = vector.broadcast %mul3A_49 : i32 to vector<16xi32>
        %mul3A_51 = arith.muli %get3A_44, %mul3A_50 : vector<16xi32>
        %mul3A_52 = arith.constant 16384 : i32
        %mul3A_53 = vector.broadcast %mul3A_52 : i32 to vector<16xi32>
        %mul3A_54 = arith.muli %get3A_36, %mul3A_53 : vector<16xi32>
        %add3A_55 = arith.addi %mul3A_51, %mul3A_54 : vector<16xi32>
        %add3A_56 = arith.addi %add3A_55, %get3A_40 : vector<16xi32>
        %mul3A_57 = arith.constant 16 : i32
        %mul3A_58 = arith.muli %scan3A_32, %mul3A_57 : i32
        %swap3A = arith.index_cast %mul3A_58 : i32 to index
        %swap3A_59 = tpu.vector_load %arg10[%swap3A] {strides = array<i32>} : memref<2000xi32, #tpu.memory_space<vmem>>, vector<16xi32>,
        tpu.vector_store %arg10[%swap3A], %add3A_56 {strides = array<i32>} : memref<2000xi32, #tpu.memory_space<vmem>>, vector<16xi32>,
        %scan3A_60 = arith.constant 0 : i32
        scf.yield %scan3A_60 : i32
      }
      %scan3A_30 = arith.constant 125 : i32
      "tpu.region"() ({
        %run_scoped3A = tpu.sem_alloc : memref<!tpu.dma_semaphore, #tpu.memory_space<semaphore_mem>>
        %dma_start3A = tpu.memref_slice %arg6[%add3A_23] : memref<320000xi32, #tpu.memory_space<hbm>> -> memref<2000xi32, #tpu.memory_space<hbm>>
        %dma_start3A_32 = tpu.memref_slice %arg6[%add3A_23] : memref<320000xi32, #tpu.memory_space<hbm>> -> memref<2000xi32, #tpu.memory_space<hbm>>
        tpu.enqueue_dma source(%arg10 : memref<2000xi32, #tpu.memory_space<vmem>>) target(%dma_start3A_32 : memref<2000xi32, #tpu.memory_space<hbm>>) target_semaphore(%run_scoped3A : memref<!tpu.dma_semaphore, #tpu.memory_space<semaphore_mem>>)
        %dma_wait3A = tpu.memref_slice %arg6[%add3A_23] : memref<320000xi32, #tpu.memory_space<hbm>> -> memref<2000xi32, #tpu.memory_space<hbm>>
        %dma_wait3A_33 = tpu.memref_slice %arg6[%add3A_23] : memref<320000xi32, #tpu.memory_space<hbm>> -> memref<2000xi32, #tpu.memory_space<hbm>>
        tpu.wait_dma2 semaphore(%run_scoped3A : memref<!tpu.dma_semaphore, #tpu.memory_space<semaphore_mem>>) src(%arg10 : memref<2000xi32, #tpu.memory_space<vmem>>) dst(%dma_wait3A_33 : memref<2000xi32, #tpu.memory_space<hbm>>)
        tpu.yield
      }) : () -> ()
      %scan3A_31 = arith.constant 0 : i32
      scf.yield %scan3A_31 : i32
    }
    %scan3A_16 = arith.constant 5 : i32
    "tpu.region"() ({
      %run_scoped3A = tpu.sem_alloc : memref<!tpu.dma_semaphore, #tpu.memory_space<semaphore_mem>>
      %dma_start3A = arith.constant 0 : i32
      %dma_start3A_17 = tpu.memref_slice %arg5[%add3A, %dma_start3A] : memref<32x40960xf32, #tpu.memory_space<hbm>> -> memref<1x40960xf32, #tpu.memory_space<hbm>>
      %dma_start3A_18 = tpu.memref_squeeze %dma_start3A_17 : memref<1x40960xf32, #tpu.memory_space<hbm>> -> memref<40960xf32, #tpu.memory_space<hbm>>
      %dma_start3A_19 = arith.constant 0 : i32
      %dma_start3A_20 = tpu.memref_slice %arg5[%add3A, %dma_start3A_19] : memref<32x40960xf32, #tpu.memory_space<hbm>> -> memref<1x40960xf32, #tpu.memory_space<hbm>>
      %dma_start3A_21 = tpu.memref_squeeze %dma_start3A_20 : memref<1x40960xf32, #tpu.memory_space<hbm>> -> memref<40960xf32, #tpu.memory_space<hbm>>
      tpu.enqueue_dma source(%arg11 : memref<40960xf32, #tpu.memory_space<vmem>>) target(%dma_start3A_21 : memref<40960xf32, #tpu.memory_space<hbm>>) target_semaphore(%run_scoped3A : memref<!tpu.dma_semaphore, #tpu.memory_space<semaphore_mem>>)
      %dma_wait3A = arith.constant 0 : i32
      %dma_wait3A_22 = tpu.memref_slice %arg5[%add3A, %dma_wait3A] : memref<32x40960xf32, #tpu.memory_space<hbm>> -> memref<1x40960xf32, #tpu.memory_space<hbm>>
      %dma_wait3A_23 = tpu.memref_squeeze %dma_wait3A_22 : memref<1x40960xf32, #tpu.memory_space<hbm>> -> memref<40960xf32, #tpu.memory_space<hbm>>
      %dma_wait3A_24 = arith.constant 0 : i32
      %dma_wait3A_25 = tpu.memref_slice %arg5[%add3A, %dma_wait3A_24] : memref<32x40960xf32, #tpu.memory_space<hbm>> -> memref<1x40960xf32, #tpu.memory_space<hbm>>
      %dma_wait3A_26 = tpu.memref_squeeze %dma_wait3A_25 : memref<1x40960xf32, #tpu.memory_space<hbm>> -> memref<40960xf32, #tpu.memory_space<hbm>>
      tpu.wait_dma2 semaphore(%run_scoped3A : memref<!tpu.dma_semaphore, #tpu.memory_space<semaphore_mem>>) src(%arg11 : memref<40960xf32, #tpu.memory_space<vmem>>) dst(%dma_wait3A_26 : memref<40960xf32, #tpu.memory_space<hbm>>)
      tpu.yield
    }) : () -> ()
    return
  }
}

#map = affine_map<(d0, d1) -> (0, 0)>
#map1 = affine_map<(d0, d1) -> (0)>
module attributes {stable_mosaic.version = 14 : i64} {
  func.func @_sc_msg_body(%arg0: i32, %arg1: i32, %arg2: memref<40960x128xf32, #tpu.memory_space<hbm>>, %arg3: memref<320000xi32, #tpu.memory_space<hbm>>, %arg4: memref<40960x128xf32, #tpu.memory_space<hbm>>, %arg5: memref<4000xi32, #tpu.memory_space<vmem>>, %arg6: memref<20480xi32, #tpu.memory_space<vmem>>, %arg7: memref<20480xi32, #tpu.memory_space<vmem>>, %arg8: memref<2x128xi32, #tpu.memory_space<vmem>>, %arg9: memref<2x128xi32, #tpu.memory_space<vmem>>, %arg10: memref<2x128x128xf32, #tpu.memory_space<vmem>>, %arg11: memref<16x128xf32, #tpu.memory_space<vmem>>, %arg12: memref<5120x128xf32, #tpu.memory_space<vmem_shared>>, %arg13: memref<!tpu.dma_semaphore, #tpu.memory_space<semaphore_mem>>, %arg14: memref<!tpu.dma_semaphore, #tpu.memory_space<semaphore_mem>>) attributes {dimension_semantics = [#tpu.dimension_semantics<core_parallel>, #tpu.dimension_semantics<subcore_parallel>], iteration_bounds = array<i64: 2, 16>, scalar_prefetch = 0 : i64, scratch_operands = 10 : i64, tpu.core_type = #tpu.core_type<sc_vector_subcore>, window_params = [{transform_indices = #map}, {transform_indices = #map1}, {transform_indices = #map}]} {
    %iota3A = tpu.iota {dimensions = array<i32: 0>} : vector<16xi32>
    %broadcast_in_dim3A = arith.constant 0.000000e+00 : f32
    %broadcast_in_dim3A_0 = vector.broadcast %broadcast_in_dim3A : f32 to vector<16xf32>
    %scan3A = arith.constant 0 : i32
    %scan3A_1 = arith.constant 0 : i32
    %scan3A_2 = arith.constant 16 : i32
    %scan3A_3 = arith.addi %scan3A_1, %scan3A_2 : i32
    %scan3A_4 = arith.constant 1 : i32
    %scan3A_5 = scf.for %scan3A_14 = %scan3A_1 to %scan3A_3 step %scan3A_4 iter_args(%scan3A_15 = %scan3A) -> (i32)  : i32 {
      %scan3A_16 = arith.constant 0 : i32
      %scan3A_17 = arith.constant 0 : i32
      %scan3A_18 = arith.constant 8 : i32
      %scan3A_19 = arith.addi %scan3A_17, %scan3A_18 : i32
      %scan3A_20 = arith.constant 1 : i32
      %scan3A_21 = scf.for %scan3A_24 = %scan3A_17 to %scan3A_19 step %scan3A_20 iter_args(%scan3A_25 = %scan3A_16) -> (i32)  : i32 {
        %mul3A = arith.constant 16 : i32
        %mul3A_26 = arith.muli %scan3A_24, %mul3A : i32
        %swap3A = arith.index_cast %scan3A_14 : i32 to index
        %swap3A_27 = arith.index_cast %mul3A_26 : i32 to index
        %swap3A_28 = tpu.vector_load %arg11[%swap3A, %swap3A_27] {strides = array<i32>} : memref<16x128xf32, #tpu.memory_space<vmem>>, vector<16xf32>,
        tpu.vector_store %arg11[%swap3A, %swap3A_27], %broadcast_in_dim3A_0 {strides = array<i32>} : memref<16x128xf32, #tpu.memory_space<vmem>>, vector<16xf32>,
        %scan3A_29 = arith.constant 0 : i32
        scf.yield %scan3A_29 : i32
      }
      %scan3A_22 = arith.constant 8 : i32
      %scan3A_23 = arith.constant 0 : i32
      scf.yield %scan3A_23 : i32
    }
    %scan3A_6 = arith.constant 16 : i32
    %scan3A_7 = arith.constant 0 : i32
    %scan3A_8 = arith.constant 0 : i32
    %scan3A_9 = arith.constant 2 : i32
    %scan3A_10 = arith.addi %scan3A_8, %scan3A_9 : i32
    %scan3A_11 = arith.constant 1 : i32
    %scan3A_12 = scf.for %scan3A_14 = %scan3A_8 to %scan3A_10 step %scan3A_11 iter_args(%scan3A_15 = %scan3A_7) -> (i32)  : i32 {
      %mul3A = arith.constant 2 : i32
      %mul3A_16 = arith.muli %mul3A, %arg0 : i32
      %add3A = arith.addi %mul3A_16, %scan3A_14 : i32
      %scan3A_17 = arith.constant 0 : i32
      %scan3A_18 = arith.constant 0 : i32
      %scan3A_19 = arith.constant 5 : i32
      %scan3A_20 = arith.addi %scan3A_18, %scan3A_19 : i32
      %scan3A_21 = arith.constant 1 : i32
      %scan3A_22 = scf.for %scan3A_53 = %scan3A_18 to %scan3A_20 step %scan3A_21 iter_args(%scan3A_54 = %scan3A_17) -> (i32)  : i32 {
        %mul3A_55 = arith.constant 20000 : i32
        %mul3A_56 = arith.muli %arg1, %mul3A_55 : i32
        %mul3A_57 = arith.constant 4000 : i32
        %mul3A_58 = arith.muli %scan3A_53, %mul3A_57 : i32
        %add3A_59 = arith.addi %mul3A_56, %mul3A_58 : i32
        "tpu.region"() ({
          %run_scoped3A = tpu.sem_alloc : memref<!tpu.dma_semaphore, #tpu.memory_space<semaphore_mem>>
          %dma_start3A = tpu.memref_slice %arg3[%add3A_59] : memref<320000xi32, #tpu.memory_space<hbm>> -> memref<4000xi32, #tpu.memory_space<hbm>>
          %dma_start3A_66 = tpu.memref_slice %arg3[%add3A_59] : memref<320000xi32, #tpu.memory_space<hbm>> -> memref<4000xi32, #tpu.memory_space<hbm>>
          tpu.enqueue_dma source(%dma_start3A_66 : memref<4000xi32, #tpu.memory_space<hbm>>) target(%arg5 : memref<4000xi32, #tpu.memory_space<vmem>>) target_semaphore(%run_scoped3A : memref<!tpu.dma_semaphore, #tpu.memory_space<semaphore_mem>>)
          %dma_wait3A = tpu.memref_slice %arg3[%add3A_59] : memref<320000xi32, #tpu.memory_space<hbm>> -> memref<4000xi32, #tpu.memory_space<hbm>>
          %dma_wait3A_67 = tpu.memref_slice %arg3[%add3A_59] : memref<320000xi32, #tpu.memory_space<hbm>> -> memref<4000xi32, #tpu.memory_space<hbm>>
          tpu.wait_dma2 semaphore(%run_scoped3A : memref<!tpu.dma_semaphore, #tpu.memory_space<semaphore_mem>>) src(%dma_wait3A_67 : memref<4000xi32, #tpu.memory_space<hbm>>) dst(%arg5 : memref<4000xi32, #tpu.memory_space<vmem>>)
          tpu.yield
        }) : () -> ()
        %scan3A_60 = arith.constant 0 : i32
        %scan3A_61 = arith.constant 250 : i32
        %scan3A_62 = arith.addi %scan3A_60, %scan3A_61 : i32
        %scan3A_63 = arith.constant 1 : i32
        %scan3A_64 = scf.for %scan3A_66 = %scan3A_60 to %scan3A_62 step %scan3A_63 iter_args(%scan3A_67 = %scan3A_54) -> (i32)  : i32 {
          %mul3A_68 = arith.constant 16 : i32
          %mul3A_69 = arith.muli %scan3A_66, %mul3A_68 : i32
          %get3A = arith.index_cast %mul3A_69 : i32 to index
          %get3A_70 = tpu.vector_load %arg5[%get3A] {strides = array<i32>} : memref<4000xi32, #tpu.memory_space<vmem>>, vector<16xi32>,
          %jit3A_71 = arith.constant 268435456 : i32
          %div3A_72 = vector.broadcast %jit3A_71 : i32 to vector<16xi32>
          %div3A_73 = arith.divsi %get3A_70, %div3A_72 : vector<16xi32>
          %sign3A_74 = arith.constant 0 : i32
          %sign3A_75 = vector.broadcast %sign3A_74 : i32 to vector<16xi32>
          %sign3A_76 = arith.cmpi sgt, %get3A_70, %sign3A_75 : vector<16xi32>
          %sign3A_77 = arith.extui %sign3A_76 : vector<16xi1> to vector<16xi32>
          %sign3A_78 = arith.constant 0 : i32
          %sign3A_79 = vector.broadcast %sign3A_78 : i32 to vector<16xi32>
          %sign3A_80 = arith.cmpi slt, %get3A_70, %sign3A_79 : vector<16xi32>
          %sign3A_81 = arith.extui %sign3A_80 : vector<16xi1> to vector<16xi32>
          %sign3A_82 = arith.subi %sign3A_77, %sign3A_81 : vector<16xi32>
          %sign3A_83 = arith.constant 0 : i32
          %sign3A_84 = arith.cmpi sgt, %jit3A_71, %sign3A_83 : i32
          %sign3A_85 = arith.extui %sign3A_84 : i1 to i32
          %sign3A_86 = arith.constant 0 : i32
          %sign3A_87 = arith.cmpi slt, %jit3A_71, %sign3A_86 : i32
          %sign3A_88 = arith.extui %sign3A_87 : i1 to i32
          %sign3A_89 = arith.subi %sign3A_85, %sign3A_88 : i32
          %ne3A_90 = vector.broadcast %sign3A_89 : i32 to vector<16xi32>
          %ne3A_91 = arith.cmpi ne, %sign3A_82, %ne3A_90 : vector<16xi32>
          %rem3A_92 = vector.broadcast %jit3A_71 : i32 to vector<16xi32>
          %rem3A_93 = arith.remsi %get3A_70, %rem3A_92 : vector<16xi32>
          %ne3A_94 = arith.constant 0 : i32
          %ne3A_95 = vector.broadcast %ne3A_94 : i32 to vector<16xi32>
          %ne3A_96 = arith.cmpi ne, %rem3A_93, %ne3A_95 : vector<16xi32>
          %and3A_97 = arith.andi %ne3A_91, %ne3A_96 : vector<16xi1>
          %sub3A_98 = arith.constant 1 : i32
          %sub3A_99 = vector.broadcast %sub3A_98 : i32 to vector<16xi32>
          %sub3A_100 = arith.subi %div3A_73, %sub3A_99 : vector<16xi32>
          %select_n3A_101 = arith.select %and3A_97, %sub3A_100, %div3A_73 : vector<16xi1>, vector<16xi32>
          %eq3A = vector.broadcast %add3A : i32 to vector<16xi32>
          %eq3A_102 = arith.cmpi eq, %select_n3A_101, %eq3A : vector<16xi32>
          %jit3A_103 = arith.constant 268435456 : i32
          %eq3A_104 = arith.constant 0 : i32
          %eq3A_105 = arith.cmpi eq, %jit3A_103, %eq3A_104 : i32
          %jit3A_106 = arith.constant 1 : i32
          %select_n3A_107 = arith.select %eq3A_105, %jit3A_106, %jit3A_103 : i32
          %rem3A_108 = vector.broadcast %select_n3A_107 : i32 to vector<16xi32>
          %rem3A_109 = arith.remsi %get3A_70, %rem3A_108 : vector<16xi32>
          %ne3A_110 = arith.constant 0 : i32
          %ne3A_111 = vector.broadcast %ne3A_110 : i32 to vector<16xi32>
          %ne3A_112 = arith.cmpi ne, %rem3A_109, %ne3A_111 : vector<16xi32>
          %lt3A = arith.constant 0 : i32
          %lt3A_113 = vector.broadcast %lt3A : i32 to vector<16xi32>
          %lt3A_114 = arith.cmpi slt, %rem3A_109, %lt3A_113 : vector<16xi32>
          %lt3A_115 = arith.constant 0 : i32
          %lt3A_116 = arith.cmpi slt, %select_n3A_107, %lt3A_115 : i32
          %ne3A_117 = vector.broadcast %lt3A_116 : i1 to vector<16xi1>
          %ne3A_118 = vector.broadcast %ne3A_117 : vector<16xi1> to vector<16xi1>
          %ne3A_119 = arith.xori %lt3A_114, %ne3A_118 : vector<16xi1>
          %and3A_120 = arith.andi %ne3A_119, %ne3A_112 : vector<16xi1>
          %add3A_121 = vector.broadcast %select_n3A_107 : i32 to vector<16xi32>
          %add3A_122 = arith.addi %rem3A_109, %add3A_121 : vector<16xi32>
          %select_n3A_123 = arith.select %and3A_120, %add3A_122, %rem3A_109 : vector<16xi1>, vector<16xi32>
          %swap3A_124 = arith.index_cast %scan3A_67 : i32 to index
          %swap3A_125 = tpu.vector_load %arg6[%swap3A_124] masked %eq3A_102 {strides = array<i32>} : memref<20480xi32, #tpu.memory_space<vmem>>, vector<16xi32>, vector<16xi1>
          tpu.vector_store %arg6[%swap3A_124], %select_n3A_123 masked %eq3A_102 {strides = array<i32>} : memref<20480xi32, #tpu.memory_space<vmem>>, vector<16xi32>, vector<16xi1>
          %convert_element_type3A = arith.extui %eq3A_102 : vector<16xi1> to vector<16xi32>
          %reduce_sum3A = arith.constant true
          %reduce_sum3A_126 = vector.broadcast %reduce_sum3A : i1 to vector<16xi1>
          %reduce_sum3A_127 = tpu.scan <sum>, %convert_element_type3A masked %reduce_sum3A_126 : vector<16xi32>, vector<16xi1> -> vector<16xi32>
          %reduce_sum3A_128 = vector.extract %reduce_sum3A_127[15] : i32 from vector<16xi32>
          %add3A_129 = arith.addi %scan3A_67, %reduce_sum3A_128 : i32
          scf.yield %add3A_129 : i32
        }
        %scan3A_65 = arith.constant 250 : i32
        scf.yield %scan3A_64 : i32
      }
      %scan3A_23 = arith.constant 5 : i32
      %broadcast_in_dim3A_24 = arith.constant 268435455 : i32
      %broadcast_in_dim3A_25 = vector.broadcast %broadcast_in_dim3A_24 : i32 to vector<16xi32>
      %swap3A = arith.index_cast %scan3A_22 : i32 to index
      %swap3A_26 = tpu.vector_load %arg6[%swap3A] {strides = array<i32>} : memref<20480xi32, #tpu.memory_space<vmem>>, vector<16xi32>,
      tpu.vector_store %arg6[%swap3A], %broadcast_in_dim3A_25 {strides = array<i32>} : memref<20480xi32, #tpu.memory_space<vmem>>, vector<16xi32>,
      %add3A_27 = arith.constant 15 : i32
      %add3A_28 = arith.addi %scan3A_22, %add3A_27 : i32
      %jit3A = arith.constant 16 : i32
      %div3A = arith.divsi %add3A_28, %jit3A : i32
      %sign3A = arith.constant 0 : i32
      %sign3A_29 = arith.cmpi sgt, %add3A_28, %sign3A : i32
      %sign3A_30 = arith.extui %sign3A_29 : i1 to i32
      %sign3A_31 = arith.constant 0 : i32
      %sign3A_32 = arith.cmpi slt, %add3A_28, %sign3A_31 : i32
      %sign3A_33 = arith.extui %sign3A_32 : i1 to i32
      %sign3A_34 = arith.subi %sign3A_30, %sign3A_33 : i32
      %sign3A_35 = arith.constant 0 : i32
      %sign3A_36 = arith.cmpi sgt, %jit3A, %sign3A_35 : i32
      %sign3A_37 = arith.extui %sign3A_36 : i1 to i32
      %sign3A_38 = arith.constant 0 : i32
      %sign3A_39 = arith.cmpi slt, %jit3A, %sign3A_38 : i32
      %sign3A_40 = arith.extui %sign3A_39 : i1 to i32
      %sign3A_41 = arith.subi %sign3A_37, %sign3A_40 : i32
      %ne3A = arith.cmpi ne, %sign3A_34, %sign3A_41 : i32
      %rem3A = arith.remsi %add3A_28, %jit3A : i32
      %ne3A_42 = arith.constant 0 : i32
      %ne3A_43 = arith.cmpi ne, %rem3A, %ne3A_42 : i32
      %and3A = arith.andi %ne3A, %ne3A_43 : i1
      %sub3A = arith.constant 1 : i32
      %sub3A_44 = arith.subi %div3A, %sub3A : i32
      %select_n3A = arith.select %and3A, %sub3A_44, %div3A : i32
      %scan3A_45 = arith.constant 0 : i32
      %scan3A_46 = arith.constant 0 : i32
      %scan3A_47 = arith.constant 2 : i32
      %scan3A_48 = arith.addi %scan3A_46, %scan3A_47 : i32
      %scan3A_49 = arith.constant 1 : i32
      %scan3A_50 = scf.for %scan3A_53 = %scan3A_46 to %scan3A_48 step %scan3A_49 iter_args(%scan3A_54 = %scan3A_45) -> (i32)  : i32 {
        %mul3A_55 = arith.constant 5120 : i32
        %mul3A_56 = arith.muli %scan3A_53, %mul3A_55 : i32
        %scan3A_57 = arith.constant 0 : i32
        %scan3A_58 = arith.constant 0 : i32
        %scan3A_59 = arith.constant 20 : i32
        %scan3A_60 = arith.addi %scan3A_58, %scan3A_59 : i32
        %scan3A_61 = arith.constant 1 : i32
        %scan3A_62 = scf.for %scan3A_160 = %scan3A_58 to %scan3A_60 step %scan3A_61 iter_args(%scan3A_161 = %scan3A_57) -> (i32)  : i32 {
          %mul3A_162 = arith.constant 320 : i32
          %mul3A_163 = arith.muli %arg1, %mul3A_162 : i32
          %mul3A_164 = arith.constant 16 : i32
          %mul3A_165 = arith.muli %scan3A_160, %mul3A_164 : i32
          %add3A_166 = arith.addi %mul3A_163, %mul3A_165 : i32
          "tpu.region"() ({
            %run_scoped3A = tpu.sem_alloc : memref<!tpu.dma_semaphore, #tpu.memory_space<semaphore_mem>>
            %dma_start3A = arith.constant 0 : i32
            %dma_start3A_168 = tpu.memref_slice %arg12[%add3A_166, %dma_start3A] : memref<5120x128xf32, #tpu.memory_space<vmem_shared>> -> memref<16x128xf32, #tpu.memory_space<vmem_shared>>
            %dma_start3A_169 = arith.constant 0 : i32
            %dma_start3A_170 = tpu.memref_slice %arg12[%add3A_166, %dma_start3A_169] : memref<5120x128xf32, #tpu.memory_space<vmem_shared>> -> memref<16x128xf32, #tpu.memory_space<vmem_shared>>
            tpu.enqueue_dma source(%arg11 : memref<16x128xf32, #tpu.memory_space<vmem>>) target(%dma_start3A_170 : memref<16x128xf32, #tpu.memory_space<vmem_shared>>) target_semaphore(%run_scoped3A : memref<!tpu.dma_semaphore, #tpu.memory_space<semaphore_mem>>)
            %dma_wait3A = arith.constant 0 : i32
            %dma_wait3A_171 = tpu.memref_slice %arg12[%add3A_166, %dma_wait3A] : memref<5120x128xf32, #tpu.memory_space<vmem_shared>> -> memref<16x128xf32, #tpu.memory_space<vmem_shared>>
            %dma_wait3A_172 = arith.constant 0 : i32
            %dma_wait3A_173 = tpu.memref_slice %arg12[%add3A_166, %dma_wait3A_172] : memref<5120x128xf32, #tpu.memory_space<vmem_shared>> -> memref<16x128xf32, #tpu.memory_space<vmem_shared>>
            tpu.wait_dma2 semaphore(%run_scoped3A : memref<!tpu.dma_semaphore, #tpu.memory_space<semaphore_mem>>) src(%arg11 : memref<16x128xf32, #tpu.memory_space<vmem>>) dst(%dma_wait3A_173 : memref<16x128xf32, #tpu.memory_space<vmem_shared>>)
            tpu.yield
          }) : () -> ()
          %scan3A_167 = arith.constant 0 : i32
          scf.yield %scan3A_167 : i32
        }
        %scan3A_63 = arith.constant 20 : i32
        %barrier3A = arith.constant 0 : index
        tpu.barrier barrier_id(%barrier3A)
        %while3A = arith.constant 0 : i32
        %while3A_64 = arith.constant 0 : i32
        %while3A_65 = arith.subi %select_n3A, %while3A : i32
        %while3A_66 = arith.addi %while3A, %while3A_65 : i32
        %while3A_67 = arith.constant 1 : i32
        %while3A_68 = arith.divsi %while3A_65, %while3A_67 : i32
        %while3A_69 = arith.muli %while3A_68, %while3A_67 : i32
        %while3A_70 = arith.addi %while3A, %while3A_69 : i32
        %while3A_71 = arith.constant 1 : i32
        %while3A_72 = scf.for %while3A_160 = %while3A to %while3A_70 step %while3A_71 iter_args(%while3A_161 = %while3A_64) -> (i32)  : i32 {
          %mul3A_162 = arith.constant 16 : i32
          %mul3A_163 = arith.muli %while3A_160, %mul3A_162 : i32
          %get3A = arith.index_cast %mul3A_163 : i32 to index
          %get3A_164 = tpu.vector_load %arg6[%get3A] {strides = array<i32>} : memref<20480xi32, #tpu.memory_space<vmem>>, vector<16xi32>,
          %jit3A_165 = arith.constant 16384 : i32
          %eq3A = arith.constant 0 : i32
          %eq3A_166 = arith.cmpi eq, %jit3A_165, %eq3A : i32
          %jit3A_167 = arith.constant 1 : i32
          %select_n3A_168 = arith.select %eq3A_166, %jit3A_167, %jit3A_165 : i32
          %rem3A_169 = vector.broadcast %select_n3A_168 : i32 to vector<16xi32>
          %rem3A_170 = arith.remsi %get3A_164, %rem3A_169 : vector<16xi32>
          %ne3A_171 = arith.constant 0 : i32
          %ne3A_172 = vector.broadcast %ne3A_171 : i32 to vector<16xi32>
          %ne3A_173 = arith.cmpi ne, %rem3A_170, %ne3A_172 : vector<16xi32>
          %lt3A = arith.constant 0 : i32
          %lt3A_174 = vector.broadcast %lt3A : i32 to vector<16xi32>
          %lt3A_175 = arith.cmpi slt, %rem3A_170, %lt3A_174 : vector<16xi32>
          %lt3A_176 = arith.constant 0 : i32
          %lt3A_177 = arith.cmpi slt, %select_n3A_168, %lt3A_176 : i32
          %ne3A_178 = vector.broadcast %lt3A_177 : i1 to vector<16xi1>
          %ne3A_179 = vector.broadcast %ne3A_178 : vector<16xi1> to vector<16xi1>
          %ne3A_180 = arith.xori %lt3A_175, %ne3A_179 : vector<16xi1>
          %and3A_181 = arith.andi %ne3A_180, %ne3A_173 : vector<16xi1>
          %add3A_182 = vector.broadcast %select_n3A_168 : i32 to vector<16xi32>
          %add3A_183 = arith.addi %rem3A_170, %add3A_182 : vector<16xi32>
          %select_n3A_184 = arith.select %and3A_181, %add3A_183, %rem3A_170 : vector<16xi1>, vector<16xi32>
          %jit3A_185 = arith.constant 16384 : i32
          %div3A_186 = vector.broadcast %jit3A_185 : i32 to vector<16xi32>
          %div3A_187 = arith.divsi %get3A_164, %div3A_186 : vector<16xi32>
          %sign3A_188 = arith.constant 0 : i32
          %sign3A_189 = vector.broadcast %sign3A_188 : i32 to vector<16xi32>
          %sign3A_190 = arith.cmpi sgt, %get3A_164, %sign3A_189 : vector<16xi32>
          %sign3A_191 = arith.extui %sign3A_190 : vector<16xi1> to vector<16xi32>
          %sign3A_192 = arith.constant 0 : i32
          %sign3A_193 = vector.broadcast %sign3A_192 : i32 to vector<16xi32>
          %sign3A_194 = arith.cmpi slt, %get3A_164, %sign3A_193 : vector<16xi32>
          %sign3A_195 = arith.extui %sign3A_194 : vector<16xi1> to vector<16xi32>
          %sign3A_196 = arith.subi %sign3A_191, %sign3A_195 : vector<16xi32>
          %sign3A_197 = arith.constant 0 : i32
          %sign3A_198 = arith.cmpi sgt, %jit3A_185, %sign3A_197 : i32
          %sign3A_199 = arith.extui %sign3A_198 : i1 to i32
          %sign3A_200 = arith.constant 0 : i32
          %sign3A_201 = arith.cmpi slt, %jit3A_185, %sign3A_200 : i32
          %sign3A_202 = arith.extui %sign3A_201 : i1 to i32
          %sign3A_203 = arith.subi %sign3A_199, %sign3A_202 : i32
          %ne3A_204 = vector.broadcast %sign3A_203 : i32 to vector<16xi32>
          %ne3A_205 = arith.cmpi ne, %sign3A_196, %ne3A_204 : vector<16xi32>
          %rem3A_206 = vector.broadcast %jit3A_185 : i32 to vector<16xi32>
          %rem3A_207 = arith.remsi %get3A_164, %rem3A_206 : vector<16xi32>
          %ne3A_208 = arith.constant 0 : i32
          %ne3A_209 = vector.broadcast %ne3A_208 : i32 to vector<16xi32>
          %ne3A_210 = arith.cmpi ne, %rem3A_207, %ne3A_209 : vector<16xi32>
          %and3A_211 = arith.andi %ne3A_205, %ne3A_210 : vector<16xi1>
          %sub3A_212 = arith.constant 1 : i32
          %sub3A_213 = vector.broadcast %sub3A_212 : i32 to vector<16xi32>
          %sub3A_214 = arith.subi %div3A_187, %sub3A_213 : vector<16xi32>
          %select_n3A_215 = arith.select %and3A_211, %sub3A_214, %div3A_187 : vector<16xi1>, vector<16xi32>
          %sub3A_216 = vector.broadcast %mul3A_56 : i32 to vector<16xi32>
          %sub3A_217 = arith.subi %select_n3A_184, %sub3A_216 : vector<16xi32>
          %ge3A = arith.constant 0 : i32
          %ge3A_218 = vector.broadcast %ge3A : i32 to vector<16xi32>
          %ge3A_219 = arith.cmpi sge, %sub3A_217, %ge3A_218 : vector<16xi32>
          %lt3A_220 = arith.constant 5120 : i32
          %lt3A_221 = vector.broadcast %lt3A_220 : i32 to vector<16xi32>
          %lt3A_222 = arith.cmpi slt, %sub3A_217, %lt3A_221 : vector<16xi32>
          %and3A_223 = arith.andi %ge3A_219, %lt3A_222 : vector<16xi1>
          %mul3A_224 = arith.constant 10240 : i32
          %mul3A_225 = arith.muli %add3A, %mul3A_224 : i32
          %add3A_226 = vector.broadcast %mul3A_225 : i32 to vector<16xi32>
          %add3A_227 = arith.addi %add3A_226, %select_n3A_215 : vector<16xi32>
          %mul3A_228 = arith.constant 8192 : i32
          %mul3A_229 = vector.broadcast %mul3A_228 : i32 to vector<16xi32>
          %mul3A_230 = arith.muli %add3A_227, %mul3A_229 : vector<16xi32>
          %add3A_231 = arith.addi %mul3A_230, %sub3A_217 : vector<16xi32>
          %swap3A_232 = arith.index_cast %while3A_161 : i32 to index
          %swap3A_233 = tpu.vector_load %arg7[%swap3A_232] masked %and3A_223 {strides = array<i32>} : memref<20480xi32, #tpu.memory_space<vmem>>, vector<16xi32>, vector<16xi1>
          tpu.vector_store %arg7[%swap3A_232], %add3A_231 masked %and3A_223 {strides = array<i32>} : memref<20480xi32, #tpu.memory_space<vmem>>, vector<16xi32>, vector<16xi1>
          %convert_element_type3A_234 = arith.extui %and3A_223 : vector<16xi1> to vector<16xi32>
          %reduce_sum3A = arith.constant true
          %reduce_sum3A_235 = vector.broadcast %reduce_sum3A : i1 to vector<16xi1>
          %reduce_sum3A_236 = tpu.scan <sum>, %convert_element_type3A_234 masked %reduce_sum3A_235 : vector<16xi32>, vector<16xi1> -> vector<16xi32>
          %reduce_sum3A_237 = vector.extract %reduce_sum3A_236[15] : i32 from vector<16xi32>
          %add3A_238 = arith.addi %while3A_161, %reduce_sum3A_237 : i32
          scf.yield %add3A_238 : i32
        }
        %while3A_73 = arith.constant 1 : i32
        %while3A_74 = scf.for %while3A_160 = %while3A_70 to %while3A_66 step %while3A_73 iter_args(%while3A_161 = %while3A_72) -> (i32)  : i32 {
          %mul3A_162 = arith.constant 16 : i32
          %mul3A_163 = arith.muli %while3A_160, %mul3A_162 : i32
          %get3A = arith.index_cast %mul3A_163 : i32 to index
          %get3A_164 = tpu.vector_load %arg6[%get3A] {strides = array<i32>} : memref<20480xi32, #tpu.memory_space<vmem>>, vector<16xi32>,
          %jit3A_165 = arith.constant 16384 : i32
          %eq3A = arith.constant 0 : i32
          %eq3A_166 = arith.cmpi eq, %jit3A_165, %eq3A : i32
          %jit3A_167 = arith.constant 1 : i32
          %select_n3A_168 = arith.select %eq3A_166, %jit3A_167, %jit3A_165 : i32
          %rem3A_169 = vector.broadcast %select_n3A_168 : i32 to vector<16xi32>
          %rem3A_170 = arith.remsi %get3A_164, %rem3A_169 : vector<16xi32>
          %ne3A_171 = arith.constant 0 : i32
          %ne3A_172 = vector.broadcast %ne3A_171 : i32 to vector<16xi32>
          %ne3A_173 = arith.cmpi ne, %rem3A_170, %ne3A_172 : vector<16xi32>
          %lt3A = arith.constant 0 : i32
          %lt3A_174 = vector.broadcast %lt3A : i32 to vector<16xi32>
          %lt3A_175 = arith.cmpi slt, %rem3A_170, %lt3A_174 : vector<16xi32>
          %lt3A_176 = arith.constant 0 : i32
          %lt3A_177 = arith.cmpi slt, %select_n3A_168, %lt3A_176 : i32
          %ne3A_178 = vector.broadcast %lt3A_177 : i1 to vector<16xi1>
          %ne3A_179 = vector.broadcast %ne3A_178 : vector<16xi1> to vector<16xi1>
          %ne3A_180 = arith.xori %lt3A_175, %ne3A_179 : vector<16xi1>
          %and3A_181 = arith.andi %ne3A_180, %ne3A_173 : vector<16xi1>
          %add3A_182 = vector.broadcast %select_n3A_168 : i32 to vector<16xi32>
          %add3A_183 = arith.addi %rem3A_170, %add3A_182 : vector<16xi32>
          %select_n3A_184 = arith.select %and3A_181, %add3A_183, %rem3A_170 : vector<16xi1>, vector<16xi32>
          %jit3A_185 = arith.constant 16384 : i32
          %div3A_186 = vector.broadcast %jit3A_185 : i32 to vector<16xi32>
          %div3A_187 = arith.divsi %get3A_164, %div3A_186 : vector<16xi32>
          %sign3A_188 = arith.constant 0 : i32
          %sign3A_189 = vector.broadcast %sign3A_188 : i32 to vector<16xi32>
          %sign3A_190 = arith.cmpi sgt, %get3A_164, %sign3A_189 : vector<16xi32>
          %sign3A_191 = arith.extui %sign3A_190 : vector<16xi1> to vector<16xi32>
          %sign3A_192 = arith.constant 0 : i32
          %sign3A_193 = vector.broadcast %sign3A_192 : i32 to vector<16xi32>
          %sign3A_194 = arith.cmpi slt, %get3A_164, %sign3A_193 : vector<16xi32>
          %sign3A_195 = arith.extui %sign3A_194 : vector<16xi1> to vector<16xi32>
          %sign3A_196 = arith.subi %sign3A_191, %sign3A_195 : vector<16xi32>
          %sign3A_197 = arith.constant 0 : i32
          %sign3A_198 = arith.cmpi sgt, %jit3A_185, %sign3A_197 : i32
          %sign3A_199 = arith.extui %sign3A_198 : i1 to i32
          %sign3A_200 = arith.constant 0 : i32
          %sign3A_201 = arith.cmpi slt, %jit3A_185, %sign3A_200 : i32
          %sign3A_202 = arith.extui %sign3A_201 : i1 to i32
          %sign3A_203 = arith.subi %sign3A_199, %sign3A_202 : i32
          %ne3A_204 = vector.broadcast %sign3A_203 : i32 to vector<16xi32>
          %ne3A_205 = arith.cmpi ne, %sign3A_196, %ne3A_204 : vector<16xi32>
          %rem3A_206 = vector.broadcast %jit3A_185 : i32 to vector<16xi32>
          %rem3A_207 = arith.remsi %get3A_164, %rem3A_206 : vector<16xi32>
          %ne3A_208 = arith.constant 0 : i32
          %ne3A_209 = vector.broadcast %ne3A_208 : i32 to vector<16xi32>
          %ne3A_210 = arith.cmpi ne, %rem3A_207, %ne3A_209 : vector<16xi32>
          %and3A_211 = arith.andi %ne3A_205, %ne3A_210 : vector<16xi1>
          %sub3A_212 = arith.constant 1 : i32
          %sub3A_213 = vector.broadcast %sub3A_212 : i32 to vector<16xi32>
          %sub3A_214 = arith.subi %div3A_187, %sub3A_213 : vector<16xi32>
          %select_n3A_215 = arith.select %and3A_211, %sub3A_214, %div3A_187 : vector<16xi1>, vector<16xi32>
          %sub3A_216 = vector.broadcast %mul3A_56 : i32 to vector<16xi32>
          %sub3A_217 = arith.subi %select_n3A_184, %sub3A_216 : vector<16xi32>
          %ge3A = arith.constant 0 : i32
          %ge3A_218 = vector.broadcast %ge3A : i32 to vector<16xi32>
          %ge3A_219 = arith.cmpi sge, %sub3A_217, %ge3A_218 : vector<16xi32>
          %lt3A_220 = arith.constant 5120 : i32
          %lt3A_221 = vector.broadcast %lt3A_220 : i32 to vector<16xi32>
          %lt3A_222 = arith.cmpi slt, %sub3A_217, %lt3A_221 : vector<16xi32>
          %and3A_223 = arith.andi %ge3A_219, %lt3A_222 : vector<16xi1>
          %mul3A_224 = arith.constant 10240 : i32
          %mul3A_225 = arith.muli %add3A, %mul3A_224 : i32
          %add3A_226 = vector.broadcast %mul3A_225 : i32 to vector<16xi32>
          %add3A_227 = arith.addi %add3A_226, %select_n3A_215 : vector<16xi32>
          %mul3A_228 = arith.constant 8192 : i32
          %mul3A_229 = vector.broadcast %mul3A_228 : i32 to vector<16xi32>
          %mul3A_230 = arith.muli %add3A_227, %mul3A_229 : vector<16xi32>
          %add3A_231 = arith.addi %mul3A_230, %sub3A_217 : vector<16xi32>
          %swap3A_232 = arith.index_cast %while3A_161 : i32 to index
          %swap3A_233 = tpu.vector_load %arg7[%swap3A_232] masked %and3A_223 {strides = array<i32>} : memref<20480xi32, #tpu.memory_space<vmem>>, vector<16xi32>, vector<16xi1>
          tpu.vector_store %arg7[%swap3A_232], %add3A_231 masked %and3A_223 {strides = array<i32>} : memref<20480xi32, #tpu.memory_space<vmem>>, vector<16xi32>, vector<16xi1>
          %convert_element_type3A_234 = arith.extui %and3A_223 : vector<16xi1> to vector<16xi32>
          %reduce_sum3A = arith.constant true
          %reduce_sum3A_235 = vector.broadcast %reduce_sum3A : i1 to vector<16xi1>
          %reduce_sum3A_236 = tpu.scan <sum>, %convert_element_type3A_234 masked %reduce_sum3A_235 : vector<16xi32>, vector<16xi1> -> vector<16xi32>
          %reduce_sum3A_237 = vector.extract %reduce_sum3A_236[15] : i32 from vector<16xi32>
          %add3A_238 = arith.addi %while3A_161, %reduce_sum3A_237 : i32
          scf.yield %add3A_238 : i32
        }
        %scan3A_75 = arith.constant 0 : i32
        %scan3A_76 = arith.constant 0 : i32
        %scan3A_77 = arith.constant 16 : i32
        %scan3A_78 = arith.addi %scan3A_76, %scan3A_77 : i32
        %scan3A_79 = arith.constant 1 : i32
        %scan3A_80 = scf.for %scan3A_160 = %scan3A_76 to %scan3A_78 step %scan3A_79 iter_args(%scan3A_161 = %scan3A_75) -> (i32)  : i32 {
          %mul3A_162 = arith.constant 10240 : i32
          %mul3A_163 = arith.muli %add3A, %mul3A_162 : i32
          %add3A_164 = arith.constant 10000 : i32
          %add3A_165 = arith.addi %mul3A_163, %add3A_164 : i32
          %jit3A_166 = arith.constant 4 : i32
          %eq3A = arith.constant 0 : i32
          %eq3A_167 = arith.cmpi eq, %jit3A_166, %eq3A : i32
          %jit3A_168 = arith.constant 1 : i32
          %select_n3A_169 = arith.select %eq3A_167, %jit3A_168, %jit3A_166 : i32
          %rem3A_170 = arith.remsi %scan3A_160, %select_n3A_169 : i32
          %ne3A_171 = arith.constant 0 : i32
          %ne3A_172 = arith.cmpi ne, %rem3A_170, %ne3A_171 : i32
          %lt3A = arith.constant 0 : i32
          %lt3A_173 = arith.cmpi slt, %rem3A_170, %lt3A : i32
          %lt3A_174 = arith.constant 0 : i32
          %lt3A_175 = arith.cmpi slt, %select_n3A_169, %lt3A_174 : i32
          %ne3A_176 = arith.xori %lt3A_173, %lt3A_175 : i1
          %and3A_177 = arith.andi %ne3A_176, %ne3A_172 : i1
          %add3A_178 = arith.addi %rem3A_170, %select_n3A_169 : i32
          %select_n3A_179 = arith.select %and3A_177, %add3A_178, %rem3A_170 : i32
          %mul3A_180 = arith.constant 16 : i32
          %mul3A_181 = arith.muli %select_n3A_179, %mul3A_180 : i32
          %add3A_182 = arith.addi %add3A_165, %mul3A_181 : i32
          %add3A_183 = vector.broadcast %add3A_182 : i32 to vector<16xi32>
          %add3A_184 = arith.addi %add3A_183, %iota3A : vector<16xi32>
          %mul3A_185 = arith.constant 8192 : i32
          %mul3A_186 = vector.broadcast %mul3A_185 : i32 to vector<16xi32>
          %mul3A_187 = arith.muli %add3A_184, %mul3A_186 : vector<16xi32>
          %jit3A_188 = arith.constant 4 : i32
          %eq3A_189 = arith.constant 0 : i32
          %eq3A_190 = arith.cmpi eq, %jit3A_188, %eq3A_189 : i32
          %jit3A_191 = arith.constant 1 : i32
          %select_n3A_192 = arith.select %eq3A_190, %jit3A_191, %jit3A_188 : i32
          %rem3A_193 = arith.remsi %scan3A_160, %select_n3A_192 : i32
          %ne3A_194 = arith.constant 0 : i32
          %ne3A_195 = arith.cmpi ne, %rem3A_193, %ne3A_194 : i32
          %lt3A_196 = arith.constant 0 : i32
          %lt3A_197 = arith.cmpi slt, %rem3A_193, %lt3A_196 : i32
          %lt3A_198 = arith.constant 0 : i32
          %lt3A_199 = arith.cmpi slt, %select_n3A_192, %lt3A_198 : i32
          %ne3A_200 = arith.xori %lt3A_197, %lt3A_199 : i1
          %and3A_201 = arith.andi %ne3A_200, %ne3A_195 : i1
          %add3A_202 = arith.addi %rem3A_193, %select_n3A_192 : i32
          %select_n3A_203 = arith.select %and3A_201, %add3A_202, %rem3A_193 : i32
          %mul3A_204 = arith.constant 16 : i32
          %mul3A_205 = arith.muli %select_n3A_203, %mul3A_204 : i32
          %add3A_206 = vector.broadcast %mul3A_205 : i32 to vector<16xi32>
          %add3A_207 = arith.addi %mul3A_187, %add3A_206 : vector<16xi32>
          %add3A_208 = arith.addi %add3A_207, %iota3A : vector<16xi32>
          %mul3A_209 = arith.constant 16 : i32
          %mul3A_210 = arith.muli %scan3A_160, %mul3A_209 : i32
          %add3A_211 = arith.addi %while3A_74, %mul3A_210 : i32
          %swap3A_212 = arith.index_cast %add3A_211 : i32 to index
          %swap3A_213 = tpu.vector_load %arg7[%swap3A_212] {strides = array<i32>} : memref<20480xi32, #tpu.memory_space<vmem>>, vector<16xi32>,
          tpu.vector_store %arg7[%swap3A_212], %add3A_208 {strides = array<i32>} : memref<20480xi32, #tpu.memory_space<vmem>>, vector<16xi32>,
          %scan3A_214 = arith.constant 0 : i32
          scf.yield %scan3A_214 : i32
        }
        %scan3A_81 = arith.constant 16 : i32
        %add3A_82 = arith.constant 255 : i32
        %add3A_83 = arith.addi %while3A_74, %add3A_82 : i32
        %jit3A_84 = arith.constant 256 : i32
        %div3A_85 = arith.divsi %add3A_83, %jit3A_84 : i32
        %sign3A_86 = arith.constant 0 : i32
        %sign3A_87 = arith.cmpi sgt, %add3A_83, %sign3A_86 : i32
        %sign3A_88 = arith.extui %sign3A_87 : i1 to i32
        %sign3A_89 = arith.constant 0 : i32
        %sign3A_90 = arith.cmpi slt, %add3A_83, %sign3A_89 : i32
        %sign3A_91 = arith.extui %sign3A_90 : i1 to i32
        %sign3A_92 = arith.subi %sign3A_88, %sign3A_91 : i32
        %sign3A_93 = arith.constant 0 : i32
        %sign3A_94 = arith.cmpi sgt, %jit3A_84, %sign3A_93 : i32
        %sign3A_95 = arith.extui %sign3A_94 : i1 to i32
        %sign3A_96 = arith.constant 0 : i32
        %sign3A_97 = arith.cmpi slt, %jit3A_84, %sign3A_96 : i32
        %sign3A_98 = arith.extui %sign3A_97 : i1 to i32
        %sign3A_99 = arith.subi %sign3A_95, %sign3A_98 : i32
        %ne3A_100 = arith.cmpi ne, %sign3A_92, %sign3A_99 : i32
        %rem3A_101 = arith.remsi %add3A_83, %jit3A_84 : i32
        %ne3A_102 = arith.constant 0 : i32
        %ne3A_103 = arith.cmpi ne, %rem3A_101, %ne3A_102 : i32
        %and3A_104 = arith.andi %ne3A_100, %ne3A_103 : i1
        %sub3A_105 = arith.constant 1 : i32
        %sub3A_106 = arith.subi %div3A_85, %sub3A_105 : i32
        %select_n3A_107 = arith.select %and3A_104, %sub3A_106, %div3A_85 : i32
        %mul3A_108 = arith.constant 2 : i32
        %mul3A_109 = arith.muli %select_n3A_107, %mul3A_108 : i32
        %gt3A = arith.constant 0 : i32
        %gt3A_110 = arith.cmpi sgt, %mul3A_109, %gt3A : i32
        %convert_element_type3A = arith.extui %gt3A_110 : i1 to i32
        %cond3A = arith.constant 0 : i32
        %cond3A_111 = arith.cmpi ne, %convert_element_type3A, %cond3A : i32
        scf.if %cond3A_111 {
          %scan3A_160 = arith.constant 0 : i32
          %scan3A_161 = arith.constant 0 : i32
          %scan3A_162 = arith.constant 8 : i32
          %scan3A_163 = arith.addi %scan3A_161, %scan3A_162 : i32
          %scan3A_164 = arith.constant 1 : i32
          %scan3A_165 = scf.for %scan3A_197 = %scan3A_161 to %scan3A_163 step %scan3A_164 iter_args(%scan3A_198 = %scan3A_160) -> (i32)  : i32 {
            %mul3A_199 = arith.constant 16 : i32
            %mul3A_200 = arith.muli %scan3A_197, %mul3A_199 : i32
            %add3A_201 = arith.constant 0 : i32
            %add3A_202 = arith.addi %add3A_201, %mul3A_200 : i32
            %get3A = arith.index_cast %add3A_202 : i32 to index
            %get3A_203 = tpu.vector_load %arg7[%get3A] {strides = array<i32>} : memref<20480xi32, #tpu.memory_space<vmem>>, vector<16xi32>,
            %jit3A_204 = arith.constant 8192 : i32
            %div3A_205 = vector.broadcast %jit3A_204 : i32 to vector<16xi32>
            %div3A_206 = arith.divsi %get3A_203, %div3A_205 : vector<16xi32>
            %sign3A_207 = arith.constant 0 : i32
            %sign3A_208 = vector.broadcast %sign3A_207 : i32 to vector<16xi32>
            %sign3A_209 = arith.cmpi sgt, %get3A_203, %sign3A_208 : vector<16xi32>
            %sign3A_210 = arith.extui %sign3A_209 : vector<16xi1> to vector<16xi32>
            %sign3A_211 = arith.constant 0 : i32
            %sign3A_212 = vector.broadcast %sign3A_211 : i32 to vector<16xi32>
            %sign3A_213 = arith.cmpi slt, %get3A_203, %sign3A_212 : vector<16xi32>
            %sign3A_214 = arith.extui %sign3A_213 : vector<16xi1> to vector<16xi32>
            %sign3A_215 = arith.subi %sign3A_210, %sign3A_214 : vector<16xi32>
            %sign3A_216 = arith.constant 0 : i32
            %sign3A_217 = arith.cmpi sgt, %jit3A_204, %sign3A_216 : i32
            %sign3A_218 = arith.extui %sign3A_217 : i1 to i32
            %sign3A_219 = arith.constant 0 : i32
            %sign3A_220 = arith.cmpi slt, %jit3A_204, %sign3A_219 : i32
            %sign3A_221 = arith.extui %sign3A_220 : i1 to i32
            %sign3A_222 = arith.subi %sign3A_218, %sign3A_221 : i32
            %ne3A_223 = vector.broadcast %sign3A_222 : i32 to vector<16xi32>
            %ne3A_224 = arith.cmpi ne, %sign3A_215, %ne3A_223 : vector<16xi32>
            %rem3A_225 = vector.broadcast %jit3A_204 : i32 to vector<16xi32>
            %rem3A_226 = arith.remsi %get3A_203, %rem3A_225 : vector<16xi32>
            %ne3A_227 = arith.constant 0 : i32
            %ne3A_228 = vector.broadcast %ne3A_227 : i32 to vector<16xi32>
            %ne3A_229 = arith.cmpi ne, %rem3A_226, %ne3A_228 : vector<16xi32>
            %and3A_230 = arith.andi %ne3A_224, %ne3A_229 : vector<16xi1>
            %sub3A_231 = arith.constant 1 : i32
            %sub3A_232 = vector.broadcast %sub3A_231 : i32 to vector<16xi32>
            %sub3A_233 = arith.subi %div3A_206, %sub3A_232 : vector<16xi32>
            %select_n3A_234 = arith.select %and3A_230, %sub3A_233, %div3A_206 : vector<16xi1>, vector<16xi32>
            %mul3A_235 = arith.constant 16 : i32
            %mul3A_236 = arith.muli %scan3A_197, %mul3A_235 : i32
            %swap3A_237 = arith.constant 0 : i32
            %swap3A_238 = arith.index_cast %swap3A_237 : i32 to index
            %swap3A_239 = arith.index_cast %mul3A_236 : i32 to index
            %swap3A_240 = tpu.vector_load %arg8[%swap3A_238, %swap3A_239] {strides = array<i32>} : memref<2x128xi32, #tpu.memory_space<vmem>>, vector<16xi32>,
            tpu.vector_store %arg8[%swap3A_238, %swap3A_239], %select_n3A_234 {strides = array<i32>} : memref<2x128xi32, #tpu.memory_space<vmem>>, vector<16xi32>,
            %jit3A_241 = arith.constant 8192 : i32
            %eq3A = arith.constant 0 : i32
            %eq3A_242 = arith.cmpi eq, %jit3A_241, %eq3A : i32
            %jit3A_243 = arith.constant 1 : i32
            %select_n3A_244 = arith.select %eq3A_242, %jit3A_243, %jit3A_241 : i32
            %rem3A_245 = vector.broadcast %select_n3A_244 : i32 to vector<16xi32>
            %rem3A_246 = arith.remsi %get3A_203, %rem3A_245 : vector<16xi32>
            %ne3A_247 = arith.constant 0 : i32
            %ne3A_248 = vector.broadcast %ne3A_247 : i32 to vector<16xi32>
            %ne3A_249 = arith.cmpi ne, %rem3A_246, %ne3A_248 : vector<16xi32>
            %lt3A = arith.constant 0 : i32
            %lt3A_250 = vector.broadcast %lt3A : i32 to vector<16xi32>
            %lt3A_251 = arith.cmpi slt, %rem3A_246, %lt3A_250 : vector<16xi32>
            %lt3A_252 = arith.constant 0 : i32
            %lt3A_253 = arith.cmpi slt, %select_n3A_244, %lt3A_252 : i32
            %ne3A_254 = vector.broadcast %lt3A_253 : i1 to vector<16xi1>
            %ne3A_255 = vector.broadcast %ne3A_254 : vector<16xi1> to vector<16xi1>
            %ne3A_256 = arith.xori %lt3A_251, %ne3A_255 : vector<16xi1>
            %and3A_257 = arith.andi %ne3A_256, %ne3A_249 : vector<16xi1>
            %add3A_258 = vector.broadcast %select_n3A_244 : i32 to vector<16xi32>
            %add3A_259 = arith.addi %rem3A_246, %add3A_258 : vector<16xi32>
            %select_n3A_260 = arith.select %and3A_257, %add3A_259, %rem3A_246 : vector<16xi1>, vector<16xi32>
            %mul3A_261 = arith.constant 16 : i32
            %mul3A_262 = arith.muli %scan3A_197, %mul3A_261 : i32
            %swap3A_263 = arith.constant 0 : i32
            %swap3A_264 = arith.index_cast %swap3A_263 : i32 to index
            %swap3A_265 = arith.index_cast %mul3A_262 : i32 to index
            %swap3A_266 = tpu.vector_load %arg9[%swap3A_264, %swap3A_265] {strides = array<i32>} : memref<2x128xi32, #tpu.memory_space<vmem>>, vector<16xi32>,
            tpu.vector_store %arg9[%swap3A_264, %swap3A_265], %select_n3A_260 {strides = array<i32>} : memref<2x128xi32, #tpu.memory_space<vmem>>, vector<16xi32>,
            %scan3A_267 = arith.constant 0 : i32
            scf.yield %scan3A_267 : i32
          }
          %scan3A_166 = arith.constant 8 : i32
          %dma_start3A = arith.constant 0 : i32
          %dma_start3A_167 = arith.constant 0 : i32
          %dma_start3A_168 = arith.constant 0 : i32
          %dma_start3A_169 = arith.constant 0 : i32
          %dma_start3A_170 = tpu.memref_slice %arg10[%dma_start3A_167, %dma_start3A_168, %dma_start3A_169] : memref<2x128x128xf32, #tpu.memory_space<vmem>> -> memref<1x128x128xf32, #tpu.memory_space<vmem>>
          %dma_start3A_171 = tpu.memref_squeeze %dma_start3A_170 : memref<1x128x128xf32, #tpu.memory_space<vmem>> -> memref<128x128xf32, #tpu.memory_space<vmem>>
          %dma_start3A_172 = arith.constant 0 : i32
          %dma_start3A_173 = tpu.memref_slice %arg8[%dma_start3A, %dma_start3A_172] : memref<2x128xi32, #tpu.memory_space<vmem>> -> memref<1x128xi32, #tpu.memory_space<vmem>>
          %dma_start3A_174 = tpu.memref_squeeze %dma_start3A_173 : memref<1x128xi32, #tpu.memory_space<vmem>> -> memref<128xi32, #tpu.memory_space<vmem>>
          %dma_start3A_175 = arith.constant 0 : i32
          %dma_start3A_176 = arith.constant 0 : i32
          %dma_start3A_177 = tpu.memref_slice %arg2[%dma_start3A_175, %dma_start3A_176] : memref<40960x128xf32, #tpu.memory_space<hbm>> -> memref<40960x128xf32, #tpu.memory_space<hbm>>
          tpu.enqueue_indirect_dma source(%dma_start3A_177 : memref<40960x128xf32, #tpu.memory_space<hbm>>) target(%dma_start3A_171 : memref<128x128xf32, #tpu.memory_space<vmem>>) offsets(%dma_start3A_174 : memref<128xi32, #tpu.memory_space<vmem>>) semaphore(%arg13 : memref<!tpu.dma_semaphore, #tpu.memory_space<semaphore_mem>>)
          %scan3A_178 = arith.constant 0 : i32
          %scan3A_179 = arith.constant 0 : i32
          %scan3A_180 = arith.constant 8 : i32
          %scan3A_181 = arith.addi %scan3A_179, %scan3A_180 : i32
          %scan3A_182 = arith.constant 1 : i32
          %scan3A_183 = scf.for %scan3A_197 = %scan3A_179 to %scan3A_181 step %scan3A_182 iter_args(%scan3A_198 = %scan3A_178) -> (i32)  : i32 {
            %mul3A_199 = arith.constant 16 : i32
            %mul3A_200 = arith.muli %scan3A_197, %mul3A_199 : i32
            %add3A_201 = arith.constant 128 : i32
            %add3A_202 = arith.addi %add3A_201, %mul3A_200 : i32
            %get3A = arith.index_cast %add3A_202 : i32 to index
            %get3A_203 = tpu.vector_load %arg7[%get3A] {strides = array<i32>} : memref<20480xi32, #tpu.memory_space<vmem>>, vector<16xi32>,
            %jit3A_204 = arith.constant 8192 : i32
            %div3A_205 = vector.broadcast %jit3A_204 : i32 to vector<16xi32>
            %div3A_206 = arith.divsi %get3A_203, %div3A_205 : vector<16xi32>
            %sign3A_207 = arith.constant 0 : i32
            %sign3A_208 = vector.broadcast %sign3A_207 : i32 to vector<16xi32>
            %sign3A_209 = arith.cmpi sgt, %get3A_203, %sign3A_208 : vector<16xi32>
            %sign3A_210 = arith.extui %sign3A_209 : vector<16xi1> to vector<16xi32>
            %sign3A_211 = arith.constant 0 : i32
            %sign3A_212 = vector.broadcast %sign3A_211 : i32 to vector<16xi32>
            %sign3A_213 = arith.cmpi slt, %get3A_203, %sign3A_212 : vector<16xi32>
            %sign3A_214 = arith.extui %sign3A_213 : vector<16xi1> to vector<16xi32>
            %sign3A_215 = arith.subi %sign3A_210, %sign3A_214 : vector<16xi32>
            %sign3A_216 = arith.constant 0 : i32
            %sign3A_217 = arith.cmpi sgt, %jit3A_204, %sign3A_216 : i32
            %sign3A_218 = arith.extui %sign3A_217 : i1 to i32
            %sign3A_219 = arith.constant 0 : i32
            %sign3A_220 = arith.cmpi slt, %jit3A_204, %sign3A_219 : i32
            %sign3A_221 = arith.extui %sign3A_220 : i1 to i32
            %sign3A_222 = arith.subi %sign3A_218, %sign3A_221 : i32
            %ne3A_223 = vector.broadcast %sign3A_222 : i32 to vector<16xi32>
            %ne3A_224 = arith.cmpi ne, %sign3A_215, %ne3A_223 : vector<16xi32>
            %rem3A_225 = vector.broadcast %jit3A_204 : i32 to vector<16xi32>
            %rem3A_226 = arith.remsi %get3A_203, %rem3A_225 : vector<16xi32>
            %ne3A_227 = arith.constant 0 : i32
            %ne3A_228 = vector.broadcast %ne3A_227 : i32 to vector<16xi32>
            %ne3A_229 = arith.cmpi ne, %rem3A_226, %ne3A_228 : vector<16xi32>
            %and3A_230 = arith.andi %ne3A_224, %ne3A_229 : vector<16xi1>
            %sub3A_231 = arith.constant 1 : i32
            %sub3A_232 = vector.broadcast %sub3A_231 : i32 to vector<16xi32>
            %sub3A_233 = arith.subi %div3A_206, %sub3A_232 : vector<16xi32>
            %select_n3A_234 = arith.select %and3A_230, %sub3A_233, %div3A_206 : vector<16xi1>, vector<16xi32>
            %mul3A_235 = arith.constant 16 : i32
            %mul3A_236 = arith.muli %scan3A_197, %mul3A_235 : i32
            %swap3A_237 = arith.constant 1 : i32
            %swap3A_238 = arith.index_cast %swap3A_237 : i32 to index
            %swap3A_239 = arith.index_cast %mul3A_236 : i32 to index
            %swap3A_240 = tpu.vector_load %arg8[%swap3A_238, %swap3A_239] {strides = array<i32>} : memref<2x128xi32, #tpu.memory_space<vmem>>, vector<16xi32>,
            tpu.vector_store %arg8[%swap3A_238, %swap3A_239], %select_n3A_234 {strides = array<i32>} : memref<2x128xi32, #tpu.memory_space<vmem>>, vector<16xi32>,
            %jit3A_241 = arith.constant 8192 : i32
            %eq3A = arith.constant 0 : i32
            %eq3A_242 = arith.cmpi eq, %jit3A_241, %eq3A : i32
            %jit3A_243 = arith.constant 1 : i32
            %select_n3A_244 = arith.select %eq3A_242, %jit3A_243, %jit3A_241 : i32
            %rem3A_245 = vector.broadcast %select_n3A_244 : i32 to vector<16xi32>
            %rem3A_246 = arith.remsi %get3A_203, %rem3A_245 : vector<16xi32>
            %ne3A_247 = arith.constant 0 : i32
            %ne3A_248 = vector.broadcast %ne3A_247 : i32 to vector<16xi32>
            %ne3A_249 = arith.cmpi ne, %rem3A_246, %ne3A_248 : vector<16xi32>
            %lt3A = arith.constant 0 : i32
            %lt3A_250 = vector.broadcast %lt3A : i32 to vector<16xi32>
            %lt3A_251 = arith.cmpi slt, %rem3A_246, %lt3A_250 : vector<16xi32>
            %lt3A_252 = arith.constant 0 : i32
            %lt3A_253 = arith.cmpi slt, %select_n3A_244, %lt3A_252 : i32
            %ne3A_254 = vector.broadcast %lt3A_253 : i1 to vector<16xi1>
            %ne3A_255 = vector.broadcast %ne3A_254 : vector<16xi1> to vector<16xi1>
            %ne3A_256 = arith.xori %lt3A_251, %ne3A_255 : vector<16xi1>
            %and3A_257 = arith.andi %ne3A_256, %ne3A_249 : vector<16xi1>
            %add3A_258 = vector.broadcast %select_n3A_244 : i32 to vector<16xi32>
            %add3A_259 = arith.addi %rem3A_246, %add3A_258 : vector<16xi32>
            %select_n3A_260 = arith.select %and3A_257, %add3A_259, %rem3A_246 : vector<16xi1>, vector<16xi32>
            %mul3A_261 = arith.constant 16 : i32
            %mul3A_262 = arith.muli %scan3A_197, %mul3A_261 : i32
            %swap3A_263 = arith.constant 1 : i32
            %swap3A_264 = arith.index_cast %swap3A_263 : i32 to index
            %swap3A_265 = arith.index_cast %mul3A_262 : i32 to index
            %swap3A_266 = tpu.vector_load %arg9[%swap3A_264, %swap3A_265] {strides = array<i32>} : memref<2x128xi32, #tpu.memory_space<vmem>>, vector<16xi32>,
            tpu.vector_store %arg9[%swap3A_264, %swap3A_265], %select_n3A_260 {strides = array<i32>} : memref<2x128xi32, #tpu.memory_space<vmem>>, vector<16xi32>,
            %scan3A_267 = arith.constant 0 : i32
            scf.yield %scan3A_267 : i32
          }
          %scan3A_184 = arith.constant 8 : i32
          %dma_start3A_185 = arith.constant 1 : i32
          %dma_start3A_186 = arith.constant 1 : i32
          %dma_start3A_187 = arith.constant 0 : i32
          %dma_start3A_188 = arith.constant 0 : i32
          %dma_start3A_189 = tpu.memref_slice %arg10[%dma_start3A_186, %dma_start3A_187, %dma_start3A_188] : memref<2x128x128xf32, #tpu.memory_space<vmem>> -> memref<1x128x128xf32, #tpu.memory_space<vmem>>
          %dma_start3A_190 = tpu.memref_squeeze %dma_start3A_189 : memref<1x128x128xf32, #tpu.memory_space<vmem>> -> memref<128x128xf32, #tpu.memory_space<vmem>>
          %dma_start3A_191 = arith.constant 0 : i32
          %dma_start3A_192 = tpu.memref_slice %arg8[%dma_start3A_185, %dma_start3A_191] : memref<2x128xi32, #tpu.memory_space<vmem>> -> memref<1x128xi32, #tpu.memory_space<vmem>>
          %dma_start3A_193 = tpu.memref_squeeze %dma_start3A_192 : memref<1x128xi32, #tpu.memory_space<vmem>> -> memref<128xi32, #tpu.memory_space<vmem>>
          %dma_start3A_194 = arith.constant 0 : i32
          %dma_start3A_195 = arith.constant 0 : i32
          %dma_start3A_196 = tpu.memref_slice %arg2[%dma_start3A_194, %dma_start3A_195] : memref<40960x128xf32, #tpu.memory_space<hbm>> -> memref<40960x128xf32, #tpu.memory_space<hbm>>
          tpu.enqueue_indirect_dma source(%dma_start3A_196 : memref<40960x128xf32, #tpu.memory_space<hbm>>) target(%dma_start3A_190 : memref<128x128xf32, #tpu.memory_space<vmem>>) offsets(%dma_start3A_193 : memref<128xi32, #tpu.memory_space<vmem>>) semaphore(%arg14 : memref<!tpu.dma_semaphore, #tpu.memory_space<semaphore_mem>>)
        } else {
        }
        %jit3A_112 = arith.constant 2 : i32
        %div3A_113 = arith.divsi %mul3A_109, %jit3A_112 : i32
        %sign3A_114 = arith.constant 0 : i32
        %sign3A_115 = arith.cmpi sgt, %mul3A_109, %sign3A_114 : i32
        %sign3A_116 = arith.extui %sign3A_115 : i1 to i32
        %sign3A_117 = arith.constant 0 : i32
        %sign3A_118 = arith.cmpi slt, %mul3A_109, %sign3A_117 : i32
        %sign3A_119 = arith.extui %sign3A_118 : i1 to i32
        %sign3A_120 = arith.subi %sign3A_116, %sign3A_119 : i32
        %sign3A_121 = arith.constant 0 : i32
        %sign3A_122 = arith.cmpi sgt, %jit3A_112, %sign3A_121 : i32
        %sign3A_123 = arith.extui %sign3A_122 : i1 to i32
        %sign3A_124 = arith.constant 0 : i32
        %sign3A_125 = arith.cmpi slt, %jit3A_112, %sign3A_124 : i32
        %sign3A_126 = arith.extui %sign3A_125 : i1 to i32
        %sign3A_127 = arith.subi %sign3A_123, %sign3A_126 : i32
        %ne3A_128 = arith.cmpi ne, %sign3A_120, %sign3A_127 : i32
        %rem3A_129 = arith.remsi %mul3A_109, %jit3A_112 : i32
        %ne3A_130 = arith.constant 0 : i32
        %ne3A_131 = arith.cmpi ne, %rem3A_129, %ne3A_130 : i32
        %and3A_132 = arith.andi %ne3A_128, %ne3A_131 : i1
        %sub3A_133 = arith.constant 1 : i32
        %sub3A_134 = arith.subi %div3A_113, %sub3A_133 : i32
        %select_n3A_135 = arith.select %and3A_132, %sub3A_134, %div3A_113 : i32
        %while3A_136 = arith.constant 0 : i32
        %while3A_137 = arith.constant 0 : i32
        %while3A_138 = arith.subi %select_n3A_135, %while3A_136 : i32
        %while3A_139 = arith.addi %while3A_136, %while3A_138 : i32
        %while3A_140 = arith.constant 1 : i32
        %while3A_141 = arith.divsi %while3A_138, %while3A_140 : i32
        %while3A_142 = arith.muli %while3A_141, %while3A_140 : i32
        %while3A_143 = arith.addi %while3A_136, %while3A_142 : i32
        %while3A_144 = arith.constant 1 : i32
        %while3A_145 = scf.for %while3A_160 = %while3A_136 to %while3A_143 step %while3A_144 iter_args(%while3A_161 = %while3A_137) -> (i32)  : i32 {
          %mul3A_162 = arith.constant 2 : i32
          %mul3A_163 = arith.muli %mul3A_162, %while3A_160 : i32
          %dma_wait3A = arith.constant 0 : i32
          %dma_wait3A_164 = arith.constant 0 : i32
          %dma_wait3A_165 = arith.constant 0 : i32
          %dma_wait3A_166 = arith.constant 0 : i32
          %dma_wait3A_167 = tpu.memref_slice %arg10[%dma_wait3A_164, %dma_wait3A_165, %dma_wait3A_166] : memref<2x128x128xf32, #tpu.memory_space<vmem>> -> memref<1x128x128xf32, #tpu.memory_space<vmem>>
          %dma_wait3A_168 = tpu.memref_squeeze %dma_wait3A_167 : memref<1x128x128xf32, #tpu.memory_space<vmem>> -> memref<128x128xf32, #tpu.memory_space<vmem>>
          %dma_wait3A_169 = arith.constant 0 : i32
          %dma_wait3A_170 = tpu.memref_slice %arg8[%dma_wait3A, %dma_wait3A_169] : memref<2x128xi32, #tpu.memory_space<vmem>> -> memref<1x128xi32, #tpu.memory_space<vmem>>
          %dma_wait3A_171 = tpu.memref_squeeze %dma_wait3A_170 : memref<1x128xi32, #tpu.memory_space<vmem>> -> memref<128xi32, #tpu.memory_space<vmem>>
          %dma_wait3A_172 = arith.constant 0 : i32
          %dma_wait3A_173 = arith.constant 0 : i32
          %dma_wait3A_174 = tpu.memref_slice %arg2[%dma_wait3A_172, %dma_wait3A_173] : memref<40960x128xf32, #tpu.memory_space<hbm>> -> memref<40960x128xf32, #tpu.memory_space<hbm>>
          tpu.wait_indirect_dma semaphore(%arg13 : memref<!tpu.dma_semaphore, #tpu.memory_space<semaphore_mem>>) src(%dma_wait3A_174 : memref<40960x128xf32, #tpu.memory_space<hbm>>) dst(%dma_wait3A_168 : memref<128x128xf32, #tpu.memory_space<vmem>>)
          %run_scoped3A = arith.constant 0 : i32
          %run_scoped3A_175 = arith.constant 0 : i32
          "tpu.region"() ({
            %run_scoped3A_202 = tpu.sem_alloc : memref<!tpu.dma_semaphore, #tpu.memory_space<semaphore_mem>>
            %dma_start3A = arith.constant 0 : i32
            %dma_start3A_203 = arith.constant 0 : i32
            %dma_start3A_204 = tpu.memref_slice %arg10[%run_scoped3A, %dma_start3A, %dma_start3A_203] : memref<2x128x128xf32, #tpu.memory_space<vmem>> -> memref<1x128x128xf32, #tpu.memory_space<vmem>>
            %dma_start3A_205 = tpu.memref_squeeze %dma_start3A_204 : memref<1x128x128xf32, #tpu.memory_space<vmem>> -> memref<128x128xf32, #tpu.memory_space<vmem>>
            %dma_start3A_206 = arith.constant 0 : i32
            %dma_start3A_207 = tpu.memref_slice %arg9[%run_scoped3A_175, %dma_start3A_206] : memref<2x128xi32, #tpu.memory_space<vmem>> -> memref<1x128xi32, #tpu.memory_space<vmem>>
            %dma_start3A_208 = tpu.memref_squeeze %dma_start3A_207 : memref<1x128xi32, #tpu.memory_space<vmem>> -> memref<128xi32, #tpu.memory_space<vmem>>
            %dma_start3A_209 = arith.constant 0 : i32
            %dma_start3A_210 = arith.constant 0 : i32
            %dma_start3A_211 = tpu.memref_slice %arg12[%dma_start3A_209, %dma_start3A_210] : memref<5120x128xf32, #tpu.memory_space<vmem_shared>> -> memref<5120x128xf32, #tpu.memory_space<vmem_shared>>
            tpu.enqueue_indirect_dma source(%dma_start3A_205 : memref<128x128xf32, #tpu.memory_space<vmem>>) target(%dma_start3A_211 : memref<5120x128xf32, #tpu.memory_space<vmem_shared>>) offsets(%dma_start3A_208 : memref<128xi32, #tpu.memory_space<vmem>>) semaphore(%run_scoped3A_202 : memref<!tpu.dma_semaphore, #tpu.memory_space<semaphore_mem>>) {add = true}
            %dma_wait3A_212 = arith.constant 0 : i32
            %dma_wait3A_213 = arith.constant 0 : i32
            %dma_wait3A_214 = tpu.memref_slice %arg10[%run_scoped3A, %dma_wait3A_212, %dma_wait3A_213] : memref<2x128x128xf32, #tpu.memory_space<vmem>> -> memref<1x128x128xf32, #tpu.memory_space<vmem>>
            %dma_wait3A_215 = tpu.memref_squeeze %dma_wait3A_214 : memref<1x128x128xf32, #tpu.memory_space<vmem>> -> memref<128x128xf32, #tpu.memory_space<vmem>>
            %dma_wait3A_216 = arith.constant 0 : i32
            %dma_wait3A_217 = tpu.memref_slice %arg9[%run_scoped3A_175, %dma_wait3A_216] : memref<2x128xi32, #tpu.memory_space<vmem>> -> memref<1x128xi32, #tpu.memory_space<vmem>>
            %dma_wait3A_218 = tpu.memref_squeeze %dma_wait3A_217 : memref<1x128xi32, #tpu.memory_space<vmem>> -> memref<128xi32, #tpu.memory_space<vmem>>
            %dma_wait3A_219 = arith.constant 0 : i32
            %dma_wait3A_220 = arith.constant 0 : i32
            %dma_wait3A_221 = tpu.memref_slice %arg12[%dma_wait3A_219, %dma_wait3A_220] : memref<5120x128xf32, #tpu.memory_space<vmem_shared>> -> memref<5120x128xf32, #tpu.memory_space<vmem_shared>>
            tpu.wait_indirect_dma semaphore(%run_scoped3A_202 : memref<!tpu.dma_semaphore, #tpu.memory_space<semaphore_mem>>) src(%dma_wait3A_215 : memref<128x128xf32, #tpu.memory_space<vmem>>) dst(%dma_wait3A_221 : memref<5120x128xf32, #tpu.memory_space<vmem_shared>>)
            tpu.yield
          }) : () -> ()
          %add3A_176 = arith.constant 2 : i32
          %add3A_177 = arith.addi %mul3A_163, %add3A_176 : i32
          %lt3A = arith.cmpi slt, %add3A_177, %mul3A_109 : i32
          %convert_element_type3A_178 = arith.extui %lt3A : i1 to i32
          %cond3A_179 = arith.constant 0 : i32
          %cond3A_180 = arith.cmpi ne, %convert_element_type3A_178, %cond3A_179 : i32
          scf.if %cond3A_180 {
            %add3A_202 = arith.constant 2 : i32
            %add3A_203 = arith.addi %mul3A_163, %add3A_202 : i32
            %scan3A_204 = arith.constant 0 : i32
            %scan3A_205 = arith.constant 0 : i32
            %scan3A_206 = arith.constant 8 : i32
            %scan3A_207 = arith.addi %scan3A_205, %scan3A_206 : i32
            %scan3A_208 = arith.constant 1 : i32
            %scan3A_209 = scf.for %scan3A_222 = %scan3A_205 to %scan3A_207 step %scan3A_208 iter_args(%scan3A_223 = %scan3A_204) -> (i32)  : i32 {
              %mul3A_224 = arith.constant 128 : i32
              %mul3A_225 = arith.muli %add3A_203, %mul3A_224 : i32
              %mul3A_226 = arith.constant 16 : i32
              %mul3A_227 = arith.muli %scan3A_222, %mul3A_226 : i32
              %add3A_228 = arith.addi %mul3A_225, %mul3A_227 : i32
              %get3A = arith.index_cast %add3A_228 : i32 to index
              %get3A_229 = tpu.vector_load %arg7[%get3A] {strides = array<i32>} : memref<20480xi32, #tpu.memory_space<vmem>>, vector<16xi32>,
              %jit3A_230 = arith.constant 8192 : i32
              %div3A_231 = vector.broadcast %jit3A_230 : i32 to vector<16xi32>
              %div3A_232 = arith.divsi %get3A_229, %div3A_231 : vector<16xi32>
              %sign3A_233 = arith.constant 0 : i32
              %sign3A_234 = vector.broadcast %sign3A_233 : i32 to vector<16xi32>
              %sign3A_235 = arith.cmpi sgt, %get3A_229, %sign3A_234 : vector<16xi32>
              %sign3A_236 = arith.extui %sign3A_235 : vector<16xi1> to vector<16xi32>
              %sign3A_237 = arith.constant 0 : i32
              %sign3A_238 = vector.broadcast %sign3A_237 : i32 to vector<16xi32>
              %sign3A_239 = arith.cmpi slt, %get3A_229, %sign3A_238 : vector<16xi32>
              %sign3A_240 = arith.extui %sign3A_239 : vector<16xi1> to vector<16xi32>
              %sign3A_241 = arith.subi %sign3A_236, %sign3A_240 : vector<16xi32>
              %sign3A_242 = arith.constant 0 : i32
              %sign3A_243 = arith.cmpi sgt, %jit3A_230, %sign3A_242 : i32
              %sign3A_244 = arith.extui %sign3A_243 : i1 to i32
              %sign3A_245 = arith.constant 0 : i32
              %sign3A_246 = arith.cmpi slt, %jit3A_230, %sign3A_245 : i32
              %sign3A_247 = arith.extui %sign3A_246 : i1 to i32
              %sign3A_248 = arith.subi %sign3A_244, %sign3A_247 : i32
              %ne3A_249 = vector.broadcast %sign3A_248 : i32 to vector<16xi32>
              %ne3A_250 = arith.cmpi ne, %sign3A_241, %ne3A_249 : vector<16xi32>
              %rem3A_251 = vector.broadcast %jit3A_230 : i32 to vector<16xi32>
              %rem3A_252 = arith.remsi %get3A_229, %rem3A_251 : vector<16xi32>
              %ne3A_253 = arith.constant 0 : i32
              %ne3A_254 = vector.broadcast %ne3A_253 : i32 to vector<16xi32>
              %ne3A_255 = arith.cmpi ne, %rem3A_252, %ne3A_254 : vector<16xi32>
              %and3A_256 = arith.andi %ne3A_250, %ne3A_255 : vector<16xi1>
              %sub3A_257 = arith.constant 1 : i32
              %sub3A_258 = vector.broadcast %sub3A_257 : i32 to vector<16xi32>
              %sub3A_259 = arith.subi %div3A_232, %sub3A_258 : vector<16xi32>
              %select_n3A_260 = arith.select %and3A_256, %sub3A_259, %div3A_232 : vector<16xi1>, vector<16xi32>
              %mul3A_261 = arith.constant 16 : i32
              %mul3A_262 = arith.muli %scan3A_222, %mul3A_261 : i32
              %swap3A_263 = arith.constant 0 : i32
              %swap3A_264 = arith.index_cast %swap3A_263 : i32 to index
              %swap3A_265 = arith.index_cast %mul3A_262 : i32 to index
              %swap3A_266 = tpu.vector_load %arg8[%swap3A_264, %swap3A_265] {strides = array<i32>} : memref<2x128xi32, #tpu.memory_space<vmem>>, vector<16xi32>,
              tpu.vector_store %arg8[%swap3A_264, %swap3A_265], %select_n3A_260 {strides = array<i32>} : memref<2x128xi32, #tpu.memory_space<vmem>>, vector<16xi32>,
              %jit3A_267 = arith.constant 8192 : i32
              %eq3A = arith.constant 0 : i32
              %eq3A_268 = arith.cmpi eq, %jit3A_267, %eq3A : i32
              %jit3A_269 = arith.constant 1 : i32
              %select_n3A_270 = arith.select %eq3A_268, %jit3A_269, %jit3A_267 : i32
              %rem3A_271 = vector.broadcast %select_n3A_270 : i32 to vector<16xi32>
              %rem3A_272 = arith.remsi %get3A_229, %rem3A_271 : vector<16xi32>
              %ne3A_273 = arith.constant 0 : i32
              %ne3A_274 = vector.broadcast %ne3A_273 : i32 to vector<16xi32>
              %ne3A_275 = arith.cmpi ne, %rem3A_272, %ne3A_274 : vector<16xi32>
              %lt3A_276 = arith.constant 0 : i32
              %lt3A_277 = vector.broadcast %lt3A_276 : i32 to vector<16xi32>
              %lt3A_278 = arith.cmpi slt, %rem3A_272, %lt3A_277 : vector<16xi32>
              %lt3A_279 = arith.constant 0 : i32
              %lt3A_280 = arith.cmpi slt, %select_n3A_270, %lt3A_279 : i32
              %ne3A_281 = vector.broadcast %lt3A_280 : i1 to vector<16xi1>
              %ne3A_282 = vector.broadcast %ne3A_281 : vector<16xi1> to vector<16xi1>
              %ne3A_283 = arith.xori %lt3A_278, %ne3A_282 : vector<16xi1>
              %and3A_284 = arith.andi %ne3A_283, %ne3A_275 : vector<16xi1>
              %add3A_285 = vector.broadcast %select_n3A_270 : i32 to vector<16xi32>
              %add3A_286 = arith.addi %rem3A_272, %add3A_285 : vector<16xi32>
              %select_n3A_287 = arith.select %and3A_284, %add3A_286, %rem3A_272 : vector<16xi1>, vector<16xi32>
              %mul3A_288 = arith.constant 16 : i32
              %mul3A_289 = arith.muli %scan3A_222, %mul3A_288 : i32
              %swap3A_290 = arith.constant 0 : i32
              %swap3A_291 = arith.index_cast %swap3A_290 : i32 to index
              %swap3A_292 = arith.index_cast %mul3A_289 : i32 to index
              %swap3A_293 = tpu.vector_load %arg9[%swap3A_291, %swap3A_292] {strides = array<i32>} : memref<2x128xi32, #tpu.memory_space<vmem>>, vector<16xi32>,
              tpu.vector_store %arg9[%swap3A_291, %swap3A_292], %select_n3A_287 {strides = array<i32>} : memref<2x128xi32, #tpu.memory_space<vmem>>, vector<16xi32>,
              %scan3A_294 = arith.constant 0 : i32
              scf.yield %scan3A_294 : i32
            }
            %scan3A_210 = arith.constant 8 : i32
            %dma_start3A = arith.constant 0 : i32
            %dma_start3A_211 = arith.constant 0 : i32
            %dma_start3A_212 = arith.constant 0 : i32
            %dma_start3A_213 = arith.constant 0 : i32
            %dma_start3A_214 = tpu.memref_slice %arg10[%dma_start3A_211, %dma_start3A_212, %dma_start3A_213] : memref<2x128x128xf32, #tpu.memory_space<vmem>> -> memref<1x128x128xf32, #tpu.memory_space<vmem>>
            %dma_start3A_215 = tpu.memref_squeeze %dma_start3A_214 : memref<1x128x128xf32, #tpu.memory_space<vmem>> -> memref<128x128xf32, #tpu.memory_space<vmem>>
            %dma_start3A_216 = arith.constant 0 : i32
            %dma_start3A_217 = tpu.memref_slice %arg8[%dma_start3A, %dma_start3A_216] : memref<2x128xi32, #tpu.memory_space<vmem>> -> memref<1x128xi32, #tpu.memory_space<vmem>>
            %dma_start3A_218 = tpu.memref_squeeze %dma_start3A_217 : memref<1x128xi32, #tpu.memory_space<vmem>> -> memref<128xi32, #tpu.memory_space<vmem>>
            %dma_start3A_219 = arith.constant 0 : i32
            %dma_start3A_220 = arith.constant 0 : i32
            %dma_start3A_221 = tpu.memref_slice %arg2[%dma_start3A_219, %dma_start3A_220] : memref<40960x128xf32, #tpu.memory_space<hbm>> -> memref<40960x128xf32, #tpu.memory_space<hbm>>
            tpu.enqueue_indirect_dma source(%dma_start3A_221 : memref<40960x128xf32, #tpu.memory_space<hbm>>) target(%dma_start3A_215 : memref<128x128xf32, #tpu.memory_space<vmem>>) offsets(%dma_start3A_218 : memref<128xi32, #tpu.memory_space<vmem>>) semaphore(%arg13 : memref<!tpu.dma_semaphore, #tpu.memory_space<semaphore_mem>>)
          } else {
          }
          %dma_wait3A_181 = arith.constant 1 : i32
          %dma_wait3A_182 = arith.constant 1 : i32
          %dma_wait3A_183 = arith.constant 0 : i32
          %dma_wait3A_184 = arith.constant 0 : i32
          %dma_wait3A_185 = tpu.memref_slice %arg10[%dma_wait3A_182, %dma_wait3A_183, %dma_wait3A_184] : memref<2x128x128xf32, #tpu.memory_space<vmem>> -> memref<1x128x128xf32, #tpu.memory_space<vmem>>
          %dma_wait3A_186 = tpu.memref_squeeze %dma_wait3A_185 : memref<1x128x128xf32, #tpu.memory_space<vmem>> -> memref<128x128xf32, #tpu.memory_space<vmem>>
          %dma_wait3A_187 = arith.constant 0 : i32
          %dma_wait3A_188 = tpu.memref_slice %arg8[%dma_wait3A_181, %dma_wait3A_187] : memref<2x128xi32, #tpu.memory_space<vmem>> -> memref<1x128xi32, #tpu.memory_space<vmem>>
          %dma_wait3A_189 = tpu.memref_squeeze %dma_wait3A_188 : memref<1x128xi32, #tpu.memory_space<vmem>> -> memref<128xi32, #tpu.memory_space<vmem>>
          %dma_wait3A_190 = arith.constant 0 : i32
          %dma_wait3A_191 = arith.constant 0 : i32
          %dma_wait3A_192 = tpu.memref_slice %arg2[%dma_wait3A_190, %dma_wait3A_191] : memref<40960x128xf32, #tpu.memory_space<hbm>> -> memref<40960x128xf32, #tpu.memory_space<hbm>>
          tpu.wait_indirect_dma semaphore(%arg14 : memref<!tpu.dma_semaphore, #tpu.memory_space<semaphore_mem>>) src(%dma_wait3A_192 : memref<40960x128xf32, #tpu.memory_space<hbm>>) dst(%dma_wait3A_186 : memref<128x128xf32, #tpu.memory_space<vmem>>)
          %run_scoped3A_193 = arith.constant 1 : i32
          %run_scoped3A_194 = arith.constant 1 : i32
          "tpu.region"() ({
            %run_scoped3A_202 = tpu.sem_alloc : memref<!tpu.dma_semaphore, #tpu.memory_space<semaphore_mem>>
            %dma_start3A = arith.constant 0 : i32
            %dma_start3A_203 = arith.constant 0 : i32
            %dma_start3A_204 = tpu.memref_slice %arg10[%run_scoped3A_193, %dma_start3A, %dma_start3A_203] : memref<2x128x128xf32, #tpu.memory_space<vmem>> -> memref<1x128x128xf32, #tpu.memory_space<vmem>>
            %dma_start3A_205 = tpu.memref_squeeze %dma_start3A_204 : memref<1x128x128xf32, #tpu.memory_space<vmem>> -> memref<128x128xf32, #tpu.memory_space<vmem>>
            %dma_start3A_206 = arith.constant 0 : i32
            %dma_start3A_207 = tpu.memref_slice %arg9[%run_scoped3A_194, %dma_start3A_206] : memref<2x128xi32, #tpu.memory_space<vmem>> -> memref<1x128xi32, #tpu.memory_space<vmem>>
            %dma_start3A_208 = tpu.memref_squeeze %dma_start3A_207 : memref<1x128xi32, #tpu.memory_space<vmem>> -> memref<128xi32, #tpu.memory_space<vmem>>
            %dma_start3A_209 = arith.constant 0 : i32
            %dma_start3A_210 = arith.constant 0 : i32
            %dma_start3A_211 = tpu.memref_slice %arg12[%dma_start3A_209, %dma_start3A_210] : memref<5120x128xf32, #tpu.memory_space<vmem_shared>> -> memref<5120x128xf32, #tpu.memory_space<vmem_shared>>
            tpu.enqueue_indirect_dma source(%dma_start3A_205 : memref<128x128xf32, #tpu.memory_space<vmem>>) target(%dma_start3A_211 : memref<5120x128xf32, #tpu.memory_space<vmem_shared>>) offsets(%dma_start3A_208 : memref<128xi32, #tpu.memory_space<vmem>>) semaphore(%run_scoped3A_202 : memref<!tpu.dma_semaphore, #tpu.memory_space<semaphore_mem>>) {add = true}
            %dma_wait3A_212 = arith.constant 0 : i32
            %dma_wait3A_213 = arith.constant 0 : i32
            %dma_wait3A_214 = tpu.memref_slice %arg10[%run_scoped3A_193, %dma_wait3A_212, %dma_wait3A_213] : memref<2x128x128xf32, #tpu.memory_space<vmem>> -> memref<1x128x128xf32, #tpu.memory_space<vmem>>
            %dma_wait3A_215 = tpu.memref_squeeze %dma_wait3A_214 : memref<1x128x128xf32, #tpu.memory_space<vmem>> -> memref<128x128xf32, #tpu.memory_space<vmem>>
            %dma_wait3A_216 = arith.constant 0 : i32
            %dma_wait3A_217 = tpu.memref_slice %arg9[%run_scoped3A_194, %dma_wait3A_216] : memref<2x128xi32, #tpu.memory_space<vmem>> -> memref<1x128xi32, #tpu.memory_space<vmem>>
            %dma_wait3A_218 = tpu.memref_squeeze %dma_wait3A_217 : memref<1x128xi32, #tpu.memory_space<vmem>> -> memref<128xi32, #tpu.memory_space<vmem>>
            %dma_wait3A_219 = arith.constant 0 : i32
            %dma_wait3A_220 = arith.constant 0 : i32
            %dma_wait3A_221 = tpu.memref_slice %arg12[%dma_wait3A_219, %dma_wait3A_220] : memref<5120x128xf32, #tpu.memory_space<vmem_shared>> -> memref<5120x128xf32, #tpu.memory_space<vmem_shared>>
            tpu.wait_indirect_dma semaphore(%run_scoped3A_202 : memref<!tpu.dma_semaphore, #tpu.memory_space<semaphore_mem>>) src(%dma_wait3A_215 : memref<128x128xf32, #tpu.memory_space<vmem>>) dst(%dma_wait3A_221 : memref<5120x128xf32, #tpu.memory_space<vmem_shared>>)
            tpu.yield
          }) : () -> ()
          %add3A_195 = arith.constant 3 : i32
          %add3A_196 = arith.addi %mul3A_163, %add3A_195 : i32
          %lt3A_197 = arith.cmpi slt, %add3A_196, %mul3A_109 : i32
          %convert_element_type3A_198 = arith.extui %lt3A_197 : i1 to i32
          %cond3A_199 = arith.constant 0 : i32
          %cond3A_200 = arith.cmpi ne, %convert_element_type3A_198, %cond3A_199 : i32
          scf.if %cond3A_200 {
            %add3A_202 = arith.constant 3 : i32
            %add3A_203 = arith.addi %mul3A_163, %add3A_202 : i32
            %scan3A_204 = arith.constant 0 : i32
            %scan3A_205 = arith.constant 0 : i32
            %scan3A_206 = arith.constant 8 : i32
            %scan3A_207 = arith.addi %scan3A_205, %scan3A_206 : i32
            %scan3A_208 = arith.constant 1 : i32
            %scan3A_209 = scf.for %scan3A_222 = %scan3A_205 to %scan3A_207 step %scan3A_208 iter_args(%scan3A_223 = %scan3A_204) -> (i32)  : i32 {
              %mul3A_224 = arith.constant 128 : i32
              %mul3A_225 = arith.muli %add3A_203, %mul3A_224 : i32
              %mul3A_226 = arith.constant 16 : i32
              %mul3A_227 = arith.muli %scan3A_222, %mul3A_226 : i32
              %add3A_228 = arith.addi %mul3A_225, %mul3A_227 : i32
              %get3A = arith.index_cast %add3A_228 : i32 to index
              %get3A_229 = tpu.vector_load %arg7[%get3A] {strides = array<i32>} : memref<20480xi32, #tpu.memory_space<vmem>>, vector<16xi32>,
              %jit3A_230 = arith.constant 8192 : i32
              %div3A_231 = vector.broadcast %jit3A_230 : i32 to vector<16xi32>
              %div3A_232 = arith.divsi %get3A_229, %div3A_231 : vector<16xi32>
              %sign3A_233 = arith.constant 0 : i32
              %sign3A_234 = vector.broadcast %sign3A_233 : i32 to vector<16xi32>
              %sign3A_235 = arith.cmpi sgt, %get3A_229, %sign3A_234 : vector<16xi32>
              %sign3A_236 = arith.extui %sign3A_235 : vector<16xi1> to vector<16xi32>
              %sign3A_237 = arith.constant 0 : i32
              %sign3A_238 = vector.broadcast %sign3A_237 : i32 to vector<16xi32>
              %sign3A_239 = arith.cmpi slt, %get3A_229, %sign3A_238 : vector<16xi32>
              %sign3A_240 = arith.extui %sign3A_239 : vector<16xi1> to vector<16xi32>
              %sign3A_241 = arith.subi %sign3A_236, %sign3A_240 : vector<16xi32>
              %sign3A_242 = arith.constant 0 : i32
              %sign3A_243 = arith.cmpi sgt, %jit3A_230, %sign3A_242 : i32
              %sign3A_244 = arith.extui %sign3A_243 : i1 to i32
              %sign3A_245 = arith.constant 0 : i32
              %sign3A_246 = arith.cmpi slt, %jit3A_230, %sign3A_245 : i32
              %sign3A_247 = arith.extui %sign3A_246 : i1 to i32
              %sign3A_248 = arith.subi %sign3A_244, %sign3A_247 : i32
              %ne3A_249 = vector.broadcast %sign3A_248 : i32 to vector<16xi32>
              %ne3A_250 = arith.cmpi ne, %sign3A_241, %ne3A_249 : vector<16xi32>
              %rem3A_251 = vector.broadcast %jit3A_230 : i32 to vector<16xi32>
              %rem3A_252 = arith.remsi %get3A_229, %rem3A_251 : vector<16xi32>
              %ne3A_253 = arith.constant 0 : i32
              %ne3A_254 = vector.broadcast %ne3A_253 : i32 to vector<16xi32>
              %ne3A_255 = arith.cmpi ne, %rem3A_252, %ne3A_254 : vector<16xi32>
              %and3A_256 = arith.andi %ne3A_250, %ne3A_255 : vector<16xi1>
              %sub3A_257 = arith.constant 1 : i32
              %sub3A_258 = vector.broadcast %sub3A_257 : i32 to vector<16xi32>
              %sub3A_259 = arith.subi %div3A_232, %sub3A_258 : vector<16xi32>
              %select_n3A_260 = arith.select %and3A_256, %sub3A_259, %div3A_232 : vector<16xi1>, vector<16xi32>
              %mul3A_261 = arith.constant 16 : i32
              %mul3A_262 = arith.muli %scan3A_222, %mul3A_261 : i32
              %swap3A_263 = arith.constant 1 : i32
              %swap3A_264 = arith.index_cast %swap3A_263 : i32 to index
              %swap3A_265 = arith.index_cast %mul3A_262 : i32 to index
              %swap3A_266 = tpu.vector_load %arg8[%swap3A_264, %swap3A_265] {strides = array<i32>} : memref<2x128xi32, #tpu.memory_space<vmem>>, vector<16xi32>,
              tpu.vector_store %arg8[%swap3A_264, %swap3A_265], %select_n3A_260 {strides = array<i32>} : memref<2x128xi32, #tpu.memory_space<vmem>>, vector<16xi32>,
              %jit3A_267 = arith.constant 8192 : i32
              %eq3A = arith.constant 0 : i32
              %eq3A_268 = arith.cmpi eq, %jit3A_267, %eq3A : i32
              %jit3A_269 = arith.constant 1 : i32
              %select_n3A_270 = arith.select %eq3A_268, %jit3A_269, %jit3A_267 : i32
              %rem3A_271 = vector.broadcast %select_n3A_270 : i32 to vector<16xi32>
              %rem3A_272 = arith.remsi %get3A_229, %rem3A_271 : vector<16xi32>
              %ne3A_273 = arith.constant 0 : i32
              %ne3A_274 = vector.broadcast %ne3A_273 : i32 to vector<16xi32>
              %ne3A_275 = arith.cmpi ne, %rem3A_272, %ne3A_274 : vector<16xi32>
              %lt3A_276 = arith.constant 0 : i32
              %lt3A_277 = vector.broadcast %lt3A_276 : i32 to vector<16xi32>
              %lt3A_278 = arith.cmpi slt, %rem3A_272, %lt3A_277 : vector<16xi32>
              %lt3A_279 = arith.constant 0 : i32
              %lt3A_280 = arith.cmpi slt, %select_n3A_270, %lt3A_279 : i32
              %ne3A_281 = vector.broadcast %lt3A_280 : i1 to vector<16xi1>
              %ne3A_282 = vector.broadcast %ne3A_281 : vector<16xi1> to vector<16xi1>
              %ne3A_283 = arith.xori %lt3A_278, %ne3A_282 : vector<16xi1>
              %and3A_284 = arith.andi %ne3A_283, %ne3A_275 : vector<16xi1>
              %add3A_285 = vector.broadcast %select_n3A_270 : i32 to vector<16xi32>
              %add3A_286 = arith.addi %rem3A_272, %add3A_285 : vector<16xi32>
              %select_n3A_287 = arith.select %and3A_284, %add3A_286, %rem3A_272 : vector<16xi1>, vector<16xi32>
              %mul3A_288 = arith.constant 16 : i32
              %mul3A_289 = arith.muli %scan3A_222, %mul3A_288 : i32
              %swap3A_290 = arith.constant 1 : i32
              %swap3A_291 = arith.index_cast %swap3A_290 : i32 to index
              %swap3A_292 = arith.index_cast %mul3A_289 : i32 to index
              %swap3A_293 = tpu.vector_load %arg9[%swap3A_291, %swap3A_292] {strides = array<i32>} : memref<2x128xi32, #tpu.memory_space<vmem>>, vector<16xi32>,
              tpu.vector_store %arg9[%swap3A_291, %swap3A_292], %select_n3A_287 {strides = array<i32>} : memref<2x128xi32, #tpu.memory_space<vmem>>, vector<16xi32>,
              %scan3A_294 = arith.constant 0 : i32
              scf.yield %scan3A_294 : i32
            }
            %scan3A_210 = arith.constant 8 : i32
            %dma_start3A = arith.constant 1 : i32
            %dma_start3A_211 = arith.constant 1 : i32
            %dma_start3A_212 = arith.constant 0 : i32
            %dma_start3A_213 = arith.constant 0 : i32
            %dma_start3A_214 = tpu.memref_slice %arg10[%dma_start3A_211, %dma_start3A_212, %dma_start3A_213] : memref<2x128x128xf32, #tpu.memory_space<vmem>> -> memref<1x128x128xf32, #tpu.memory_space<vmem>>
            %dma_start3A_215 = tpu.memref_squeeze %dma_start3A_214 : memref<1x128x128xf32, #tpu.memory_space<vmem>> -> memref<128x128xf32, #tpu.memory_space<vmem>>
            %dma_start3A_216 = arith.constant 0 : i32
            %dma_start3A_217 = tpu.memref_slice %arg8[%dma_start3A, %dma_start3A_216] : memref<2x128xi32, #tpu.memory_space<vmem>> -> memref<1x128xi32, #tpu.memory_space<vmem>>
            %dma_start3A_218 = tpu.memref_squeeze %dma_start3A_217 : memref<1x128xi32, #tpu.memory_space<vmem>> -> memref<128xi32, #tpu.memory_space<vmem>>
            %dma_start3A_219 = arith.constant 0 : i32
            %dma_start3A_220 = arith.constant 0 : i32
            %dma_start3A_221 = tpu.memref_slice %arg2[%dma_start3A_219, %dma_start3A_220] : memref<40960x128xf32, #tpu.memory_space<hbm>> -> memref<40960x128xf32, #tpu.memory_space<hbm>>
            tpu.enqueue_indirect_dma source(%dma_start3A_221 : memref<40960x128xf32, #tpu.memory_space<hbm>>) target(%dma_start3A_215 : memref<128x128xf32, #tpu.memory_space<vmem>>) offsets(%dma_start3A_218 : memref<128xi32, #tpu.memory_space<vmem>>) semaphore(%arg14 : memref<!tpu.dma_semaphore, #tpu.memory_space<semaphore_mem>>)
          } else {
          }
          %while3A_201 = arith.constant 0 : i32
          scf.yield %while3A_201 : i32
        }
        %while3A_146 = arith.constant 1 : i32
        %while3A_147 = scf.for %while3A_160 = %while3A_143 to %while3A_139 step %while3A_146 iter_args(%while3A_161 = %while3A_145) -> (i32)  : i32 {
          %mul3A_162 = arith.constant 2 : i32
          %mul3A_163 = arith.muli %mul3A_162, %while3A_160 : i32
          %dma_wait3A = arith.constant 0 : i32
          %dma_wait3A_164 = arith.constant 0 : i32
          %dma_wait3A_165 = arith.constant 0 : i32
          %dma_wait3A_166 = arith.constant 0 : i32
          %dma_wait3A_167 = tpu.memref_slice %arg10[%dma_wait3A_164, %dma_wait3A_165, %dma_wait3A_166] : memref<2x128x128xf32, #tpu.memory_space<vmem>> -> memref<1x128x128xf32, #tpu.memory_space<vmem>>
          %dma_wait3A_168 = tpu.memref_squeeze %dma_wait3A_167 : memref<1x128x128xf32, #tpu.memory_space<vmem>> -> memref<128x128xf32, #tpu.memory_space<vmem>>
          %dma_wait3A_169 = arith.constant 0 : i32
          %dma_wait3A_170 = tpu.memref_slice %arg8[%dma_wait3A, %dma_wait3A_169] : memref<2x128xi32, #tpu.memory_space<vmem>> -> memref<1x128xi32, #tpu.memory_space<vmem>>
          %dma_wait3A_171 = tpu.memref_squeeze %dma_wait3A_170 : memref<1x128xi32, #tpu.memory_space<vmem>> -> memref<128xi32, #tpu.memory_space<vmem>>
          %dma_wait3A_172 = arith.constant 0 : i32
          %dma_wait3A_173 = arith.constant 0 : i32
          %dma_wait3A_174 = tpu.memref_slice %arg2[%dma_wait3A_172, %dma_wait3A_173] : memref<40960x128xf32, #tpu.memory_space<hbm>> -> memref<40960x128xf32, #tpu.memory_space<hbm>>
          tpu.wait_indirect_dma semaphore(%arg13 : memref<!tpu.dma_semaphore, #tpu.memory_space<semaphore_mem>>) src(%dma_wait3A_174 : memref<40960x128xf32, #tpu.memory_space<hbm>>) dst(%dma_wait3A_168 : memref<128x128xf32, #tpu.memory_space<vmem>>)
          %run_scoped3A = arith.constant 0 : i32
          %run_scoped3A_175 = arith.constant 0 : i32
          "tpu.region"() ({
            %run_scoped3A_202 = tpu.sem_alloc : memref<!tpu.dma_semaphore, #tpu.memory_space<semaphore_mem>>
            %dma_start3A = arith.constant 0 : i32
            %dma_start3A_203 = arith.constant 0 : i32
            %dma_start3A_204 = tpu.memref_slice %arg10[%run_scoped3A, %dma_start3A, %dma_start3A_203] : memref<2x128x128xf32, #tpu.memory_space<vmem>> -> memref<1x128x128xf32, #tpu.memory_space<vmem>>
            %dma_start3A_205 = tpu.memref_squeeze %dma_start3A_204 : memref<1x128x128xf32, #tpu.memory_space<vmem>> -> memref<128x128xf32, #tpu.memory_space<vmem>>
            %dma_start3A_206 = arith.constant 0 : i32
            %dma_start3A_207 = tpu.memref_slice %arg9[%run_scoped3A_175, %dma_start3A_206] : memref<2x128xi32, #tpu.memory_space<vmem>> -> memref<1x128xi32, #tpu.memory_space<vmem>>
            %dma_start3A_208 = tpu.memref_squeeze %dma_start3A_207 : memref<1x128xi32, #tpu.memory_space<vmem>> -> memref<128xi32, #tpu.memory_space<vmem>>
            %dma_start3A_209 = arith.constant 0 : i32
            %dma_start3A_210 = arith.constant 0 : i32
            %dma_start3A_211 = tpu.memref_slice %arg12[%dma_start3A_209, %dma_start3A_210] : memref<5120x128xf32, #tpu.memory_space<vmem_shared>> -> memref<5120x128xf32, #tpu.memory_space<vmem_shared>>
            tpu.enqueue_indirect_dma source(%dma_start3A_205 : memref<128x128xf32, #tpu.memory_space<vmem>>) target(%dma_start3A_211 : memref<5120x128xf32, #tpu.memory_space<vmem_shared>>) offsets(%dma_start3A_208 : memref<128xi32, #tpu.memory_space<vmem>>) semaphore(%run_scoped3A_202 : memref<!tpu.dma_semaphore, #tpu.memory_space<semaphore_mem>>) {add = true}
            %dma_wait3A_212 = arith.constant 0 : i32
            %dma_wait3A_213 = arith.constant 0 : i32
            %dma_wait3A_214 = tpu.memref_slice %arg10[%run_scoped3A, %dma_wait3A_212, %dma_wait3A_213] : memref<2x128x128xf32, #tpu.memory_space<vmem>> -> memref<1x128x128xf32, #tpu.memory_space<vmem>>
            %dma_wait3A_215 = tpu.memref_squeeze %dma_wait3A_214 : memref<1x128x128xf32, #tpu.memory_space<vmem>> -> memref<128x128xf32, #tpu.memory_space<vmem>>
            %dma_wait3A_216 = arith.constant 0 : i32
            %dma_wait3A_217 = tpu.memref_slice %arg9[%run_scoped3A_175, %dma_wait3A_216] : memref<2x128xi32, #tpu.memory_space<vmem>> -> memref<1x128xi32, #tpu.memory_space<vmem>>
            %dma_wait3A_218 = tpu.memref_squeeze %dma_wait3A_217 : memref<1x128xi32, #tpu.memory_space<vmem>> -> memref<128xi32, #tpu.memory_space<vmem>>
            %dma_wait3A_219 = arith.constant 0 : i32
            %dma_wait3A_220 = arith.constant 0 : i32
            %dma_wait3A_221 = tpu.memref_slice %arg12[%dma_wait3A_219, %dma_wait3A_220] : memref<5120x128xf32, #tpu.memory_space<vmem_shared>> -> memref<5120x128xf32, #tpu.memory_space<vmem_shared>>
            tpu.wait_indirect_dma semaphore(%run_scoped3A_202 : memref<!tpu.dma_semaphore, #tpu.memory_space<semaphore_mem>>) src(%dma_wait3A_215 : memref<128x128xf32, #tpu.memory_space<vmem>>) dst(%dma_wait3A_221 : memref<5120x128xf32, #tpu.memory_space<vmem_shared>>)
            tpu.yield
          }) : () -> ()
          %add3A_176 = arith.constant 2 : i32
          %add3A_177 = arith.addi %mul3A_163, %add3A_176 : i32
          %lt3A = arith.cmpi slt, %add3A_177, %mul3A_109 : i32
          %convert_element_type3A_178 = arith.extui %lt3A : i1 to i32
          %cond3A_179 = arith.constant 0 : i32
          %cond3A_180 = arith.cmpi ne, %convert_element_type3A_178, %cond3A_179 : i32
          scf.if %cond3A_180 {
            %add3A_202 = arith.constant 2 : i32
            %add3A_203 = arith.addi %mul3A_163, %add3A_202 : i32
            %scan3A_204 = arith.constant 0 : i32
            %scan3A_205 = arith.constant 0 : i32
            %scan3A_206 = arith.constant 8 : i32
            %scan3A_207 = arith.addi %scan3A_205, %scan3A_206 : i32
            %scan3A_208 = arith.constant 1 : i32
            %scan3A_209 = scf.for %scan3A_222 = %scan3A_205 to %scan3A_207 step %scan3A_208 iter_args(%scan3A_223 = %scan3A_204) -> (i32)  : i32 {
              %mul3A_224 = arith.constant 128 : i32
              %mul3A_225 = arith.muli %add3A_203, %mul3A_224 : i32
              %mul3A_226 = arith.constant 16 : i32
              %mul3A_227 = arith.muli %scan3A_222, %mul3A_226 : i32
              %add3A_228 = arith.addi %mul3A_225, %mul3A_227 : i32
              %get3A = arith.index_cast %add3A_228 : i32 to index
              %get3A_229 = tpu.vector_load %arg7[%get3A] {strides = array<i32>} : memref<20480xi32, #tpu.memory_space<vmem>>, vector<16xi32>,
              %jit3A_230 = arith.constant 8192 : i32
              %div3A_231 = vector.broadcast %jit3A_230 : i32 to vector<16xi32>
              %div3A_232 = arith.divsi %get3A_229, %div3A_231 : vector<16xi32>
              %sign3A_233 = arith.constant 0 : i32
              %sign3A_234 = vector.broadcast %sign3A_233 : i32 to vector<16xi32>
              %sign3A_235 = arith.cmpi sgt, %get3A_229, %sign3A_234 : vector<16xi32>
              %sign3A_236 = arith.extui %sign3A_235 : vector<16xi1> to vector<16xi32>
              %sign3A_237 = arith.constant 0 : i32
              %sign3A_238 = vector.broadcast %sign3A_237 : i32 to vector<16xi32>
              %sign3A_239 = arith.cmpi slt, %get3A_229, %sign3A_238 : vector<16xi32>
              %sign3A_240 = arith.extui %sign3A_239 : vector<16xi1> to vector<16xi32>
              %sign3A_241 = arith.subi %sign3A_236, %sign3A_240 : vector<16xi32>
              %sign3A_242 = arith.constant 0 : i32
              %sign3A_243 = arith.cmpi sgt, %jit3A_230, %sign3A_242 : i32
              %sign3A_244 = arith.extui %sign3A_243 : i1 to i32
              %sign3A_245 = arith.constant 0 : i32
              %sign3A_246 = arith.cmpi slt, %jit3A_230, %sign3A_245 : i32
              %sign3A_247 = arith.extui %sign3A_246 : i1 to i32
              %sign3A_248 = arith.subi %sign3A_244, %sign3A_247 : i32
              %ne3A_249 = vector.broadcast %sign3A_248 : i32 to vector<16xi32>
              %ne3A_250 = arith.cmpi ne, %sign3A_241, %ne3A_249 : vector<16xi32>
              %rem3A_251 = vector.broadcast %jit3A_230 : i32 to vector<16xi32>
              %rem3A_252 = arith.remsi %get3A_229, %rem3A_251 : vector<16xi32>
              %ne3A_253 = arith.constant 0 : i32
              %ne3A_254 = vector.broadcast %ne3A_253 : i32 to vector<16xi32>
              %ne3A_255 = arith.cmpi ne, %rem3A_252, %ne3A_254 : vector<16xi32>
              %and3A_256 = arith.andi %ne3A_250, %ne3A_255 : vector<16xi1>
              %sub3A_257 = arith.constant 1 : i32
              %sub3A_258 = vector.broadcast %sub3A_257 : i32 to vector<16xi32>
              %sub3A_259 = arith.subi %div3A_232, %sub3A_258 : vector<16xi32>
              %select_n3A_260 = arith.select %and3A_256, %sub3A_259, %div3A_232 : vector<16xi1>, vector<16xi32>
              %mul3A_261 = arith.constant 16 : i32
              %mul3A_262 = arith.muli %scan3A_222, %mul3A_261 : i32
              %swap3A_263 = arith.constant 0 : i32
              %swap3A_264 = arith.index_cast %swap3A_263 : i32 to index
              %swap3A_265 = arith.index_cast %mul3A_262 : i32 to index
              %swap3A_266 = tpu.vector_load %arg8[%swap3A_264, %swap3A_265] {strides = array<i32>} : memref<2x128xi32, #tpu.memory_space<vmem>>, vector<16xi32>,
              tpu.vector_store %arg8[%swap3A_264, %swap3A_265], %select_n3A_260 {strides = array<i32>} : memref<2x128xi32, #tpu.memory_space<vmem>>, vector<16xi32>,
              %jit3A_267 = arith.constant 8192 : i32
              %eq3A = arith.constant 0 : i32
              %eq3A_268 = arith.cmpi eq, %jit3A_267, %eq3A : i32
              %jit3A_269 = arith.constant 1 : i32
              %select_n3A_270 = arith.select %eq3A_268, %jit3A_269, %jit3A_267 : i32
              %rem3A_271 = vector.broadcast %select_n3A_270 : i32 to vector<16xi32>
              %rem3A_272 = arith.remsi %get3A_229, %rem3A_271 : vector<16xi32>
              %ne3A_273 = arith.constant 0 : i32
              %ne3A_274 = vector.broadcast %ne3A_273 : i32 to vector<16xi32>
              %ne3A_275 = arith.cmpi ne, %rem3A_272, %ne3A_274 : vector<16xi32>
              %lt3A_276 = arith.constant 0 : i32
              %lt3A_277 = vector.broadcast %lt3A_276 : i32 to vector<16xi32>
              %lt3A_278 = arith.cmpi slt, %rem3A_272, %lt3A_277 : vector<16xi32>
              %lt3A_279 = arith.constant 0 : i32
              %lt3A_280 = arith.cmpi slt, %select_n3A_270, %lt3A_279 : i32
              %ne3A_281 = vector.broadcast %lt3A_280 : i1 to vector<16xi1>
              %ne3A_282 = vector.broadcast %ne3A_281 : vector<16xi1> to vector<16xi1>
              %ne3A_283 = arith.xori %lt3A_278, %ne3A_282 : vector<16xi1>
              %and3A_284 = arith.andi %ne3A_283, %ne3A_275 : vector<16xi1>
              %add3A_285 = vector.broadcast %select_n3A_270 : i32 to vector<16xi32>
              %add3A_286 = arith.addi %rem3A_272, %add3A_285 : vector<16xi32>
              %select_n3A_287 = arith.select %and3A_284, %add3A_286, %rem3A_272 : vector<16xi1>, vector<16xi32>
              %mul3A_288 = arith.constant 16 : i32
              %mul3A_289 = arith.muli %scan3A_222, %mul3A_288 : i32
              %swap3A_290 = arith.constant 0 : i32
              %swap3A_291 = arith.index_cast %swap3A_290 : i32 to index
              %swap3A_292 = arith.index_cast %mul3A_289 : i32 to index
              %swap3A_293 = tpu.vector_load %arg9[%swap3A_291, %swap3A_292] {strides = array<i32>} : memref<2x128xi32, #tpu.memory_space<vmem>>, vector<16xi32>,
              tpu.vector_store %arg9[%swap3A_291, %swap3A_292], %select_n3A_287 {strides = array<i32>} : memref<2x128xi32, #tpu.memory_space<vmem>>, vector<16xi32>,
              %scan3A_294 = arith.constant 0 : i32
              scf.yield %scan3A_294 : i32
            }
            %scan3A_210 = arith.constant 8 : i32
            %dma_start3A = arith.constant 0 : i32
            %dma_start3A_211 = arith.constant 0 : i32
            %dma_start3A_212 = arith.constant 0 : i32
            %dma_start3A_213 = arith.constant 0 : i32
            %dma_start3A_214 = tpu.memref_slice %arg10[%dma_start3A_211, %dma_start3A_212, %dma_start3A_213] : memref<2x128x128xf32, #tpu.memory_space<vmem>> -> memref<1x128x128xf32, #tpu.memory_space<vmem>>
            %dma_start3A_215 = tpu.memref_squeeze %dma_start3A_214 : memref<1x128x128xf32, #tpu.memory_space<vmem>> -> memref<128x128xf32, #tpu.memory_space<vmem>>
            %dma_start3A_216 = arith.constant 0 : i32
            %dma_start3A_217 = tpu.memref_slice %arg8[%dma_start3A, %dma_start3A_216] : memref<2x128xi32, #tpu.memory_space<vmem>> -> memref<1x128xi32, #tpu.memory_space<vmem>>
            %dma_start3A_218 = tpu.memref_squeeze %dma_start3A_217 : memref<1x128xi32, #tpu.memory_space<vmem>> -> memref<128xi32, #tpu.memory_space<vmem>>
            %dma_start3A_219 = arith.constant 0 : i32
            %dma_start3A_220 = arith.constant 0 : i32
            %dma_start3A_221 = tpu.memref_slice %arg2[%dma_start3A_219, %dma_start3A_220] : memref<40960x128xf32, #tpu.memory_space<hbm>> -> memref<40960x128xf32, #tpu.memory_space<hbm>>
            tpu.enqueue_indirect_dma source(%dma_start3A_221 : memref<40960x128xf32, #tpu.memory_space<hbm>>) target(%dma_start3A_215 : memref<128x128xf32, #tpu.memory_space<vmem>>) offsets(%dma_start3A_218 : memref<128xi32, #tpu.memory_space<vmem>>) semaphore(%arg13 : memref<!tpu.dma_semaphore, #tpu.memory_space<semaphore_mem>>)
          } else {
          }
          %dma_wait3A_181 = arith.constant 1 : i32
          %dma_wait3A_182 = arith.constant 1 : i32
          %dma_wait3A_183 = arith.constant 0 : i32
          %dma_wait3A_184 = arith.constant 0 : i32
          %dma_wait3A_185 = tpu.memref_slice %arg10[%dma_wait3A_182, %dma_wait3A_183, %dma_wait3A_184] : memref<2x128x128xf32, #tpu.memory_space<vmem>> -> memref<1x128x128xf32, #tpu.memory_space<vmem>>
          %dma_wait3A_186 = tpu.memref_squeeze %dma_wait3A_185 : memref<1x128x128xf32, #tpu.memory_space<vmem>> -> memref<128x128xf32, #tpu.memory_space<vmem>>
          %dma_wait3A_187 = arith.constant 0 : i32
          %dma_wait3A_188 = tpu.memref_slice %arg8[%dma_wait3A_181, %dma_wait3A_187] : memref<2x128xi32, #tpu.memory_space<vmem>> -> memref<1x128xi32, #tpu.memory_space<vmem>>
          %dma_wait3A_189 = tpu.memref_squeeze %dma_wait3A_188 : memref<1x128xi32, #tpu.memory_space<vmem>> -> memref<128xi32, #tpu.memory_space<vmem>>
          %dma_wait3A_190 = arith.constant 0 : i32
          %dma_wait3A_191 = arith.constant 0 : i32
          %dma_wait3A_192 = tpu.memref_slice %arg2[%dma_wait3A_190, %dma_wait3A_191] : memref<40960x128xf32, #tpu.memory_space<hbm>> -> memref<40960x128xf32, #tpu.memory_space<hbm>>
          tpu.wait_indirect_dma semaphore(%arg14 : memref<!tpu.dma_semaphore, #tpu.memory_space<semaphore_mem>>) src(%dma_wait3A_192 : memref<40960x128xf32, #tpu.memory_space<hbm>>) dst(%dma_wait3A_186 : memref<128x128xf32, #tpu.memory_space<vmem>>)
          %run_scoped3A_193 = arith.constant 1 : i32
          %run_scoped3A_194 = arith.constant 1 : i32
          "tpu.region"() ({
            %run_scoped3A_202 = tpu.sem_alloc : memref<!tpu.dma_semaphore, #tpu.memory_space<semaphore_mem>>
            %dma_start3A = arith.constant 0 : i32
            %dma_start3A_203 = arith.constant 0 : i32
            %dma_start3A_204 = tpu.memref_slice %arg10[%run_scoped3A_193, %dma_start3A, %dma_start3A_203] : memref<2x128x128xf32, #tpu.memory_space<vmem>> -> memref<1x128x128xf32, #tpu.memory_space<vmem>>
            %dma_start3A_205 = tpu.memref_squeeze %dma_start3A_204 : memref<1x128x128xf32, #tpu.memory_space<vmem>> -> memref<128x128xf32, #tpu.memory_space<vmem>>
            %dma_start3A_206 = arith.constant 0 : i32
            %dma_start3A_207 = tpu.memref_slice %arg9[%run_scoped3A_194, %dma_start3A_206] : memref<2x128xi32, #tpu.memory_space<vmem>> -> memref<1x128xi32, #tpu.memory_space<vmem>>
            %dma_start3A_208 = tpu.memref_squeeze %dma_start3A_207 : memref<1x128xi32, #tpu.memory_space<vmem>> -> memref<128xi32, #tpu.memory_space<vmem>>
            %dma_start3A_209 = arith.constant 0 : i32
            %dma_start3A_210 = arith.constant 0 : i32
            %dma_start3A_211 = tpu.memref_slice %arg12[%dma_start3A_209, %dma_start3A_210] : memref<5120x128xf32, #tpu.memory_space<vmem_shared>> -> memref<5120x128xf32, #tpu.memory_space<vmem_shared>>
            tpu.enqueue_indirect_dma source(%dma_start3A_205 : memref<128x128xf32, #tpu.memory_space<vmem>>) target(%dma_start3A_211 : memref<5120x128xf32, #tpu.memory_space<vmem_shared>>) offsets(%dma_start3A_208 : memref<128xi32, #tpu.memory_space<vmem>>) semaphore(%run_scoped3A_202 : memref<!tpu.dma_semaphore, #tpu.memory_space<semaphore_mem>>) {add = true}
            %dma_wait3A_212 = arith.constant 0 : i32
            %dma_wait3A_213 = arith.constant 0 : i32
            %dma_wait3A_214 = tpu.memref_slice %arg10[%run_scoped3A_193, %dma_wait3A_212, %dma_wait3A_213] : memref<2x128x128xf32, #tpu.memory_space<vmem>> -> memref<1x128x128xf32, #tpu.memory_space<vmem>>
            %dma_wait3A_215 = tpu.memref_squeeze %dma_wait3A_214 : memref<1x128x128xf32, #tpu.memory_space<vmem>> -> memref<128x128xf32, #tpu.memory_space<vmem>>
            %dma_wait3A_216 = arith.constant 0 : i32
            %dma_wait3A_217 = tpu.memref_slice %arg9[%run_scoped3A_194, %dma_wait3A_216] : memref<2x128xi32, #tpu.memory_space<vmem>> -> memref<1x128xi32, #tpu.memory_space<vmem>>
            %dma_wait3A_218 = tpu.memref_squeeze %dma_wait3A_217 : memref<1x128xi32, #tpu.memory_space<vmem>> -> memref<128xi32, #tpu.memory_space<vmem>>
            %dma_wait3A_219 = arith.constant 0 : i32
            %dma_wait3A_220 = arith.constant 0 : i32
            %dma_wait3A_221 = tpu.memref_slice %arg12[%dma_wait3A_219, %dma_wait3A_220] : memref<5120x128xf32, #tpu.memory_space<vmem_shared>> -> memref<5120x128xf32, #tpu.memory_space<vmem_shared>>
            tpu.wait_indirect_dma semaphore(%run_scoped3A_202 : memref<!tpu.dma_semaphore, #tpu.memory_space<semaphore_mem>>) src(%dma_wait3A_215 : memref<128x128xf32, #tpu.memory_space<vmem>>) dst(%dma_wait3A_221 : memref<5120x128xf32, #tpu.memory_space<vmem_shared>>)
            tpu.yield
          }) : () -> ()
          %add3A_195 = arith.constant 3 : i32
          %add3A_196 = arith.addi %mul3A_163, %add3A_195 : i32
          %lt3A_197 = arith.cmpi slt, %add3A_196, %mul3A_109 : i32
          %convert_element_type3A_198 = arith.extui %lt3A_197 : i1 to i32
          %cond3A_199 = arith.constant 0 : i32
          %cond3A_200 = arith.cmpi ne, %convert_element_type3A_198, %cond3A_199 : i32
          scf.if %cond3A_200 {
            %add3A_202 = arith.constant 3 : i32
            %add3A_203 = arith.addi %mul3A_163, %add3A_202 : i32
            %scan3A_204 = arith.constant 0 : i32
            %scan3A_205 = arith.constant 0 : i32
            %scan3A_206 = arith.constant 8 : i32
            %scan3A_207 = arith.addi %scan3A_205, %scan3A_206 : i32
            %scan3A_208 = arith.constant 1 : i32
            %scan3A_209 = scf.for %scan3A_222 = %scan3A_205 to %scan3A_207 step %scan3A_208 iter_args(%scan3A_223 = %scan3A_204) -> (i32)  : i32 {
              %mul3A_224 = arith.constant 128 : i32
              %mul3A_225 = arith.muli %add3A_203, %mul3A_224 : i32
              %mul3A_226 = arith.constant 16 : i32
              %mul3A_227 = arith.muli %scan3A_222, %mul3A_226 : i32
              %add3A_228 = arith.addi %mul3A_225, %mul3A_227 : i32
              %get3A = arith.index_cast %add3A_228 : i32 to index
              %get3A_229 = tpu.vector_load %arg7[%get3A] {strides = array<i32>} : memref<20480xi32, #tpu.memory_space<vmem>>, vector<16xi32>,
              %jit3A_230 = arith.constant 8192 : i32
              %div3A_231 = vector.broadcast %jit3A_230 : i32 to vector<16xi32>
              %div3A_232 = arith.divsi %get3A_229, %div3A_231 : vector<16xi32>
              %sign3A_233 = arith.constant 0 : i32
              %sign3A_234 = vector.broadcast %sign3A_233 : i32 to vector<16xi32>
              %sign3A_235 = arith.cmpi sgt, %get3A_229, %sign3A_234 : vector<16xi32>
              %sign3A_236 = arith.extui %sign3A_235 : vector<16xi1> to vector<16xi32>
              %sign3A_237 = arith.constant 0 : i32
              %sign3A_238 = vector.broadcast %sign3A_237 : i32 to vector<16xi32>
              %sign3A_239 = arith.cmpi slt, %get3A_229, %sign3A_238 : vector<16xi32>
              %sign3A_240 = arith.extui %sign3A_239 : vector<16xi1> to vector<16xi32>
              %sign3A_241 = arith.subi %sign3A_236, %sign3A_240 : vector<16xi32>
              %sign3A_242 = arith.constant 0 : i32
              %sign3A_243 = arith.cmpi sgt, %jit3A_230, %sign3A_242 : i32
              %sign3A_244 = arith.extui %sign3A_243 : i1 to i32
              %sign3A_245 = arith.constant 0 : i32
              %sign3A_246 = arith.cmpi slt, %jit3A_230, %sign3A_245 : i32
              %sign3A_247 = arith.extui %sign3A_246 : i1 to i32
              %sign3A_248 = arith.subi %sign3A_244, %sign3A_247 : i32
              %ne3A_249 = vector.broadcast %sign3A_248 : i32 to vector<16xi32>
              %ne3A_250 = arith.cmpi ne, %sign3A_241, %ne3A_249 : vector<16xi32>
              %rem3A_251 = vector.broadcast %jit3A_230 : i32 to vector<16xi32>
              %rem3A_252 = arith.remsi %get3A_229, %rem3A_251 : vector<16xi32>
              %ne3A_253 = arith.constant 0 : i32
              %ne3A_254 = vector.broadcast %ne3A_253 : i32 to vector<16xi32>
              %ne3A_255 = arith.cmpi ne, %rem3A_252, %ne3A_254 : vector<16xi32>
              %and3A_256 = arith.andi %ne3A_250, %ne3A_255 : vector<16xi1>
              %sub3A_257 = arith.constant 1 : i32
              %sub3A_258 = vector.broadcast %sub3A_257 : i32 to vector<16xi32>
              %sub3A_259 = arith.subi %div3A_232, %sub3A_258 : vector<16xi32>
              %select_n3A_260 = arith.select %and3A_256, %sub3A_259, %div3A_232 : vector<16xi1>, vector<16xi32>
              %mul3A_261 = arith.constant 16 : i32
              %mul3A_262 = arith.muli %scan3A_222, %mul3A_261 : i32
              %swap3A_263 = arith.constant 1 : i32
              %swap3A_264 = arith.index_cast %swap3A_263 : i32 to index
              %swap3A_265 = arith.index_cast %mul3A_262 : i32 to index
              %swap3A_266 = tpu.vector_load %arg8[%swap3A_264, %swap3A_265] {strides = array<i32>} : memref<2x128xi32, #tpu.memory_space<vmem>>, vector<16xi32>,
              tpu.vector_store %arg8[%swap3A_264, %swap3A_265], %select_n3A_260 {strides = array<i32>} : memref<2x128xi32, #tpu.memory_space<vmem>>, vector<16xi32>,
              %jit3A_267 = arith.constant 8192 : i32
              %eq3A = arith.constant 0 : i32
              %eq3A_268 = arith.cmpi eq, %jit3A_267, %eq3A : i32
              %jit3A_269 = arith.constant 1 : i32
              %select_n3A_270 = arith.select %eq3A_268, %jit3A_269, %jit3A_267 : i32
              %rem3A_271 = vector.broadcast %select_n3A_270 : i32 to vector<16xi32>
              %rem3A_272 = arith.remsi %get3A_229, %rem3A_271 : vector<16xi32>
              %ne3A_273 = arith.constant 0 : i32
              %ne3A_274 = vector.broadcast %ne3A_273 : i32 to vector<16xi32>
              %ne3A_275 = arith.cmpi ne, %rem3A_272, %ne3A_274 : vector<16xi32>
              %lt3A_276 = arith.constant 0 : i32
              %lt3A_277 = vector.broadcast %lt3A_276 : i32 to vector<16xi32>
              %lt3A_278 = arith.cmpi slt, %rem3A_272, %lt3A_277 : vector<16xi32>
              %lt3A_279 = arith.constant 0 : i32
              %lt3A_280 = arith.cmpi slt, %select_n3A_270, %lt3A_279 : i32
              %ne3A_281 = vector.broadcast %lt3A_280 : i1 to vector<16xi1>
              %ne3A_282 = vector.broadcast %ne3A_281 : vector<16xi1> to vector<16xi1>
              %ne3A_283 = arith.xori %lt3A_278, %ne3A_282 : vector<16xi1>
              %and3A_284 = arith.andi %ne3A_283, %ne3A_275 : vector<16xi1>
              %add3A_285 = vector.broadcast %select_n3A_270 : i32 to vector<16xi32>
              %add3A_286 = arith.addi %rem3A_272, %add3A_285 : vector<16xi32>
              %select_n3A_287 = arith.select %and3A_284, %add3A_286, %rem3A_272 : vector<16xi1>, vector<16xi32>
              %mul3A_288 = arith.constant 16 : i32
              %mul3A_289 = arith.muli %scan3A_222, %mul3A_288 : i32
              %swap3A_290 = arith.constant 1 : i32
              %swap3A_291 = arith.index_cast %swap3A_290 : i32 to index
              %swap3A_292 = arith.index_cast %mul3A_289 : i32 to index
              %swap3A_293 = tpu.vector_load %arg9[%swap3A_291, %swap3A_292] {strides = array<i32>} : memref<2x128xi32, #tpu.memory_space<vmem>>, vector<16xi32>,
              tpu.vector_store %arg9[%swap3A_291, %swap3A_292], %select_n3A_287 {strides = array<i32>} : memref<2x128xi32, #tpu.memory_space<vmem>>, vector<16xi32>,
              %scan3A_294 = arith.constant 0 : i32
              scf.yield %scan3A_294 : i32
            }
            %scan3A_210 = arith.constant 8 : i32
            %dma_start3A = arith.constant 1 : i32
            %dma_start3A_211 = arith.constant 1 : i32
            %dma_start3A_212 = arith.constant 0 : i32
            %dma_start3A_213 = arith.constant 0 : i32
            %dma_start3A_214 = tpu.memref_slice %arg10[%dma_start3A_211, %dma_start3A_212, %dma_start3A_213] : memref<2x128x128xf32, #tpu.memory_space<vmem>> -> memref<1x128x128xf32, #tpu.memory_space<vmem>>
            %dma_start3A_215 = tpu.memref_squeeze %dma_start3A_214 : memref<1x128x128xf32, #tpu.memory_space<vmem>> -> memref<128x128xf32, #tpu.memory_space<vmem>>
            %dma_start3A_216 = arith.constant 0 : i32
            %dma_start3A_217 = tpu.memref_slice %arg8[%dma_start3A, %dma_start3A_216] : memref<2x128xi32, #tpu.memory_space<vmem>> -> memref<1x128xi32, #tpu.memory_space<vmem>>
            %dma_start3A_218 = tpu.memref_squeeze %dma_start3A_217 : memref<1x128xi32, #tpu.memory_space<vmem>> -> memref<128xi32, #tpu.memory_space<vmem>>
            %dma_start3A_219 = arith.constant 0 : i32
            %dma_start3A_220 = arith.constant 0 : i32
            %dma_start3A_221 = tpu.memref_slice %arg2[%dma_start3A_219, %dma_start3A_220] : memref<40960x128xf32, #tpu.memory_space<hbm>> -> memref<40960x128xf32, #tpu.memory_space<hbm>>
            tpu.enqueue_indirect_dma source(%dma_start3A_221 : memref<40960x128xf32, #tpu.memory_space<hbm>>) target(%dma_start3A_215 : memref<128x128xf32, #tpu.memory_space<vmem>>) offsets(%dma_start3A_218 : memref<128xi32, #tpu.memory_space<vmem>>) semaphore(%arg14 : memref<!tpu.dma_semaphore, #tpu.memory_space<semaphore_mem>>)
          } else {
          }
          %while3A_201 = arith.constant 0 : i32
          scf.yield %while3A_201 : i32
        }
        %barrier3A_148 = arith.constant 0 : index
        tpu.barrier barrier_id(%barrier3A_148)
        %mul3A_149 = arith.constant 320 : i32
        %mul3A_150 = arith.muli %arg1, %mul3A_149 : i32
        %add3A_151 = arith.addi %mul3A_56, %mul3A_150 : i32
        %add3A_152 = arith.constant 320 : i32
        %add3A_153 = arith.addi %add3A_151, %add3A_152 : i32
        %le3A = arith.constant 10240 : i32
        %le3A_154 = arith.cmpi sle, %add3A_153, %le3A : i32
        %convert_element_type3A_155 = arith.extui %le3A_154 : i1 to i32
        %cond3A_156 = arith.constant 0 : i32
        %cond3A_157 = arith.cmpi ne, %convert_element_type3A_155, %cond3A_156 : i32
        scf.if %cond3A_157 {
          %mul3A_160 = arith.constant 320 : i32
          %mul3A_161 = arith.muli %arg1, %mul3A_160 : i32
          %mul3A_162 = arith.constant 10240 : i32
          %mul3A_163 = arith.muli %add3A, %mul3A_162 : i32
          %add3A_164 = arith.addi %mul3A_163, %add3A_151 : i32
          "tpu.region"() ({
            %run_scoped3A = tpu.sem_alloc : memref<!tpu.dma_semaphore, #tpu.memory_space<semaphore_mem>>
            %dma_start3A = arith.constant 0 : i32
            %dma_start3A_165 = tpu.memref_slice %arg4[%add3A_164, %dma_start3A] : memref<40960x128xf32, #tpu.memory_space<hbm>> -> memref<320x128xf32, #tpu.memory_space<hbm>>
            %dma_start3A_166 = arith.constant 0 : i32
            %dma_start3A_167 = tpu.memref_slice %arg12[%mul3A_161, %dma_start3A_166] : memref<5120x128xf32, #tpu.memory_space<vmem_shared>> -> memref<320x128xf32, #tpu.memory_space<vmem_shared>>
            tpu.enqueue_dma source(%dma_start3A_167 : memref<320x128xf32, #tpu.memory_space<vmem_shared>>) target(%dma_start3A_165 : memref<320x128xf32, #tpu.memory_space<hbm>>) target_semaphore(%run_scoped3A : memref<!tpu.dma_semaphore, #tpu.memory_space<semaphore_mem>>)
            %dma_wait3A = arith.constant 0 : i32
            %dma_wait3A_168 = tpu.memref_slice %arg4[%add3A_164, %dma_wait3A] : memref<40960x128xf32, #tpu.memory_space<hbm>> -> memref<320x128xf32, #tpu.memory_space<hbm>>
            %dma_wait3A_169 = arith.constant 0 : i32
            %dma_wait3A_170 = tpu.memref_slice %arg12[%mul3A_161, %dma_wait3A_169] : memref<5120x128xf32, #tpu.memory_space<vmem_shared>> -> memref<320x128xf32, #tpu.memory_space<vmem_shared>>
            tpu.wait_dma2 semaphore(%run_scoped3A : memref<!tpu.dma_semaphore, #tpu.memory_space<semaphore_mem>>) src(%dma_wait3A_170 : memref<320x128xf32, #tpu.memory_space<vmem_shared>>) dst(%dma_wait3A_168 : memref<320x128xf32, #tpu.memory_space<hbm>>)
            tpu.yield
          }) : () -> ()
        } else {
        }
        %barrier3A_158 = arith.constant 0 : index
        tpu.barrier barrier_id(%barrier3A_158)
        %scan3A_159 = arith.constant 0 : i32
        scf.yield %scan3A_159 : i32
      }
      %scan3A_51 = arith.constant 2 : i32
      %scan3A_52 = arith.constant 0 : i32
      scf.yield %scan3A_52 : i32
    }
    %scan3A_13 = arith.constant 2 : i32
    return
  }
}

#map = affine_map<(d0, d1) -> (0, 0)>
#map1 = affine_map<(d0, d1) -> (0)>
module attributes {stable_mosaic.version = 14 : i64} {
  func.func @_sc_msg_body(%arg0: i32, %arg1: i32, %arg2: memref<40960x128xf32, #tpu.memory_space<hbm>>, %arg3: memref<320000xi32, #tpu.memory_space<hbm>>, %arg4: memref<40960x128xf32, #tpu.memory_space<hbm>>, %arg5: memref<4000xi32, #tpu.memory_space<vmem>>, %arg6: memref<20480xi32, #tpu.memory_space<vmem>>, %arg7: memref<20480xi32, #tpu.memory_space<vmem>>, %arg8: memref<2x128xi32, #tpu.memory_space<vmem>>, %arg9: memref<2x128xi32, #tpu.memory_space<vmem>>, %arg10: memref<2x128x128xf32, #tpu.memory_space<vmem>>, %arg11: memref<16x128xf32, #tpu.memory_space<vmem>>, %arg12: memref<5120x128xf32, #tpu.memory_space<vmem_shared>>, %arg13: memref<!tpu.dma_semaphore, #tpu.memory_space<semaphore_mem>>, %arg14: memref<!tpu.dma_semaphore, #tpu.memory_space<semaphore_mem>>) attributes {dimension_semantics = [#tpu.dimension_semantics<core_parallel>, #tpu.dimension_semantics<subcore_parallel>], iteration_bounds = array<i64: 2, 16>, scalar_prefetch = 0 : i64, scratch_operands = 10 : i64, tpu.core_type = #tpu.core_type<sc_vector_subcore>, window_params = [{transform_indices = #map}, {transform_indices = #map1}, {transform_indices = #map}]} {
    %iota3A = tpu.iota {dimensions = array<i32: 0>} : vector<16xi32>
    %broadcast_in_dim3A = arith.constant 0.000000e+00 : f32
    %broadcast_in_dim3A_0 = vector.broadcast %broadcast_in_dim3A : f32 to vector<16xf32>
    %scan3A = arith.constant 0 : i32
    %scan3A_1 = arith.constant 0 : i32
    %scan3A_2 = arith.constant 16 : i32
    %scan3A_3 = arith.addi %scan3A_1, %scan3A_2 : i32
    %scan3A_4 = arith.constant 1 : i32
    %scan3A_5 = scf.for %scan3A_14 = %scan3A_1 to %scan3A_3 step %scan3A_4 iter_args(%scan3A_15 = %scan3A) -> (i32)  : i32 {
      %scan3A_16 = arith.constant 0 : i32
      %scan3A_17 = arith.constant 0 : i32
      %scan3A_18 = arith.constant 8 : i32
      %scan3A_19 = arith.addi %scan3A_17, %scan3A_18 : i32
      %scan3A_20 = arith.constant 1 : i32
      %scan3A_21 = scf.for %scan3A_24 = %scan3A_17 to %scan3A_19 step %scan3A_20 iter_args(%scan3A_25 = %scan3A_16) -> (i32)  : i32 {
        %mul3A = arith.constant 16 : i32
        %mul3A_26 = arith.muli %scan3A_24, %mul3A : i32
        %swap3A = arith.index_cast %scan3A_14 : i32 to index
        %swap3A_27 = arith.index_cast %mul3A_26 : i32 to index
        %swap3A_28 = tpu.vector_load %arg11[%swap3A, %swap3A_27] {strides = array<i32>} : memref<16x128xf32, #tpu.memory_space<vmem>>, vector<16xf32>,
        tpu.vector_store %arg11[%swap3A, %swap3A_27], %broadcast_in_dim3A_0 {strides = array<i32>} : memref<16x128xf32, #tpu.memory_space<vmem>>, vector<16xf32>,
        %scan3A_29 = arith.constant 0 : i32
        scf.yield %scan3A_29 : i32
      }
      %scan3A_22 = arith.constant 8 : i32
      %scan3A_23 = arith.constant 0 : i32
      scf.yield %scan3A_23 : i32
    }
    %scan3A_6 = arith.constant 16 : i32
    %scan3A_7 = arith.constant 0 : i32
    %scan3A_8 = arith.constant 0 : i32
    %scan3A_9 = arith.constant 2 : i32
    %scan3A_10 = arith.addi %scan3A_8, %scan3A_9 : i32
    %scan3A_11 = arith.constant 1 : i32
    %scan3A_12 = scf.for %scan3A_14 = %scan3A_8 to %scan3A_10 step %scan3A_11 iter_args(%scan3A_15 = %scan3A_7) -> (i32)  : i32 {
      %mul3A = arith.constant 2 : i32
      %mul3A_16 = arith.muli %mul3A, %arg0 : i32
      %add3A = arith.addi %mul3A_16, %scan3A_14 : i32
      %scan3A_17 = arith.constant 0 : i32
      %scan3A_18 = arith.constant 0 : i32
      %scan3A_19 = arith.constant 5 : i32
      %scan3A_20 = arith.addi %scan3A_18, %scan3A_19 : i32
      %scan3A_21 = arith.constant 1 : i32
      %scan3A_22 = scf.for %scan3A_53 = %scan3A_18 to %scan3A_20 step %scan3A_21 iter_args(%scan3A_54 = %scan3A_17) -> (i32)  : i32 {
        %mul3A_55 = arith.constant 20000 : i32
        %mul3A_56 = arith.muli %arg1, %mul3A_55 : i32
        %mul3A_57 = arith.constant 4000 : i32
        %mul3A_58 = arith.muli %scan3A_53, %mul3A_57 : i32
        %add3A_59 = arith.addi %mul3A_56, %mul3A_58 : i32
        "tpu.region"() ({
          %run_scoped3A = tpu.sem_alloc : memref<!tpu.dma_semaphore, #tpu.memory_space<semaphore_mem>>
          %dma_start3A = tpu.memref_slice %arg3[%add3A_59] : memref<320000xi32, #tpu.memory_space<hbm>> -> memref<4000xi32, #tpu.memory_space<hbm>>
          %dma_start3A_66 = tpu.memref_slice %arg3[%add3A_59] : memref<320000xi32, #tpu.memory_space<hbm>> -> memref<4000xi32, #tpu.memory_space<hbm>>
          tpu.enqueue_dma source(%dma_start3A_66 : memref<4000xi32, #tpu.memory_space<hbm>>) target(%arg5 : memref<4000xi32, #tpu.memory_space<vmem>>) target_semaphore(%run_scoped3A : memref<!tpu.dma_semaphore, #tpu.memory_space<semaphore_mem>>)
          %dma_wait3A = tpu.memref_slice %arg3[%add3A_59] : memref<320000xi32, #tpu.memory_space<hbm>> -> memref<4000xi32, #tpu.memory_space<hbm>>
          %dma_wait3A_67 = tpu.memref_slice %arg3[%add3A_59] : memref<320000xi32, #tpu.memory_space<hbm>> -> memref<4000xi32, #tpu.memory_space<hbm>>
          tpu.wait_dma2 semaphore(%run_scoped3A : memref<!tpu.dma_semaphore, #tpu.memory_space<semaphore_mem>>) src(%dma_wait3A_67 : memref<4000xi32, #tpu.memory_space<hbm>>) dst(%arg5 : memref<4000xi32, #tpu.memory_space<vmem>>)
          tpu.yield
        }) : () -> ()
        %scan3A_60 = arith.constant 0 : i32
        %scan3A_61 = arith.constant 250 : i32
        %scan3A_62 = arith.addi %scan3A_60, %scan3A_61 : i32
        %scan3A_63 = arith.constant 1 : i32
        %scan3A_64 = scf.for %scan3A_66 = %scan3A_60 to %scan3A_62 step %scan3A_63 iter_args(%scan3A_67 = %scan3A_54) -> (i32)  : i32 {
          %mul3A_68 = arith.constant 16 : i32
          %mul3A_69 = arith.muli %scan3A_66, %mul3A_68 : i32
          %get3A = arith.index_cast %mul3A_69 : i32 to index
          %get3A_70 = tpu.vector_load %arg5[%get3A] {strides = array<i32>} : memref<4000xi32, #tpu.memory_space<vmem>>, vector<16xi32>,
          %jit3A_71 = arith.constant 268435456 : i32
          %div3A_72 = vector.broadcast %jit3A_71 : i32 to vector<16xi32>
          %div3A_73 = arith.divsi %get3A_70, %div3A_72 : vector<16xi32>
          %sign3A_74 = arith.constant 0 : i32
          %sign3A_75 = vector.broadcast %sign3A_74 : i32 to vector<16xi32>
          %sign3A_76 = arith.cmpi sgt, %get3A_70, %sign3A_75 : vector<16xi32>
          %sign3A_77 = arith.extui %sign3A_76 : vector<16xi1> to vector<16xi32>
          %sign3A_78 = arith.constant 0 : i32
          %sign3A_79 = vector.broadcast %sign3A_78 : i32 to vector<16xi32>
          %sign3A_80 = arith.cmpi slt, %get3A_70, %sign3A_79 : vector<16xi32>
          %sign3A_81 = arith.extui %sign3A_80 : vector<16xi1> to vector<16xi32>
          %sign3A_82 = arith.subi %sign3A_77, %sign3A_81 : vector<16xi32>
          %sign3A_83 = arith.constant 0 : i32
          %sign3A_84 = arith.cmpi sgt, %jit3A_71, %sign3A_83 : i32
          %sign3A_85 = arith.extui %sign3A_84 : i1 to i32
          %sign3A_86 = arith.constant 0 : i32
          %sign3A_87 = arith.cmpi slt, %jit3A_71, %sign3A_86 : i32
          %sign3A_88 = arith.extui %sign3A_87 : i1 to i32
          %sign3A_89 = arith.subi %sign3A_85, %sign3A_88 : i32
          %ne3A_90 = vector.broadcast %sign3A_89 : i32 to vector<16xi32>
          %ne3A_91 = arith.cmpi ne, %sign3A_82, %ne3A_90 : vector<16xi32>
          %rem3A_92 = vector.broadcast %jit3A_71 : i32 to vector<16xi32>
          %rem3A_93 = arith.remsi %get3A_70, %rem3A_92 : vector<16xi32>
          %ne3A_94 = arith.constant 0 : i32
          %ne3A_95 = vector.broadcast %ne3A_94 : i32 to vector<16xi32>
          %ne3A_96 = arith.cmpi ne, %rem3A_93, %ne3A_95 : vector<16xi32>
          %and3A_97 = arith.andi %ne3A_91, %ne3A_96 : vector<16xi1>
          %sub3A_98 = arith.constant 1 : i32
          %sub3A_99 = vector.broadcast %sub3A_98 : i32 to vector<16xi32>
          %sub3A_100 = arith.subi %div3A_73, %sub3A_99 : vector<16xi32>
          %select_n3A_101 = arith.select %and3A_97, %sub3A_100, %div3A_73 : vector<16xi1>, vector<16xi32>
          %eq3A = vector.broadcast %add3A : i32 to vector<16xi32>
          %eq3A_102 = arith.cmpi eq, %select_n3A_101, %eq3A : vector<16xi32>
          %jit3A_103 = arith.constant 268435456 : i32
          %eq3A_104 = arith.constant 0 : i32
          %eq3A_105 = arith.cmpi eq, %jit3A_103, %eq3A_104 : i32
          %jit3A_106 = arith.constant 1 : i32
          %select_n3A_107 = arith.select %eq3A_105, %jit3A_106, %jit3A_103 : i32
          %rem3A_108 = vector.broadcast %select_n3A_107 : i32 to vector<16xi32>
          %rem3A_109 = arith.remsi %get3A_70, %rem3A_108 : vector<16xi32>
          %ne3A_110 = arith.constant 0 : i32
          %ne3A_111 = vector.broadcast %ne3A_110 : i32 to vector<16xi32>
          %ne3A_112 = arith.cmpi ne, %rem3A_109, %ne3A_111 : vector<16xi32>
          %lt3A = arith.constant 0 : i32
          %lt3A_113 = vector.broadcast %lt3A : i32 to vector<16xi32>
          %lt3A_114 = arith.cmpi slt, %rem3A_109, %lt3A_113 : vector<16xi32>
          %lt3A_115 = arith.constant 0 : i32
          %lt3A_116 = arith.cmpi slt, %select_n3A_107, %lt3A_115 : i32
          %ne3A_117 = vector.broadcast %lt3A_116 : i1 to vector<16xi1>
          %ne3A_118 = vector.broadcast %ne3A_117 : vector<16xi1> to vector<16xi1>
          %ne3A_119 = arith.xori %lt3A_114, %ne3A_118 : vector<16xi1>
          %and3A_120 = arith.andi %ne3A_119, %ne3A_112 : vector<16xi1>
          %add3A_121 = vector.broadcast %select_n3A_107 : i32 to vector<16xi32>
          %add3A_122 = arith.addi %rem3A_109, %add3A_121 : vector<16xi32>
          %select_n3A_123 = arith.select %and3A_120, %add3A_122, %rem3A_109 : vector<16xi1>, vector<16xi32>
          %swap3A_124 = arith.index_cast %scan3A_67 : i32 to index
          %swap3A_125 = tpu.vector_load %arg6[%swap3A_124] masked %eq3A_102 {strides = array<i32>} : memref<20480xi32, #tpu.memory_space<vmem>>, vector<16xi32>, vector<16xi1>
          tpu.vector_store %arg6[%swap3A_124], %select_n3A_123 masked %eq3A_102 {strides = array<i32>} : memref<20480xi32, #tpu.memory_space<vmem>>, vector<16xi32>, vector<16xi1>
          %convert_element_type3A = arith.extui %eq3A_102 : vector<16xi1> to vector<16xi32>
          %reduce_sum3A = arith.constant true
          %reduce_sum3A_126 = vector.broadcast %reduce_sum3A : i1 to vector<16xi1>
          %reduce_sum3A_127 = tpu.scan <sum>, %convert_element_type3A masked %reduce_sum3A_126 : vector<16xi32>, vector<16xi1> -> vector<16xi32>
          %reduce_sum3A_128 = vector.extract %reduce_sum3A_127[15] : i32 from vector<16xi32>
          %add3A_129 = arith.addi %scan3A_67, %reduce_sum3A_128 : i32
          scf.yield %add3A_129 : i32
        }
        %scan3A_65 = arith.constant 250 : i32
        scf.yield %scan3A_64 : i32
      }
      %scan3A_23 = arith.constant 5 : i32
      %broadcast_in_dim3A_24 = arith.constant 268435455 : i32
      %broadcast_in_dim3A_25 = vector.broadcast %broadcast_in_dim3A_24 : i32 to vector<16xi32>
      %swap3A = arith.index_cast %scan3A_22 : i32 to index
      %swap3A_26 = tpu.vector_load %arg6[%swap3A] {strides = array<i32>} : memref<20480xi32, #tpu.memory_space<vmem>>, vector<16xi32>,
      tpu.vector_store %arg6[%swap3A], %broadcast_in_dim3A_25 {strides = array<i32>} : memref<20480xi32, #tpu.memory_space<vmem>>, vector<16xi32>,
      %add3A_27 = arith.constant 15 : i32
      %add3A_28 = arith.addi %scan3A_22, %add3A_27 : i32
      %jit3A = arith.constant 16 : i32
      %div3A = arith.divsi %add3A_28, %jit3A : i32
      %sign3A = arith.constant 0 : i32
      %sign3A_29 = arith.cmpi sgt, %add3A_28, %sign3A : i32
      %sign3A_30 = arith.extui %sign3A_29 : i1 to i32
      %sign3A_31 = arith.constant 0 : i32
      %sign3A_32 = arith.cmpi slt, %add3A_28, %sign3A_31 : i32
      %sign3A_33 = arith.extui %sign3A_32 : i1 to i32
      %sign3A_34 = arith.subi %sign3A_30, %sign3A_33 : i32
      %sign3A_35 = arith.constant 0 : i32
      %sign3A_36 = arith.cmpi sgt, %jit3A, %sign3A_35 : i32
      %sign3A_37 = arith.extui %sign3A_36 : i1 to i32
      %sign3A_38 = arith.constant 0 : i32
      %sign3A_39 = arith.cmpi slt, %jit3A, %sign3A_38 : i32
      %sign3A_40 = arith.extui %sign3A_39 : i1 to i32
      %sign3A_41 = arith.subi %sign3A_37, %sign3A_40 : i32
      %ne3A = arith.cmpi ne, %sign3A_34, %sign3A_41 : i32
      %rem3A = arith.remsi %add3A_28, %jit3A : i32
      %ne3A_42 = arith.constant 0 : i32
      %ne3A_43 = arith.cmpi ne, %rem3A, %ne3A_42 : i32
      %and3A = arith.andi %ne3A, %ne3A_43 : i1
      %sub3A = arith.constant 1 : i32
      %sub3A_44 = arith.subi %div3A, %sub3A : i32
      %select_n3A = arith.select %and3A, %sub3A_44, %div3A : i32
      %scan3A_45 = arith.constant 0 : i32
      %scan3A_46 = arith.constant 0 : i32
      %scan3A_47 = arith.constant 2 : i32
      %scan3A_48 = arith.addi %scan3A_46, %scan3A_47 : i32
      %scan3A_49 = arith.constant 1 : i32
      %scan3A_50 = scf.for %scan3A_53 = %scan3A_46 to %scan3A_48 step %scan3A_49 iter_args(%scan3A_54 = %scan3A_45) -> (i32)  : i32 {
        %mul3A_55 = arith.constant 5120 : i32
        %mul3A_56 = arith.muli %scan3A_53, %mul3A_55 : i32
        %scan3A_57 = arith.constant 0 : i32
        %scan3A_58 = arith.constant 0 : i32
        %scan3A_59 = arith.constant 20 : i32
        %scan3A_60 = arith.addi %scan3A_58, %scan3A_59 : i32
        %scan3A_61 = arith.constant 1 : i32
        %scan3A_62 = scf.for %scan3A_160 = %scan3A_58 to %scan3A_60 step %scan3A_61 iter_args(%scan3A_161 = %scan3A_57) -> (i32)  : i32 {
          %mul3A_162 = arith.constant 320 : i32
          %mul3A_163 = arith.muli %arg1, %mul3A_162 : i32
          %mul3A_164 = arith.constant 16 : i32
          %mul3A_165 = arith.muli %scan3A_160, %mul3A_164 : i32
          %add3A_166 = arith.addi %mul3A_163, %mul3A_165 : i32
          "tpu.region"() ({
            %run_scoped3A = tpu.sem_alloc : memref<!tpu.dma_semaphore, #tpu.memory_space<semaphore_mem>>
            %dma_start3A = arith.constant 0 : i32
            %dma_start3A_168 = tpu.memref_slice %arg12[%add3A_166, %dma_start3A] : memref<5120x128xf32, #tpu.memory_space<vmem_shared>> -> memref<16x128xf32, #tpu.memory_space<vmem_shared>>
            %dma_start3A_169 = arith.constant 0 : i32
            %dma_start3A_170 = tpu.memref_slice %arg12[%add3A_166, %dma_start3A_169] : memref<5120x128xf32, #tpu.memory_space<vmem_shared>> -> memref<16x128xf32, #tpu.memory_space<vmem_shared>>
            tpu.enqueue_dma source(%arg11 : memref<16x128xf32, #tpu.memory_space<vmem>>) target(%dma_start3A_170 : memref<16x128xf32, #tpu.memory_space<vmem_shared>>) target_semaphore(%run_scoped3A : memref<!tpu.dma_semaphore, #tpu.memory_space<semaphore_mem>>)
            %dma_wait3A = arith.constant 0 : i32
            %dma_wait3A_171 = tpu.memref_slice %arg12[%add3A_166, %dma_wait3A] : memref<5120x128xf32, #tpu.memory_space<vmem_shared>> -> memref<16x128xf32, #tpu.memory_space<vmem_shared>>
            %dma_wait3A_172 = arith.constant 0 : i32
            %dma_wait3A_173 = tpu.memref_slice %arg12[%add3A_166, %dma_wait3A_172] : memref<5120x128xf32, #tpu.memory_space<vmem_shared>> -> memref<16x128xf32, #tpu.memory_space<vmem_shared>>
            tpu.wait_dma2 semaphore(%run_scoped3A : memref<!tpu.dma_semaphore, #tpu.memory_space<semaphore_mem>>) src(%arg11 : memref<16x128xf32, #tpu.memory_space<vmem>>) dst(%dma_wait3A_173 : memref<16x128xf32, #tpu.memory_space<vmem_shared>>)
            tpu.yield
          }) : () -> ()
          %scan3A_167 = arith.constant 0 : i32
          scf.yield %scan3A_167 : i32
        }
        %scan3A_63 = arith.constant 20 : i32
        %barrier3A = arith.constant 0 : index
        tpu.barrier barrier_id(%barrier3A)
        %while3A = arith.constant 0 : i32
        %while3A_64 = arith.constant 0 : i32
        %while3A_65 = arith.subi %select_n3A, %while3A : i32
        %while3A_66 = arith.addi %while3A, %while3A_65 : i32
        %while3A_67 = arith.constant 1 : i32
        %while3A_68 = arith.divsi %while3A_65, %while3A_67 : i32
        %while3A_69 = arith.muli %while3A_68, %while3A_67 : i32
        %while3A_70 = arith.addi %while3A, %while3A_69 : i32
        %while3A_71 = arith.constant 1 : i32
        %while3A_72 = scf.for %while3A_160 = %while3A to %while3A_70 step %while3A_71 iter_args(%while3A_161 = %while3A_64) -> (i32)  : i32 {
          %mul3A_162 = arith.constant 16 : i32
          %mul3A_163 = arith.muli %while3A_160, %mul3A_162 : i32
          %get3A = arith.index_cast %mul3A_163 : i32 to index
          %get3A_164 = tpu.vector_load %arg6[%get3A] {strides = array<i32>} : memref<20480xi32, #tpu.memory_space<vmem>>, vector<16xi32>,
          %jit3A_165 = arith.constant 16384 : i32
          %eq3A = arith.constant 0 : i32
          %eq3A_166 = arith.cmpi eq, %jit3A_165, %eq3A : i32
          %jit3A_167 = arith.constant 1 : i32
          %select_n3A_168 = arith.select %eq3A_166, %jit3A_167, %jit3A_165 : i32
          %rem3A_169 = vector.broadcast %select_n3A_168 : i32 to vector<16xi32>
          %rem3A_170 = arith.remsi %get3A_164, %rem3A_169 : vector<16xi32>
          %ne3A_171 = arith.constant 0 : i32
          %ne3A_172 = vector.broadcast %ne3A_171 : i32 to vector<16xi32>
          %ne3A_173 = arith.cmpi ne, %rem3A_170, %ne3A_172 : vector<16xi32>
          %lt3A = arith.constant 0 : i32
          %lt3A_174 = vector.broadcast %lt3A : i32 to vector<16xi32>
          %lt3A_175 = arith.cmpi slt, %rem3A_170, %lt3A_174 : vector<16xi32>
          %lt3A_176 = arith.constant 0 : i32
          %lt3A_177 = arith.cmpi slt, %select_n3A_168, %lt3A_176 : i32
          %ne3A_178 = vector.broadcast %lt3A_177 : i1 to vector<16xi1>
          %ne3A_179 = vector.broadcast %ne3A_178 : vector<16xi1> to vector<16xi1>
          %ne3A_180 = arith.xori %lt3A_175, %ne3A_179 : vector<16xi1>
          %and3A_181 = arith.andi %ne3A_180, %ne3A_173 : vector<16xi1>
          %add3A_182 = vector.broadcast %select_n3A_168 : i32 to vector<16xi32>
          %add3A_183 = arith.addi %rem3A_170, %add3A_182 : vector<16xi32>
          %select_n3A_184 = arith.select %and3A_181, %add3A_183, %rem3A_170 : vector<16xi1>, vector<16xi32>
          %jit3A_185 = arith.constant 16384 : i32
          %div3A_186 = vector.broadcast %jit3A_185 : i32 to vector<16xi32>
          %div3A_187 = arith.divsi %get3A_164, %div3A_186 : vector<16xi32>
          %sign3A_188 = arith.constant 0 : i32
          %sign3A_189 = vector.broadcast %sign3A_188 : i32 to vector<16xi32>
          %sign3A_190 = arith.cmpi sgt, %get3A_164, %sign3A_189 : vector<16xi32>
          %sign3A_191 = arith.extui %sign3A_190 : vector<16xi1> to vector<16xi32>
          %sign3A_192 = arith.constant 0 : i32
          %sign3A_193 = vector.broadcast %sign3A_192 : i32 to vector<16xi32>
          %sign3A_194 = arith.cmpi slt, %get3A_164, %sign3A_193 : vector<16xi32>
          %sign3A_195 = arith.extui %sign3A_194 : vector<16xi1> to vector<16xi32>
          %sign3A_196 = arith.subi %sign3A_191, %sign3A_195 : vector<16xi32>
          %sign3A_197 = arith.constant 0 : i32
          %sign3A_198 = arith.cmpi sgt, %jit3A_185, %sign3A_197 : i32
          %sign3A_199 = arith.extui %sign3A_198 : i1 to i32
          %sign3A_200 = arith.constant 0 : i32
          %sign3A_201 = arith.cmpi slt, %jit3A_185, %sign3A_200 : i32
          %sign3A_202 = arith.extui %sign3A_201 : i1 to i32
          %sign3A_203 = arith.subi %sign3A_199, %sign3A_202 : i32
          %ne3A_204 = vector.broadcast %sign3A_203 : i32 to vector<16xi32>
          %ne3A_205 = arith.cmpi ne, %sign3A_196, %ne3A_204 : vector<16xi32>
          %rem3A_206 = vector.broadcast %jit3A_185 : i32 to vector<16xi32>
          %rem3A_207 = arith.remsi %get3A_164, %rem3A_206 : vector<16xi32>
          %ne3A_208 = arith.constant 0 : i32
          %ne3A_209 = vector.broadcast %ne3A_208 : i32 to vector<16xi32>
          %ne3A_210 = arith.cmpi ne, %rem3A_207, %ne3A_209 : vector<16xi32>
          %and3A_211 = arith.andi %ne3A_205, %ne3A_210 : vector<16xi1>
          %sub3A_212 = arith.constant 1 : i32
          %sub3A_213 = vector.broadcast %sub3A_212 : i32 to vector<16xi32>
          %sub3A_214 = arith.subi %div3A_187, %sub3A_213 : vector<16xi32>
          %select_n3A_215 = arith.select %and3A_211, %sub3A_214, %div3A_187 : vector<16xi1>, vector<16xi32>
          %sub3A_216 = vector.broadcast %mul3A_56 : i32 to vector<16xi32>
          %sub3A_217 = arith.subi %select_n3A_184, %sub3A_216 : vector<16xi32>
          %ge3A = arith.constant 0 : i32
          %ge3A_218 = vector.broadcast %ge3A : i32 to vector<16xi32>
          %ge3A_219 = arith.cmpi sge, %sub3A_217, %ge3A_218 : vector<16xi32>
          %lt3A_220 = arith.constant 5120 : i32
          %lt3A_221 = vector.broadcast %lt3A_220 : i32 to vector<16xi32>
          %lt3A_222 = arith.cmpi slt, %sub3A_217, %lt3A_221 : vector<16xi32>
          %and3A_223 = arith.andi %ge3A_219, %lt3A_222 : vector<16xi1>
          %mul3A_224 = arith.constant 10240 : i32
          %mul3A_225 = arith.muli %add3A, %mul3A_224 : i32
          %add3A_226 = vector.broadcast %mul3A_225 : i32 to vector<16xi32>
          %add3A_227 = arith.addi %add3A_226, %select_n3A_215 : vector<16xi32>
          %mul3A_228 = arith.constant 8192 : i32
          %mul3A_229 = vector.broadcast %mul3A_228 : i32 to vector<16xi32>
          %mul3A_230 = arith.muli %add3A_227, %mul3A_229 : vector<16xi32>
          %add3A_231 = arith.addi %mul3A_230, %sub3A_217 : vector<16xi32>
          %swap3A_232 = arith.index_cast %while3A_161 : i32 to index
          %swap3A_233 = tpu.vector_load %arg7[%swap3A_232] masked %and3A_223 {strides = array<i32>} : memref<20480xi32, #tpu.memory_space<vmem>>, vector<16xi32>, vector<16xi1>
          tpu.vector_store %arg7[%swap3A_232], %add3A_231 masked %and3A_223 {strides = array<i32>} : memref<20480xi32, #tpu.memory_space<vmem>>, vector<16xi32>, vector<16xi1>
          %convert_element_type3A_234 = arith.extui %and3A_223 : vector<16xi1> to vector<16xi32>
          %reduce_sum3A = arith.constant true
          %reduce_sum3A_235 = vector.broadcast %reduce_sum3A : i1 to vector<16xi1>
          %reduce_sum3A_236 = tpu.scan <sum>, %convert_element_type3A_234 masked %reduce_sum3A_235 : vector<16xi32>, vector<16xi1> -> vector<16xi32>
          %reduce_sum3A_237 = vector.extract %reduce_sum3A_236[15] : i32 from vector<16xi32>
          %add3A_238 = arith.addi %while3A_161, %reduce_sum3A_237 : i32
          scf.yield %add3A_238 : i32
        }
        %while3A_73 = arith.constant 1 : i32
        %while3A_74 = scf.for %while3A_160 = %while3A_70 to %while3A_66 step %while3A_73 iter_args(%while3A_161 = %while3A_72) -> (i32)  : i32 {
          %mul3A_162 = arith.constant 16 : i32
          %mul3A_163 = arith.muli %while3A_160, %mul3A_162 : i32
          %get3A = arith.index_cast %mul3A_163 : i32 to index
          %get3A_164 = tpu.vector_load %arg6[%get3A] {strides = array<i32>} : memref<20480xi32, #tpu.memory_space<vmem>>, vector<16xi32>,
          %jit3A_165 = arith.constant 16384 : i32
          %eq3A = arith.constant 0 : i32
          %eq3A_166 = arith.cmpi eq, %jit3A_165, %eq3A : i32
          %jit3A_167 = arith.constant 1 : i32
          %select_n3A_168 = arith.select %eq3A_166, %jit3A_167, %jit3A_165 : i32
          %rem3A_169 = vector.broadcast %select_n3A_168 : i32 to vector<16xi32>
          %rem3A_170 = arith.remsi %get3A_164, %rem3A_169 : vector<16xi32>
          %ne3A_171 = arith.constant 0 : i32
          %ne3A_172 = vector.broadcast %ne3A_171 : i32 to vector<16xi32>
          %ne3A_173 = arith.cmpi ne, %rem3A_170, %ne3A_172 : vector<16xi32>
          %lt3A = arith.constant 0 : i32
          %lt3A_174 = vector.broadcast %lt3A : i32 to vector<16xi32>
          %lt3A_175 = arith.cmpi slt, %rem3A_170, %lt3A_174 : vector<16xi32>
          %lt3A_176 = arith.constant 0 : i32
          %lt3A_177 = arith.cmpi slt, %select_n3A_168, %lt3A_176 : i32
          %ne3A_178 = vector.broadcast %lt3A_177 : i1 to vector<16xi1>
          %ne3A_179 = vector.broadcast %ne3A_178 : vector<16xi1> to vector<16xi1>
          %ne3A_180 = arith.xori %lt3A_175, %ne3A_179 : vector<16xi1>
          %and3A_181 = arith.andi %ne3A_180, %ne3A_173 : vector<16xi1>
          %add3A_182 = vector.broadcast %select_n3A_168 : i32 to vector<16xi32>
          %add3A_183 = arith.addi %rem3A_170, %add3A_182 : vector<16xi32>
          %select_n3A_184 = arith.select %and3A_181, %add3A_183, %rem3A_170 : vector<16xi1>, vector<16xi32>
          %jit3A_185 = arith.constant 16384 : i32
          %div3A_186 = vector.broadcast %jit3A_185 : i32 to vector<16xi32>
          %div3A_187 = arith.divsi %get3A_164, %div3A_186 : vector<16xi32>
          %sign3A_188 = arith.constant 0 : i32
          %sign3A_189 = vector.broadcast %sign3A_188 : i32 to vector<16xi32>
          %sign3A_190 = arith.cmpi sgt, %get3A_164, %sign3A_189 : vector<16xi32>
          %sign3A_191 = arith.extui %sign3A_190 : vector<16xi1> to vector<16xi32>
          %sign3A_192 = arith.constant 0 : i32
          %sign3A_193 = vector.broadcast %sign3A_192 : i32 to vector<16xi32>
          %sign3A_194 = arith.cmpi slt, %get3A_164, %sign3A_193 : vector<16xi32>
          %sign3A_195 = arith.extui %sign3A_194 : vector<16xi1> to vector<16xi32>
          %sign3A_196 = arith.subi %sign3A_191, %sign3A_195 : vector<16xi32>
          %sign3A_197 = arith.constant 0 : i32
          %sign3A_198 = arith.cmpi sgt, %jit3A_185, %sign3A_197 : i32
          %sign3A_199 = arith.extui %sign3A_198 : i1 to i32
          %sign3A_200 = arith.constant 0 : i32
          %sign3A_201 = arith.cmpi slt, %jit3A_185, %sign3A_200 : i32
          %sign3A_202 = arith.extui %sign3A_201 : i1 to i32
          %sign3A_203 = arith.subi %sign3A_199, %sign3A_202 : i32
          %ne3A_204 = vector.broadcast %sign3A_203 : i32 to vector<16xi32>
          %ne3A_205 = arith.cmpi ne, %sign3A_196, %ne3A_204 : vector<16xi32>
          %rem3A_206 = vector.broadcast %jit3A_185 : i32 to vector<16xi32>
          %rem3A_207 = arith.remsi %get3A_164, %rem3A_206 : vector<16xi32>
          %ne3A_208 = arith.constant 0 : i32
          %ne3A_209 = vector.broadcast %ne3A_208 : i32 to vector<16xi32>
          %ne3A_210 = arith.cmpi ne, %rem3A_207, %ne3A_209 : vector<16xi32>
          %and3A_211 = arith.andi %ne3A_205, %ne3A_210 : vector<16xi1>
          %sub3A_212 = arith.constant 1 : i32
          %sub3A_213 = vector.broadcast %sub3A_212 : i32 to vector<16xi32>
          %sub3A_214 = arith.subi %div3A_187, %sub3A_213 : vector<16xi32>
          %select_n3A_215 = arith.select %and3A_211, %sub3A_214, %div3A_187 : vector<16xi1>, vector<16xi32>
          %sub3A_216 = vector.broadcast %mul3A_56 : i32 to vector<16xi32>
          %sub3A_217 = arith.subi %select_n3A_184, %sub3A_216 : vector<16xi32>
          %ge3A = arith.constant 0 : i32
          %ge3A_218 = vector.broadcast %ge3A : i32 to vector<16xi32>
          %ge3A_219 = arith.cmpi sge, %sub3A_217, %ge3A_218 : vector<16xi32>
          %lt3A_220 = arith.constant 5120 : i32
          %lt3A_221 = vector.broadcast %lt3A_220 : i32 to vector<16xi32>
          %lt3A_222 = arith.cmpi slt, %sub3A_217, %lt3A_221 : vector<16xi32>
          %and3A_223 = arith.andi %ge3A_219, %lt3A_222 : vector<16xi1>
          %mul3A_224 = arith.constant 10240 : i32
          %mul3A_225 = arith.muli %add3A, %mul3A_224 : i32
          %add3A_226 = vector.broadcast %mul3A_225 : i32 to vector<16xi32>
          %add3A_227 = arith.addi %add3A_226, %select_n3A_215 : vector<16xi32>
          %mul3A_228 = arith.constant 8192 : i32
          %mul3A_229 = vector.broadcast %mul3A_228 : i32 to vector<16xi32>
          %mul3A_230 = arith.muli %add3A_227, %mul3A_229 : vector<16xi32>
          %add3A_231 = arith.addi %mul3A_230, %sub3A_217 : vector<16xi32>
          %swap3A_232 = arith.index_cast %while3A_161 : i32 to index
          %swap3A_233 = tpu.vector_load %arg7[%swap3A_232] masked %and3A_223 {strides = array<i32>} : memref<20480xi32, #tpu.memory_space<vmem>>, vector<16xi32>, vector<16xi1>
          tpu.vector_store %arg7[%swap3A_232], %add3A_231 masked %and3A_223 {strides = array<i32>} : memref<20480xi32, #tpu.memory_space<vmem>>, vector<16xi32>, vector<16xi1>
          %convert_element_type3A_234 = arith.extui %and3A_223 : vector<16xi1> to vector<16xi32>
          %reduce_sum3A = arith.constant true
          %reduce_sum3A_235 = vector.broadcast %reduce_sum3A : i1 to vector<16xi1>
          %reduce_sum3A_236 = tpu.scan <sum>, %convert_element_type3A_234 masked %reduce_sum3A_235 : vector<16xi32>, vector<16xi1> -> vector<16xi32>
          %reduce_sum3A_237 = vector.extract %reduce_sum3A_236[15] : i32 from vector<16xi32>
          %add3A_238 = arith.addi %while3A_161, %reduce_sum3A_237 : i32
          scf.yield %add3A_238 : i32
        }
        %scan3A_75 = arith.constant 0 : i32
        %scan3A_76 = arith.constant 0 : i32
        %scan3A_77 = arith.constant 16 : i32
        %scan3A_78 = arith.addi %scan3A_76, %scan3A_77 : i32
        %scan3A_79 = arith.constant 1 : i32
        %scan3A_80 = scf.for %scan3A_160 = %scan3A_76 to %scan3A_78 step %scan3A_79 iter_args(%scan3A_161 = %scan3A_75) -> (i32)  : i32 {
          %mul3A_162 = arith.constant 10240 : i32
          %mul3A_163 = arith.muli %add3A, %mul3A_162 : i32
          %add3A_164 = arith.constant 10000 : i32
          %add3A_165 = arith.addi %mul3A_163, %add3A_164 : i32
          %jit3A_166 = arith.constant 4 : i32
          %eq3A = arith.constant 0 : i32
          %eq3A_167 = arith.cmpi eq, %jit3A_166, %eq3A : i32
          %jit3A_168 = arith.constant 1 : i32
          %select_n3A_169 = arith.select %eq3A_167, %jit3A_168, %jit3A_166 : i32
          %rem3A_170 = arith.remsi %scan3A_160, %select_n3A_169 : i32
          %ne3A_171 = arith.constant 0 : i32
          %ne3A_172 = arith.cmpi ne, %rem3A_170, %ne3A_171 : i32
          %lt3A = arith.constant 0 : i32
          %lt3A_173 = arith.cmpi slt, %rem3A_170, %lt3A : i32
          %lt3A_174 = arith.constant 0 : i32
          %lt3A_175 = arith.cmpi slt, %select_n3A_169, %lt3A_174 : i32
          %ne3A_176 = arith.xori %lt3A_173, %lt3A_175 : i1
          %and3A_177 = arith.andi %ne3A_176, %ne3A_172 : i1
          %add3A_178 = arith.addi %rem3A_170, %select_n3A_169 : i32
          %select_n3A_179 = arith.select %and3A_177, %add3A_178, %rem3A_170 : i32
          %mul3A_180 = arith.constant 16 : i32
          %mul3A_181 = arith.muli %select_n3A_179, %mul3A_180 : i32
          %add3A_182 = arith.addi %add3A_165, %mul3A_181 : i32
          %add3A_183 = vector.broadcast %add3A_182 : i32 to vector<16xi32>
          %add3A_184 = arith.addi %add3A_183, %iota3A : vector<16xi32>
          %mul3A_185 = arith.constant 8192 : i32
          %mul3A_186 = vector.broadcast %mul3A_185 : i32 to vector<16xi32>
          %mul3A_187 = arith.muli %add3A_184, %mul3A_186 : vector<16xi32>
          %jit3A_188 = arith.constant 4 : i32
          %eq3A_189 = arith.constant 0 : i32
          %eq3A_190 = arith.cmpi eq, %jit3A_188, %eq3A_189 : i32
          %jit3A_191 = arith.constant 1 : i32
          %select_n3A_192 = arith.select %eq3A_190, %jit3A_191, %jit3A_188 : i32
          %rem3A_193 = arith.remsi %scan3A_160, %select_n3A_192 : i32
          %ne3A_194 = arith.constant 0 : i32
          %ne3A_195 = arith.cmpi ne, %rem3A_193, %ne3A_194 : i32
          %lt3A_196 = arith.constant 0 : i32
          %lt3A_197 = arith.cmpi slt, %rem3A_193, %lt3A_196 : i32
          %lt3A_198 = arith.constant 0 : i32
          %lt3A_199 = arith.cmpi slt, %select_n3A_192, %lt3A_198 : i32
          %ne3A_200 = arith.xori %lt3A_197, %lt3A_199 : i1
          %and3A_201 = arith.andi %ne3A_200, %ne3A_195 : i1
          %add3A_202 = arith.addi %rem3A_193, %select_n3A_192 : i32
          %select_n3A_203 = arith.select %and3A_201, %add3A_202, %rem3A_193 : i32
          %mul3A_204 = arith.constant 16 : i32
          %mul3A_205 = arith.muli %select_n3A_203, %mul3A_204 : i32
          %add3A_206 = vector.broadcast %mul3A_205 : i32 to vector<16xi32>
          %add3A_207 = arith.addi %mul3A_187, %add3A_206 : vector<16xi32>
          %add3A_208 = arith.addi %add3A_207, %iota3A : vector<16xi32>
          %mul3A_209 = arith.constant 16 : i32
          %mul3A_210 = arith.muli %scan3A_160, %mul3A_209 : i32
          %add3A_211 = arith.addi %while3A_74, %mul3A_210 : i32
          %swap3A_212 = arith.index_cast %add3A_211 : i32 to index
          %swap3A_213 = tpu.vector_load %arg7[%swap3A_212] {strides = array<i32>} : memref<20480xi32, #tpu.memory_space<vmem>>, vector<16xi32>,
          tpu.vector_store %arg7[%swap3A_212], %add3A_208 {strides = array<i32>} : memref<20480xi32, #tpu.memory_space<vmem>>, vector<16xi32>,
          %scan3A_214 = arith.constant 0 : i32
          scf.yield %scan3A_214 : i32
        }
        %scan3A_81 = arith.constant 16 : i32
        %add3A_82 = arith.constant 255 : i32
        %add3A_83 = arith.addi %while3A_74, %add3A_82 : i32
        %jit3A_84 = arith.constant 256 : i32
        %div3A_85 = arith.divsi %add3A_83, %jit3A_84 : i32
        %sign3A_86 = arith.constant 0 : i32
        %sign3A_87 = arith.cmpi sgt, %add3A_83, %sign3A_86 : i32
        %sign3A_88 = arith.extui %sign3A_87 : i1 to i32
        %sign3A_89 = arith.constant 0 : i32
        %sign3A_90 = arith.cmpi slt, %add3A_83, %sign3A_89 : i32
        %sign3A_91 = arith.extui %sign3A_90 : i1 to i32
        %sign3A_92 = arith.subi %sign3A_88, %sign3A_91 : i32
        %sign3A_93 = arith.constant 0 : i32
        %sign3A_94 = arith.cmpi sgt, %jit3A_84, %sign3A_93 : i32
        %sign3A_95 = arith.extui %sign3A_94 : i1 to i32
        %sign3A_96 = arith.constant 0 : i32
        %sign3A_97 = arith.cmpi slt, %jit3A_84, %sign3A_96 : i32
        %sign3A_98 = arith.extui %sign3A_97 : i1 to i32
        %sign3A_99 = arith.subi %sign3A_95, %sign3A_98 : i32
        %ne3A_100 = arith.cmpi ne, %sign3A_92, %sign3A_99 : i32
        %rem3A_101 = arith.remsi %add3A_83, %jit3A_84 : i32
        %ne3A_102 = arith.constant 0 : i32
        %ne3A_103 = arith.cmpi ne, %rem3A_101, %ne3A_102 : i32
        %and3A_104 = arith.andi %ne3A_100, %ne3A_103 : i1
        %sub3A_105 = arith.constant 1 : i32
        %sub3A_106 = arith.subi %div3A_85, %sub3A_105 : i32
        %select_n3A_107 = arith.select %and3A_104, %sub3A_106, %div3A_85 : i32
        %mul3A_108 = arith.constant 2 : i32
        %mul3A_109 = arith.muli %select_n3A_107, %mul3A_108 : i32
        %gt3A = arith.constant 0 : i32
        %gt3A_110 = arith.cmpi sgt, %mul3A_109, %gt3A : i32
        %convert_element_type3A = arith.extui %gt3A_110 : i1 to i32
        %cond3A = arith.constant 0 : i32
        %cond3A_111 = arith.cmpi ne, %convert_element_type3A, %cond3A : i32
        scf.if %cond3A_111 {
          %scan3A_160 = arith.constant 0 : i32
          %scan3A_161 = arith.constant 0 : i32
          %scan3A_162 = arith.constant 8 : i32
          %scan3A_163 = arith.addi %scan3A_161, %scan3A_162 : i32
          %scan3A_164 = arith.constant 1 : i32
          %scan3A_165 = scf.for %scan3A_197 = %scan3A_161 to %scan3A_163 step %scan3A_164 iter_args(%scan3A_198 = %scan3A_160) -> (i32)  : i32 {
            %mul3A_199 = arith.constant 16 : i32
            %mul3A_200 = arith.muli %scan3A_197, %mul3A_199 : i32
            %add3A_201 = arith.constant 0 : i32
            %add3A_202 = arith.addi %add3A_201, %mul3A_200 : i32
            %get3A = arith.index_cast %add3A_202 : i32 to index
            %get3A_203 = tpu.vector_load %arg7[%get3A] {strides = array<i32>} : memref<20480xi32, #tpu.memory_space<vmem>>, vector<16xi32>,
            %jit3A_204 = arith.constant 8192 : i32
            %div3A_205 = vector.broadcast %jit3A_204 : i32 to vector<16xi32>
            %div3A_206 = arith.divsi %get3A_203, %div3A_205 : vector<16xi32>
            %sign3A_207 = arith.constant 0 : i32
            %sign3A_208 = vector.broadcast %sign3A_207 : i32 to vector<16xi32>
            %sign3A_209 = arith.cmpi sgt, %get3A_203, %sign3A_208 : vector<16xi32>
            %sign3A_210 = arith.extui %sign3A_209 : vector<16xi1> to vector<16xi32>
            %sign3A_211 = arith.constant 0 : i32
            %sign3A_212 = vector.broadcast %sign3A_211 : i32 to vector<16xi32>
            %sign3A_213 = arith.cmpi slt, %get3A_203, %sign3A_212 : vector<16xi32>
            %sign3A_214 = arith.extui %sign3A_213 : vector<16xi1> to vector<16xi32>
            %sign3A_215 = arith.subi %sign3A_210, %sign3A_214 : vector<16xi32>
            %sign3A_216 = arith.constant 0 : i32
            %sign3A_217 = arith.cmpi sgt, %jit3A_204, %sign3A_216 : i32
            %sign3A_218 = arith.extui %sign3A_217 : i1 to i32
            %sign3A_219 = arith.constant 0 : i32
            %sign3A_220 = arith.cmpi slt, %jit3A_204, %sign3A_219 : i32
            %sign3A_221 = arith.extui %sign3A_220 : i1 to i32
            %sign3A_222 = arith.subi %sign3A_218, %sign3A_221 : i32
            %ne3A_223 = vector.broadcast %sign3A_222 : i32 to vector<16xi32>
            %ne3A_224 = arith.cmpi ne, %sign3A_215, %ne3A_223 : vector<16xi32>
            %rem3A_225 = vector.broadcast %jit3A_204 : i32 to vector<16xi32>
            %rem3A_226 = arith.remsi %get3A_203, %rem3A_225 : vector<16xi32>
            %ne3A_227 = arith.constant 0 : i32
            %ne3A_228 = vector.broadcast %ne3A_227 : i32 to vector<16xi32>
            %ne3A_229 = arith.cmpi ne, %rem3A_226, %ne3A_228 : vector<16xi32>
            %and3A_230 = arith.andi %ne3A_224, %ne3A_229 : vector<16xi1>
            %sub3A_231 = arith.constant 1 : i32
            %sub3A_232 = vector.broadcast %sub3A_231 : i32 to vector<16xi32>
            %sub3A_233 = arith.subi %div3A_206, %sub3A_232 : vector<16xi32>
            %select_n3A_234 = arith.select %and3A_230, %sub3A_233, %div3A_206 : vector<16xi1>, vector<16xi32>
            %mul3A_235 = arith.constant 16 : i32
            %mul3A_236 = arith.muli %scan3A_197, %mul3A_235 : i32
            %swap3A_237 = arith.constant 0 : i32
            %swap3A_238 = arith.index_cast %swap3A_237 : i32 to index
            %swap3A_239 = arith.index_cast %mul3A_236 : i32 to index
            %swap3A_240 = tpu.vector_load %arg8[%swap3A_238, %swap3A_239] {strides = array<i32>} : memref<2x128xi32, #tpu.memory_space<vmem>>, vector<16xi32>,
            tpu.vector_store %arg8[%swap3A_238, %swap3A_239], %select_n3A_234 {strides = array<i32>} : memref<2x128xi32, #tpu.memory_space<vmem>>, vector<16xi32>,
            %jit3A_241 = arith.constant 8192 : i32
            %eq3A = arith.constant 0 : i32
            %eq3A_242 = arith.cmpi eq, %jit3A_241, %eq3A : i32
            %jit3A_243 = arith.constant 1 : i32
            %select_n3A_244 = arith.select %eq3A_242, %jit3A_243, %jit3A_241 : i32
            %rem3A_245 = vector.broadcast %select_n3A_244 : i32 to vector<16xi32>
            %rem3A_246 = arith.remsi %get3A_203, %rem3A_245 : vector<16xi32>
            %ne3A_247 = arith.constant 0 : i32
            %ne3A_248 = vector.broadcast %ne3A_247 : i32 to vector<16xi32>
            %ne3A_249 = arith.cmpi ne, %rem3A_246, %ne3A_248 : vector<16xi32>
            %lt3A = arith.constant 0 : i32
            %lt3A_250 = vector.broadcast %lt3A : i32 to vector<16xi32>
            %lt3A_251 = arith.cmpi slt, %rem3A_246, %lt3A_250 : vector<16xi32>
            %lt3A_252 = arith.constant 0 : i32
            %lt3A_253 = arith.cmpi slt, %select_n3A_244, %lt3A_252 : i32
            %ne3A_254 = vector.broadcast %lt3A_253 : i1 to vector<16xi1>
            %ne3A_255 = vector.broadcast %ne3A_254 : vector<16xi1> to vector<16xi1>
            %ne3A_256 = arith.xori %lt3A_251, %ne3A_255 : vector<16xi1>
            %and3A_257 = arith.andi %ne3A_256, %ne3A_249 : vector<16xi1>
            %add3A_258 = vector.broadcast %select_n3A_244 : i32 to vector<16xi32>
            %add3A_259 = arith.addi %rem3A_246, %add3A_258 : vector<16xi32>
            %select_n3A_260 = arith.select %and3A_257, %add3A_259, %rem3A_246 : vector<16xi1>, vector<16xi32>
            %mul3A_261 = arith.constant 16 : i32
            %mul3A_262 = arith.muli %scan3A_197, %mul3A_261 : i32
            %swap3A_263 = arith.constant 0 : i32
            %swap3A_264 = arith.index_cast %swap3A_263 : i32 to index
            %swap3A_265 = arith.index_cast %mul3A_262 : i32 to index
            %swap3A_266 = tpu.vector_load %arg9[%swap3A_264, %swap3A_265] {strides = array<i32>} : memref<2x128xi32, #tpu.memory_space<vmem>>, vector<16xi32>,
            tpu.vector_store %arg9[%swap3A_264, %swap3A_265], %select_n3A_260 {strides = array<i32>} : memref<2x128xi32, #tpu.memory_space<vmem>>, vector<16xi32>,
            %scan3A_267 = arith.constant 0 : i32
            scf.yield %scan3A_267 : i32
          }
          %scan3A_166 = arith.constant 8 : i32
          %dma_start3A = arith.constant 0 : i32
          %dma_start3A_167 = arith.constant 0 : i32
          %dma_start3A_168 = arith.constant 0 : i32
          %dma_start3A_169 = arith.constant 0 : i32
          %dma_start3A_170 = tpu.memref_slice %arg10[%dma_start3A_167, %dma_start3A_168, %dma_start3A_169] : memref<2x128x128xf32, #tpu.memory_space<vmem>> -> memref<1x128x128xf32, #tpu.memory_space<vmem>>
          %dma_start3A_171 = tpu.memref_squeeze %dma_start3A_170 : memref<1x128x128xf32, #tpu.memory_space<vmem>> -> memref<128x128xf32, #tpu.memory_space<vmem>>
          %dma_start3A_172 = arith.constant 0 : i32
          %dma_start3A_173 = tpu.memref_slice %arg8[%dma_start3A, %dma_start3A_172] : memref<2x128xi32, #tpu.memory_space<vmem>> -> memref<1x128xi32, #tpu.memory_space<vmem>>
          %dma_start3A_174 = tpu.memref_squeeze %dma_start3A_173 : memref<1x128xi32, #tpu.memory_space<vmem>> -> memref<128xi32, #tpu.memory_space<vmem>>
          %dma_start3A_175 = arith.constant 0 : i32
          %dma_start3A_176 = arith.constant 0 : i32
          %dma_start3A_177 = tpu.memref_slice %arg2[%dma_start3A_175, %dma_start3A_176] : memref<40960x128xf32, #tpu.memory_space<hbm>> -> memref<40960x128xf32, #tpu.memory_space<hbm>>
          tpu.enqueue_indirect_dma source(%dma_start3A_177 : memref<40960x128xf32, #tpu.memory_space<hbm>>) target(%dma_start3A_171 : memref<128x128xf32, #tpu.memory_space<vmem>>) offsets(%dma_start3A_174 : memref<128xi32, #tpu.memory_space<vmem>>) semaphore(%arg13 : memref<!tpu.dma_semaphore, #tpu.memory_space<semaphore_mem>>)
          %scan3A_178 = arith.constant 0 : i32
          %scan3A_179 = arith.constant 0 : i32
          %scan3A_180 = arith.constant 8 : i32
          %scan3A_181 = arith.addi %scan3A_179, %scan3A_180 : i32
          %scan3A_182 = arith.constant 1 : i32
          %scan3A_183 = scf.for %scan3A_197 = %scan3A_179 to %scan3A_181 step %scan3A_182 iter_args(%scan3A_198 = %scan3A_178) -> (i32)  : i32 {
            %mul3A_199 = arith.constant 16 : i32
            %mul3A_200 = arith.muli %scan3A_197, %mul3A_199 : i32
            %add3A_201 = arith.constant 128 : i32
            %add3A_202 = arith.addi %add3A_201, %mul3A_200 : i32
            %get3A = arith.index_cast %add3A_202 : i32 to index
            %get3A_203 = tpu.vector_load %arg7[%get3A] {strides = array<i32>} : memref<20480xi32, #tpu.memory_space<vmem>>, vector<16xi32>,
            %jit3A_204 = arith.constant 8192 : i32
            %div3A_205 = vector.broadcast %jit3A_204 : i32 to vector<16xi32>
            %div3A_206 = arith.divsi %get3A_203, %div3A_205 : vector<16xi32>
            %sign3A_207 = arith.constant 0 : i32
            %sign3A_208 = vector.broadcast %sign3A_207 : i32 to vector<16xi32>
            %sign3A_209 = arith.cmpi sgt, %get3A_203, %sign3A_208 : vector<16xi32>
            %sign3A_210 = arith.extui %sign3A_209 : vector<16xi1> to vector<16xi32>
            %sign3A_211 = arith.constant 0 : i32
            %sign3A_212 = vector.broadcast %sign3A_211 : i32 to vector<16xi32>
            %sign3A_213 = arith.cmpi slt, %get3A_203, %sign3A_212 : vector<16xi32>
            %sign3A_214 = arith.extui %sign3A_213 : vector<16xi1> to vector<16xi32>
            %sign3A_215 = arith.subi %sign3A_210, %sign3A_214 : vector<16xi32>
            %sign3A_216 = arith.constant 0 : i32
            %sign3A_217 = arith.cmpi sgt, %jit3A_204, %sign3A_216 : i32
            %sign3A_218 = arith.extui %sign3A_217 : i1 to i32
            %sign3A_219 = arith.constant 0 : i32
            %sign3A_220 = arith.cmpi slt, %jit3A_204, %sign3A_219 : i32
            %sign3A_221 = arith.extui %sign3A_220 : i1 to i32
            %sign3A_222 = arith.subi %sign3A_218, %sign3A_221 : i32
            %ne3A_223 = vector.broadcast %sign3A_222 : i32 to vector<16xi32>
            %ne3A_224 = arith.cmpi ne, %sign3A_215, %ne3A_223 : vector<16xi32>
            %rem3A_225 = vector.broadcast %jit3A_204 : i32 to vector<16xi32>
            %rem3A_226 = arith.remsi %get3A_203, %rem3A_225 : vector<16xi32>
            %ne3A_227 = arith.constant 0 : i32
            %ne3A_228 = vector.broadcast %ne3A_227 : i32 to vector<16xi32>
            %ne3A_229 = arith.cmpi ne, %rem3A_226, %ne3A_228 : vector<16xi32>
            %and3A_230 = arith.andi %ne3A_224, %ne3A_229 : vector<16xi1>
            %sub3A_231 = arith.constant 1 : i32
            %sub3A_232 = vector.broadcast %sub3A_231 : i32 to vector<16xi32>
            %sub3A_233 = arith.subi %div3A_206, %sub3A_232 : vector<16xi32>
            %select_n3A_234 = arith.select %and3A_230, %sub3A_233, %div3A_206 : vector<16xi1>, vector<16xi32>
            %mul3A_235 = arith.constant 16 : i32
            %mul3A_236 = arith.muli %scan3A_197, %mul3A_235 : i32
            %swap3A_237 = arith.constant 1 : i32
            %swap3A_238 = arith.index_cast %swap3A_237 : i32 to index
            %swap3A_239 = arith.index_cast %mul3A_236 : i32 to index
            %swap3A_240 = tpu.vector_load %arg8[%swap3A_238, %swap3A_239] {strides = array<i32>} : memref<2x128xi32, #tpu.memory_space<vmem>>, vector<16xi32>,
            tpu.vector_store %arg8[%swap3A_238, %swap3A_239], %select_n3A_234 {strides = array<i32>} : memref<2x128xi32, #tpu.memory_space<vmem>>, vector<16xi32>,
            %jit3A_241 = arith.constant 8192 : i32
            %eq3A = arith.constant 0 : i32
            %eq3A_242 = arith.cmpi eq, %jit3A_241, %eq3A : i32
            %jit3A_243 = arith.constant 1 : i32
            %select_n3A_244 = arith.select %eq3A_242, %jit3A_243, %jit3A_241 : i32
            %rem3A_245 = vector.broadcast %select_n3A_244 : i32 to vector<16xi32>
            %rem3A_246 = arith.remsi %get3A_203, %rem3A_245 : vector<16xi32>
            %ne3A_247 = arith.constant 0 : i32
            %ne3A_248 = vector.broadcast %ne3A_247 : i32 to vector<16xi32>
            %ne3A_249 = arith.cmpi ne, %rem3A_246, %ne3A_248 : vector<16xi32>
            %lt3A = arith.constant 0 : i32
            %lt3A_250 = vector.broadcast %lt3A : i32 to vector<16xi32>
            %lt3A_251 = arith.cmpi slt, %rem3A_246, %lt3A_250 : vector<16xi32>
            %lt3A_252 = arith.constant 0 : i32
            %lt3A_253 = arith.cmpi slt, %select_n3A_244, %lt3A_252 : i32
            %ne3A_254 = vector.broadcast %lt3A_253 : i1 to vector<16xi1>
            %ne3A_255 = vector.broadcast %ne3A_254 : vector<16xi1> to vector<16xi1>
            %ne3A_256 = arith.xori %lt3A_251, %ne3A_255 : vector<16xi1>
            %and3A_257 = arith.andi %ne3A_256, %ne3A_249 : vector<16xi1>
            %add3A_258 = vector.broadcast %select_n3A_244 : i32 to vector<16xi32>
            %add3A_259 = arith.addi %rem3A_246, %add3A_258 : vector<16xi32>
            %select_n3A_260 = arith.select %and3A_257, %add3A_259, %rem3A_246 : vector<16xi1>, vector<16xi32>
            %mul3A_261 = arith.constant 16 : i32
            %mul3A_262 = arith.muli %scan3A_197, %mul3A_261 : i32
            %swap3A_263 = arith.constant 1 : i32
            %swap3A_264 = arith.index_cast %swap3A_263 : i32 to index
            %swap3A_265 = arith.index_cast %mul3A_262 : i32 to index
            %swap3A_266 = tpu.vector_load %arg9[%swap3A_264, %swap3A_265] {strides = array<i32>} : memref<2x128xi32, #tpu.memory_space<vmem>>, vector<16xi32>,
            tpu.vector_store %arg9[%swap3A_264, %swap3A_265], %select_n3A_260 {strides = array<i32>} : memref<2x128xi32, #tpu.memory_space<vmem>>, vector<16xi32>,
            %scan3A_267 = arith.constant 0 : i32
            scf.yield %scan3A_267 : i32
          }
          %scan3A_184 = arith.constant 8 : i32
          %dma_start3A_185 = arith.constant 1 : i32
          %dma_start3A_186 = arith.constant 1 : i32
          %dma_start3A_187 = arith.constant 0 : i32
          %dma_start3A_188 = arith.constant 0 : i32
          %dma_start3A_189 = tpu.memref_slice %arg10[%dma_start3A_186, %dma_start3A_187, %dma_start3A_188] : memref<2x128x128xf32, #tpu.memory_space<vmem>> -> memref<1x128x128xf32, #tpu.memory_space<vmem>>
          %dma_start3A_190 = tpu.memref_squeeze %dma_start3A_189 : memref<1x128x128xf32, #tpu.memory_space<vmem>> -> memref<128x128xf32, #tpu.memory_space<vmem>>
          %dma_start3A_191 = arith.constant 0 : i32
          %dma_start3A_192 = tpu.memref_slice %arg8[%dma_start3A_185, %dma_start3A_191] : memref<2x128xi32, #tpu.memory_space<vmem>> -> memref<1x128xi32, #tpu.memory_space<vmem>>
          %dma_start3A_193 = tpu.memref_squeeze %dma_start3A_192 : memref<1x128xi32, #tpu.memory_space<vmem>> -> memref<128xi32, #tpu.memory_space<vmem>>
          %dma_start3A_194 = arith.constant 0 : i32
          %dma_start3A_195 = arith.constant 0 : i32
          %dma_start3A_196 = tpu.memref_slice %arg2[%dma_start3A_194, %dma_start3A_195] : memref<40960x128xf32, #tpu.memory_space<hbm>> -> memref<40960x128xf32, #tpu.memory_space<hbm>>
          tpu.enqueue_indirect_dma source(%dma_start3A_196 : memref<40960x128xf32, #tpu.memory_space<hbm>>) target(%dma_start3A_190 : memref<128x128xf32, #tpu.memory_space<vmem>>) offsets(%dma_start3A_193 : memref<128xi32, #tpu.memory_space<vmem>>) semaphore(%arg14 : memref<!tpu.dma_semaphore, #tpu.memory_space<semaphore_mem>>)
        } else {
        }
        %jit3A_112 = arith.constant 2 : i32
        %div3A_113 = arith.divsi %mul3A_109, %jit3A_112 : i32
        %sign3A_114 = arith.constant 0 : i32
        %sign3A_115 = arith.cmpi sgt, %mul3A_109, %sign3A_114 : i32
        %sign3A_116 = arith.extui %sign3A_115 : i1 to i32
        %sign3A_117 = arith.constant 0 : i32
        %sign3A_118 = arith.cmpi slt, %mul3A_109, %sign3A_117 : i32
        %sign3A_119 = arith.extui %sign3A_118 : i1 to i32
        %sign3A_120 = arith.subi %sign3A_116, %sign3A_119 : i32
        %sign3A_121 = arith.constant 0 : i32
        %sign3A_122 = arith.cmpi sgt, %jit3A_112, %sign3A_121 : i32
        %sign3A_123 = arith.extui %sign3A_122 : i1 to i32
        %sign3A_124 = arith.constant 0 : i32
        %sign3A_125 = arith.cmpi slt, %jit3A_112, %sign3A_124 : i32
        %sign3A_126 = arith.extui %sign3A_125 : i1 to i32
        %sign3A_127 = arith.subi %sign3A_123, %sign3A_126 : i32
        %ne3A_128 = arith.cmpi ne, %sign3A_120, %sign3A_127 : i32
        %rem3A_129 = arith.remsi %mul3A_109, %jit3A_112 : i32
        %ne3A_130 = arith.constant 0 : i32
        %ne3A_131 = arith.cmpi ne, %rem3A_129, %ne3A_130 : i32
        %and3A_132 = arith.andi %ne3A_128, %ne3A_131 : i1
        %sub3A_133 = arith.constant 1 : i32
        %sub3A_134 = arith.subi %div3A_113, %sub3A_133 : i32
        %select_n3A_135 = arith.select %and3A_132, %sub3A_134, %div3A_113 : i32
        %while3A_136 = arith.constant 0 : i32
        %while3A_137 = arith.constant 0 : i32
        %while3A_138 = arith.subi %select_n3A_135, %while3A_136 : i32
        %while3A_139 = arith.addi %while3A_136, %while3A_138 : i32
        %while3A_140 = arith.constant 1 : i32
        %while3A_141 = arith.divsi %while3A_138, %while3A_140 : i32
        %while3A_142 = arith.muli %while3A_141, %while3A_140 : i32
        %while3A_143 = arith.addi %while3A_136, %while3A_142 : i32
        %while3A_144 = arith.constant 1 : i32
        %while3A_145 = scf.for %while3A_160 = %while3A_136 to %while3A_143 step %while3A_144 iter_args(%while3A_161 = %while3A_137) -> (i32)  : i32 {
          %mul3A_162 = arith.constant 2 : i32
          %mul3A_163 = arith.muli %mul3A_162, %while3A_160 : i32
          %dma_wait3A = arith.constant 0 : i32
          %dma_wait3A_164 = arith.constant 0 : i32
          %dma_wait3A_165 = arith.constant 0 : i32
          %dma_wait3A_166 = arith.constant 0 : i32
          %dma_wait3A_167 = tpu.memref_slice %arg10[%dma_wait3A_164, %dma_wait3A_165, %dma_wait3A_166] : memref<2x128x128xf32, #tpu.memory_space<vmem>> -> memref<1x128x128xf32, #tpu.memory_space<vmem>>
          %dma_wait3A_168 = tpu.memref_squeeze %dma_wait3A_167 : memref<1x128x128xf32, #tpu.memory_space<vmem>> -> memref<128x128xf32, #tpu.memory_space<vmem>>
          %dma_wait3A_169 = arith.constant 0 : i32
          %dma_wait3A_170 = tpu.memref_slice %arg8[%dma_wait3A, %dma_wait3A_169] : memref<2x128xi32, #tpu.memory_space<vmem>> -> memref<1x128xi32, #tpu.memory_space<vmem>>
          %dma_wait3A_171 = tpu.memref_squeeze %dma_wait3A_170 : memref<1x128xi32, #tpu.memory_space<vmem>> -> memref<128xi32, #tpu.memory_space<vmem>>
          %dma_wait3A_172 = arith.constant 0 : i32
          %dma_wait3A_173 = arith.constant 0 : i32
          %dma_wait3A_174 = tpu.memref_slice %arg2[%dma_wait3A_172, %dma_wait3A_173] : memref<40960x128xf32, #tpu.memory_space<hbm>> -> memref<40960x128xf32, #tpu.memory_space<hbm>>
          tpu.wait_indirect_dma semaphore(%arg13 : memref<!tpu.dma_semaphore, #tpu.memory_space<semaphore_mem>>) src(%dma_wait3A_174 : memref<40960x128xf32, #tpu.memory_space<hbm>>) dst(%dma_wait3A_168 : memref<128x128xf32, #tpu.memory_space<vmem>>)
          %run_scoped3A = arith.constant 0 : i32
          %run_scoped3A_175 = arith.constant 0 : i32
          "tpu.region"() ({
            %run_scoped3A_202 = tpu.sem_alloc : memref<!tpu.dma_semaphore, #tpu.memory_space<semaphore_mem>>
            %dma_start3A = arith.constant 0 : i32
            %dma_start3A_203 = arith.constant 0 : i32
            %dma_start3A_204 = tpu.memref_slice %arg10[%run_scoped3A, %dma_start3A, %dma_start3A_203] : memref<2x128x128xf32, #tpu.memory_space<vmem>> -> memref<1x128x128xf32, #tpu.memory_space<vmem>>
            %dma_start3A_205 = tpu.memref_squeeze %dma_start3A_204 : memref<1x128x128xf32, #tpu.memory_space<vmem>> -> memref<128x128xf32, #tpu.memory_space<vmem>>
            %dma_start3A_206 = arith.constant 0 : i32
            %dma_start3A_207 = tpu.memref_slice %arg9[%run_scoped3A_175, %dma_start3A_206] : memref<2x128xi32, #tpu.memory_space<vmem>> -> memref<1x128xi32, #tpu.memory_space<vmem>>
            %dma_start3A_208 = tpu.memref_squeeze %dma_start3A_207 : memref<1x128xi32, #tpu.memory_space<vmem>> -> memref<128xi32, #tpu.memory_space<vmem>>
            %dma_start3A_209 = arith.constant 0 : i32
            %dma_start3A_210 = arith.constant 0 : i32
            %dma_start3A_211 = tpu.memref_slice %arg12[%dma_start3A_209, %dma_start3A_210] : memref<5120x128xf32, #tpu.memory_space<vmem_shared>> -> memref<5120x128xf32, #tpu.memory_space<vmem_shared>>
            tpu.enqueue_indirect_dma source(%dma_start3A_205 : memref<128x128xf32, #tpu.memory_space<vmem>>) target(%dma_start3A_211 : memref<5120x128xf32, #tpu.memory_space<vmem_shared>>) offsets(%dma_start3A_208 : memref<128xi32, #tpu.memory_space<vmem>>) semaphore(%run_scoped3A_202 : memref<!tpu.dma_semaphore, #tpu.memory_space<semaphore_mem>>) {add = true}
            %dma_wait3A_212 = arith.constant 0 : i32
            %dma_wait3A_213 = arith.constant 0 : i32
            %dma_wait3A_214 = tpu.memref_slice %arg10[%run_scoped3A, %dma_wait3A_212, %dma_wait3A_213] : memref<2x128x128xf32, #tpu.memory_space<vmem>> -> memref<1x128x128xf32, #tpu.memory_space<vmem>>
            %dma_wait3A_215 = tpu.memref_squeeze %dma_wait3A_214 : memref<1x128x128xf32, #tpu.memory_space<vmem>> -> memref<128x128xf32, #tpu.memory_space<vmem>>
            %dma_wait3A_216 = arith.constant 0 : i32
            %dma_wait3A_217 = tpu.memref_slice %arg9[%run_scoped3A_175, %dma_wait3A_216] : memref<2x128xi32, #tpu.memory_space<vmem>> -> memref<1x128xi32, #tpu.memory_space<vmem>>
            %dma_wait3A_218 = tpu.memref_squeeze %dma_wait3A_217 : memref<1x128xi32, #tpu.memory_space<vmem>> -> memref<128xi32, #tpu.memory_space<vmem>>
            %dma_wait3A_219 = arith.constant 0 : i32
            %dma_wait3A_220 = arith.constant 0 : i32
            %dma_wait3A_221 = tpu.memref_slice %arg12[%dma_wait3A_219, %dma_wait3A_220] : memref<5120x128xf32, #tpu.memory_space<vmem_shared>> -> memref<5120x128xf32, #tpu.memory_space<vmem_shared>>
            tpu.wait_indirect_dma semaphore(%run_scoped3A_202 : memref<!tpu.dma_semaphore, #tpu.memory_space<semaphore_mem>>) src(%dma_wait3A_215 : memref<128x128xf32, #tpu.memory_space<vmem>>) dst(%dma_wait3A_221 : memref<5120x128xf32, #tpu.memory_space<vmem_shared>>)
            tpu.yield
          }) : () -> ()
          %add3A_176 = arith.constant 2 : i32
          %add3A_177 = arith.addi %mul3A_163, %add3A_176 : i32
          %lt3A = arith.cmpi slt, %add3A_177, %mul3A_109 : i32
          %convert_element_type3A_178 = arith.extui %lt3A : i1 to i32
          %cond3A_179 = arith.constant 0 : i32
          %cond3A_180 = arith.cmpi ne, %convert_element_type3A_178, %cond3A_179 : i32
          scf.if %cond3A_180 {
            %add3A_202 = arith.constant 2 : i32
            %add3A_203 = arith.addi %mul3A_163, %add3A_202 : i32
            %scan3A_204 = arith.constant 0 : i32
            %scan3A_205 = arith.constant 0 : i32
            %scan3A_206 = arith.constant 8 : i32
            %scan3A_207 = arith.addi %scan3A_205, %scan3A_206 : i32
            %scan3A_208 = arith.constant 1 : i32
            %scan3A_209 = scf.for %scan3A_222 = %scan3A_205 to %scan3A_207 step %scan3A_208 iter_args(%scan3A_223 = %scan3A_204) -> (i32)  : i32 {
              %mul3A_224 = arith.constant 128 : i32
              %mul3A_225 = arith.muli %add3A_203, %mul3A_224 : i32
              %mul3A_226 = arith.constant 16 : i32
              %mul3A_227 = arith.muli %scan3A_222, %mul3A_226 : i32
              %add3A_228 = arith.addi %mul3A_225, %mul3A_227 : i32
              %get3A = arith.index_cast %add3A_228 : i32 to index
              %get3A_229 = tpu.vector_load %arg7[%get3A] {strides = array<i32>} : memref<20480xi32, #tpu.memory_space<vmem>>, vector<16xi32>,
              %jit3A_230 = arith.constant 8192 : i32
              %div3A_231 = vector.broadcast %jit3A_230 : i32 to vector<16xi32>
              %div3A_232 = arith.divsi %get3A_229, %div3A_231 : vector<16xi32>
              %sign3A_233 = arith.constant 0 : i32
              %sign3A_234 = vector.broadcast %sign3A_233 : i32 to vector<16xi32>
              %sign3A_235 = arith.cmpi sgt, %get3A_229, %sign3A_234 : vector<16xi32>
              %sign3A_236 = arith.extui %sign3A_235 : vector<16xi1> to vector<16xi32>
              %sign3A_237 = arith.constant 0 : i32
              %sign3A_238 = vector.broadcast %sign3A_237 : i32 to vector<16xi32>
              %sign3A_239 = arith.cmpi slt, %get3A_229, %sign3A_238 : vector<16xi32>
              %sign3A_240 = arith.extui %sign3A_239 : vector<16xi1> to vector<16xi32>
              %sign3A_241 = arith.subi %sign3A_236, %sign3A_240 : vector<16xi32>
              %sign3A_242 = arith.constant 0 : i32
              %sign3A_243 = arith.cmpi sgt, %jit3A_230, %sign3A_242 : i32
              %sign3A_244 = arith.extui %sign3A_243 : i1 to i32
              %sign3A_245 = arith.constant 0 : i32
              %sign3A_246 = arith.cmpi slt, %jit3A_230, %sign3A_245 : i32
              %sign3A_247 = arith.extui %sign3A_246 : i1 to i32
              %sign3A_248 = arith.subi %sign3A_244, %sign3A_247 : i32
              %ne3A_249 = vector.broadcast %sign3A_248 : i32 to vector<16xi32>
              %ne3A_250 = arith.cmpi ne, %sign3A_241, %ne3A_249 : vector<16xi32>
              %rem3A_251 = vector.broadcast %jit3A_230 : i32 to vector<16xi32>
              %rem3A_252 = arith.remsi %get3A_229, %rem3A_251 : vector<16xi32>
              %ne3A_253 = arith.constant 0 : i32
              %ne3A_254 = vector.broadcast %ne3A_253 : i32 to vector<16xi32>
              %ne3A_255 = arith.cmpi ne, %rem3A_252, %ne3A_254 : vector<16xi32>
              %and3A_256 = arith.andi %ne3A_250, %ne3A_255 : vector<16xi1>
              %sub3A_257 = arith.constant 1 : i32
              %sub3A_258 = vector.broadcast %sub3A_257 : i32 to vector<16xi32>
              %sub3A_259 = arith.subi %div3A_232, %sub3A_258 : vector<16xi32>
              %select_n3A_260 = arith.select %and3A_256, %sub3A_259, %div3A_232 : vector<16xi1>, vector<16xi32>
              %mul3A_261 = arith.constant 16 : i32
              %mul3A_262 = arith.muli %scan3A_222, %mul3A_261 : i32
              %swap3A_263 = arith.constant 0 : i32
              %swap3A_264 = arith.index_cast %swap3A_263 : i32 to index
              %swap3A_265 = arith.index_cast %mul3A_262 : i32 to index
              %swap3A_266 = tpu.vector_load %arg8[%swap3A_264, %swap3A_265] {strides = array<i32>} : memref<2x128xi32, #tpu.memory_space<vmem>>, vector<16xi32>,
              tpu.vector_store %arg8[%swap3A_264, %swap3A_265], %select_n3A_260 {strides = array<i32>} : memref<2x128xi32, #tpu.memory_space<vmem>>, vector<16xi32>,
              %jit3A_267 = arith.constant 8192 : i32
              %eq3A = arith.constant 0 : i32
              %eq3A_268 = arith.cmpi eq, %jit3A_267, %eq3A : i32
              %jit3A_269 = arith.constant 1 : i32
              %select_n3A_270 = arith.select %eq3A_268, %jit3A_269, %jit3A_267 : i32
              %rem3A_271 = vector.broadcast %select_n3A_270 : i32 to vector<16xi32>
              %rem3A_272 = arith.remsi %get3A_229, %rem3A_271 : vector<16xi32>
              %ne3A_273 = arith.constant 0 : i32
              %ne3A_274 = vector.broadcast %ne3A_273 : i32 to vector<16xi32>
              %ne3A_275 = arith.cmpi ne, %rem3A_272, %ne3A_274 : vector<16xi32>
              %lt3A_276 = arith.constant 0 : i32
              %lt3A_277 = vector.broadcast %lt3A_276 : i32 to vector<16xi32>
              %lt3A_278 = arith.cmpi slt, %rem3A_272, %lt3A_277 : vector<16xi32>
              %lt3A_279 = arith.constant 0 : i32
              %lt3A_280 = arith.cmpi slt, %select_n3A_270, %lt3A_279 : i32
              %ne3A_281 = vector.broadcast %lt3A_280 : i1 to vector<16xi1>
              %ne3A_282 = vector.broadcast %ne3A_281 : vector<16xi1> to vector<16xi1>
              %ne3A_283 = arith.xori %lt3A_278, %ne3A_282 : vector<16xi1>
              %and3A_284 = arith.andi %ne3A_283, %ne3A_275 : vector<16xi1>
              %add3A_285 = vector.broadcast %select_n3A_270 : i32 to vector<16xi32>
              %add3A_286 = arith.addi %rem3A_272, %add3A_285 : vector<16xi32>
              %select_n3A_287 = arith.select %and3A_284, %add3A_286, %rem3A_272 : vector<16xi1>, vector<16xi32>
              %mul3A_288 = arith.constant 16 : i32
              %mul3A_289 = arith.muli %scan3A_222, %mul3A_288 : i32
              %swap3A_290 = arith.constant 0 : i32
              %swap3A_291 = arith.index_cast %swap3A_290 : i32 to index
              %swap3A_292 = arith.index_cast %mul3A_289 : i32 to index
              %swap3A_293 = tpu.vector_load %arg9[%swap3A_291, %swap3A_292] {strides = array<i32>} : memref<2x128xi32, #tpu.memory_space<vmem>>, vector<16xi32>,
              tpu.vector_store %arg9[%swap3A_291, %swap3A_292], %select_n3A_287 {strides = array<i32>} : memref<2x128xi32, #tpu.memory_space<vmem>>, vector<16xi32>,
              %scan3A_294 = arith.constant 0 : i32
              scf.yield %scan3A_294 : i32
            }
            %scan3A_210 = arith.constant 8 : i32
            %dma_start3A = arith.constant 0 : i32
            %dma_start3A_211 = arith.constant 0 : i32
            %dma_start3A_212 = arith.constant 0 : i32
            %dma_start3A_213 = arith.constant 0 : i32
            %dma_start3A_214 = tpu.memref_slice %arg10[%dma_start3A_211, %dma_start3A_212, %dma_start3A_213] : memref<2x128x128xf32, #tpu.memory_space<vmem>> -> memref<1x128x128xf32, #tpu.memory_space<vmem>>
            %dma_start3A_215 = tpu.memref_squeeze %dma_start3A_214 : memref<1x128x128xf32, #tpu.memory_space<vmem>> -> memref<128x128xf32, #tpu.memory_space<vmem>>
            %dma_start3A_216 = arith.constant 0 : i32
            %dma_start3A_217 = tpu.memref_slice %arg8[%dma_start3A, %dma_start3A_216] : memref<2x128xi32, #tpu.memory_space<vmem>> -> memref<1x128xi32, #tpu.memory_space<vmem>>
            %dma_start3A_218 = tpu.memref_squeeze %dma_start3A_217 : memref<1x128xi32, #tpu.memory_space<vmem>> -> memref<128xi32, #tpu.memory_space<vmem>>
            %dma_start3A_219 = arith.constant 0 : i32
            %dma_start3A_220 = arith.constant 0 : i32
            %dma_start3A_221 = tpu.memref_slice %arg2[%dma_start3A_219, %dma_start3A_220] : memref<40960x128xf32, #tpu.memory_space<hbm>> -> memref<40960x128xf32, #tpu.memory_space<hbm>>
            tpu.enqueue_indirect_dma source(%dma_start3A_221 : memref<40960x128xf32, #tpu.memory_space<hbm>>) target(%dma_start3A_215 : memref<128x128xf32, #tpu.memory_space<vmem>>) offsets(%dma_start3A_218 : memref<128xi32, #tpu.memory_space<vmem>>) semaphore(%arg13 : memref<!tpu.dma_semaphore, #tpu.memory_space<semaphore_mem>>)
          } else {
          }
          %dma_wait3A_181 = arith.constant 1 : i32
          %dma_wait3A_182 = arith.constant 1 : i32
          %dma_wait3A_183 = arith.constant 0 : i32
          %dma_wait3A_184 = arith.constant 0 : i32
          %dma_wait3A_185 = tpu.memref_slice %arg10[%dma_wait3A_182, %dma_wait3A_183, %dma_wait3A_184] : memref<2x128x128xf32, #tpu.memory_space<vmem>> -> memref<1x128x128xf32, #tpu.memory_space<vmem>>
          %dma_wait3A_186 = tpu.memref_squeeze %dma_wait3A_185 : memref<1x128x128xf32, #tpu.memory_space<vmem>> -> memref<128x128xf32, #tpu.memory_space<vmem>>
          %dma_wait3A_187 = arith.constant 0 : i32
          %dma_wait3A_188 = tpu.memref_slice %arg8[%dma_wait3A_181, %dma_wait3A_187] : memref<2x128xi32, #tpu.memory_space<vmem>> -> memref<1x128xi32, #tpu.memory_space<vmem>>
          %dma_wait3A_189 = tpu.memref_squeeze %dma_wait3A_188 : memref<1x128xi32, #tpu.memory_space<vmem>> -> memref<128xi32, #tpu.memory_space<vmem>>
          %dma_wait3A_190 = arith.constant 0 : i32
          %dma_wait3A_191 = arith.constant 0 : i32
          %dma_wait3A_192 = tpu.memref_slice %arg2[%dma_wait3A_190, %dma_wait3A_191] : memref<40960x128xf32, #tpu.memory_space<hbm>> -> memref<40960x128xf32, #tpu.memory_space<hbm>>
          tpu.wait_indirect_dma semaphore(%arg14 : memref<!tpu.dma_semaphore, #tpu.memory_space<semaphore_mem>>) src(%dma_wait3A_192 : memref<40960x128xf32, #tpu.memory_space<hbm>>) dst(%dma_wait3A_186 : memref<128x128xf32, #tpu.memory_space<vmem>>)
          %run_scoped3A_193 = arith.constant 1 : i32
          %run_scoped3A_194 = arith.constant 1 : i32
          "tpu.region"() ({
            %run_scoped3A_202 = tpu.sem_alloc : memref<!tpu.dma_semaphore, #tpu.memory_space<semaphore_mem>>
            %dma_start3A = arith.constant 0 : i32
            %dma_start3A_203 = arith.constant 0 : i32
            %dma_start3A_204 = tpu.memref_slice %arg10[%run_scoped3A_193, %dma_start3A, %dma_start3A_203] : memref<2x128x128xf32, #tpu.memory_space<vmem>> -> memref<1x128x128xf32, #tpu.memory_space<vmem>>
            %dma_start3A_205 = tpu.memref_squeeze %dma_start3A_204 : memref<1x128x128xf32, #tpu.memory_space<vmem>> -> memref<128x128xf32, #tpu.memory_space<vmem>>
            %dma_start3A_206 = arith.constant 0 : i32
            %dma_start3A_207 = tpu.memref_slice %arg9[%run_scoped3A_194, %dma_start3A_206] : memref<2x128xi32, #tpu.memory_space<vmem>> -> memref<1x128xi32, #tpu.memory_space<vmem>>
            %dma_start3A_208 = tpu.memref_squeeze %dma_start3A_207 : memref<1x128xi32, #tpu.memory_space<vmem>> -> memref<128xi32, #tpu.memory_space<vmem>>
            %dma_start3A_209 = arith.constant 0 : i32
            %dma_start3A_210 = arith.constant 0 : i32
            %dma_start3A_211 = tpu.memref_slice %arg12[%dma_start3A_209, %dma_start3A_210] : memref<5120x128xf32, #tpu.memory_space<vmem_shared>> -> memref<5120x128xf32, #tpu.memory_space<vmem_shared>>
            tpu.enqueue_indirect_dma source(%dma_start3A_205 : memref<128x128xf32, #tpu.memory_space<vmem>>) target(%dma_start3A_211 : memref<5120x128xf32, #tpu.memory_space<vmem_shared>>) offsets(%dma_start3A_208 : memref<128xi32, #tpu.memory_space<vmem>>) semaphore(%run_scoped3A_202 : memref<!tpu.dma_semaphore, #tpu.memory_space<semaphore_mem>>) {add = true}
            %dma_wait3A_212 = arith.constant 0 : i32
            %dma_wait3A_213 = arith.constant 0 : i32
            %dma_wait3A_214 = tpu.memref_slice %arg10[%run_scoped3A_193, %dma_wait3A_212, %dma_wait3A_213] : memref<2x128x128xf32, #tpu.memory_space<vmem>> -> memref<1x128x128xf32, #tpu.memory_space<vmem>>
            %dma_wait3A_215 = tpu.memref_squeeze %dma_wait3A_214 : memref<1x128x128xf32, #tpu.memory_space<vmem>> -> memref<128x128xf32, #tpu.memory_space<vmem>>
            %dma_wait3A_216 = arith.constant 0 : i32
            %dma_wait3A_217 = tpu.memref_slice %arg9[%run_scoped3A_194, %dma_wait3A_216] : memref<2x128xi32, #tpu.memory_space<vmem>> -> memref<1x128xi32, #tpu.memory_space<vmem>>
            %dma_wait3A_218 = tpu.memref_squeeze %dma_wait3A_217 : memref<1x128xi32, #tpu.memory_space<vmem>> -> memref<128xi32, #tpu.memory_space<vmem>>
            %dma_wait3A_219 = arith.constant 0 : i32
            %dma_wait3A_220 = arith.constant 0 : i32
            %dma_wait3A_221 = tpu.memref_slice %arg12[%dma_wait3A_219, %dma_wait3A_220] : memref<5120x128xf32, #tpu.memory_space<vmem_shared>> -> memref<5120x128xf32, #tpu.memory_space<vmem_shared>>
            tpu.wait_indirect_dma semaphore(%run_scoped3A_202 : memref<!tpu.dma_semaphore, #tpu.memory_space<semaphore_mem>>) src(%dma_wait3A_215 : memref<128x128xf32, #tpu.memory_space<vmem>>) dst(%dma_wait3A_221 : memref<5120x128xf32, #tpu.memory_space<vmem_shared>>)
            tpu.yield
          }) : () -> ()
          %add3A_195 = arith.constant 3 : i32
          %add3A_196 = arith.addi %mul3A_163, %add3A_195 : i32
          %lt3A_197 = arith.cmpi slt, %add3A_196, %mul3A_109 : i32
          %convert_element_type3A_198 = arith.extui %lt3A_197 : i1 to i32
          %cond3A_199 = arith.constant 0 : i32
          %cond3A_200 = arith.cmpi ne, %convert_element_type3A_198, %cond3A_199 : i32
          scf.if %cond3A_200 {
            %add3A_202 = arith.constant 3 : i32
            %add3A_203 = arith.addi %mul3A_163, %add3A_202 : i32
            %scan3A_204 = arith.constant 0 : i32
            %scan3A_205 = arith.constant 0 : i32
            %scan3A_206 = arith.constant 8 : i32
            %scan3A_207 = arith.addi %scan3A_205, %scan3A_206 : i32
            %scan3A_208 = arith.constant 1 : i32
            %scan3A_209 = scf.for %scan3A_222 = %scan3A_205 to %scan3A_207 step %scan3A_208 iter_args(%scan3A_223 = %scan3A_204) -> (i32)  : i32 {
              %mul3A_224 = arith.constant 128 : i32
              %mul3A_225 = arith.muli %add3A_203, %mul3A_224 : i32
              %mul3A_226 = arith.constant 16 : i32
              %mul3A_227 = arith.muli %scan3A_222, %mul3A_226 : i32
              %add3A_228 = arith.addi %mul3A_225, %mul3A_227 : i32
              %get3A = arith.index_cast %add3A_228 : i32 to index
              %get3A_229 = tpu.vector_load %arg7[%get3A] {strides = array<i32>} : memref<20480xi32, #tpu.memory_space<vmem>>, vector<16xi32>,
              %jit3A_230 = arith.constant 8192 : i32
              %div3A_231 = vector.broadcast %jit3A_230 : i32 to vector<16xi32>
              %div3A_232 = arith.divsi %get3A_229, %div3A_231 : vector<16xi32>
              %sign3A_233 = arith.constant 0 : i32
              %sign3A_234 = vector.broadcast %sign3A_233 : i32 to vector<16xi32>
              %sign3A_235 = arith.cmpi sgt, %get3A_229, %sign3A_234 : vector<16xi32>
              %sign3A_236 = arith.extui %sign3A_235 : vector<16xi1> to vector<16xi32>
              %sign3A_237 = arith.constant 0 : i32
              %sign3A_238 = vector.broadcast %sign3A_237 : i32 to vector<16xi32>
              %sign3A_239 = arith.cmpi slt, %get3A_229, %sign3A_238 : vector<16xi32>
              %sign3A_240 = arith.extui %sign3A_239 : vector<16xi1> to vector<16xi32>
              %sign3A_241 = arith.subi %sign3A_236, %sign3A_240 : vector<16xi32>
              %sign3A_242 = arith.constant 0 : i32
              %sign3A_243 = arith.cmpi sgt, %jit3A_230, %sign3A_242 : i32
              %sign3A_244 = arith.extui %sign3A_243 : i1 to i32
              %sign3A_245 = arith.constant 0 : i32
              %sign3A_246 = arith.cmpi slt, %jit3A_230, %sign3A_245 : i32
              %sign3A_247 = arith.extui %sign3A_246 : i1 to i32
              %sign3A_248 = arith.subi %sign3A_244, %sign3A_247 : i32
              %ne3A_249 = vector.broadcast %sign3A_248 : i32 to vector<16xi32>
              %ne3A_250 = arith.cmpi ne, %sign3A_241, %ne3A_249 : vector<16xi32>
              %rem3A_251 = vector.broadcast %jit3A_230 : i32 to vector<16xi32>
              %rem3A_252 = arith.remsi %get3A_229, %rem3A_251 : vector<16xi32>
              %ne3A_253 = arith.constant 0 : i32
              %ne3A_254 = vector.broadcast %ne3A_253 : i32 to vector<16xi32>
              %ne3A_255 = arith.cmpi ne, %rem3A_252, %ne3A_254 : vector<16xi32>
              %and3A_256 = arith.andi %ne3A_250, %ne3A_255 : vector<16xi1>
              %sub3A_257 = arith.constant 1 : i32
              %sub3A_258 = vector.broadcast %sub3A_257 : i32 to vector<16xi32>
              %sub3A_259 = arith.subi %div3A_232, %sub3A_258 : vector<16xi32>
              %select_n3A_260 = arith.select %and3A_256, %sub3A_259, %div3A_232 : vector<16xi1>, vector<16xi32>
              %mul3A_261 = arith.constant 16 : i32
              %mul3A_262 = arith.muli %scan3A_222, %mul3A_261 : i32
              %swap3A_263 = arith.constant 1 : i32
              %swap3A_264 = arith.index_cast %swap3A_263 : i32 to index
              %swap3A_265 = arith.index_cast %mul3A_262 : i32 to index
              %swap3A_266 = tpu.vector_load %arg8[%swap3A_264, %swap3A_265] {strides = array<i32>} : memref<2x128xi32, #tpu.memory_space<vmem>>, vector<16xi32>,
              tpu.vector_store %arg8[%swap3A_264, %swap3A_265], %select_n3A_260 {strides = array<i32>} : memref<2x128xi32, #tpu.memory_space<vmem>>, vector<16xi32>,
              %jit3A_267 = arith.constant 8192 : i32
              %eq3A = arith.constant 0 : i32
              %eq3A_268 = arith.cmpi eq, %jit3A_267, %eq3A : i32
              %jit3A_269 = arith.constant 1 : i32
              %select_n3A_270 = arith.select %eq3A_268, %jit3A_269, %jit3A_267 : i32
              %rem3A_271 = vector.broadcast %select_n3A_270 : i32 to vector<16xi32>
              %rem3A_272 = arith.remsi %get3A_229, %rem3A_271 : vector<16xi32>
              %ne3A_273 = arith.constant 0 : i32
              %ne3A_274 = vector.broadcast %ne3A_273 : i32 to vector<16xi32>
              %ne3A_275 = arith.cmpi ne, %rem3A_272, %ne3A_274 : vector<16xi32>
              %lt3A_276 = arith.constant 0 : i32
              %lt3A_277 = vector.broadcast %lt3A_276 : i32 to vector<16xi32>
              %lt3A_278 = arith.cmpi slt, %rem3A_272, %lt3A_277 : vector<16xi32>
              %lt3A_279 = arith.constant 0 : i32
              %lt3A_280 = arith.cmpi slt, %select_n3A_270, %lt3A_279 : i32
              %ne3A_281 = vector.broadcast %lt3A_280 : i1 to vector<16xi1>
              %ne3A_282 = vector.broadcast %ne3A_281 : vector<16xi1> to vector<16xi1>
              %ne3A_283 = arith.xori %lt3A_278, %ne3A_282 : vector<16xi1>
              %and3A_284 = arith.andi %ne3A_283, %ne3A_275 : vector<16xi1>
              %add3A_285 = vector.broadcast %select_n3A_270 : i32 to vector<16xi32>
              %add3A_286 = arith.addi %rem3A_272, %add3A_285 : vector<16xi32>
              %select_n3A_287 = arith.select %and3A_284, %add3A_286, %rem3A_272 : vector<16xi1>, vector<16xi32>
              %mul3A_288 = arith.constant 16 : i32
              %mul3A_289 = arith.muli %scan3A_222, %mul3A_288 : i32
              %swap3A_290 = arith.constant 1 : i32
              %swap3A_291 = arith.index_cast %swap3A_290 : i32 to index
              %swap3A_292 = arith.index_cast %mul3A_289 : i32 to index
              %swap3A_293 = tpu.vector_load %arg9[%swap3A_291, %swap3A_292] {strides = array<i32>} : memref<2x128xi32, #tpu.memory_space<vmem>>, vector<16xi32>,
              tpu.vector_store %arg9[%swap3A_291, %swap3A_292], %select_n3A_287 {strides = array<i32>} : memref<2x128xi32, #tpu.memory_space<vmem>>, vector<16xi32>,
              %scan3A_294 = arith.constant 0 : i32
              scf.yield %scan3A_294 : i32
            }
            %scan3A_210 = arith.constant 8 : i32
            %dma_start3A = arith.constant 1 : i32
            %dma_start3A_211 = arith.constant 1 : i32
            %dma_start3A_212 = arith.constant 0 : i32
            %dma_start3A_213 = arith.constant 0 : i32
            %dma_start3A_214 = tpu.memref_slice %arg10[%dma_start3A_211, %dma_start3A_212, %dma_start3A_213] : memref<2x128x128xf32, #tpu.memory_space<vmem>> -> memref<1x128x128xf32, #tpu.memory_space<vmem>>
            %dma_start3A_215 = tpu.memref_squeeze %dma_start3A_214 : memref<1x128x128xf32, #tpu.memory_space<vmem>> -> memref<128x128xf32, #tpu.memory_space<vmem>>
            %dma_start3A_216 = arith.constant 0 : i32
            %dma_start3A_217 = tpu.memref_slice %arg8[%dma_start3A, %dma_start3A_216] : memref<2x128xi32, #tpu.memory_space<vmem>> -> memref<1x128xi32, #tpu.memory_space<vmem>>
            %dma_start3A_218 = tpu.memref_squeeze %dma_start3A_217 : memref<1x128xi32, #tpu.memory_space<vmem>> -> memref<128xi32, #tpu.memory_space<vmem>>
            %dma_start3A_219 = arith.constant 0 : i32
            %dma_start3A_220 = arith.constant 0 : i32
            %dma_start3A_221 = tpu.memref_slice %arg2[%dma_start3A_219, %dma_start3A_220] : memref<40960x128xf32, #tpu.memory_space<hbm>> -> memref<40960x128xf32, #tpu.memory_space<hbm>>
            tpu.enqueue_indirect_dma source(%dma_start3A_221 : memref<40960x128xf32, #tpu.memory_space<hbm>>) target(%dma_start3A_215 : memref<128x128xf32, #tpu.memory_space<vmem>>) offsets(%dma_start3A_218 : memref<128xi32, #tpu.memory_space<vmem>>) semaphore(%arg14 : memref<!tpu.dma_semaphore, #tpu.memory_space<semaphore_mem>>)
          } else {
          }
          %while3A_201 = arith.constant 0 : i32
          scf.yield %while3A_201 : i32
        }
        %while3A_146 = arith.constant 1 : i32
        %while3A_147 = scf.for %while3A_160 = %while3A_143 to %while3A_139 step %while3A_146 iter_args(%while3A_161 = %while3A_145) -> (i32)  : i32 {
          %mul3A_162 = arith.constant 2 : i32
          %mul3A_163 = arith.muli %mul3A_162, %while3A_160 : i32
          %dma_wait3A = arith.constant 0 : i32
          %dma_wait3A_164 = arith.constant 0 : i32
          %dma_wait3A_165 = arith.constant 0 : i32
          %dma_wait3A_166 = arith.constant 0 : i32
          %dma_wait3A_167 = tpu.memref_slice %arg10[%dma_wait3A_164, %dma_wait3A_165, %dma_wait3A_166] : memref<2x128x128xf32, #tpu.memory_space<vmem>> -> memref<1x128x128xf32, #tpu.memory_space<vmem>>
          %dma_wait3A_168 = tpu.memref_squeeze %dma_wait3A_167 : memref<1x128x128xf32, #tpu.memory_space<vmem>> -> memref<128x128xf32, #tpu.memory_space<vmem>>
          %dma_wait3A_169 = arith.constant 0 : i32
          %dma_wait3A_170 = tpu.memref_slice %arg8[%dma_wait3A, %dma_wait3A_169] : memref<2x128xi32, #tpu.memory_space<vmem>> -> memref<1x128xi32, #tpu.memory_space<vmem>>
          %dma_wait3A_171 = tpu.memref_squeeze %dma_wait3A_170 : memref<1x128xi32, #tpu.memory_space<vmem>> -> memref<128xi32, #tpu.memory_space<vmem>>
          %dma_wait3A_172 = arith.constant 0 : i32
          %dma_wait3A_173 = arith.constant 0 : i32
          %dma_wait3A_174 = tpu.memref_slice %arg2[%dma_wait3A_172, %dma_wait3A_173] : memref<40960x128xf32, #tpu.memory_space<hbm>> -> memref<40960x128xf32, #tpu.memory_space<hbm>>
          tpu.wait_indirect_dma semaphore(%arg13 : memref<!tpu.dma_semaphore, #tpu.memory_space<semaphore_mem>>) src(%dma_wait3A_174 : memref<40960x128xf32, #tpu.memory_space<hbm>>) dst(%dma_wait3A_168 : memref<128x128xf32, #tpu.memory_space<vmem>>)
          %run_scoped3A = arith.constant 0 : i32
          %run_scoped3A_175 = arith.constant 0 : i32
          "tpu.region"() ({
            %run_scoped3A_202 = tpu.sem_alloc : memref<!tpu.dma_semaphore, #tpu.memory_space<semaphore_mem>>
            %dma_start3A = arith.constant 0 : i32
            %dma_start3A_203 = arith.constant 0 : i32
            %dma_start3A_204 = tpu.memref_slice %arg10[%run_scoped3A, %dma_start3A, %dma_start3A_203] : memref<2x128x128xf32, #tpu.memory_space<vmem>> -> memref<1x128x128xf32, #tpu.memory_space<vmem>>
            %dma_start3A_205 = tpu.memref_squeeze %dma_start3A_204 : memref<1x128x128xf32, #tpu.memory_space<vmem>> -> memref<128x128xf32, #tpu.memory_space<vmem>>
            %dma_start3A_206 = arith.constant 0 : i32
            %dma_start3A_207 = tpu.memref_slice %arg9[%run_scoped3A_175, %dma_start3A_206] : memref<2x128xi32, #tpu.memory_space<vmem>> -> memref<1x128xi32, #tpu.memory_space<vmem>>
            %dma_start3A_208 = tpu.memref_squeeze %dma_start3A_207 : memref<1x128xi32, #tpu.memory_space<vmem>> -> memref<128xi32, #tpu.memory_space<vmem>>
            %dma_start3A_209 = arith.constant 0 : i32
            %dma_start3A_210 = arith.constant 0 : i32
            %dma_start3A_211 = tpu.memref_slice %arg12[%dma_start3A_209, %dma_start3A_210] : memref<5120x128xf32, #tpu.memory_space<vmem_shared>> -> memref<5120x128xf32, #tpu.memory_space<vmem_shared>>
            tpu.enqueue_indirect_dma source(%dma_start3A_205 : memref<128x128xf32, #tpu.memory_space<vmem>>) target(%dma_start3A_211 : memref<5120x128xf32, #tpu.memory_space<vmem_shared>>) offsets(%dma_start3A_208 : memref<128xi32, #tpu.memory_space<vmem>>) semaphore(%run_scoped3A_202 : memref<!tpu.dma_semaphore, #tpu.memory_space<semaphore_mem>>) {add = true}
            %dma_wait3A_212 = arith.constant 0 : i32
            %dma_wait3A_213 = arith.constant 0 : i32
            %dma_wait3A_214 = tpu.memref_slice %arg10[%run_scoped3A, %dma_wait3A_212, %dma_wait3A_213] : memref<2x128x128xf32, #tpu.memory_space<vmem>> -> memref<1x128x128xf32, #tpu.memory_space<vmem>>
            %dma_wait3A_215 = tpu.memref_squeeze %dma_wait3A_214 : memref<1x128x128xf32, #tpu.memory_space<vmem>> -> memref<128x128xf32, #tpu.memory_space<vmem>>
            %dma_wait3A_216 = arith.constant 0 : i32
            %dma_wait3A_217 = tpu.memref_slice %arg9[%run_scoped3A_175, %dma_wait3A_216] : memref<2x128xi32, #tpu.memory_space<vmem>> -> memref<1x128xi32, #tpu.memory_space<vmem>>
            %dma_wait3A_218 = tpu.memref_squeeze %dma_wait3A_217 : memref<1x128xi32, #tpu.memory_space<vmem>> -> memref<128xi32, #tpu.memory_space<vmem>>
            %dma_wait3A_219 = arith.constant 0 : i32
            %dma_wait3A_220 = arith.constant 0 : i32
            %dma_wait3A_221 = tpu.memref_slice %arg12[%dma_wait3A_219, %dma_wait3A_220] : memref<5120x128xf32, #tpu.memory_space<vmem_shared>> -> memref<5120x128xf32, #tpu.memory_space<vmem_shared>>
            tpu.wait_indirect_dma semaphore(%run_scoped3A_202 : memref<!tpu.dma_semaphore, #tpu.memory_space<semaphore_mem>>) src(%dma_wait3A_215 : memref<128x128xf32, #tpu.memory_space<vmem>>) dst(%dma_wait3A_221 : memref<5120x128xf32, #tpu.memory_space<vmem_shared>>)
            tpu.yield
          }) : () -> ()
          %add3A_176 = arith.constant 2 : i32
          %add3A_177 = arith.addi %mul3A_163, %add3A_176 : i32
          %lt3A = arith.cmpi slt, %add3A_177, %mul3A_109 : i32
          %convert_element_type3A_178 = arith.extui %lt3A : i1 to i32
          %cond3A_179 = arith.constant 0 : i32
          %cond3A_180 = arith.cmpi ne, %convert_element_type3A_178, %cond3A_179 : i32
          scf.if %cond3A_180 {
            %add3A_202 = arith.constant 2 : i32
            %add3A_203 = arith.addi %mul3A_163, %add3A_202 : i32
            %scan3A_204 = arith.constant 0 : i32
            %scan3A_205 = arith.constant 0 : i32
            %scan3A_206 = arith.constant 8 : i32
            %scan3A_207 = arith.addi %scan3A_205, %scan3A_206 : i32
            %scan3A_208 = arith.constant 1 : i32
            %scan3A_209 = scf.for %scan3A_222 = %scan3A_205 to %scan3A_207 step %scan3A_208 iter_args(%scan3A_223 = %scan3A_204) -> (i32)  : i32 {
              %mul3A_224 = arith.constant 128 : i32
              %mul3A_225 = arith.muli %add3A_203, %mul3A_224 : i32
              %mul3A_226 = arith.constant 16 : i32
              %mul3A_227 = arith.muli %scan3A_222, %mul3A_226 : i32
              %add3A_228 = arith.addi %mul3A_225, %mul3A_227 : i32
              %get3A = arith.index_cast %add3A_228 : i32 to index
              %get3A_229 = tpu.vector_load %arg7[%get3A] {strides = array<i32>} : memref<20480xi32, #tpu.memory_space<vmem>>, vector<16xi32>,
              %jit3A_230 = arith.constant 8192 : i32
              %div3A_231 = vector.broadcast %jit3A_230 : i32 to vector<16xi32>
              %div3A_232 = arith.divsi %get3A_229, %div3A_231 : vector<16xi32>
              %sign3A_233 = arith.constant 0 : i32
              %sign3A_234 = vector.broadcast %sign3A_233 : i32 to vector<16xi32>
              %sign3A_235 = arith.cmpi sgt, %get3A_229, %sign3A_234 : vector<16xi32>
              %sign3A_236 = arith.extui %sign3A_235 : vector<16xi1> to vector<16xi32>
              %sign3A_237 = arith.constant 0 : i32
              %sign3A_238 = vector.broadcast %sign3A_237 : i32 to vector<16xi32>
              %sign3A_239 = arith.cmpi slt, %get3A_229, %sign3A_238 : vector<16xi32>
              %sign3A_240 = arith.extui %sign3A_239 : vector<16xi1> to vector<16xi32>
              %sign3A_241 = arith.subi %sign3A_236, %sign3A_240 : vector<16xi32>
              %sign3A_242 = arith.constant 0 : i32
              %sign3A_243 = arith.cmpi sgt, %jit3A_230, %sign3A_242 : i32
              %sign3A_244 = arith.extui %sign3A_243 : i1 to i32
              %sign3A_245 = arith.constant 0 : i32
              %sign3A_246 = arith.cmpi slt, %jit3A_230, %sign3A_245 : i32
              %sign3A_247 = arith.extui %sign3A_246 : i1 to i32
              %sign3A_248 = arith.subi %sign3A_244, %sign3A_247 : i32
              %ne3A_249 = vector.broadcast %sign3A_248 : i32 to vector<16xi32>
              %ne3A_250 = arith.cmpi ne, %sign3A_241, %ne3A_249 : vector<16xi32>
              %rem3A_251 = vector.broadcast %jit3A_230 : i32 to vector<16xi32>
              %rem3A_252 = arith.remsi %get3A_229, %rem3A_251 : vector<16xi32>
              %ne3A_253 = arith.constant 0 : i32
              %ne3A_254 = vector.broadcast %ne3A_253 : i32 to vector<16xi32>
              %ne3A_255 = arith.cmpi ne, %rem3A_252, %ne3A_254 : vector<16xi32>
              %and3A_256 = arith.andi %ne3A_250, %ne3A_255 : vector<16xi1>
              %sub3A_257 = arith.constant 1 : i32
              %sub3A_258 = vector.broadcast %sub3A_257 : i32 to vector<16xi32>
              %sub3A_259 = arith.subi %div3A_232, %sub3A_258 : vector<16xi32>
              %select_n3A_260 = arith.select %and3A_256, %sub3A_259, %div3A_232 : vector<16xi1>, vector<16xi32>
              %mul3A_261 = arith.constant 16 : i32
              %mul3A_262 = arith.muli %scan3A_222, %mul3A_261 : i32
              %swap3A_263 = arith.constant 0 : i32
              %swap3A_264 = arith.index_cast %swap3A_263 : i32 to index
              %swap3A_265 = arith.index_cast %mul3A_262 : i32 to index
              %swap3A_266 = tpu.vector_load %arg8[%swap3A_264, %swap3A_265] {strides = array<i32>} : memref<2x128xi32, #tpu.memory_space<vmem>>, vector<16xi32>,
              tpu.vector_store %arg8[%swap3A_264, %swap3A_265], %select_n3A_260 {strides = array<i32>} : memref<2x128xi32, #tpu.memory_space<vmem>>, vector<16xi32>,
              %jit3A_267 = arith.constant 8192 : i32
              %eq3A = arith.constant 0 : i32
              %eq3A_268 = arith.cmpi eq, %jit3A_267, %eq3A : i32
              %jit3A_269 = arith.constant 1 : i32
              %select_n3A_270 = arith.select %eq3A_268, %jit3A_269, %jit3A_267 : i32
              %rem3A_271 = vector.broadcast %select_n3A_270 : i32 to vector<16xi32>
              %rem3A_272 = arith.remsi %get3A_229, %rem3A_271 : vector<16xi32>
              %ne3A_273 = arith.constant 0 : i32
              %ne3A_274 = vector.broadcast %ne3A_273 : i32 to vector<16xi32>
              %ne3A_275 = arith.cmpi ne, %rem3A_272, %ne3A_274 : vector<16xi32>
              %lt3A_276 = arith.constant 0 : i32
              %lt3A_277 = vector.broadcast %lt3A_276 : i32 to vector<16xi32>
              %lt3A_278 = arith.cmpi slt, %rem3A_272, %lt3A_277 : vector<16xi32>
              %lt3A_279 = arith.constant 0 : i32
              %lt3A_280 = arith.cmpi slt, %select_n3A_270, %lt3A_279 : i32
              %ne3A_281 = vector.broadcast %lt3A_280 : i1 to vector<16xi1>
              %ne3A_282 = vector.broadcast %ne3A_281 : vector<16xi1> to vector<16xi1>
              %ne3A_283 = arith.xori %lt3A_278, %ne3A_282 : vector<16xi1>
              %and3A_284 = arith.andi %ne3A_283, %ne3A_275 : vector<16xi1>
              %add3A_285 = vector.broadcast %select_n3A_270 : i32 to vector<16xi32>
              %add3A_286 = arith.addi %rem3A_272, %add3A_285 : vector<16xi32>
              %select_n3A_287 = arith.select %and3A_284, %add3A_286, %rem3A_272 : vector<16xi1>, vector<16xi32>
              %mul3A_288 = arith.constant 16 : i32
              %mul3A_289 = arith.muli %scan3A_222, %mul3A_288 : i32
              %swap3A_290 = arith.constant 0 : i32
              %swap3A_291 = arith.index_cast %swap3A_290 : i32 to index
              %swap3A_292 = arith.index_cast %mul3A_289 : i32 to index
              %swap3A_293 = tpu.vector_load %arg9[%swap3A_291, %swap3A_292] {strides = array<i32>} : memref<2x128xi32, #tpu.memory_space<vmem>>, vector<16xi32>,
              tpu.vector_store %arg9[%swap3A_291, %swap3A_292], %select_n3A_287 {strides = array<i32>} : memref<2x128xi32, #tpu.memory_space<vmem>>, vector<16xi32>,
              %scan3A_294 = arith.constant 0 : i32
              scf.yield %scan3A_294 : i32
            }
            %scan3A_210 = arith.constant 8 : i32
            %dma_start3A = arith.constant 0 : i32
            %dma_start3A_211 = arith.constant 0 : i32
            %dma_start3A_212 = arith.constant 0 : i32
            %dma_start3A_213 = arith.constant 0 : i32
            %dma_start3A_214 = tpu.memref_slice %arg10[%dma_start3A_211, %dma_start3A_212, %dma_start3A_213] : memref<2x128x128xf32, #tpu.memory_space<vmem>> -> memref<1x128x128xf32, #tpu.memory_space<vmem>>
            %dma_start3A_215 = tpu.memref_squeeze %dma_start3A_214 : memref<1x128x128xf32, #tpu.memory_space<vmem>> -> memref<128x128xf32, #tpu.memory_space<vmem>>
            %dma_start3A_216 = arith.constant 0 : i32
            %dma_start3A_217 = tpu.memref_slice %arg8[%dma_start3A, %dma_start3A_216] : memref<2x128xi32, #tpu.memory_space<vmem>> -> memref<1x128xi32, #tpu.memory_space<vmem>>
            %dma_start3A_218 = tpu.memref_squeeze %dma_start3A_217 : memref<1x128xi32, #tpu.memory_space<vmem>> -> memref<128xi32, #tpu.memory_space<vmem>>
            %dma_start3A_219 = arith.constant 0 : i32
            %dma_start3A_220 = arith.constant 0 : i32
            %dma_start3A_221 = tpu.memref_slice %arg2[%dma_start3A_219, %dma_start3A_220] : memref<40960x128xf32, #tpu.memory_space<hbm>> -> memref<40960x128xf32, #tpu.memory_space<hbm>>
            tpu.enqueue_indirect_dma source(%dma_start3A_221 : memref<40960x128xf32, #tpu.memory_space<hbm>>) target(%dma_start3A_215 : memref<128x128xf32, #tpu.memory_space<vmem>>) offsets(%dma_start3A_218 : memref<128xi32, #tpu.memory_space<vmem>>) semaphore(%arg13 : memref<!tpu.dma_semaphore, #tpu.memory_space<semaphore_mem>>)
          } else {
          }
          %dma_wait3A_181 = arith.constant 1 : i32
          %dma_wait3A_182 = arith.constant 1 : i32
          %dma_wait3A_183 = arith.constant 0 : i32
          %dma_wait3A_184 = arith.constant 0 : i32
          %dma_wait3A_185 = tpu.memref_slice %arg10[%dma_wait3A_182, %dma_wait3A_183, %dma_wait3A_184] : memref<2x128x128xf32, #tpu.memory_space<vmem>> -> memref<1x128x128xf32, #tpu.memory_space<vmem>>
          %dma_wait3A_186 = tpu.memref_squeeze %dma_wait3A_185 : memref<1x128x128xf32, #tpu.memory_space<vmem>> -> memref<128x128xf32, #tpu.memory_space<vmem>>
          %dma_wait3A_187 = arith.constant 0 : i32
          %dma_wait3A_188 = tpu.memref_slice %arg8[%dma_wait3A_181, %dma_wait3A_187] : memref<2x128xi32, #tpu.memory_space<vmem>> -> memref<1x128xi32, #tpu.memory_space<vmem>>
          %dma_wait3A_189 = tpu.memref_squeeze %dma_wait3A_188 : memref<1x128xi32, #tpu.memory_space<vmem>> -> memref<128xi32, #tpu.memory_space<vmem>>
          %dma_wait3A_190 = arith.constant 0 : i32
          %dma_wait3A_191 = arith.constant 0 : i32
          %dma_wait3A_192 = tpu.memref_slice %arg2[%dma_wait3A_190, %dma_wait3A_191] : memref<40960x128xf32, #tpu.memory_space<hbm>> -> memref<40960x128xf32, #tpu.memory_space<hbm>>
          tpu.wait_indirect_dma semaphore(%arg14 : memref<!tpu.dma_semaphore, #tpu.memory_space<semaphore_mem>>) src(%dma_wait3A_192 : memref<40960x128xf32, #tpu.memory_space<hbm>>) dst(%dma_wait3A_186 : memref<128x128xf32, #tpu.memory_space<vmem>>)
          %run_scoped3A_193 = arith.constant 1 : i32
          %run_scoped3A_194 = arith.constant 1 : i32
          "tpu.region"() ({
            %run_scoped3A_202 = tpu.sem_alloc : memref<!tpu.dma_semaphore, #tpu.memory_space<semaphore_mem>>
            %dma_start3A = arith.constant 0 : i32
            %dma_start3A_203 = arith.constant 0 : i32
            %dma_start3A_204 = tpu.memref_slice %arg10[%run_scoped3A_193, %dma_start3A, %dma_start3A_203] : memref<2x128x128xf32, #tpu.memory_space<vmem>> -> memref<1x128x128xf32, #tpu.memory_space<vmem>>
            %dma_start3A_205 = tpu.memref_squeeze %dma_start3A_204 : memref<1x128x128xf32, #tpu.memory_space<vmem>> -> memref<128x128xf32, #tpu.memory_space<vmem>>
            %dma_start3A_206 = arith.constant 0 : i32
            %dma_start3A_207 = tpu.memref_slice %arg9[%run_scoped3A_194, %dma_start3A_206] : memref<2x128xi32, #tpu.memory_space<vmem>> -> memref<1x128xi32, #tpu.memory_space<vmem>>
            %dma_start3A_208 = tpu.memref_squeeze %dma_start3A_207 : memref<1x128xi32, #tpu.memory_space<vmem>> -> memref<128xi32, #tpu.memory_space<vmem>>
            %dma_start3A_209 = arith.constant 0 : i32
            %dma_start3A_210 = arith.constant 0 : i32
            %dma_start3A_211 = tpu.memref_slice %arg12[%dma_start3A_209, %dma_start3A_210] : memref<5120x128xf32, #tpu.memory_space<vmem_shared>> -> memref<5120x128xf32, #tpu.memory_space<vmem_shared>>
            tpu.enqueue_indirect_dma source(%dma_start3A_205 : memref<128x128xf32, #tpu.memory_space<vmem>>) target(%dma_start3A_211 : memref<5120x128xf32, #tpu.memory_space<vmem_shared>>) offsets(%dma_start3A_208 : memref<128xi32, #tpu.memory_space<vmem>>) semaphore(%run_scoped3A_202 : memref<!tpu.dma_semaphore, #tpu.memory_space<semaphore_mem>>) {add = true}
            %dma_wait3A_212 = arith.constant 0 : i32
            %dma_wait3A_213 = arith.constant 0 : i32
            %dma_wait3A_214 = tpu.memref_slice %arg10[%run_scoped3A_193, %dma_wait3A_212, %dma_wait3A_213] : memref<2x128x128xf32, #tpu.memory_space<vmem>> -> memref<1x128x128xf32, #tpu.memory_space<vmem>>
            %dma_wait3A_215 = tpu.memref_squeeze %dma_wait3A_214 : memref<1x128x128xf32, #tpu.memory_space<vmem>> -> memref<128x128xf32, #tpu.memory_space<vmem>>
            %dma_wait3A_216 = arith.constant 0 : i32
            %dma_wait3A_217 = tpu.memref_slice %arg9[%run_scoped3A_194, %dma_wait3A_216] : memref<2x128xi32, #tpu.memory_space<vmem>> -> memref<1x128xi32, #tpu.memory_space<vmem>>
            %dma_wait3A_218 = tpu.memref_squeeze %dma_wait3A_217 : memref<1x128xi32, #tpu.memory_space<vmem>> -> memref<128xi32, #tpu.memory_space<vmem>>
            %dma_wait3A_219 = arith.constant 0 : i32
            %dma_wait3A_220 = arith.constant 0 : i32
            %dma_wait3A_221 = tpu.memref_slice %arg12[%dma_wait3A_219, %dma_wait3A_220] : memref<5120x128xf32, #tpu.memory_space<vmem_shared>> -> memref<5120x128xf32, #tpu.memory_space<vmem_shared>>
            tpu.wait_indirect_dma semaphore(%run_scoped3A_202 : memref<!tpu.dma_semaphore, #tpu.memory_space<semaphore_mem>>) src(%dma_wait3A_215 : memref<128x128xf32, #tpu.memory_space<vmem>>) dst(%dma_wait3A_221 : memref<5120x128xf32, #tpu.memory_space<vmem_shared>>)
            tpu.yield
          }) : () -> ()
          %add3A_195 = arith.constant 3 : i32
          %add3A_196 = arith.addi %mul3A_163, %add3A_195 : i32
          %lt3A_197 = arith.cmpi slt, %add3A_196, %mul3A_109 : i32
          %convert_element_type3A_198 = arith.extui %lt3A_197 : i1 to i32
          %cond3A_199 = arith.constant 0 : i32
          %cond3A_200 = arith.cmpi ne, %convert_element_type3A_198, %cond3A_199 : i32
          scf.if %cond3A_200 {
            %add3A_202 = arith.constant 3 : i32
            %add3A_203 = arith.addi %mul3A_163, %add3A_202 : i32
            %scan3A_204 = arith.constant 0 : i32
            %scan3A_205 = arith.constant 0 : i32
            %scan3A_206 = arith.constant 8 : i32
            %scan3A_207 = arith.addi %scan3A_205, %scan3A_206 : i32
            %scan3A_208 = arith.constant 1 : i32
            %scan3A_209 = scf.for %scan3A_222 = %scan3A_205 to %scan3A_207 step %scan3A_208 iter_args(%scan3A_223 = %scan3A_204) -> (i32)  : i32 {
              %mul3A_224 = arith.constant 128 : i32
              %mul3A_225 = arith.muli %add3A_203, %mul3A_224 : i32
              %mul3A_226 = arith.constant 16 : i32
              %mul3A_227 = arith.muli %scan3A_222, %mul3A_226 : i32
              %add3A_228 = arith.addi %mul3A_225, %mul3A_227 : i32
              %get3A = arith.index_cast %add3A_228 : i32 to index
              %get3A_229 = tpu.vector_load %arg7[%get3A] {strides = array<i32>} : memref<20480xi32, #tpu.memory_space<vmem>>, vector<16xi32>,
              %jit3A_230 = arith.constant 8192 : i32
              %div3A_231 = vector.broadcast %jit3A_230 : i32 to vector<16xi32>
              %div3A_232 = arith.divsi %get3A_229, %div3A_231 : vector<16xi32>
              %sign3A_233 = arith.constant 0 : i32
              %sign3A_234 = vector.broadcast %sign3A_233 : i32 to vector<16xi32>
              %sign3A_235 = arith.cmpi sgt, %get3A_229, %sign3A_234 : vector<16xi32>
              %sign3A_236 = arith.extui %sign3A_235 : vector<16xi1> to vector<16xi32>
              %sign3A_237 = arith.constant 0 : i32
              %sign3A_238 = vector.broadcast %sign3A_237 : i32 to vector<16xi32>
              %sign3A_239 = arith.cmpi slt, %get3A_229, %sign3A_238 : vector<16xi32>
              %sign3A_240 = arith.extui %sign3A_239 : vector<16xi1> to vector<16xi32>
              %sign3A_241 = arith.subi %sign3A_236, %sign3A_240 : vector<16xi32>
              %sign3A_242 = arith.constant 0 : i32
              %sign3A_243 = arith.cmpi sgt, %jit3A_230, %sign3A_242 : i32
              %sign3A_244 = arith.extui %sign3A_243 : i1 to i32
              %sign3A_245 = arith.constant 0 : i32
              %sign3A_246 = arith.cmpi slt, %jit3A_230, %sign3A_245 : i32
              %sign3A_247 = arith.extui %sign3A_246 : i1 to i32
              %sign3A_248 = arith.subi %sign3A_244, %sign3A_247 : i32
              %ne3A_249 = vector.broadcast %sign3A_248 : i32 to vector<16xi32>
              %ne3A_250 = arith.cmpi ne, %sign3A_241, %ne3A_249 : vector<16xi32>
              %rem3A_251 = vector.broadcast %jit3A_230 : i32 to vector<16xi32>
              %rem3A_252 = arith.remsi %get3A_229, %rem3A_251 : vector<16xi32>
              %ne3A_253 = arith.constant 0 : i32
              %ne3A_254 = vector.broadcast %ne3A_253 : i32 to vector<16xi32>
              %ne3A_255 = arith.cmpi ne, %rem3A_252, %ne3A_254 : vector<16xi32>
              %and3A_256 = arith.andi %ne3A_250, %ne3A_255 : vector<16xi1>
              %sub3A_257 = arith.constant 1 : i32
              %sub3A_258 = vector.broadcast %sub3A_257 : i32 to vector<16xi32>
              %sub3A_259 = arith.subi %div3A_232, %sub3A_258 : vector<16xi32>
              %select_n3A_260 = arith.select %and3A_256, %sub3A_259, %div3A_232 : vector<16xi1>, vector<16xi32>
              %mul3A_261 = arith.constant 16 : i32
              %mul3A_262 = arith.muli %scan3A_222, %mul3A_261 : i32
              %swap3A_263 = arith.constant 1 : i32
              %swap3A_264 = arith.index_cast %swap3A_263 : i32 to index
              %swap3A_265 = arith.index_cast %mul3A_262 : i32 to index
              %swap3A_266 = tpu.vector_load %arg8[%swap3A_264, %swap3A_265] {strides = array<i32>} : memref<2x128xi32, #tpu.memory_space<vmem>>, vector<16xi32>,
              tpu.vector_store %arg8[%swap3A_264, %swap3A_265], %select_n3A_260 {strides = array<i32>} : memref<2x128xi32, #tpu.memory_space<vmem>>, vector<16xi32>,
              %jit3A_267 = arith.constant 8192 : i32
              %eq3A = arith.constant 0 : i32
              %eq3A_268 = arith.cmpi eq, %jit3A_267, %eq3A : i32
              %jit3A_269 = arith.constant 1 : i32
              %select_n3A_270 = arith.select %eq3A_268, %jit3A_269, %jit3A_267 : i32
              %rem3A_271 = vector.broadcast %select_n3A_270 : i32 to vector<16xi32>
              %rem3A_272 = arith.remsi %get3A_229, %rem3A_271 : vector<16xi32>
              %ne3A_273 = arith.constant 0 : i32
              %ne3A_274 = vector.broadcast %ne3A_273 : i32 to vector<16xi32>
              %ne3A_275 = arith.cmpi ne, %rem3A_272, %ne3A_274 : vector<16xi32>
              %lt3A_276 = arith.constant 0 : i32
              %lt3A_277 = vector.broadcast %lt3A_276 : i32 to vector<16xi32>
              %lt3A_278 = arith.cmpi slt, %rem3A_272, %lt3A_277 : vector<16xi32>
              %lt3A_279 = arith.constant 0 : i32
              %lt3A_280 = arith.cmpi slt, %select_n3A_270, %lt3A_279 : i32
              %ne3A_281 = vector.broadcast %lt3A_280 : i1 to vector<16xi1>
              %ne3A_282 = vector.broadcast %ne3A_281 : vector<16xi1> to vector<16xi1>
              %ne3A_283 = arith.xori %lt3A_278, %ne3A_282 : vector<16xi1>
              %and3A_284 = arith.andi %ne3A_283, %ne3A_275 : vector<16xi1>
              %add3A_285 = vector.broadcast %select_n3A_270 : i32 to vector<16xi32>
              %add3A_286 = arith.addi %rem3A_272, %add3A_285 : vector<16xi32>
              %select_n3A_287 = arith.select %and3A_284, %add3A_286, %rem3A_272 : vector<16xi1>, vector<16xi32>
              %mul3A_288 = arith.constant 16 : i32
              %mul3A_289 = arith.muli %scan3A_222, %mul3A_288 : i32
              %swap3A_290 = arith.constant 1 : i32
              %swap3A_291 = arith.index_cast %swap3A_290 : i32 to index
              %swap3A_292 = arith.index_cast %mul3A_289 : i32 to index
              %swap3A_293 = tpu.vector_load %arg9[%swap3A_291, %swap3A_292] {strides = array<i32>} : memref<2x128xi32, #tpu.memory_space<vmem>>, vector<16xi32>,
              tpu.vector_store %arg9[%swap3A_291, %swap3A_292], %select_n3A_287 {strides = array<i32>} : memref<2x128xi32, #tpu.memory_space<vmem>>, vector<16xi32>,
              %scan3A_294 = arith.constant 0 : i32
              scf.yield %scan3A_294 : i32
            }
            %scan3A_210 = arith.constant 8 : i32
            %dma_start3A = arith.constant 1 : i32
            %dma_start3A_211 = arith.constant 1 : i32
            %dma_start3A_212 = arith.constant 0 : i32
            %dma_start3A_213 = arith.constant 0 : i32
            %dma_start3A_214 = tpu.memref_slice %arg10[%dma_start3A_211, %dma_start3A_212, %dma_start3A_213] : memref<2x128x128xf32, #tpu.memory_space<vmem>> -> memref<1x128x128xf32, #tpu.memory_space<vmem>>
            %dma_start3A_215 = tpu.memref_squeeze %dma_start3A_214 : memref<1x128x128xf32, #tpu.memory_space<vmem>> -> memref<128x128xf32, #tpu.memory_space<vmem>>
            %dma_start3A_216 = arith.constant 0 : i32
            %dma_start3A_217 = tpu.memref_slice %arg8[%dma_start3A, %dma_start3A_216] : memref<2x128xi32, #tpu.memory_space<vmem>> -> memref<1x128xi32, #tpu.memory_space<vmem>>
            %dma_start3A_218 = tpu.memref_squeeze %dma_start3A_217 : memref<1x128xi32, #tpu.memory_space<vmem>> -> memref<128xi32, #tpu.memory_space<vmem>>
            %dma_start3A_219 = arith.constant 0 : i32
            %dma_start3A_220 = arith.constant 0 : i32
            %dma_start3A_221 = tpu.memref_slice %arg2[%dma_start3A_219, %dma_start3A_220] : memref<40960x128xf32, #tpu.memory_space<hbm>> -> memref<40960x128xf32, #tpu.memory_space<hbm>>
            tpu.enqueue_indirect_dma source(%dma_start3A_221 : memref<40960x128xf32, #tpu.memory_space<hbm>>) target(%dma_start3A_215 : memref<128x128xf32, #tpu.memory_space<vmem>>) offsets(%dma_start3A_218 : memref<128xi32, #tpu.memory_space<vmem>>) semaphore(%arg14 : memref<!tpu.dma_semaphore, #tpu.memory_space<semaphore_mem>>)
          } else {
          }
          %while3A_201 = arith.constant 0 : i32
          scf.yield %while3A_201 : i32
        }
        %barrier3A_148 = arith.constant 0 : index
        tpu.barrier barrier_id(%barrier3A_148)
        %mul3A_149 = arith.constant 320 : i32
        %mul3A_150 = arith.muli %arg1, %mul3A_149 : i32
        %add3A_151 = arith.addi %mul3A_56, %mul3A_150 : i32
        %add3A_152 = arith.constant 320 : i32
        %add3A_153 = arith.addi %add3A_151, %add3A_152 : i32
        %le3A = arith.constant 10240 : i32
        %le3A_154 = arith.cmpi sle, %add3A_153, %le3A : i32
        %convert_element_type3A_155 = arith.extui %le3A_154 : i1 to i32
        %cond3A_156 = arith.constant 0 : i32
        %cond3A_157 = arith.cmpi ne, %convert_element_type3A_155, %cond3A_156 : i32
        scf.if %cond3A_157 {
          %mul3A_160 = arith.constant 320 : i32
          %mul3A_161 = arith.muli %arg1, %mul3A_160 : i32
          %mul3A_162 = arith.constant 10240 : i32
          %mul3A_163 = arith.muli %add3A, %mul3A_162 : i32
          %add3A_164 = arith.addi %mul3A_163, %add3A_151 : i32
          "tpu.region"() ({
            %run_scoped3A = tpu.sem_alloc : memref<!tpu.dma_semaphore, #tpu.memory_space<semaphore_mem>>
            %dma_start3A = arith.constant 0 : i32
            %dma_start3A_165 = tpu.memref_slice %arg4[%add3A_164, %dma_start3A] : memref<40960x128xf32, #tpu.memory_space<hbm>> -> memref<320x128xf32, #tpu.memory_space<hbm>>
            %dma_start3A_166 = arith.constant 0 : i32
            %dma_start3A_167 = tpu.memref_slice %arg12[%mul3A_161, %dma_start3A_166] : memref<5120x128xf32, #tpu.memory_space<vmem_shared>> -> memref<320x128xf32, #tpu.memory_space<vmem_shared>>
            tpu.enqueue_dma source(%dma_start3A_167 : memref<320x128xf32, #tpu.memory_space<vmem_shared>>) target(%dma_start3A_165 : memref<320x128xf32, #tpu.memory_space<hbm>>) target_semaphore(%run_scoped3A : memref<!tpu.dma_semaphore, #tpu.memory_space<semaphore_mem>>)
            %dma_wait3A = arith.constant 0 : i32
            %dma_wait3A_168 = tpu.memref_slice %arg4[%add3A_164, %dma_wait3A] : memref<40960x128xf32, #tpu.memory_space<hbm>> -> memref<320x128xf32, #tpu.memory_space<hbm>>
            %dma_wait3A_169 = arith.constant 0 : i32
            %dma_wait3A_170 = tpu.memref_slice %arg12[%mul3A_161, %dma_wait3A_169] : memref<5120x128xf32, #tpu.memory_space<vmem_shared>> -> memref<320x128xf32, #tpu.memory_space<vmem_shared>>
            tpu.wait_dma2 semaphore(%run_scoped3A : memref<!tpu.dma_semaphore, #tpu.memory_space<semaphore_mem>>) src(%dma_wait3A_170 : memref<320x128xf32, #tpu.memory_space<vmem_shared>>) dst(%dma_wait3A_168 : memref<320x128xf32, #tpu.memory_space<hbm>>)
            tpu.yield
          }) : () -> ()
        } else {
        }
        %barrier3A_158 = arith.constant 0 : index
        tpu.barrier barrier_id(%barrier3A_158)
        %scan3A_159 = arith.constant 0 : i32
        scf.yield %scan3A_159 : i32
      }
      %scan3A_51 = arith.constant 2 : i32
      %scan3A_52 = arith.constant 0 : i32
      scf.yield %scan3A_52 : i32
    }
    %scan3A_13 = arith.constant 2 : i32
    return
  }
}

module attributes {stable_mosaic.version = 14 : i64} {
  func.func @_tc1_body(%arg0: i32, %arg1: i32, %arg2: memref<32x1x16x128xf32, #tpu.memory_space<vmem>>, %arg3: memref<16x128x128xf32, #tpu.memory_space<vmem>>, %arg4: memref<1x128x128xf32, #tpu.memory_space<vmem>>, %arg5: memref<1x16x128xf32, #tpu.memory_space<vmem>>, %arg6: memref<1x16x128x128xf32, #tpu.memory_space<vmem>>) attributes {dimension_semantics = [#tpu.dimension_semantics<arbitrary>, #tpu.dimension_semantics<arbitrary>], iteration_bounds = array<i64: 4, 5>, scalar_prefetch = 0 : i64, scratch_operands = 0 : i64, tpu.core_type = #tpu.core_type<tc>, window_params = [{transform_indices = @transform_0, window_bounds = array<i64: 32, 1, 16, 128>}, {transform_indices = @transform_1, window_bounds = array<i64: 16, 128, 128>}, {transform_indices = @transform_2, window_bounds = array<i64: 1, 128, 128>}, {transform_indices = @transform_3, window_bounds = array<i64: 1, 16, 128>}, {transform_indices = @transform_4, window_bounds = array<i64: 1, 16, 128, 128>}]} {
    %get3A = arith.constant 0 : index
    %get3A_0 = arith.constant 0 : index
    %get3A_1 = arith.constant 0 : index
    %get3A_2 = arith.constant 0 : index
    %get3A_3 = vector.load %arg2[%get3A, %get3A_0, %get3A_1, %get3A_2] : memref<32x1x16x128xf32, #tpu.memory_space<vmem>>, vector<32x1x16x128xf32>
    %get3A_4 = vector.shape_cast %get3A_3 : vector<32x1x16x128xf32> to vector<32x16x128xf32>
    %reduce_sum3A = arith.constant dense<0.000000e+00> : vector<16x128xf32>
    %reduce_sum3A_5 = vector.multi_reduction <add>, %get3A_4, %reduce_sum3A [0] : vector<32x16x128xf32> to vector<16x128xf32>
    %add3A = arith.constant 1.000000e+00 : f32
    %add3A_6 = vector.broadcast %add3A : f32 to vector<16x128xf32>
    %add3A_7 = arith.addf %reduce_sum3A_5, %add3A_6 : vector<16x128xf32>
    %rsqrt3A = math.rsqrt %add3A_7 : vector<16x128xf32>
    %swap3A = arith.constant 0 : index
    %swap3A_8 = arith.constant 0 : index
    %swap3A_9 = arith.constant 0 : index
    %swap3A_10 = vector.load %arg5[%swap3A, %swap3A_8, %swap3A_9] : memref<1x16x128xf32, #tpu.memory_space<vmem>>, vector<1x16x128xf32>
    %swap3A_11 = vector.shape_cast %swap3A_10 : vector<1x16x128xf32> to vector<16x128xf32>
    %swap3A_12 = vector.shape_cast %rsqrt3A : vector<16x128xf32> to vector<1x16x128xf32>
    tpu.vector_store %arg5[%swap3A, %swap3A_8, %swap3A_9], %swap3A_12 {strides = array<i32>} : memref<1x16x128xf32, #tpu.memory_space<vmem>>, vector<1x16x128xf32>,
    %get3A_13 = arith.constant 0 : index
    %get3A_14 = arith.constant 0 : index
    %get3A_15 = arith.constant 0 : index
    %get3A_16 = vector.load %arg3[%get3A_13, %get3A_14, %get3A_15] : memref<16x128x128xf32, #tpu.memory_space<vmem>>, vector<16x128x128xf32>
    %reshape3A = vector.shape_cast %get3A_16 : vector<16x128x128xf32> to vector<2048x128xf32>
    %get3A_17 = arith.constant 0 : index
    %get3A_18 = arith.constant 0 : index
    %get3A_19 = arith.constant 0 : index
    %get3A_20 = vector.load %arg4[%get3A_17, %get3A_18, %get3A_19] : memref<1x128x128xf32, #tpu.memory_space<vmem>>, vector<1x128x128xf32>
    %get3A_21 = vector.shape_cast %get3A_20 : vector<1x128x128xf32> to vector<128x128xf32>
    %dot_general3A = arith.constant dense<0.000000e+00> : vector<2048x128xf32>
    %dot_general3A_22 = tpu.matmul %reshape3A, %get3A_21, %dot_general3A {dimension_numbers = #tpu.dot_dimension_numbers<[1], [0], [0], [1], [0, 0, 1, 1], [], []>, transpose_lhs_hint = false} : vector<2048x128xf32>, vector<128x128xf32>, vector<2048x128xf32> -> vector<2048x128xf32>
    %reshape3A_23 = vector.shape_cast %dot_general3A_22 : vector<2048x128xf32> to vector<16x128x128xf32>
    %broadcast_in_dim3A = vector.shape_cast %rsqrt3A : vector<16x128xf32> to vector<16x128x1xf32>
    %mul3A = vector.broadcast %broadcast_in_dim3A : vector<16x128x1xf32> to vector<16x128x128xf32>
    %mul3A_24 = arith.mulf %reshape3A_23, %mul3A : vector<16x128x128xf32>
    %swap3A_25 = arith.constant 0 : index
    %swap3A_26 = arith.constant 0 : index
    %swap3A_27 = arith.constant 0 : index
    %swap3A_28 = arith.constant 0 : index
    %swap3A_29 = vector.load %arg6[%swap3A_25, %swap3A_26, %swap3A_27, %swap3A_28] : memref<1x16x128x128xf32, #tpu.memory_space<vmem>>, vector<1x16x128x128xf32>
    %swap3A_30 = vector.shape_cast %swap3A_29 : vector<1x16x128x128xf32> to vector<16x128x128xf32>
    %swap3A_31 = vector.shape_cast %mul3A_24 : vector<16x128x128xf32> to vector<1x16x128x128xf32>
    tpu.vector_store %arg6[%swap3A_25, %swap3A_26, %swap3A_27, %swap3A_28], %swap3A_31 {strides = array<i32>} : memref<1x16x128x128xf32, #tpu.memory_space<vmem>>, vector<1x16x128x128xf32>,
    return
  }
  func.func @transform_0(%arg0: i32, %arg1: i32) -> (i32, i32, i32, i32) {
    %c0_i32 = arith.constant 0 : i32
    %c0_i32_0 = arith.constant 0 : i32
    %c0_i32_1 = arith.constant 0 : i32
    return %c0_i32, %arg0, %arg1, %c0_i32_0 : i32, i32, i32, i32
  }
  func.func @transform_1(%arg0: i32, %arg1: i32) -> (i32, i32, i32) {
    %c0_i32 = arith.constant 0 : i32
    %c0_i32_0 = arith.constant 0 : i32
    %c0_i32_1 = arith.constant 0 : i32
    return %arg1, %c0_i32, %c0_i32_0 : i32, i32, i32
  }
  func.func @transform_2(%arg0: i32, %arg1: i32) -> (i32, i32, i32) {
    %c0_i32 = arith.constant 0 : i32
    %c0_i32_0 = arith.constant 0 : i32
    %c0_i32_1 = arith.constant 0 : i32
    return %arg0, %c0_i32, %c0_i32_0 : i32, i32, i32
  }
  func.func @transform_3(%arg0: i32, %arg1: i32) -> (i32, i32, i32) {
    %c0_i32 = arith.constant 0 : i32
    %c0_i32_0 = arith.constant 0 : i32
    return %arg0, %arg1, %c0_i32 : i32, i32, i32
  }
  func.func @transform_4(%arg0: i32, %arg1: i32) -> (i32, i32, i32, i32) {
    %c0_i32 = arith.constant 0 : i32
    %c0_i32_0 = arith.constant 0 : i32
    %c0_i32_1 = arith.constant 0 : i32
    return %arg0, %arg1, %c0_i32, %c0_i32_0 : i32, i32, i32, i32
  }
}

module attributes {stable_mosaic.version = 14 : i64} {
  func.func @_tc2_body(%arg0: i32, %arg1: i32, %arg2: memref<1x16x128x128xf32, #tpu.memory_space<vmem>>, %arg3: memref<1x16x128x128xf32, #tpu.memory_space<vmem>>, %arg4: memref<1x16x128xf32, #tpu.memory_space<vmem>>, %arg5: memref<1x1x128xf32, #tpu.memory_space<vmem>>, %arg6: memref<1x128x128xf32, #tpu.memory_space<vmem>>, %arg7: memref<1x16x128x128xf32, #tpu.memory_space<vmem>>) attributes {dimension_semantics = [#tpu.dimension_semantics<arbitrary>, #tpu.dimension_semantics<arbitrary>], iteration_bounds = array<i64: 4, 5>, scalar_prefetch = 0 : i64, scratch_operands = 0 : i64, tpu.core_type = #tpu.core_type<tc>, window_params = [{transform_indices = @transform_0, window_bounds = array<i64: 1, 16, 128, 128>}, {transform_indices = @transform_1, window_bounds = array<i64: 1, 16, 128, 128>}, {transform_indices = @transform_2, window_bounds = array<i64: 1, 16, 128>}, {transform_indices = @transform_3, window_bounds = array<i64: 1, 1, 128>}, {transform_indices = @transform_4, window_bounds = array<i64: 1, 128, 128>}, {transform_indices = @transform_5, window_bounds = array<i64: 1, 16, 128, 128>}]} {
    %get3A = arith.constant 0 : index
    %get3A_0 = arith.constant 0 : index
    %get3A_1 = arith.constant 0 : index
    %get3A_2 = vector.load %arg4[%get3A, %get3A_0, %get3A_1] : memref<1x16x128xf32, #tpu.memory_space<vmem>>, vector<1x16x128xf32>
    %get3A_3 = vector.shape_cast %get3A_2 : vector<1x16x128xf32> to vector<16x128xf32>
    %get3A_4 = arith.constant 0 : index
    %get3A_5 = arith.constant 0 : index
    %get3A_6 = arith.constant 0 : index
    %get3A_7 = arith.constant 0 : index
    %get3A_8 = vector.load %arg2[%get3A_4, %get3A_5, %get3A_6, %get3A_7] : memref<1x16x128x128xf32, #tpu.memory_space<vmem>>, vector<1x16x128x128xf32>
    %get3A_9 = vector.shape_cast %get3A_8 : vector<1x16x128x128xf32> to vector<16x128x128xf32>
    %get3A_10 = arith.constant 0 : index
    %get3A_11 = arith.constant 0 : index
    %get3A_12 = arith.constant 0 : index
    %get3A_13 = arith.constant 0 : index
    %get3A_14 = vector.load %arg3[%get3A_10, %get3A_11, %get3A_12, %get3A_13] : memref<1x16x128x128xf32, #tpu.memory_space<vmem>>, vector<1x16x128x128xf32>
    %get3A_15 = vector.shape_cast %get3A_14 : vector<1x16x128x128xf32> to vector<16x128x128xf32>
    %add3A = arith.addf %get3A_9, %get3A_15 : vector<16x128x128xf32>
    %broadcast_in_dim3A = vector.shape_cast %get3A_3 : vector<16x128xf32> to vector<16x128x1xf32>
    %mul3A = vector.broadcast %broadcast_in_dim3A : vector<16x128x1xf32> to vector<16x128x128xf32>
    %mul3A_16 = arith.mulf %add3A, %mul3A : vector<16x128x128xf32>
    %get3A_17 = arith.constant 0 : index
    %get3A_18 = arith.constant 0 : index
    %get3A_19 = arith.constant 0 : index
    %get3A_20 = vector.load %arg5[%get3A_17, %get3A_18, %get3A_19] : memref<1x1x128xf32, #tpu.memory_space<vmem>>, vector<1x1x128xf32>
    %get3A_21 = vector.shape_cast %get3A_20 : vector<1x1x128xf32> to vector<128xf32>
    %broadcast_in_dim3A_22 = vector.shape_cast %get3A_21 : vector<128xf32> to vector<1x1x128xf32>
    %add3A_23 = vector.broadcast %broadcast_in_dim3A_22 : vector<1x1x128xf32> to vector<16x128x128xf32>
    %add3A_24 = arith.addf %mul3A_16, %add3A_23 : vector<16x128x128xf32>
    %max3A = arith.constant 0.000000e+00 : f32
    %max3A_25 = vector.broadcast %max3A : f32 to vector<16x128x128xf32>
    %max3A_26 = arith.maximumf %add3A_24, %max3A_25 : vector<16x128x128xf32>
    %reshape3A = vector.shape_cast %max3A_26 : vector<16x128x128xf32> to vector<2048x128xf32>
    %get3A_27 = arith.constant 0 : index
    %get3A_28 = arith.constant 0 : index
    %get3A_29 = arith.constant 0 : index
    %get3A_30 = vector.load %arg6[%get3A_27, %get3A_28, %get3A_29] : memref<1x128x128xf32, #tpu.memory_space<vmem>>, vector<1x128x128xf32>
    %get3A_31 = vector.shape_cast %get3A_30 : vector<1x128x128xf32> to vector<128x128xf32>
    %dot_general3A = arith.constant dense<0.000000e+00> : vector<2048x128xf32>
    %dot_general3A_32 = tpu.matmul %reshape3A, %get3A_31, %dot_general3A {dimension_numbers = #tpu.dot_dimension_numbers<[1], [0], [0], [1], [0, 0, 1, 1], [], []>, transpose_lhs_hint = false} : vector<2048x128xf32>, vector<128x128xf32>, vector<2048x128xf32> -> vector<2048x128xf32>
    %mul3A_33 = arith.constant 16 : i32
    %mul3A_34 = arith.muli %arg1, %mul3A_33 : i32
    %mul3A_35 = arith.constant 128 : i32
    %mul3A_36 = arith.muli %mul3A_34, %mul3A_35 : i32
    %iota3A = tpu.iota {dimensions = array<i32: 0>} : vector<16x128x128xi32>
    %mul3A_37 = arith.constant 128 : i32
    %mul3A_38 = vector.broadcast %mul3A_37 : i32 to vector<16x128x128xi32>
    %mul3A_39 = arith.muli %iota3A, %mul3A_38 : vector<16x128x128xi32>
    %add3A_40 = vector.broadcast %mul3A_36 : i32 to vector<16x128x128xi32>
    %add3A_41 = arith.addi %add3A_40, %mul3A_39 : vector<16x128x128xi32>
    %iota3A_42 = tpu.iota {dimensions = array<i32: 1>} : vector<16x128x128xi32>
    %add3A_43 = arith.addi %add3A_41, %iota3A_42 : vector<16x128x128xi32>
    %reshape3A_44 = vector.shape_cast %dot_general3A_32 : vector<2048x128xf32> to vector<16x128x128xf32>
    %broadcast_in_dim3A_45 = vector.shape_cast %get3A_3 : vector<16x128xf32> to vector<16x128x1xf32>
    %mul3A_46 = vector.broadcast %broadcast_in_dim3A_45 : vector<16x128x1xf32> to vector<16x128x128xf32>
    %mul3A_47 = arith.mulf %reshape3A_44, %mul3A_46 : vector<16x128x128xf32>
    %lt3A = arith.constant 10000 : i32
    %lt3A_48 = vector.broadcast %lt3A : i32 to vector<16x128x128xi32>
    %lt3A_49 = arith.cmpi slt, %add3A_43, %lt3A_48 : vector<16x128x128xi32>
    %jit3A = arith.constant 0.000000e+00 : f32
    %broadcast_in_dim3A_50 = vector.broadcast %jit3A : f32 to vector<16x128x128xf32>
    %select_n3A = arith.select %lt3A_49, %mul3A_47, %broadcast_in_dim3A_50 : vector<16x128x128xi1>, vector<16x128x128xf32>
    %swap3A = arith.constant 0 : index
    %swap3A_51 = arith.constant 0 : index
    %swap3A_52 = arith.constant 0 : index
    %swap3A_53 = arith.constant 0 : index
    %swap3A_54 = vector.load %arg7[%swap3A, %swap3A_51, %swap3A_52, %swap3A_53] : memref<1x16x128x128xf32, #tpu.memory_space<vmem>>, vector<1x16x128x128xf32>
    %swap3A_55 = vector.shape_cast %swap3A_54 : vector<1x16x128x128xf32> to vector<16x128x128xf32>
    %swap3A_56 = vector.shape_cast %select_n3A : vector<16x128x128xf32> to vector<1x16x128x128xf32>
    tpu.vector_store %arg7[%swap3A, %swap3A_51, %swap3A_52, %swap3A_53], %swap3A_56 {strides = array<i32>} : memref<1x16x128x128xf32, #tpu.memory_space<vmem>>, vector<1x16x128x128xf32>,
    return
  }
  func.func @transform_0(%arg0: i32, %arg1: i32) -> (i32, i32, i32, i32) {
    %c0_i32 = arith.constant 0 : i32
    %c0_i32_0 = arith.constant 0 : i32
    %c0_i32_1 = arith.constant 0 : i32
    return %arg0, %arg1, %c0_i32, %c0_i32_0 : i32, i32, i32, i32
  }
  func.func @transform_1(%arg0: i32, %arg1: i32) -> (i32, i32, i32, i32) {
    %c0_i32 = arith.constant 0 : i32
    %c0_i32_0 = arith.constant 0 : i32
    %c0_i32_1 = arith.constant 0 : i32
    return %arg0, %arg1, %c0_i32, %c0_i32_0 : i32, i32, i32, i32
  }
  func.func @transform_2(%arg0: i32, %arg1: i32) -> (i32, i32, i32) {
    %c0_i32 = arith.constant 0 : i32
    %c0_i32_0 = arith.constant 0 : i32
    return %arg0, %arg1, %c0_i32 : i32, i32, i32
  }
  func.func @transform_3(%arg0: i32, %arg1: i32) -> (i32, i32, i32) {
    %c0_i32 = arith.constant 0 : i32
    %c0_i32_0 = arith.constant 0 : i32
    %c0_i32_1 = arith.constant 0 : i32
    return %arg0, %c0_i32, %c0_i32_0 : i32, i32, i32
  }
  func.func @transform_4(%arg0: i32, %arg1: i32) -> (i32, i32, i32) {
    %c0_i32 = arith.constant 0 : i32
    %c0_i32_0 = arith.constant 0 : i32
    %c0_i32_1 = arith.constant 0 : i32
    return %arg0, %c0_i32, %c0_i32_0 : i32, i32, i32
  }
  func.func @transform_5(%arg0: i32, %arg1: i32) -> (i32, i32, i32, i32) {
    %c0_i32 = arith.constant 0 : i32
    %c0_i32_0 = arith.constant 0 : i32
    %c0_i32_1 = arith.constant 0 : i32
    return %arg0, %arg1, %c0_i32, %c0_i32_0 : i32, i32, i32, i32
  }
}

module attributes {stable_mosaic.version = 14 : i64} {
  func.func @_tc3_body(%arg0: i32, %arg1: memref<4x16x128x128xf32, #tpu.memory_space<vmem>>, %arg2: memref<4x16x128x128xf32, #tpu.memory_space<vmem>>, %arg3: memref<4x16x128xf32, #tpu.memory_space<vmem>>, %arg4: memref<4x1x128xf32, #tpu.memory_space<vmem>>, %arg5: memref<1x128xf32, #tpu.memory_space<vmem>>, %arg6: memref<16x128x128xf32, #tpu.memory_space<vmem>>) attributes {dimension_semantics = [#tpu.dimension_semantics<arbitrary>], iteration_bounds = array<i64: 5>, scalar_prefetch = 0 : i64, scratch_operands = 0 : i64, tpu.core_type = #tpu.core_type<tc>, window_params = [{transform_indices = @transform_0, window_bounds = array<i64: 4, 16, 128, 128>}, {transform_indices = @transform_1, window_bounds = array<i64: 4, 16, 128, 128>}, {transform_indices = @transform_2, window_bounds = array<i64: 4, 16, 128>}, {pipeline_mode = #tpu.pipeline_mode<synchronous>, transform_indices = @transform_3, window_bounds = array<i64: 4, 1, 128>}, {pipeline_mode = #tpu.pipeline_mode<synchronous>, transform_indices = @transform_4, window_bounds = array<i64: 1, 128>}, {transform_indices = @transform_5, window_bounds = array<i64: 16, 128, 128>}]} {
    %get3A = arith.constant 0 : index
    %get3A_0 = arith.constant 0 : index
    %get3A_1 = arith.constant 0 : index
    %get3A_2 = vector.load %arg3[%get3A, %get3A_0, %get3A_1] : memref<4x16x128xf32, #tpu.memory_space<vmem>>, vector<4x16x128xf32>
    %get3A_3 = arith.constant 0 : index
    %get3A_4 = arith.constant 0 : index
    %get3A_5 = arith.constant 0 : index
    %get3A_6 = arith.constant 0 : index
    %get3A_7 = vector.load %arg1[%get3A_3, %get3A_4, %get3A_5, %get3A_6] : memref<4x16x128x128xf32, #tpu.memory_space<vmem>>, vector<4x16x128x128xf32>
    %get3A_8 = arith.constant 0 : index
    %get3A_9 = arith.constant 0 : index
    %get3A_10 = arith.constant 0 : index
    %get3A_11 = arith.constant 0 : index
    %get3A_12 = vector.load %arg2[%get3A_8, %get3A_9, %get3A_10, %get3A_11] : memref<4x16x128x128xf32, #tpu.memory_space<vmem>>, vector<4x16x128x128xf32>
    %add3A = arith.addf %get3A_7, %get3A_12 : vector<4x16x128x128xf32>
    %broadcast_in_dim3A = vector.shape_cast %get3A_2 : vector<4x16x128xf32> to vector<4x16x128x1xf32>
    %mul3A = vector.broadcast %broadcast_in_dim3A : vector<4x16x128x1xf32> to vector<4x16x128x128xf32>
    %mul3A_13 = arith.mulf %add3A, %mul3A : vector<4x16x128x128xf32>
    %get3A_14 = arith.constant 0 : index
    %get3A_15 = arith.constant 0 : index
    %get3A_16 = arith.constant 0 : index
    %get3A_17 = vector.load %arg4[%get3A_14, %get3A_15, %get3A_16] : memref<4x1x128xf32, #tpu.memory_space<vmem>>, vector<4x1x128xf32>
    %get3A_18 = vector.shape_cast %get3A_17 : vector<4x1x128xf32> to vector<4x128xf32>
    %broadcast_in_dim3A_19 = vector.shape_cast %get3A_18 : vector<4x128xf32> to vector<4x1x1x128xf32>
    %add3A_20 = vector.broadcast %broadcast_in_dim3A_19 : vector<4x1x1x128xf32> to vector<4x16x128x128xf32>
    %add3A_21 = arith.addf %mul3A_13, %add3A_20 : vector<4x16x128x128xf32>
    %get3A_22 = arith.constant 0 : index
    %get3A_23 = arith.constant 0 : index
    %get3A_24 = vector.load %arg5[%get3A_22, %get3A_23] : memref<1x128xf32, #tpu.memory_space<vmem>>, vector<1x128xf32>
    %get3A_25 = vector.shape_cast %get3A_24 : vector<1x128xf32> to vector<128xf32>
    %broadcast_in_dim3A_26 = vector.shape_cast %get3A_25 : vector<128xf32> to vector<1x1x1x128xf32>
    %mul3A_27 = vector.broadcast %broadcast_in_dim3A_26 : vector<1x1x1x128xf32> to vector<4x16x128x128xf32>
    %mul3A_28 = arith.mulf %add3A_21, %mul3A_27 : vector<4x16x128x128xf32>
    %reduce_sum3A = arith.constant dense<0.000000e+00> : vector<4x16x128xf32>
    %reduce_sum3A_29 = vector.multi_reduction <add>, %mul3A_28, %reduce_sum3A [3] : vector<4x16x128x128xf32> to vector<4x16x128xf32>
    %reduce_max3A = arith.constant dense<0xFF800000> : vector<16x128xf32>
    %reduce_max3A_30 = vector.multi_reduction <maximumf>, %reduce_sum3A_29, %reduce_max3A [0] : vector<4x16x128xf32> to vector<16x128xf32>
    %broadcast_in_dim3A_31 = vector.shape_cast %reduce_max3A_30 : vector<16x128xf32> to vector<1x16x128xf32>
    %sub3A = vector.broadcast %broadcast_in_dim3A_31 : vector<1x16x128xf32> to vector<4x16x128xf32>
    %sub3A_32 = arith.subf %reduce_sum3A_29, %sub3A : vector<4x16x128xf32>
    %exp3A = math.exp %sub3A_32 : vector<4x16x128xf32>
    %reduce_sum3A_33 = arith.constant dense<0.000000e+00> : vector<16x128xf32>
    %reduce_sum3A_34 = vector.multi_reduction <add>, %exp3A, %reduce_sum3A_33 [0] : vector<4x16x128xf32> to vector<16x128xf32>
    %broadcast_in_dim3A_35 = vector.shape_cast %reduce_sum3A_34 : vector<16x128xf32> to vector<1x16x128xf32>
    %div3A = vector.broadcast %broadcast_in_dim3A_35 : vector<1x16x128xf32> to vector<4x16x128xf32>
    %div3A_36 = arith.divf %exp3A, %div3A : vector<4x16x128xf32>
    %broadcast_in_dim3A_37 = vector.shape_cast %div3A_36 : vector<4x16x128xf32> to vector<4x16x128x1xf32>
    %mul3A_38 = vector.broadcast %broadcast_in_dim3A_37 : vector<4x16x128x1xf32> to vector<4x16x128x128xf32>
    %mul3A_39 = arith.mulf %add3A_21, %mul3A_38 : vector<4x16x128x128xf32>
    %reduce_sum3A_40 = arith.constant dense<0.000000e+00> : vector<16x128x128xf32>
    %reduce_sum3A_41 = vector.multi_reduction <add>, %mul3A_39, %reduce_sum3A_40 [0] : vector<4x16x128x128xf32> to vector<16x128x128xf32>
    %swap3A = arith.constant 0 : index
    %swap3A_42 = arith.constant 0 : index
    %swap3A_43 = arith.constant 0 : index
    %swap3A_44 = vector.load %arg6[%swap3A, %swap3A_42, %swap3A_43] : memref<16x128x128xf32, #tpu.memory_space<vmem>>, vector<16x128x128xf32>
    tpu.vector_store %arg6[%swap3A, %swap3A_42, %swap3A_43], %reduce_sum3A_41 {strides = array<i32>} : memref<16x128x128xf32, #tpu.memory_space<vmem>>, vector<16x128x128xf32>,
    return
  }
  func.func @transform_0(%arg0: i32) -> (i32, i32, i32, i32) {
    %c0_i32 = arith.constant 0 : i32
    %c0_i32_0 = arith.constant 0 : i32
    %c0_i32_1 = arith.constant 0 : i32
    %c0_i32_2 = arith.constant 0 : i32
    return %c0_i32, %arg0, %c0_i32_0, %c0_i32_1 : i32, i32, i32, i32
  }
  func.func @transform_1(%arg0: i32) -> (i32, i32, i32, i32) {
    %c0_i32 = arith.constant 0 : i32
    %c0_i32_0 = arith.constant 0 : i32
    %c0_i32_1 = arith.constant 0 : i32
    %c0_i32_2 = arith.constant 0 : i32
    return %c0_i32, %arg0, %c0_i32_0, %c0_i32_1 : i32, i32, i32, i32
  }
  func.func @transform_2(%arg0: i32) -> (i32, i32, i32) {
    %c0_i32 = arith.constant 0 : i32
    %c0_i32_0 = arith.constant 0 : i32
    %c0_i32_1 = arith.constant 0 : i32
    return %c0_i32, %arg0, %c0_i32_0 : i32, i32, i32
  }
  func.func @transform_3(%arg0: i32) -> (i32, i32, i32) {
    %c0_i32 = arith.constant 0 : i32
    %c0_i32_0 = arith.constant 0 : i32
    %c0_i32_1 = arith.constant 0 : i32
    %c0_i32_2 = arith.constant 0 : i32
    return %c0_i32, %c0_i32_0, %c0_i32_1 : i32, i32, i32
  }
  func.func @transform_4(%arg0: i32) -> (i32, i32) {
    %c0_i32 = arith.constant 0 : i32
    %c0_i32_0 = arith.constant 0 : i32
    %c0_i32_1 = arith.constant 0 : i32
    return %c0_i32, %c0_i32_0 : i32, i32
  }
  func.func @transform_5(%arg0: i32) -> (i32, i32, i32) {
    %c0_i32 = arith.constant 0 : i32
    %c0_i32_0 = arith.constant 0 : i32
    %c0_i32_1 = arith.constant 0 : i32
    return %arg0, %c0_i32, %c0_i32_0 : i32, i32, i32
  }
}

</mosaic_0001>

<sc_bundles>
// kernel: kernel.11.cloned.1.call-start
scs
__scs_entry_jumppad:
0x0: {  	(pc) =	sbr.rel $0x88, $3  }
0x1: {  	(tag) =	ssettag $0x0;
	lr =	simm.s32 $0x1  }
0x2: {  	[smem:$0x3F99] =	sst lr;
	_ =	strace $0xD0000000  }
0x3: {  	_ = 	snop  }
0x4: {  	_ = 	snop  }
0x5: {  	_ = 	snop  }
0x6: {  	_ = 	snop  }
0x7: {  	_ = 	snop  }
__scs_overlays_trampoline_lowered:
0x8: {  	[smem:$0x3FA8] =	sst s0  }
0x9: {  	[smem:$0x3FA9] =	sst s1  }
0xa: {  	[smem:$0x3FAA] =	sst s2  }
0xb: {  	[smem:$0x3FAB] =	sst s3  }
0xc: {  	[smem:$0x3FAC] =	sst s4  }
0xd: {  	[smem:$0x3FAD] =	sst s5  }
0xe: {  	[smem:$0x3FAE] =	sst s6  }
0xf: {  	[smem:$0x3FAF] =	sst s7  }
0x10: {  	[smem:$0x3FB0] =	sst s8  }
0x11: {  	[smem:$0x3FB1] =	sst s9;
	s0 =	simm.s32 @!p0 $0x0  }
0x12: {  	s1 =	sld [smem:$0x3F97];
	s0 =	simm.s32 @p0 $0x1  }
0x13: {  	[smem:$0x3FB2] =	sst s0;
	s0 =	simm.s32 @!p1 $0x0  }
0x14: {  	s2 =	sld [smem:$0x3F96];
	s0 =	simm.s32 @p1 $0x1  }
0x15: {  	[smem:$0x3FB3] =	sst s0;
	s0 =	simm.s32 @!p2 $0x0  }
0x16: {  	s3 =	sld [smem:$0x3FDB];
	s0 =	simm.s32 @p2 $0x1  }
0x17: {  	s4 =	simm.s32 $0x1BF5;
	[smem:$0x3FB5] =	sst s0  }
0x18: {  	s0 =	sld [smem:$0x3F98];
	_ =	swait.ge [sflag:s4], $0x0  }
0x19: {  	s7 =	sld [smem:$0x3F99]  }
0x1a: {  	s8 =	sadd.s32 $0xFFFFE003, lr  }
0x1b: {  	s9 =	sadd.s32 $0xFFFFFEF7, lr;
	s5 =	simm.s32 $0xFFFFFFFF;
	p2 =	slt.u32 s8, $0xFFFFF086  }
0x1c: {  	p1 =	slt.u32 s9, $0xF7A;
	s5 =	simm.s32 @!p2 $0x0  }
0x1d: {  	s5 =	simm.s32 @p1 $0x1;
	p0 =	seq.s32 s7, s2  }
0x1e: {  	s7 =	smul.u32 @!p0 $0xF7A, s2;
	p2 =	seq.s32 @!p0 s5, $0x0  }
0x1f: {  	s9 =	smul.u32 $0xF7A, s1;
	s8 =	simm.s32 @!p0 $0x1BF5;
	p2 =	por !p2, p0  }
0x20: {  	[sflag:s8] =	ssyncset.s32 @!p0 $0xFFFFF086;
	s6 =	sadd.s32 @!p0 s3, s7;
	s7 =	simm.s32 @!p0 $0x108  }
0x21: {  	s3 =	sadd.s32 s3, s9;
	s6 =	sadd.s32 @!p0 $0x88, s6;
	s7 =	simm.s32 @p2 $0x1082  }
0x22: {  	[simem:s7], [sflag:s8] =	dma.local @!p0 [hbm:s6], $0xF7A  }
0x23: {  	s9 =	sor.u32 $0xD0000000, s2;
	s6 =	simm.s32 $0x108;
	_ =	swait.ge @!p0 [sflag:s8], $0x0  }
0x24: {  	s3 =	sadd.s32 $0x88, s3;
	s6 =	simm.s32 @!p1 $0x1082;
	[sflag:s4] =	ssyncset.s32 $0xFFFFF086  }
0x25: {  	[simem:s6], [sflag:s4] =	dma.local [hbm:s3], $0xF7A  }
0x26: {  	[smem:$0x3F99] =	sst s1;
	(tag) =	ssettag s2;
	_ =	strace s9  }
0x27: {  	s1 =	sld [smem:$0x3FA9]  }
0x28: {  	s2 =	sld [smem:$0x3FAA]  }
0x29: {  	s4 =	sld [smem:$0x3FAC]  }
0x2a: {  	p0 =	seq.s32 s5, $0x0;
	s5 =	sld [smem:$0x3FAD]  }
0x2b: {  	s6 =	sld [smem:$0x3FAE]  }
0x2c: {  	s7 =	sld [smem:$0x3FAF]  }
0x2d: {  	s3 =	simm.s32 $0x108;
	s8 =	sld [smem:$0x3FB0]  }
0x2e: {  	s3 =	simm.s32 @!p0 $0x1082;
	s9 =	sld [smem:$0x3FB1]  }
0x2f: {  	lr =	sadd.s32 s0, s3;
	s0 =	sld [smem:$0x3FA8]  }
0x30: {  	s3 =	sld [smem:$0x3FAB]  }
0x31: {  	[smem:$0x3FB4] =	sst s10  }
0x32: {  	s10 =	sld [smem:$0x3FB2];
	_ =	sdelay $0x3  }
0x33: {  	p0 =	seq.s32 s10, $0x1;
	s10 =	sld [smem:$0x3FB4];
	_ =	sdelay $0x3  }
0x34: {  	[smem:$0x3FB4] =	sst s10  }
0x35: {  	s10 =	sld [smem:$0x3FB3];
	_ =	sdelay $0x3  }
0x36: {  	p1 =	seq.s32 s10, $0x1;
	s10 =	sld [smem:$0x3FB4];
	_ =	sdelay $0x3  }
0x37: {  	[smem:$0x3FB4] =	sst s10  }
0x38: {  	s10 =	sld [smem:$0x3FB5]  }
0x39: {  	_ = 	snop;
	(pc) =	sbr.ind lr, $3  }
0x3a: {  	_ = 	snop  }
0x3b: {  	_ = 	snop  }
0x3c: {  	p2 =	seq.s32 s10, $0x1;
	s10 =	sld [smem:$0x3FB4]  }
0x3d: {  	_ =	shalt  }
0x3e: {  	_ =	shalt  }
0x3f: {  	_ =	shalt  }
0x40: {  	_ =	shalt  }
0x41: {  	_ =	shalt  }
0x42: {  	_ =	shalt  }
0x43: {  	_ =	shalt  }
0x44: {  	_ =	shalt  }
0x45: {  	_ =	shalt  }
0x46: {  	_ =	shalt  }
0x47: {  	_ =	shalt  }
0x48: {  	_ =	shalt  }
0x49: {  	_ =	shalt  }
0x4a: {  	_ =	shalt  }
0x4b: {  	_ =	shalt  }
0x4c: {  	_ =	shalt  }
0x4d: {  	_ =	shalt  }
0x4e: {  	_ =	shalt  }
0x4f: {  	_ =	shalt  }
0x50: {  	_ =	shalt  }
0x51: {  	_ =	shalt  }
0x52: {  	_ =	shalt  }
0x53: {  	_ =	shalt  }
0x54: {  	_ =	shalt  }
0x55: {  	_ =	shalt  }
0x56: {  	_ =	shalt  }
0x57: {  	_ =	shalt  }
0x58: {  	_ =	shalt  }
0x59: {  	_ =	shalt  }
0x5a: {  	_ =	shalt  }
0x5b: {  	_ =	shalt  }
0x5c: {  	_ =	shalt  }
0x5d: {  	_ =	shalt  }
0x5e: {  	_ =	shalt  }
0x5f: {  	_ =	shalt  }
0x60: {  	_ =	shalt  }
0x61: {  	_ =	shalt  }
0x62: {  	_ =	shalt  }
0x63: {  	_ =	shalt  }
0x64: {  	_ =	shalt  }
0x65: {  	_ =	shalt  }
0x66: {  	_ =	shalt  }
0x67: {  	_ =	shalt  }
0x68: {  	_ =	shalt  }
0x69: {  	_ =	shalt  }
0x6a: {  	_ =	shalt  }
0x6b: {  	_ =	shalt  }
0x6c: {  	_ =	shalt  }
0x6d: {  	_ =	shalt  }
0x6e: {  	_ =	shalt  }
0x6f: {  	_ =	shalt  }
0x70: {  	_ =	shalt  }
0x71: {  	_ =	shalt  }
0x72: {  	_ =	shalt  }
0x73: {  	_ =	shalt  }
0x74: {  	_ =	shalt  }
0x75: {  	_ =	shalt  }
0x76: {  	_ =	shalt  }
0x77: {  	_ =	shalt  }
0x78: {  	_ =	shalt  }
0x79: {  	_ =	shalt  }
0x7a: {  	_ =	shalt  }
0x7b: {  	_ =	shalt  }
0x7c: {  	_ =	shalt  }
0x7d: {  	_ =	shalt  }
0x7e: {  	_ =	shalt  }
0x7f: {  	_ =	shalt  }
0x80: {  	_ =	shalt  }
0x81: {  	_ =	shalt  }
0x82: {  	_ =	shalt  }
0x83: {  	_ =	shalt  }
0x84: {  	_ =	shalt  }
0x85: {  	_ =	shalt  }
0x86: {  	_ =	shalt  }
0x87: {  	_ =	shalt  }
.Lfunc_end0:
.L_simem_size_0:
called_computation.1_lowered:
.L_overlay_start_0:
0x88: {  	s2 =	sld [smem:$0x3FD9]  }
0x89: {  	s3 =	sld [smem:$0x3FFE];
	_ =	sdelay $0x1  }
0x8a: {  	s1 =	srdreg.scid  }
0x8b: {  	s0 =	sand.u32 $0x1, s1  }
0x8c: {  	s16 =	sshll.u32 s0, $0xA;
	s2 =	sadd.s32 s3, s2  }
0x8d: {  	s2 =	sadd.s32 s2, s16  }
0x8e: {  	[smem:$0x3FC0] =	sst s2  }
0x8f: {  	_ = 	snop  }
0x90: {  	(tm) =	ssettm $0x1  }
0x91: {  	s17 =	sld [smem:$0x3FFB];
	_ =	sdelay $0x3  }
0x92: {  	_ =	strace s17  }
0x93: {  	s2 =	sld [smem:$0x3FFC];
	_ =	sdelay $0x3  }
0x94: {  	_ =	strace s2  }
0x95: {  	s2 =	sld [smem:$0x3FFD];
	_ =	sdelay $0x3  }
0x96: {  	_ =	strace s2  }
0x97: {  	_ =	strace $0x8FFFFFFF  }
0x98: {  	s18 =	sld [smem:$0x3FDB];
	_ =	sdelay $0x1  }
0x99: {  	s19 =	simm.s32 $_scs_section_size  }
0x9a: {  	s4 =	simm.s32 $_size__tile_overlayer_lowered;
	s5 =	simm.s32 $_tile_overlayer_lowered  }
0x9b: {  	s22 =	simm.s32 $0x1BFF;
	s21 =	sshll.u32 s5, $0x1;
	s2 =	sadd.s32 s19, s18  }
0x9c: {  	s6 =	simm.s32 $0x0;
	s20 =	sshll.u32 s4, $0x1;
	s4 =	sadd.s32 s21, s2  }
0x9d: {  	[timem:s6], [sflag:s22] =	dma.local [hbm:s4], s20  }
0x9e: {  	_ =	swait.ge [sflag:s22], s20  }
0x9f: {  	s3 =	ssub.s32 $0x0, s20;
	[sflag:s22] =	ssyncset.done $0x0  }
0xa0: {  	[sflag:s22] =	ssyncadd.s32 s3;
	_ =	sdelay $0x1  }
0xa1: {  	s23 =	simm.s32 $0x1B8B  }
0xa2: {  	_ =	swait.ge [sflag:s23], $0x1  }
0xa3: {  	[sflag:s23] =	ssyncset.done $0x0  }
0xa4: {  	s25 =	simm.s32 $0x1B8E;
	s24 =	sld [smem:$0x3FFE];
	[sflag:s23] =	ssyncadd.s32 $0xFFFFFFFF  }
0xa5: {  	s26 =	simm.s32 $execute0_lowered;
	[smem:$0x3FD2] =	sst s25  }
0xa6: {  	s4 =	sshll.u32 s26, $0x1;
	_ =	strace $0x80000049;
	[dreg:$0x1] =	wrdreg $0xFFFFFFFF  }
0xa7: {  	s28 =	simm.s32 $_size_execute0_lowered;
	s2 =	sadd.s32 s2, s4;
	[dreg:$0x0] =	wrdreg $0x0  }
0xa8: {  	s4 =	sshll.u32 s28, $0x1;
	[dreg:$0x2] =	wrdreg s2  }
0xa9: {  	[dreg:$0x3] =	wrdreg s4  }
0xaa: {  	[dreg:$0x4] =	wrdreg $0xC0  }
0xab: {  	_ =	task [dreg:s6], $0x5FFFF  }
0xac: {  	[dreg:$0x1] =	wrdreg $0xFFFFFFFF  }
0xad: {  	[dreg:$0x0] =	wrdreg $0x60  }
0xae: {  	[dreg:$0x2] =	wrdreg s24  }
0xaf: {  	[dreg:$0x3] =	wrdreg $0x13A000  }
0xb0: {  	[dreg:$0x4] =	wrdreg $0x9  }
0xb1: {  	_ =	task.clear_ibuf [dreg:s6], $0x5FFFF;
	_ =	strace $0x90000049  }
0xb2: {  	s29 =	simm.s32 $0x9;
	_ =	strace $0x8000004B  }
0xb3: {  	_ =	swait.ge [sflag:s29], $0x1  }
0xb4: {  	[sflag:s29] =	ssyncadd.s32 $0xFFFFFFFF  }
0xb5: {  	_ =	strace $0x9000004B  }
0xb6: {  	_ =	sfence  }
0xb7: {  	s30 =	sld [smem:$0x0];
	_ =	sdelay $0x2  }
0xb8: {  	s31 =	sshll.u32 s1, $0xD;
	s1 =	sshrl.u32 s1, $0x2  }
0xb9: {  	s3 =	sand.u32 $0x4000, s31;
	s1 =	sadd.s32 s1, s30  }
0xba: {  	s0 =	sor.u32 s3, s0;
	s1 =	sshll.u32 s1, $0x11  }
0xbb: {  	s0 =	sor.u32 s1, s0  }
0xbc: {  	s0 =	sadd.s32 $0x8F2B, s0  }
0xbd: {  	[sflag:s0] =	ssyncadd.remote.s32 $0x1  }
0xbe: {  	_ =	sfence.sel $0xFFFF  }
0xbf: {  	[dreg:$0x0] =	wrdreg $0xFFFFFFFF;
	(pc) =	sbr.abs _section_cstart, $3  }
0xc0: {  	[dreg:$0x1] =	wrdreg $0xFFFFFFFF  }
0xc1: {  	_ =	task.clear_ibuf [dreg:s6], $0x2FFFF;
	_ =	strace $0x9FFFFFFF  }
0xc2: {  	(tm) =	ssettm $0x7FFFFFFF  }
0xc3: {  	_ =	shalt  }
tec
execute0_lowered:
.L_overlay_start_1:
0x0: {  	(tag) =	ssettag $0x1  }
0x1: {  	s0 =	rddreg [dreg:$0x0]  }
0x2: {  	s1 =	rddreg [dreg:$0x1];
	s14 =	simm.s32 $0x0;
	s2 =	srdreg.scid  }
0x3: {  	s7 =	stileid.u32;
	[smem:$0x7FF] =	sst s14  }
0x4: {  	s2 =	sand.u32 $0x1, s2;
	s4 =	sadd.s32 $0x3DA00, s0;
	s6 =	smul.u32 $0x28000, s7  }
0x5: {  	s19 =	sadd.s32 $0x33C00, s0;
	s0 =	sadd.s32 $0xDDA00, s0;
	s20 =	smul.u32 $0x4E20, s7  }
0x6: {  	s7 =	smul.u32 $0x140, s7;
	_ =	strace $0x8000004A;
	[dreg:$0x5] =	wrdreg s0  }
0x7: {  	s3 =	ssub.s32 $0x2, s2;
	s2 =	sshll.u32 s2, $0x1;
	[dreg:$0x4] =	wrdreg s19  }
0x8: {  	s5 =	sshrl.u32 s3, $0x1;
	[dreg:$0x6] =	wrdreg s2  }
0x9: {  	s6 =	sshrl.u32 s6, $0x2;
	[dreg:$0x8] =	wrdreg s7;
	s5 =	ssub.s32 s3, s5  }
0xa: {  	[dreg:$0x7] =	wrdreg s20;
	s9 =	sadd.s32 s6, s1;
	s0 =	smax.u32 s5, $0x1  }
0xb: {  	s8 =	sadd.s32 $0x800, s9;
	[dreg:$0x9] =	wrdreg s0  }
0xc: {  	s10 =	sadd.s32 $0x1000, s9;
	[dreg:$0xa] =	wrdreg s8  }
0xd: {  	s11 =	sadd.s32 $0x1800, s9;
	[dreg:$0xb] =	wrdreg s10  }
0xe: {  	s12 =	sadd.s32 $0x2000, s9;
	[dreg:$0xc] =	wrdreg s11  }
0xf: {  	s13 =	sadd.s32 $0x2800, s9;
	[dreg:$0xd] =	wrdreg s12  }
0x10: {  	s15 =	sadd.s32 $0x3000, s9;
	[dreg:$0xe] =	wrdreg s13  }
0x11: {  	s16 =	sadd.s32 $0x3800, s9;
	[dreg:$0xf] =	wrdreg s15  }
0x12: {  	s17 =	sadd.s32 $0x4000, s9;
	[dreg:$0x10] =	wrdreg s16  }
0x13: {  	s18 =	sadd.s32 $0x4800, s9;
	[dreg:$0x11] =	wrdreg s17  }
0x14: {  	s2 =	simm.s32 $0x13200;
	s21 =	sadd.s32 $0x5000, s9;
	[dreg:$0x12] =	wrdreg s18  }
0x15: {  	s7 =	simm.s32 $0x80;
	s22 =	sadd.s32 $0x5800, s9;
	[dreg:$0x13] =	wrdreg s21  }
0x16: {  	s3 =	simm.s32 $0xB200;
	s23 =	sadd.s32 $0x6000, s9;
	[dreg:$0x14] =	wrdreg s22  }
0x17: {  	s6 =	simm.s32 $0xF200;
	s24 =	sadd.s32 $0x6800, s9;
	[dreg:$0x15] =	wrdreg s23  }
0x18: {  	s25 =	sadd.s32 $0x7000, s9;
	s26 =	sadd.s32 $0x7800, s9;
	[dreg:$0x16] =	wrdreg s24  }
.Ltmp0:
0x19: {  	s28 =	sadd.s32 $0x8000, s9;
	[dreg:$0x17] =	wrdreg s25;
	(pc) =	sbr.rel .LBB2_1-.Ltmp0, $4  }
0x1a: {  	s29 =	sadd.s32 $0x8800, s9;
	s30 =	sadd.s32 $0x9000, s9;
	[dreg:$0x18] =	wrdreg s26  }
0x1b: {  	s31 =	sadd.s32 $0x9800, s9;
	s5 =	simm.s32 $0xB080;
	[dreg:$0x19] =	wrdreg s28  }
0x1c: {  	v0 =	vimm.f32 $0.0e+00;
	v1 =	vlaneseq.u32;
	s0 =	simm.s32 $0x3;
	s11 =	simm.s32 $0x1;
	s10 =	simm.s32 $0xB000  }
0x1d: {  	v2 =	vimm.s32 $0x0;
	v3 =	vimm.s32 $0xFFFFFFF;
	v4 =	vmul.u32 $0x2000, v1;
	s8 =	simm.s32 $0xB100;
	s12 =	simm.s32 $0x2;
	s13 =	simm.s32 $0xB180  }
.LBB2_35:
0x1e: {  	s14 =	rddreg [dreg:$0x3]  }
0x1f: {  	s15 =	rddreg [dreg:$0x9];
	s14 =	sadd.s32 $0x1, s14  }
0x20: {  	p0 =	sne.s32 s14, s15  }
.Ltmp1:
0x21: {  	_ = 	snop;
	(pc) =	sbr.rel @!p0 .LBB2_36-.Ltmp1, $1  }
0x22: {  	_ =	sdelay $0x3  }
.LBB2_1:
0x23: {  	[dreg:$0x3] =	wrdreg s14;
	s14 =	simm.s32 $0x0;
	s15 =	simm.s32 $0x200  }
.LBB2_2:
0x24: {  	p0 =	sne.s32 s15, $0x1E00;
	[tilespmem:s14+$0x13270] =	vst v0  }
0x25: {  	[tilespmem:s14+$0x13200] =	vst v0  }
0x26: {  	[tilespmem:s14+$0x13210] =	vst v0  }
.Ltmp2:
0x27: {  	[tilespmem:s14+$0x13220] =	vst v0;
	(pc) =	sbr.rel @p0 .LBB2_2-.Ltmp2, $4  }
0x28: {  	[tilespmem:s14+$0x13230] =	vst v0  }
0x29: {  	[tilespmem:s14+$0x13240] =	vst v0  }
0x2a: {  	[tilespmem:s14+$0x13250] =	vst v0  }
0x2b: {  	[tilespmem:s14+$0x13260] =	vst v0;
	s14 =	sshra.s32 s15, $0x2;
	s15 =	sadd.s32 $0x200, s15  }
0x2c: {  	[tilespmem:s14+$0x13270] =	vst v0  }
0x2d: {  	[tilespmem:s14+$0x13200] =	vst v0  }
0x2e: {  	[tilespmem:s14+$0x13210] =	vst v0  }
.Ltmp3:
0x2f: {  	[tilespmem:s14+$0x13220] =	vst v0;
	(pc) =	sbr.rel .LBB2_4-.Ltmp3, $4  }
0x30: {  	[tilespmem:s14+$0x13230] =	vst v0  }
0x31: {  	[tilespmem:s14+$0x13240] =	vst v0  }
0x32: {  	[tilespmem:s14+$0x13250] =	vst v0  }
0x33: {  	[tilespmem:s14+$0x13260] =	vst v0;
	s14 =	simm.s32 $0x0;
	p1 =	por $0x1, $0x1  }
.LBB2_34:
.Ltmp4:
0x34: {  	(pc) =	sbr.rel @!p0 .LBB2_35-.Ltmp4, $3  }
0x35: {  	_ =	sdelay $0x1  }
0x36: {  	s19 =	rddreg [dreg:$0x4]  }
0x37: {  	s14 =	simm.s32 $0x1;
	p1 =	por $0x0, $0x0;
	s20 =	rddreg [dreg:$0x7]  }
.LBB2_4:
0x38: {  	s15 =	rddreg [dreg:$0x6]  }
0x39: {  	s14 =	sor.u32 s15, s14  }
0x3a: {  	p0 =	por p1, p1;
	s17 =	simm.s32 $0x0;
	s15 =	simm.s32 $0x0;
	v5 =	vmov s14  }
.LBB2_5:
0x3b: {  	s16 =	smul.u32 $0xFA0, s15;
	_ =	sdelay $0x1  }
0x3c: {  	s16 =	sadd.s32 s20, s16  }
0x3d: {  	s16 =	sshrl.u32 s16, $0x3  }
0x3e: {  	s18 =	simm.s32 $0x0;
	s16 =	sadd.s32 s19, s16  }
0x3f: {  	[tilespmem:s18], [sflag:$0x3] =	stream.linear.gather [hbm4b:s16+s18], $0xFA0, $0x38;
	[tilespmem:$0x1DA00] =	vst v63  }
0x40: {  	_ =	swait.ge [sflag:s0], $0xFA0  }
0x41: {  	[sflag:s0] =	ssyncset.done $0x0  }
0x42: {  	s28 =	simm.s32 $0x0;
	[sflag:s0] =	ssyncadd.s32 $0xFFFFF060  }
0x43: {  	v6 =	vld [tilespmem:s28+$0x0];
	_ =	sdelay $0x4  }
0x44: {  	v7 =	vshra.s32 v6, $0x1F  }
0x45: {  	v7 =	vshrl.u32 v7, $0x4  }
0x46: {  	v7 =	vadd.s32 v7, v6  }
0x47: {  	v7 =	vshra.s32 v7, $0x1C  }
0x48: {  	v8 =	vshll.u32 v7, $0x1C  }
0x49: {  	vm0 =	vlt.s32 v6, $0x1;
	vm1 =	vne.s32 v6, v8  }
0x4a: {  	vm0 =	vmand vm0, vm1  }
0x4b: {  	v63 =	vsel vm0, $0xFFFFFFFF, v2  }
0x4c: {  	v7 =	vadd.s32 v63, v7  }
0x4d: {  	vm15 =	veq.s32 v7, v5  }
0x4e: {  	v7 =	vsel vm15, $0x1, v2  }
0x4f: {  	(xrf0) =	vadd.scan.msk.s32 $0xffff, v7;
	_ =	sdelay $0x2  }
0x50: {  	v6 =	vand.u32 $0xFFFFFFF, v6  }
0x51: {  	s18 =	simm.s32 $0x10;
	s16 =	simm.s32 $0x80;
	[tilespmem:s17+$0x1000] =	vst.msk vm15, v6  }
.LBB2_6:
0x52: {  	p1 =	sne.s32 s16, $0x3E40;
	v6 =	vld [tilespmem:s18+$0x0]  }
0x53: {  	v7, _, _ =	vpop (xrf0)  }
0x54: {  	(v2sf) =	vpush v7, $0xF;
	_ =	sdelay $0x2  }
0x55: {  	v7 =	vshra.s32 v6, $0x1F;
	v8 =	vand.u32 $0xFFFFFFF, v6  }
0x56: {  	v7 =	vshrl.u32 v7, $0x4  }
0x57: {  	v7 =	vadd.s32 v7, v6  }
0x58: {  	v7 =	vshra.s32 v7, $0x1C  }
0x59: {  	v9 =	vshll.u32 v7, $0x1C  }
0x5a: {  	vm0 =	vlt.s32 v6, $0x1;
	vm1 =	vne.s32 v6, v9  }
0x5b: {  	vm0 =	vmand vm0, vm1  }
0x5c: {  	v6 =	vsel vm0, $0xFFFFFFFF, v2  }
0x5d: {  	v6 =	vadd.s32 v6, v7  }
0x5e: {  	vm0 =	veq.s32 v6, v5  }
0x5f: {  	v6 =	vsel vm0, $0x1, v2  }
.Ltmp5:
0x60: {  	(xrf0) =	vadd.scan.msk.s32 $0xffff, v6;
	(pc) =	sbr.rel @p1 .LBB2_6-.Ltmp5, $4  }
0x61: {  	s18 =	spop (v2sf)  }
0x62: {  	s17 =	sadd.s32 s17, s18  }
0x63: {  	[tilespmem:s17+$0x1000] =	vst.msk vm0, v8  }
0x64: {  	s18 =	sshra.s32 s16, $0x2;
	s16 =	sadd.s32 $0x40, s16  }
0x65: {  	v6 =	vld [tilespmem:s18+$0x0];
	_ =	sdelay $0x4  }
0x66: {  	v7 =	vshra.s32 v6, $0x1F  }
0x67: {  	v7 =	vshrl.u32 v7, $0x4  }
0x68: {  	v7 =	vadd.s32 v7, v6  }
0x69: {  	v7 =	vshra.s32 v7, $0x1C  }
0x6a: {  	v8 =	vshll.u32 v7, $0x1C  }
0x6b: {  	vm0 =	vlt.s32 v6, $0x1;
	vm1 =	vne.s32 v6, v8  }
0x6c: {  	vm0 =	vmand vm0, vm1  }
0x6d: {  	v63 =	vsel vm0, $0xFFFFFFFF, v2  }
0x6e: {  	v7 =	vadd.s32 v63, v7  }
0x6f: {  	vm15 =	veq.s32 v7, v5  }
0x70: {  	v7 =	vsel vm15, $0x1, v2  }
0x71: {  	(xrf0) =	vadd.scan.msk.s32 $0xffff, v7;
	_ =	sdelay $0x4  }
0x72: {  	v7, _, _ =	vpop (xrf0)  }
0x73: {  	(v2sf) =	vpush v7, $0xF;
	v7, _, _ =	vpop (xrf0)  }
0x74: {  	(v2sf) =	vpush v7, $0xF;
	_ =	sdelay $0x9  }
0x75: {  	s15 =	sadd.s32 $0x1, s15  }
0x76: {  	p1 =	sne.s32 s15, $0x5  }
.Ltmp6:
0x77: {  	_ = 	snop;
	(pc) =	sbr.rel @p1 .LBB2_5-.Ltmp6, $4  }
0x78: {  	_ = 	snop  }
0x79: {  	s16 =	spop (v2sf)  }
0x7a: {  	v6 =	vand.u32 $0xFFFFFFF, v6;
	s16 =	sadd.s32 s17, s16;
	s28 =	spop (v2sf)  }
0x7b: {  	[tilespmem:s16+$0x1000] =	vst.msk vm15, v6;
	s17 =	sadd.s32 s16, s28  }
0x7c: {  	s15 =	sadd.s32 $0xF, s17  }
0x7d: {  	s25 =	smul.u32 $0x2800, s14;
	s18 =	sand.u32 $0xF, s15  }
0x7e: {  	s16 =	sshra.s32 s15, $0x1F;
	p1 =	slt.s32 s15, $0x1;
	p2 =	sne.s32 s18, $0x0  }
.Ltmp7:
0x7f: {  	s16 =	sshrl.u32 s16, $0x1C;
	p1 =	por !p1, !p2;
	(pc) =	sbr.rel .LBB2_9-.Ltmp7, $4  }
0x80: {  	s15 =	sadd.s32 s16, s15;
	s16 =	simm.s32 $0x1;
	p1 =	por !p1, !p1  }
0x81: {  	s28 =	rddreg [dreg:$0x8];
	s26 =	sshra.s32 s15, $0x4;
	s16 =	simm.s32 @!p1 $0x0  }
0x82: {  	[tilespmem:s17+$0x1000] =	vst v3;
	s17 =	simm.s32 $0x0;
	p3 =	por $0x1, $0x1;
	s14 =	ssub.s32 s26, s16  }
0x83: {  	v5 =	vmov s25;
	s15 =	sadd.s32 $0x2710, s25;
	s16 =	sadd.s32 s28, s25;
	p1 =	slt.s32 s14, $0x1  }
.LBB2_33:
0x84: {  	s17 =	sadd.s32 s17, s16;
	[bflag:$0x0] =	sbarrier.arrive $0xFFFF;
	s18 =	stileid.u32  }
0x85: {  	s17 =	sshll.u32 s17, $0x4;
	s18 =	sshll.u32 s18, $0x6;
	s19 =	rddreg [dreg:$0x5]  }
0x86: {  	s28 =	sshrl.u32 s9, $0x3;
	s17 =	sadd.s32 s19, s17;
	s18 =	sor.u32 $0x1C03, s18  }
0x87: {  	[hbm:s17], [sflag:s18] =	dma.local [spmem:s28], $0x1400  }
.Ltmp8:
0x88: {  	_ =	swait.ge [sflag:s0], $0x1400;
	(pc) =	sbr.rel @!p2 .LBB2_34-.Ltmp8, $4  }
0x89: {  	[sflag:s0] =	ssyncset.done $0x0  }
0x8a: {  	[sflag:s0] =	ssyncadd.s32 $0xFFFFEC00  }
0x8b: {  	[bflag:$0x0] =	sbarrier.arrive $0xFFFF  }
0x8c: {  	p3 =	por $0x0, $0x0;
	s17 =	simm.s32 $0x1400  }
.LBB2_9:
0x8d: {  	[spmem:s9] =	stream.linear.scatter [tilespmem:s2], [sflag:$0x3], $0x800, $0x38;
	[tilespmem:$0x1DA00] =	vst v63  }
0x8e: {  	_ =	swait.ge [sflag:s0], $0x800  }
0x8f: {  	[sflag:s0] =	ssyncset.done $0x0  }
0x90: {  	s18 =	rddreg [dreg:$0xa];
	[sflag:s0] =	ssyncadd.s32 $0xFFFFF800  }
0x91: {  	[spmem:s18] =	stream.linear.scatter [tilespmem:s2], [sflag:$0x3], $0x800, $0x38;
	[tilespmem:$0x1DA00] =	vst v63  }
0x92: {  	_ =	swait.ge [sflag:s0], $0x800  }
0x93: {  	[sflag:s0] =	ssyncset.done $0x0  }
0x94: {  	s22 =	rddreg [dreg:$0xb];
	[sflag:s0] =	ssyncadd.s32 $0xFFFFF800  }
0x95: {  	[spmem:s22] =	stream.linear.scatter [tilespmem:s2], [sflag:$0x3], $0x800, $0x38;
	[tilespmem:$0x1DA00] =	vst v63  }
0x96: {  	_ =	swait.ge [sflag:s0], $0x800  }
0x97: {  	[sflag:s0] =	ssyncset.done $0x0  }
0x98: {  	s23 =	rddreg [dreg:$0xc];
	[sflag:s0] =	ssyncadd.s32 $0xFFFFF800  }
0x99: {  	[spmem:s23] =	stream.linear.scatter [tilespmem:s2], [sflag:$0x3], $0x800, $0x38;
	[tilespmem:$0x1DA00] =	vst v63  }
0x9a: {  	_ =	swait.ge [sflag:s0], $0x800  }
0x9b: {  	[sflag:s0] =	ssyncset.done $0x0  }
0x9c: {  	s24 =	rddreg [dreg:$0xd];
	[sflag:s0] =	ssyncadd.s32 $0xFFFFF800  }
0x9d: {  	[spmem:s24] =	stream.linear.scatter [tilespmem:s2], [sflag:$0x3], $0x800, $0x38;
	[tilespmem:$0x1DA00] =	vst v63  }
0x9e: {  	_ =	swait.ge [sflag:s0], $0x800  }
0x9f: {  	[sflag:s0] =	ssyncset.done $0x0  }
0xa0: {  	s25 =	rddreg [dreg:$0xe];
	[sflag:s0] =	ssyncadd.s32 $0xFFFFF800  }
0xa1: {  	[spmem:s25] =	stream.linear.scatter [tilespmem:s2], [sflag:$0x3], $0x800, $0x38;
	[tilespmem:$0x1DA00] =	vst v63  }
0xa2: {  	_ =	swait.ge [sflag:s0], $0x800  }
0xa3: {  	[sflag:s0] =	ssyncset.done $0x0  }
0xa4: {  	s26 =	rddreg [dreg:$0xf];
	[sflag:s0] =	ssyncadd.s32 $0xFFFFF800  }
0xa5: {  	[spmem:s26] =	stream.linear.scatter [tilespmem:s2], [sflag:$0x3], $0x800, $0x38;
	[tilespmem:$0x1DA00] =	vst v63  }
0xa6: {  	_ =	swait.ge [sflag:s0], $0x800  }
0xa7: {  	[sflag:s0] =	ssyncset.done $0x0  }
0xa8: {  	s28 =	rddreg [dreg:$0x10];
	[sflag:s0] =	ssyncadd.s32 $0xFFFFF800  }
0xa9: {  	[spmem:s28] =	stream.linear.scatter [tilespmem:s2], [sflag:$0x3], $0x800, $0x38;
	[tilespmem:$0x1DA00] =	vst v63  }
0xaa: {  	_ =	swait.ge [sflag:s0], $0x800  }
0xab: {  	[sflag:s0] =	ssyncset.done $0x0  }
0xac: {  	s19 =	rddreg [dreg:$0x11];
	[sflag:s0] =	ssyncadd.s32 $0xFFFFF800  }
0xad: {  	[spmem:s19] =	stream.linear.scatter [tilespmem:s2], [sflag:$0x3], $0x800, $0x38;
	[tilespmem:$0x1DA00] =	vst v63  }
0xae: {  	_ =	swait.ge [sflag:s0], $0x800  }
0xaf: {  	[sflag:s0] =	ssyncset.done $0x0  }
0xb0: {  	s20 =	rddreg [dreg:$0x12];
	[sflag:s0] =	ssyncadd.s32 $0xFFFFF800  }
0xb1: {  	[spmem:s20] =	stream.linear.scatter [tilespmem:s2], [sflag:$0x3], $0x800, $0x38;
	[tilespmem:$0x1DA00] =	vst v63  }
0xb2: {  	_ =	swait.ge [sflag:s0], $0x800  }
0xb3: {  	[sflag:s0] =	ssyncset.done $0x0  }
0xb4: {  	s21 =	rddreg [dreg:$0x13];
	[sflag:s0] =	ssyncadd.s32 $0xFFFFF800  }
0xb5: {  	[spmem:s21] =	stream.linear.scatter [tilespmem:s2], [sflag:$0x3], $0x800, $0x38;
	[tilespmem:$0x1DA00] =	vst v63  }
0xb6: {  	_ =	swait.ge [sflag:s0], $0x800  }
0xb7: {  	[sflag:s0] =	ssyncset.done $0x0  }
0xb8: {  	s22 =	rddreg [dreg:$0x14];
	[sflag:s0] =	ssyncadd.s32 $0xFFFFF800  }
0xb9: {  	[spmem:s22] =	stream.linear.scatter [tilespmem:s2], [sflag:$0x3], $0x800, $0x38;
	[tilespmem:$0x1DA00] =	vst v63  }
0xba: {  	_ =	swait.ge [sflag:s0], $0x800  }
0xbb: {  	[sflag:s0] =	ssyncset.done $0x0  }
0xbc: {  	s23 =	rddreg [dreg:$0x15];
	[sflag:s0] =	ssyncadd.s32 $0xFFFFF800  }
0xbd: {  	[spmem:s23] =	stream.linear.scatter [tilespmem:s2], [sflag:$0x3], $0x800, $0x38;
	[tilespmem:$0x1DA00] =	vst v63  }
0xbe: {  	_ =	swait.ge [sflag:s0], $0x800  }
0xbf: {  	[sflag:s0] =	ssyncset.done $0x0  }
0xc0: {  	s24 =	rddreg [dreg:$0x16];
	[sflag:s0] =	ssyncadd.s32 $0xFFFFF800  }
0xc1: {  	[spmem:s24] =	stream.linear.scatter [tilespmem:s2], [sflag:$0x3], $0x800, $0x38;
	[tilespmem:$0x1DA00] =	vst v63  }
0xc2: {  	_ =	swait.ge [sflag:s0], $0x800  }
0xc3: {  	[sflag:s0] =	ssyncset.done $0x0  }
0xc4: {  	s25 =	rddreg [dreg:$0x17];
	[sflag:s0] =	ssyncadd.s32 $0xFFFFF800  }
0xc5: {  	[spmem:s25] =	stream.linear.scatter [tilespmem:s2], [sflag:$0x3], $0x800, $0x38;
	[tilespmem:$0x1DA00] =	vst v63  }
0xc6: {  	_ =	swait.ge [sflag:s0], $0x800  }
0xc7: {  	[sflag:s0] =	ssyncset.done $0x0  }
0xc8: {  	s26 =	rddreg [dreg:$0x18];
	[sflag:s0] =	ssyncadd.s32 $0xFFFFF800  }
0xc9: {  	[spmem:s26] =	stream.linear.scatter [tilespmem:s2], [sflag:$0x3], $0x800, $0x38;
	[tilespmem:$0x1DA00] =	vst v63  }
0xca: {  	_ =	swait.ge [sflag:s0], $0x800  }
0xcb: {  	[sflag:s0] =	ssyncset.done $0x0  }
0xcc: {  	s28 =	rddreg [dreg:$0x19];
	[sflag:s0] =	ssyncadd.s32 $0xFFFFF800  }
0xcd: {  	[spmem:s28] =	stream.linear.scatter [tilespmem:s2], [sflag:$0x3], $0x800, $0x38;
	[tilespmem:$0x1DA00] =	vst v63  }
0xce: {  	_ =	swait.ge [sflag:s0], $0x800  }
0xcf: {  	[sflag:s0] =	ssyncset.done $0x0  }
0xd0: {  	[sflag:s0] =	ssyncadd.s32 $0xFFFFF800  }
0xd1: {  	[spmem:s29] =	stream.linear.scatter [tilespmem:s2], [sflag:$0x3], $0x800, $0x38;
	[tilespmem:$0x1DA00] =	vst v63  }
0xd2: {  	_ =	swait.ge [sflag:s0], $0x800  }
0xd3: {  	[sflag:s0] =	ssyncset.done $0x0  }
0xd4: {  	[sflag:s0] =	ssyncadd.s32 $0xFFFFF800  }
0xd5: {  	[spmem:s30] =	stream.linear.scatter [tilespmem:s2], [sflag:$0x3], $0x800, $0x38;
	[tilespmem:$0x1DA00] =	vst v63  }
0xd6: {  	_ =	swait.ge [sflag:s0], $0x800  }
0xd7: {  	[sflag:s0] =	ssyncset.done $0x0  }
0xd8: {  	[sflag:s0] =	ssyncadd.s32 $0xFFFFF800  }
0xd9: {  	[spmem:s31] =	stream.linear.scatter [tilespmem:s2], [sflag:$0x3], $0x800, $0x38;
	[tilespmem:$0x1DA00] =	vst v63  }
.Ltmp9:
0xda: {  	_ =	swait.ge [sflag:s0], $0x800;
	(pc) =	sbr.rel @p1 .LBB2_16-.Ltmp9, $4  }
0xdb: {  	[sflag:s0] =	ssyncset.done $0x0  }
0xdc: {  	[sflag:s0] =	ssyncadd.s32 $0xFFFFF800  }
0xdd: {  	[bflag:$0x0] =	sbarrier.arrive $0xFFFF  }
0xde: {  	p2 =	por p3, p3;
	s18 =	simm.s32 $0x0  }
0xdf: {  	s19 =	simm.s32 $0x1000  }
0xe0: {  	v7 =	vld [tilespmem:s19+$0x0];
	_ =	sdelay $0x4  }
0xe1: {  	v8 =	vshra.s32 v7, $0x1F  }
0xe2: {  	v8 =	vshrl.u32 v8, $0x12  }
0xe3: {  	v8 =	vadd.s32 v8, v7  }
0xe4: {  	v8 =	vshra.s32 v8, $0xE  }
0xe5: {  	v6 =	vmov s17;
	p4 =	seq.s32 s14, $0x1;
	v9 =	vshll.u32 v8, $0xE  }
.Ltmp10:
0xe6: {  	v10 =	vand.u32 $0x3FFF, v7;
	vm1 =	vlt.s32 v7, $0x1;
	vm0 =	vne.s32 v7, v9;
	(pc) =	sbr.rel @p4 .LBB2_11-.Ltmp10, $4  }
0xe7: {  	v7 =	vsub.s32 v10, v6;
	vm1 =	vmand vm1, vm0  }
0xe8: {  	v8 =	vadd.s32 v5, v8;
	vm0 =	vlt.u32 v7, $0x1400;
	v9 =	vsel vm1, $0xFFFFFFFF, v2  }
0xe9: {  	v10 =	vsel vm0, $0x1, v2;
	v8 =	vadd.s32 v9, v8  }
0xea: {  	s18 =	simm.s32 $0x0;
	s20 =	sadd.s32 $0xFFFFFFFF, s14;
	p3 =	por $0x0, $0x0;
	(xrf0) =	vadd.scan.msk.s32 $0xffff, v10;
	v8 =	vshll.u32 v8, $0xD  }
0xeb: {  	_ = 	snop  }
0xec: {  	v7 =	vadd.s32 v7, v8  }
0xed: {  	s19 =	simm.s32 $0x1010;
	[tilespmem:s18+$0x6000] =	vst.msk vm0, v7  }
0xee: {  	v7 =	vld [tilespmem:s19+$0x0];
	_ =	sdelay $0x1  }
0xef: {  	v8, _, _ =	vpop (xrf0)  }
0xf0: {  	(v2sf) =	vpush v8, $0xF;
	_ =	sdelay $0x1  }
0xf1: {  	v8 =	vshra.s32 v7, $0x1F  }
0xf2: {  	v8 =	vshrl.u32 v8, $0x12  }
0xf3: {  	v8 =	vadd.s32 v8, v7  }
0xf4: {  	v8 =	vshra.s32 v8, $0xE  }
0xf5: {  	v10 =	vand.u32 $0x3FFF, v7;
	v9 =	vshll.u32 v8, $0xE  }
0xf6: {  	vm1 =	vlt.s32 v7, $0x1;
	vm0 =	vne.s32 v7, v9;
	v7 =	vsub.s32 v10, v6  }
0xf7: {  	vm1 =	vmand vm1, vm0;
	vm0 =	vlt.u32 v7, $0x1400  }
0xf8: {  	v10 =	vsel vm0, $0x1, v2  }
0xf9: {  	p4 =	seq.s32 s20, $0x1;
	(xrf0) =	vadd.scan.msk.s32 $0xffff, v10  }
.Ltmp11:
0xfa: {  	_ = 	snop;
	(pc) =	sbr.rel @p4 .LBB2_13-.Ltmp11, $4  }
0xfb: {  	_ = 	snop  }
0xfc: {  	v8 =	vadd.s32 v5, v8;
	v9 =	vsel vm1, $0xFFFFFFFF, v2  }
0xfd: {  	s21 =	sadd.s32 $0xFFFFFFFF, s20;
	v8 =	vadd.s32 v9, v8  }
0xfe: {  	p3 =	por $0x1, $0x1;
	s20 =	simm.s32 $0x0;
	v8 =	vshll.u32 v8, $0xD;
	s22 =	spop (v2sf)  }
.LBB2_14:
0xff: {  	p4 =	seq.s32 s21, $0x1;
	s21 =	sadd.s32 $0xFFFFFFFF, s21;
	v7 =	vadd.s32 v7, v8;
	v8, _, _ =	vpop (xrf0);
	s20 =	sadd.s32 s20, s22  }
0x100: {  	s19 =	sadd.s32 $0x10, s19;
	[tilespmem:s20+$0x6000] =	vst.msk vm0, v7;
	(v2sf) =	vpush v8, $0xF  }
0x101: {  	v8 =	vld [tilespmem:s19+$0x0];
	_ =	sdelay $0x4  }
0x102: {  	v7 =	vshra.s32 v8, $0x1F;
	v9 =	vand.u32 $0x3FFF, v8  }
0x103: {  	v10 =	vshrl.u32 v7, $0x12;
	v7 =	vsub.s32 v9, v6  }
0x104: {  	v9 =	vadd.s32 v10, v8;
	vm0 =	vlt.u32 v7, $0x1400  }
0x105: {  	v9 =	vshra.s32 v9, $0xE;
	v10 =	vsel vm0, $0x1, v2  }
0x106: {  	v11 =	vshll.u32 v9, $0xE;
	(xrf0) =	vadd.scan.msk.s32 $0xffff, v10  }
.Ltmp12:
0x107: {  	vm2 =	vlt.s32 v8, $0x1;
	vm1 =	vne.s32 v8, v11;
	(pc) =	sbr.rel @!p4 .LBB2_14-.Ltmp12, $4  }
0x108: {  	vm1 =	vmand vm2, vm1  }
0x109: {  	v9 =	vadd.s32 v5, v9;
	v8 =	vsel vm1, $0xFFFFFFFF, v2  }
0x10a: {  	v8 =	vadd.s32 v8, v9  }
0x10b: {  	v8 =	vshll.u32 v8, $0xD;
	s22 =	spop (v2sf)  }
.LBB2_15:
0x10c: {  	v6, _, _ =	vpop (xrf0)  }
0x10d: {  	(v2sf) =	vpush v6, $0xF;
	_ =	sdelay $0xd  }
0x10e: {  	s19 =	sadd.s32 @p3 s20, s22  }
0x10f: {  	v6 =	vadd.s32 v7, v8;
	s18 =	smov.u32 @p3 s19;
	s28 =	spop (v2sf)  }
0x110: {  	[tilespmem:s18+$0x6000] =	vst.msk vm0, v6;
	s18 =	sadd.s32 s18, s28  }
.LBB2_16:
0x111: {  	s20 =	simm.s32 $0x0  }
0x112: {  	s21 =	sand.u32 $0x30, s20  }
0x113: {  	s20 =	sadd.s32 s21, s15  }
0x114: {  	v6 =	vmov s20  }
0x115: {  	v6 =	vshll.u32 v6, $0xD  }
0x116: {  	v6 =	vor.u32 v4, v6  }
0x117: {  	s19 =	sadd.s32 $0x6000, s18;
	s20 =	simm.s32 $0x10;
	v6 =	vor.u32 s21, v6  }
.LBB2_17:
0x118: {  	s21 =	sand.u32 $0x30, s20;
	p3 =	sne.s32 s20, $0xF0;
	s20 =	sadd.s32 $0x10, s20;
	v6 =	vor.u32 v1, v6  }
.Ltmp13:
0x119: {  	s22 =	sadd.s32 s21, s15;
	[tilespmem:s19+$0x0] =	vst v6;
	(pc) =	sbr.rel @p3 .LBB2_17-.Ltmp13, $4  }
0x11a: {  	v6 =	vmov s22  }
0x11b: {  	v6 =	vshll.u32 v6, $0xD  }
0x11c: {  	v6 =	vor.u32 v4, v6  }
0x11d: {  	s19 =	sadd.s32 $0x10, s19;
	v6 =	vor.u32 s21, v6  }
0x11e: {  	s18 =	sadd.s32 $0xFF, s18  }
0x11f: {  	s20 =	sand.u32 $0xFF, s18  }
0x120: {  	s28 =	sshra.s32 s18, $0x1F;
	p4 =	slt.s32 s18, $0x1;
	p3 =	sne.s32 s20, $0x0  }
0x121: {  	s20 =	sshrl.u32 s28, $0x18;
	p3 =	por !p4, !p3  }
0x122: {  	s18 =	sadd.s32 s20, s18;
	s20 =	simm.s32 $0x1;
	p3 =	por !p3, !p3  }
0x123: {  	s18 =	sshra.s32 s18, $0x8;
	s20 =	simm.s32 @!p3 $0x0  }
0x124: {  	s18 =	ssub.s32 s18, s20  }
0x125: {  	p3 =	slt.s32 s18, $0x1  }
.Ltmp14:
0x126: {  	_ = 	snop;
	(pc) =	sbr.rel @p3 .LBB2_33-.Ltmp14, $3  }
0x127: {  	_ =	sdelay $0x1  }
0x128: {  	v6 =	vor.u32 v1, v6  }
0x129: {  	[tilespmem:s19+$0x0] =	vst v6  }
0x12a: {  	s20 =	simm.s32 $0x0  }
0x12b: {  	v8 =	vld [tilespmem:s20+$0x6000];
	_ =	sdelay $0x4  }
0x12c: {  	s21 =	simm.s32 $0x10;
	v6 =	vshra.s32 v8, $0x1F  }
0x12d: {  	v7 =	vld [tilespmem:s21+$0x6000];
	v6 =	vshrl.u32 v6, $0x13  }
0x12e: {  	v6 =	vadd.s32 v6, v8  }
0x12f: {  	v6 =	vshra.s32 v6, $0xD  }
0x130: {  	v9 =	vand.u32 $0x1FFF, v8;
	v10 =	vshll.u32 v6, $0xD  }
0x131: {  	s19 =	sshll.u32 s18, $0x1;
	s22 =	simm.s32 $0x80;
	vm0 =	vlt.s32 v8, $0x1;
	[tilespmem:s20+$0xB100] =	vst v9;
	vm1 =	vne.s32 v8, v10  }
.LBB2_20:
0x132: {  	s23 =	sshra.s32 s22, $0x2;
	p3 =	sne.s32 s22, $0x1C0;
	s22 =	sadd.s32 $0x40, s22;
	v8 =	vshra.s32 v7, $0x1F;
	v9 =	vand.u32 $0x1FFF, v7;
	vm0 =	vmand vm0, vm1;
	v10 =	vmovc v7  }
.Ltmp15:
0x133: {  	v7 =	vld [tilespmem:s23+$0x6000];
	v8 =	vshrl.u32 v8, $0x13;
	[tilespmem:s21+$0xB100] =	vst v9;
	v9 =	vsel vm0, $0xFFFFFFFF, v2;
	(pc) =	sbr.rel @p3 .LBB2_20-.Ltmp15, $4  }
0x134: {  	v8 =	vadd.s32 v8, v10;
	v9 =	vadd.s32 v9, v6  }
0x135: {  	v6 =	vshra.s32 v8, $0xD;
	[tilespmem:s20+$0xB000] =	vst v9;
	s20 =	smov.u32 s21;
	s21 =	smov.u32 s23  }
0x136: {  	v8 =	vshll.u32 v6, $0xD  }
0x137: {  	vm0 =	vlt.s32 v10, $0x1;
	vm1 =	vne.s32 v10, v8  }
0x138: {  	v8 =	vshra.s32 v7, $0x1F  }
0x139: {  	v8 =	vshrl.u32 v8, $0x13  }
0x13a: {  	v8 =	vadd.s32 v8, v7  }
0x13b: {  	v8 =	vshra.s32 v8, $0xD  }
0x13c: {  	v9 =	vshll.u32 v8, $0xD  }
0x13d: {  	vm0 =	vmand vm0, vm1;
	vm1 =	vlt.s32 v7, $0x1;
	vm2 =	vne.s32 v7, v9  }
0x13e: {  	v62 =	vsel vm0, $0xFFFFFFFF, v2;
	v7 =	vand.u32 $0x1FFF, v7;
	vm0 =	vmand vm1, vm2  }
0x13f: {  	v6 =	vadd.s32 v62, v6;
	[tilespmem:s21+$0xB100] =	vst v7;
	v7 =	vsel vm0, $0xFFFFFFFF, v2  }
0x140: {  	[tilespmem:s20+$0xB000] =	vst v6;
	v6 =	vadd.s32 v7, v8  }
0x141: {  	s20 =	simm.s32 $0x0;
	[tilespmem:s21+$0xB000] =	vst v6  }
0x142: {  	[tilespmem:s3], [sflag:$0x1] =	stream.indirect.gather [hbm4b:s4+s7], $0x80, s10, s7, $0xb8;
	[tilespmem:$0x1DA00] =	vst v63  }
0x143: {  	v8 =	vld [tilespmem:s20+$0x6080];
	_ =	sdelay $0x4  }
0x144: {  	s21 =	simm.s32 $0x10;
	v6 =	vshra.s32 v8, $0x1F  }
0x145: {  	v7 =	vld [tilespmem:s21+$0x6080];
	v6 =	vshrl.u32 v6, $0x13  }
0x146: {  	v6 =	vadd.s32 v6, v8  }
0x147: {  	v6 =	vshra.s32 v6, $0xD  }
0x148: {  	v63 =	vand.u32 $0x1FFF, v8;
	v10 =	vshll.u32 v6, $0xD  }
0x149: {  	s22 =	simm.s32 $0x80;
	vm0 =	vlt.s32 v8, $0x1;
	[tilespmem:s20+$0xB180] =	vst v63;
	vm1 =	vne.s32 v8, v10  }
.LBB2_22:
0x14a: {  	s23 =	sshra.s32 s22, $0x2;
	p3 =	sne.s32 s22, $0x1C0;
	s22 =	sadd.s32 $0x40, s22;
	v8 =	vshra.s32 v7, $0x1F;
	v9 =	vand.u32 $0x1FFF, v7;
	vm0 =	vmand vm0, vm1;
	v10 =	vmovc v7  }
.Ltmp16:
0x14b: {  	v7 =	vld [tilespmem:s23+$0x6080];
	v8 =	vshrl.u32 v8, $0x13;
	[tilespmem:s21+$0xB180] =	vst v9;
	v9 =	vsel vm0, $0xFFFFFFFF, v2;
	(pc) =	sbr.rel @p3 .LBB2_22-.Ltmp16, $4  }
0x14c: {  	v8 =	vadd.s32 v8, v10;
	v9 =	vadd.s32 v9, v6  }
0x14d: {  	v6 =	vshra.s32 v8, $0xD;
	[tilespmem:s20+$0xB080] =	vst v9;
	s20 =	smov.u32 s21;
	s21 =	smov.u32 s23  }
0x14e: {  	v8 =	vshll.u32 v6, $0xD  }
0x14f: {  	vm0 =	vlt.s32 v10, $0x1;
	vm1 =	vne.s32 v10, v8  }
0x150: {  	v8 =	vshra.s32 v7, $0x1F  }
0x151: {  	v8 =	vshrl.u32 v8, $0x13  }
0x152: {  	v8 =	vadd.s32 v8, v7  }
0x153: {  	v8 =	vshra.s32 v8, $0xD  }
0x154: {  	v9 =	vshll.u32 v8, $0xD  }
0x155: {  	vm0 =	vmand vm0, vm1;
	vm14 =	vlt.s32 v7, $0x1;
	vm2 =	vne.s32 v7, v9  }
.Ltmp17:
0x156: {  	v63 =	vsel vm0, $0xFFFFFFFF, v2;
	v7 =	vand.u32 $0x1FFF, v7;
	vm15 =	vmand vm14, vm2;
	(pc) =	sbr.rel .LBB2_24-.Ltmp17, $4  }
0x157: {  	v6 =	vadd.s32 v63, v6;
	[tilespmem:s21+$0xB180] =	vst v7;
	v7 =	vsel vm15, $0xFFFFFFFF, v2  }
0x158: {  	[tilespmem:s20+$0xB080] =	vst v6;
	v6 =	vadd.s32 v7, v8  }
0x159: {  	s22 =	simm.s32 $0x6180;
	s20 =	simm.s32 $0x0;
	[tilespmem:s21+$0xB080] =	vst v6;
	s21 =	simm.s32 $0x6100  }
0x15a: {  	[tilespmem:s6], [sflag:$0x2] =	stream.indirect.gather [hbm4b:s4+s7], $0x80, s5, s7, $0xb8;
	[tilespmem:$0x1DA00] =	vst v63  }
.LBB2_32:
0x15b: {  	s20 =	sadd.s32 $0x1, s20  }
0x15c: {  	p3 =	sne.s32 s20, s18  }
.Ltmp18:
0x15d: {  	_ = 	snop;
	(pc) =	sbr.rel @!p3 .LBB2_33-.Ltmp18, $2  }
0x15e: {  	_ =	sdelay $0x2  }
0x15f: {  	s21 =	sadd.s32 $0x100, s21;
	s22 =	sadd.s32 $0x100, s22  }
.LBB2_24:
0x160: {  	s23 =	sshll.u32 s20, $0x1  }
0x161: {  	_ =	swait.ge [sflag:s11], $0x4000;
	s24 =	sadd.s32 $0x2, s23  }
0x162: {  	[sflag:s11] =	ssyncset.done $0x0;
	p3 =	sge.s32 s24, s19  }
.Ltmp19:
0x163: {  	[sflag:s11] =	ssyncadd.s32 $0xFFFFC000;
	(pc) =	sbr.rel @p3 .LBB2_28-.Ltmp19, $4  }
0x164: {  	[spmem:s1] =	stream.indirect.scatter.add.f32 [tilespmem:s3], [sflag:$0x3], $0x80, s8, s7, $0xb8;
	[tilespmem:$0x1DA00] =	vst v63  }
0x165: {  	_ =	swait.ge [sflag:s0], $0x4000  }
0x166: {  	[sflag:s0] =	ssyncset.done $0x0  }
0x167: {  	[sflag:s0] =	ssyncadd.s32 $0xFFFFC000  }
0x168: {  	s24 =	sadd.s32 $0x0, s21  }
0x169: {  	v6 =	vld [tilespmem:s24+$0x0];
	_ =	sdelay $0x4  }
0x16a: {  	v7 =	vshra.s32 v6, $0x1F  }
0x16b: {  	v7 =	vshrl.u32 v7, $0x13  }
0x16c: {  	v7 =	vadd.s32 v7, v6  }
0x16d: {  	v7 =	vshra.s32 v7, $0xD  }
0x16e: {  	v8 =	vshll.u32 v7, $0xD  }
0x16f: {  	vm0 =	vlt.s32 v6, $0x1;
	vm1 =	vne.s32 v6, v8  }
0x170: {  	vm0 =	vmand vm0, vm1  }
0x171: {  	s24 =	simm.s32 $0x0;
	v6 =	vand.u32 $0x1FFF, v6;
	v8 =	vsel vm0, $0xFFFFFFFF, v2  }
0x172: {  	s26 =	simm.s32 $0x10;
	s25 =	simm.s32 $0x80;
	[tilespmem:s24+$0xB100] =	vst v6;
	v6 =	vadd.s32 v8, v7  }
.LBB2_26:
0x173: {  	p3 =	sne.s32 s25, $0x1C0;
	s28 =	sadd.s32 s26, s21;
	[tilespmem:s24+$0xB000] =	vst v6;
	s24 =	smov.u32 s26  }
0x174: {  	v6 =	vld [tilespmem:s28+$0x0];
	_ =	sdelay $0x4  }
0x175: {  	v7 =	vshra.s32 v6, $0x1F;
	v8 =	vand.u32 $0x1FFF, v6  }
0x176: {  	v7 =	vshrl.u32 v7, $0x13;
	[tilespmem:s24+$0xB100] =	vst v8  }
0x177: {  	v7 =	vadd.s32 v7, v6  }
0x178: {  	v7 =	vshra.s32 v7, $0xD  }
.Ltmp20:
0x179: {  	v8 =	vshll.u32 v7, $0xD;
	(pc) =	sbr.rel @p3 .LBB2_26-.Ltmp20, $4  }
0x17a: {  	vm0 =	vlt.s32 v6, $0x1;
	vm1 =	vne.s32 v6, v8  }
0x17b: {  	vm0 =	vmand vm0, vm1  }
0x17c: {  	v6 =	vsel vm0, $0xFFFFFFFF, v2  }
0x17d: {  	s26 =	sshra.s32 s25, $0x2;
	s25 =	sadd.s32 $0x40, s25;
	v6 =	vadd.s32 v6, v7  }
0x17e: {  	s25 =	sadd.s32 s26, s21;
	[tilespmem:s24+$0xB000] =	vst v6  }
0x17f: {  	v6 =	vld [tilespmem:s25+$0x0];
	_ =	sdelay $0x4  }
0x180: {  	v7 =	vshra.s32 v6, $0x1F  }
0x181: {  	v7 =	vshrl.u32 v7, $0x13  }
0x182: {  	v7 =	vadd.s32 v7, v6  }
0x183: {  	v7 =	vshra.s32 v7, $0xD  }
0x184: {  	v8 =	vshll.u32 v7, $0xD  }
0x185: {  	vm0 =	vlt.s32 v6, $0x1;
	vm1 =	vne.s32 v6, v8  }
0x186: {  	vm0 =	vmand vm0, vm1  }
0x187: {  	v6 =	vand.u32 $0x1FFF, v6;
	v63 =	vsel vm0, $0xFFFFFFFF, v2  }
0x188: {  	[tilespmem:s26+$0xB100] =	vst v6;
	v6 =	vadd.s32 v63, v7  }
0x189: {  	[tilespmem:s26+$0xB000] =	vst v6  }
0x18a: {  	[tilespmem:s3], [sflag:$0x1] =	stream.indirect.gather [hbm4b:s4+s7], $0x80, s10, s7, $0xb8;
	[tilespmem:$0x1DA00] =	vst v63  }
.LBB2_28:
0x18b: {  	_ =	swait.ge [sflag:s12], $0x4000;
	s23 =	sadd.s32 $0x3, s23  }
0x18c: {  	[sflag:s12] =	ssyncset.done $0x0;
	p3 =	sge.s32 s23, s19  }
.Ltmp21:
0x18d: {  	[sflag:s12] =	ssyncadd.s32 $0xFFFFC000;
	(pc) =	sbr.rel @p3 .LBB2_32-.Ltmp21, $4  }
0x18e: {  	[spmem:s1] =	stream.indirect.scatter.add.f32 [tilespmem:s6], [sflag:$0x3], $0x80, s13, s7, $0xb8;
	[tilespmem:$0x1DA00] =	vst v63  }
0x18f: {  	_ =	swait.ge [sflag:s0], $0x4000  }
0x190: {  	[sflag:s0] =	ssyncset.done $0x0  }
0x191: {  	[sflag:s0] =	ssyncadd.s32 $0xFFFFC000  }
0x192: {  	s23 =	sadd.s32 $0x0, s22  }
0x193: {  	v6 =	vld [tilespmem:s23+$0x0];
	_ =	sdelay $0x4  }
0x194: {  	v7 =	vshra.s32 v6, $0x1F  }
0x195: {  	v7 =	vshrl.u32 v7, $0x13  }
0x196: {  	v7 =	vadd.s32 v7, v6  }
0x197: {  	v7 =	vshra.s32 v7, $0xD  }
0x198: {  	v8 =	vshll.u32 v7, $0xD  }
0x199: {  	vm0 =	vlt.s32 v6, $0x1;
	vm1 =	vne.s32 v6, v8  }
0x19a: {  	vm0 =	vmand vm0, vm1  }
0x19b: {  	s23 =	simm.s32 $0x0;
	v6 =	vand.u32 $0x1FFF, v6;
	v8 =	vsel vm0, $0xFFFFFFFF, v2  }
0x19c: {  	s25 =	simm.s32 $0x10;
	s24 =	simm.s32 $0x80;
	[tilespmem:s23+$0xB180] =	vst v6;
	v6 =	vadd.s32 v8, v7  }
.LBB2_30:
0x19d: {  	p3 =	sne.s32 s24, $0x1C0;
	s26 =	sadd.s32 s25, s22;
	[tilespmem:s23+$0xB080] =	vst v6;
	s23 =	smov.u32 s25  }
0x19e: {  	v6 =	vld [tilespmem:s26+$0x0];
	_ =	sdelay $0x4  }
0x19f: {  	v7 =	vshra.s32 v6, $0x1F;
	v8 =	vand.u32 $0x1FFF, v6  }
0x1a0: {  	v7 =	vshrl.u32 v7, $0x13;
	[tilespmem:s23+$0xB180] =	vst v8  }
0x1a1: {  	v7 =	vadd.s32 v7, v6  }
0x1a2: {  	v7 =	vshra.s32 v7, $0xD  }
.Ltmp22:
0x1a3: {  	v8 =	vshll.u32 v7, $0xD;
	(pc) =	sbr.rel @p3 .LBB2_30-.Ltmp22, $4  }
0x1a4: {  	vm0 =	vlt.s32 v6, $0x1;
	vm1 =	vne.s32 v6, v8  }
0x1a5: {  	vm0 =	vmand vm0, vm1  }
0x1a6: {  	v6 =	vsel vm0, $0xFFFFFFFF, v2  }
0x1a7: {  	s25 =	sshra.s32 s24, $0x2;
	s24 =	sadd.s32 $0x40, s24;
	v6 =	vadd.s32 v6, v7  }
0x1a8: {  	s24 =	sadd.s32 s25, s22;
	[tilespmem:s23+$0xB080] =	vst v6  }
0x1a9: {  	v6 =	vld [tilespmem:s24+$0x0];
	_ =	sdelay $0x4  }
0x1aa: {  	v7 =	vshra.s32 v6, $0x1F  }
0x1ab: {  	v7 =	vshrl.u32 v7, $0x13  }
0x1ac: {  	v7 =	vadd.s32 v7, v6  }
0x1ad: {  	v7 =	vshra.s32 v7, $0xD  }
0x1ae: {  	v8 =	vshll.u32 v7, $0xD  }
0x1af: {  	vm0 =	vlt.s32 v6, $0x1;
	vm1 =	vne.s32 v6, v8  }
.Ltmp23:
0x1b0: {  	vm0 =	vmand vm0, vm1;
	(pc) =	sbr.rel .LBB2_32-.Ltmp23, $4  }
0x1b1: {  	v6 =	vand.u32 $0x1FFF, v6;
	v63 =	vsel vm0, $0xFFFFFFFF, v2  }
0x1b2: {  	[tilespmem:s25+$0xB180] =	vst v6;
	v6 =	vadd.s32 v63, v7  }
0x1b3: {  	[tilespmem:s25+$0xB080] =	vst v6  }
0x1b4: {  	[tilespmem:s6], [sflag:$0x2] =	stream.indirect.gather [hbm4b:s4+s7], $0x80, s5, s7, $0xb8;
	[tilespmem:$0x1DA00] =	vst v63  }
.LBB2_11:
.Ltmp24:
0x1b5: {  	(pc) =	sbr.rel .LBB2_15-.Ltmp24, $2  }
0x1b6: {  	_ =	sdelay $0x2  }
0x1b7: {  	s20 =	simm.s32 $0x0  }
.LBB2_13:
.Ltmp25:
0x1b8: {  	(pc) =	sbr.rel .LBB2_15-.Ltmp25, $2  }
0x1b9: {  	_ =	sdelay $0x2  }
0x1ba: {  	s20 =	simm.s32 $0x0  }
.LBB2_36:
0x1bb: {  	_ =	sfence.sel $0x180000  }
0x1bc: {  	[bflag:$0x0] =	sbarrier.arrive $0xFFFF  }
0x1bd: {  	_ =	strace $0x9000004A  }
0x1be: {  	s0 =	stileid.u32;
	[bflag:$0x2] =	sbarrier.arrive $0xFFFF  }
0x1bf: {  	p0 =	sne.s32 s0, $0x0;
	s0 =	rddreg [dreg:$0x2]  }
0x1c0: {  	s0 =	sadd.s32 @!p0 $0x100000, s0  }
0x1c1: {  	[sflag:s0] =	ssyncadd.tile.s32 @!p0 $0x1;
	_ =	shalt  }
.Lfunc_end2:
_tile_overlayer_lowered:
.L_overlay_start_2:
0x1c2: {  	(tag) =	ssettag $0x2  }
0x1c3: {  	s0 =	rddreg [dreg:$0x0];
	s2 =	stileid.u32  }
0x1c4: {  	s1 =	rddreg [dreg:$0x1];
	p0 =	sne.s32 s2, $0x0  }
0x1c5: {  	s3 =	rddreg [dreg:$0x2];
	[bflag:$0x3] =	sbarrier.arrive $0xFFFF;
	s2 =	simm.s32 @!p0 $0x1C03  }
0x1c6: {  	[timem:s3], [sflag:s2] =	dma.local @!p0 [hbm:s0], s1  }
0x1c7: {  	s0 =	simm.s32 @!p0 $0x3  }
0x1c8: {  	_ =	swait.ge @!p0 [sflag:s0], s1  }
0x1c9: {  	s1 =	ssub.s32 @!p0 $0x0, s1;
	[sflag:s0] =	ssyncset.done @!p0 $0x0  }
0x1ca: {  	[sflag:s0] =	ssyncadd.s32 @!p0 s1  }
0x1cb: {  	[bflag:$0x3] =	sbarrier.arrive $0xFFFF  }
0x1cc: {  	_ =	shalt  }

// kernel: kernel.14.cloned.1.call-start
scs
__scs_entry_jumppad:
0x0: {  	(pc) =	sbr.rel $0x88, $3  }
0x1: {  	(tag) =	ssettag $0x0;
	lr =	simm.s32 $0x1  }
0x2: {  	[smem:$0x3F99] =	sst lr;
	_ =	strace $0xD0000000  }
0x3: {  	_ = 	snop  }
0x4: {  	_ = 	snop  }
0x5: {  	_ = 	snop  }
0x6: {  	_ = 	snop  }
0x7: {  	_ = 	snop  }
__scs_overlays_trampoline_lowered:
0x8: {  	[smem:$0x3FA8] =	sst s0  }
0x9: {  	[smem:$0x3FA9] =	sst s1  }
0xa: {  	[smem:$0x3FAA] =	sst s2  }
0xb: {  	[smem:$0x3FAB] =	sst s3  }
0xc: {  	[smem:$0x3FAC] =	sst s4  }
0xd: {  	[smem:$0x3FAD] =	sst s5  }
0xe: {  	[smem:$0x3FAE] =	sst s6  }
0xf: {  	[smem:$0x3FAF] =	sst s7  }
0x10: {  	[smem:$0x3FB0] =	sst s8  }
0x11: {  	[smem:$0x3FB1] =	sst s9;
	s0 =	simm.s32 @!p0 $0x0  }
0x12: {  	s1 =	sld [smem:$0x3F97];
	s0 =	simm.s32 @p0 $0x1  }
0x13: {  	[smem:$0x3FB2] =	sst s0;
	s0 =	simm.s32 @!p1 $0x0  }
0x14: {  	s2 =	sld [smem:$0x3F96];
	s0 =	simm.s32 @p1 $0x1  }
0x15: {  	[smem:$0x3FB3] =	sst s0;
	s0 =	simm.s32 @!p2 $0x0  }
0x16: {  	s3 =	sld [smem:$0x3FDB];
	s0 =	simm.s32 @p2 $0x1  }
0x17: {  	s4 =	simm.s32 $0x1BF5;
	[smem:$0x3FB5] =	sst s0  }
0x18: {  	s0 =	sld [smem:$0x3F98];
	_ =	swait.ge [sflag:s4], $0x0  }
0x19: {  	s7 =	sld [smem:$0x3F99]  }
0x1a: {  	s8 =	sadd.s32 $0xFFFFE003, lr  }
0x1b: {  	s9 =	sadd.s32 $0xFFFFFEF7, lr;
	s5 =	simm.s32 $0xFFFFFFFF;
	p2 =	slt.u32 s8, $0xFFFFF086  }
0x1c: {  	p1 =	slt.u32 s9, $0xF7A;
	s5 =	simm.s32 @!p2 $0x0  }
0x1d: {  	s5 =	simm.s32 @p1 $0x1;
	p0 =	seq.s32 s7, s2  }
0x1e: {  	s7 =	smul.u32 @!p0 $0xF7A, s2;
	p2 =	seq.s32 @!p0 s5, $0x0  }
0x1f: {  	s9 =	smul.u32 $0xF7A, s1;
	s8 =	simm.s32 @!p0 $0x1BF5;
	p2 =	por !p2, p0  }
0x20: {  	[sflag:s8] =	ssyncset.s32 @!p0 $0xFFFFF086;
	s6 =	sadd.s32 @!p0 s3, s7;
	s7 =	simm.s32 @!p0 $0x108  }
0x21: {  	s3 =	sadd.s32 s3, s9;
	s6 =	sadd.s32 @!p0 $0x88, s6;
	s7 =	simm.s32 @p2 $0x1082  }
0x22: {  	[simem:s7], [sflag:s8] =	dma.local @!p0 [hbm:s6], $0xF7A  }
0x23: {  	s9 =	sor.u32 $0xD0000000, s2;
	s6 =	simm.s32 $0x108;
	_ =	swait.ge @!p0 [sflag:s8], $0x0  }
0x24: {  	s3 =	sadd.s32 $0x88, s3;
	s6 =	simm.s32 @!p1 $0x1082;
	[sflag:s4] =	ssyncset.s32 $0xFFFFF086  }
0x25: {  	[simem:s6], [sflag:s4] =	dma.local [hbm:s3], $0xF7A  }
0x26: {  	[smem:$0x3F99] =	sst s1;
	(tag) =	ssettag s2;
	_ =	strace s9  }
0x27: {  	s1 =	sld [smem:$0x3FA9]  }
0x28: {  	s2 =	sld [smem:$0x3FAA]  }
0x29: {  	s4 =	sld [smem:$0x3FAC]  }
0x2a: {  	p0 =	seq.s32 s5, $0x0;
	s5 =	sld [smem:$0x3FAD]  }
0x2b: {  	s6 =	sld [smem:$0x3FAE]  }
0x2c: {  	s7 =	sld [smem:$0x3FAF]  }
0x2d: {  	s3 =	simm.s32 $0x108;
	s8 =	sld [smem:$0x3FB0]  }
0x2e: {  	s3 =	simm.s32 @!p0 $0x1082;
	s9 =	sld [smem:$0x3FB1]  }
0x2f: {  	lr =	sadd.s32 s0, s3;
	s0 =	sld [smem:$0x3FA8]  }
0x30: {  	s3 =	sld [smem:$0x3FAB]  }
0x31: {  	[smem:$0x3FB4] =	sst s10  }
0x32: {  	s10 =	sld [smem:$0x3FB2];
	_ =	sdelay $0x3  }
0x33: {  	p0 =	seq.s32 s10, $0x1;
	s10 =	sld [smem:$0x3FB4];
	_ =	sdelay $0x3  }
0x34: {  	[smem:$0x3FB4] =	sst s10  }
0x35: {  	s10 =	sld [smem:$0x3FB3];
	_ =	sdelay $0x3  }
0x36: {  	p1 =	seq.s32 s10, $0x1;
	s10 =	sld [smem:$0x3FB4];
	_ =	sdelay $0x3  }
0x37: {  	[smem:$0x3FB4] =	sst s10  }
0x38: {  	s10 =	sld [smem:$0x3FB5]  }
0x39: {  	_ = 	snop;
	(pc) =	sbr.ind lr, $3  }
0x3a: {  	_ = 	snop  }
0x3b: {  	_ = 	snop  }
0x3c: {  	p2 =	seq.s32 s10, $0x1;
	s10 =	sld [smem:$0x3FB4]  }
0x3d: {  	_ =	shalt  }
0x3e: {  	_ =	shalt  }
0x3f: {  	_ =	shalt  }
0x40: {  	_ =	shalt  }
0x41: {  	_ =	shalt  }
0x42: {  	_ =	shalt  }
0x43: {  	_ =	shalt  }
0x44: {  	_ =	shalt  }
0x45: {  	_ =	shalt  }
0x46: {  	_ =	shalt  }
0x47: {  	_ =	shalt  }
0x48: {  	_ =	shalt  }
0x49: {  	_ =	shalt  }
0x4a: {  	_ =	shalt  }
0x4b: {  	_ =	shalt  }
0x4c: {  	_ =	shalt  }
0x4d: {  	_ =	shalt  }
0x4e: {  	_ =	shalt  }
0x4f: {  	_ =	shalt  }
0x50: {  	_ =	shalt  }
0x51: {  	_ =	shalt  }
0x52: {  	_ =	shalt  }
0x53: {  	_ =	shalt  }
0x54: {  	_ =	shalt  }
0x55: {  	_ =	shalt  }
0x56: {  	_ =	shalt  }
0x57: {  	_ =	shalt  }
0x58: {  	_ =	shalt  }
0x59: {  	_ =	shalt  }
0x5a: {  	_ =	shalt  }
0x5b: {  	_ =	shalt  }
0x5c: {  	_ =	shalt  }
0x5d: {  	_ =	shalt  }
0x5e: {  	_ =	shalt  }
0x5f: {  	_ =	shalt  }
0x60: {  	_ =	shalt  }
0x61: {  	_ =	shalt  }
0x62: {  	_ =	shalt  }
0x63: {  	_ =	shalt  }
0x64: {  	_ =	shalt  }
0x65: {  	_ =	shalt  }
0x66: {  	_ =	shalt  }
0x67: {  	_ =	shalt  }
0x68: {  	_ =	shalt  }
0x69: {  	_ =	shalt  }
0x6a: {  	_ =	shalt  }
0x6b: {  	_ =	shalt  }
0x6c: {  	_ =	shalt  }
0x6d: {  	_ =	shalt  }
0x6e: {  	_ =	shalt  }
0x6f: {  	_ =	shalt  }
0x70: {  	_ =	shalt  }
0x71: {  	_ =	shalt  }
0x72: {  	_ =	shalt  }
0x73: {  	_ =	shalt  }
0x74: {  	_ =	shalt  }
0x75: {  	_ =	shalt  }
0x76: {  	_ =	shalt  }
0x77: {  	_ =	shalt  }
0x78: {  	_ =	shalt  }
0x79: {  	_ =	shalt  }
0x7a: {  	_ =	shalt  }
0x7b: {  	_ =	shalt  }
0x7c: {  	_ =	shalt  }
0x7d: {  	_ =	shalt  }
0x7e: {  	_ =	shalt  }
0x7f: {  	_ =	shalt  }
0x80: {  	_ =	shalt  }
0x81: {  	_ =	shalt  }
0x82: {  	_ =	shalt  }
0x83: {  	_ =	shalt  }
0x84: {  	_ =	shalt  }
0x85: {  	_ =	shalt  }
0x86: {  	_ =	shalt  }
0x87: {  	_ =	shalt  }
.Lfunc_end0:
.L_simem_size_0:
called_computation.2_lowered:
.L_overlay_start_0:
0x88: {  	s2 =	sld [smem:$0x3FD9]  }
0x89: {  	s3 =	sld [smem:$0x3FFE];
	_ =	sdelay $0x1  }
0x8a: {  	s1 =	srdreg.scid  }
0x8b: {  	s0 =	sand.u32 $0x1, s1  }
0x8c: {  	s16 =	sshll.u32 s0, $0xA;
	s2 =	sadd.s32 s3, s2  }
0x8d: {  	s2 =	sadd.s32 s2, s16  }
0x8e: {  	[smem:$0x3FC0] =	sst s2  }
0x8f: {  	_ = 	snop  }
0x90: {  	(tm) =	ssettm $0x1  }
0x91: {  	s17 =	sld [smem:$0x3FFB];
	_ =	sdelay $0x3  }
0x92: {  	_ =	strace s17  }
0x93: {  	s2 =	sld [smem:$0x3FFC];
	_ =	sdelay $0x3  }
0x94: {  	_ =	strace s2  }
0x95: {  	s2 =	sld [smem:$0x3FFD];
	_ =	sdelay $0x3  }
0x96: {  	_ =	strace s2  }
0x97: {  	_ =	strace $0x8FFFFFFF  }
0x98: {  	s18 =	sld [smem:$0x3FDB];
	_ =	sdelay $0x1  }
0x99: {  	s19 =	simm.s32 $_scs_section_size  }
0x9a: {  	s4 =	simm.s32 $_size__tile_overlayer_lowered;
	s5 =	simm.s32 $_tile_overlayer_lowered  }
0x9b: {  	s22 =	simm.s32 $0x1BFF;
	s21 =	sshll.u32 s5, $0x1;
	s2 =	sadd.s32 s19, s18  }
0x9c: {  	s6 =	simm.s32 $0x0;
	s20 =	sshll.u32 s4, $0x1;
	s4 =	sadd.s32 s21, s2  }
0x9d: {  	[timem:s6], [sflag:s22] =	dma.local [hbm:s4], s20  }
0x9e: {  	_ =	swait.ge [sflag:s22], s20  }
0x9f: {  	s3 =	ssub.s32 $0x0, s20;
	[sflag:s22] =	ssyncset.done $0x0  }
0xa0: {  	[sflag:s22] =	ssyncadd.s32 s3;
	_ =	sdelay $0x1  }
0xa1: {  	s23 =	simm.s32 $0x1B8B  }
0xa2: {  	_ =	swait.ge [sflag:s23], $0x1  }
0xa3: {  	[sflag:s23] =	ssyncset.done $0x0  }
0xa4: {  	s25 =	simm.s32 $0x1B8E;
	s24 =	sld [smem:$0x3FFE];
	[sflag:s23] =	ssyncadd.s32 $0xFFFFFFFF  }
0xa5: {  	s26 =	simm.s32 $execute0_lowered;
	[smem:$0x3FD2] =	sst s25  }
0xa6: {  	s4 =	sshll.u32 s26, $0x1;
	_ =	strace $0x8000004C;
	[dreg:$0x1] =	wrdreg $0xFFFFFFFF  }
0xa7: {  	s28 =	simm.s32 $_size_execute0_lowered;
	s2 =	sadd.s32 s2, s4;
	[dreg:$0x0] =	wrdreg $0x0  }
0xa8: {  	s4 =	sshll.u32 s28, $0x1;
	[dreg:$0x2] =	wrdreg s2  }
0xa9: {  	[dreg:$0x3] =	wrdreg s4  }
0xaa: {  	[dreg:$0x4] =	wrdreg $0xC0  }
0xab: {  	_ =	task [dreg:s6], $0x5FFFF  }
0xac: {  	[dreg:$0x1] =	wrdreg $0xFFFFFFFF  }
0xad: {  	[dreg:$0x0] =	wrdreg $0x60  }
0xae: {  	[dreg:$0x2] =	wrdreg s24  }
0xaf: {  	[dreg:$0x3] =	wrdreg $0x13A000  }
0xb0: {  	[dreg:$0x4] =	wrdreg $0x9  }
0xb1: {  	_ =	task.clear_ibuf [dreg:s6], $0x5FFFF;
	_ =	strace $0x9000004C  }
0xb2: {  	s29 =	simm.s32 $0x9;
	_ =	strace $0x8000004E  }
0xb3: {  	_ =	swait.ge [sflag:s29], $0x1  }
0xb4: {  	[sflag:s29] =	ssyncadd.s32 $0xFFFFFFFF  }
0xb5: {  	_ =	strace $0x9000004E  }
0xb6: {  	_ =	sfence  }
0xb7: {  	s30 =	sld [smem:$0x0];
	_ =	sdelay $0x2  }
0xb8: {  	s31 =	sshll.u32 s1, $0xD;
	s1 =	sshrl.u32 s1, $0x2  }
0xb9: {  	s3 =	sand.u32 $0x4000, s31;
	s1 =	sadd.s32 s1, s30  }
0xba: {  	s0 =	sor.u32 s3, s0;
	s1 =	sshll.u32 s1, $0x11  }
0xbb: {  	s0 =	sor.u32 s1, s0  }
0xbc: {  	s0 =	sadd.s32 $0x8F2B, s0  }
0xbd: {  	[sflag:s0] =	ssyncadd.remote.s32 $0x1  }
0xbe: {  	_ =	sfence.sel $0xFFFF  }
0xbf: {  	[dreg:$0x0] =	wrdreg $0xFFFFFFFF;
	(pc) =	sbr.abs _section_cstart, $3  }
0xc0: {  	[dreg:$0x1] =	wrdreg $0xFFFFFFFF  }
0xc1: {  	_ =	task.clear_ibuf [dreg:s6], $0x2FFFF;
	_ =	strace $0x9FFFFFFF  }
0xc2: {  	(tm) =	ssettm $0x7FFFFFFF  }
0xc3: {  	_ =	shalt  }
tec
execute0_lowered:
.L_overlay_start_1:
0x0: {  	(tag) =	ssettag $0x1  }
0x1: {  	s0 =	rddreg [dreg:$0x0]  }
0x2: {  	s1 =	rddreg [dreg:$0x1];
	s14 =	simm.s32 $0x0;
	s2 =	srdreg.scid  }
0x3: {  	s7 =	stileid.u32;
	[smem:$0x7FF] =	sst s14  }
0x4: {  	s2 =	sand.u32 $0x1, s2;
	s4 =	sadd.s32 $0x3DA00, s0;
	s6 =	smul.u32 $0x28000, s7  }
0x5: {  	s19 =	sadd.s32 $0x33C00, s0;
	s0 =	sadd.s32 $0xDDA00, s0;
	s20 =	smul.u32 $0x4E20, s7  }
0x6: {  	s7 =	smul.u32 $0x140, s7;
	_ =	strace $0x8000004D;
	[dreg:$0x5] =	wrdreg s0  }
0x7: {  	s3 =	ssub.s32 $0x2, s2;
	s2 =	sshll.u32 s2, $0x1;
	[dreg:$0x4] =	wrdreg s19  }
0x8: {  	s5 =	sshrl.u32 s3, $0x1;
	[dreg:$0x6] =	wrdreg s2  }
0x9: {  	s6 =	sshrl.u32 s6, $0x2;
	[dreg:$0x8] =	wrdreg s7;
	s5 =	ssub.s32 s3, s5  }
0xa: {  	[dreg:$0x7] =	wrdreg s20;
	s9 =	sadd.s32 s6, s1;
	s0 =	smax.u32 s5, $0x1  }
0xb: {  	s8 =	sadd.s32 $0x800, s9;
	[dreg:$0x9] =	wrdreg s0  }
0xc: {  	s10 =	sadd.s32 $0x1000, s9;
	[dreg:$0xa] =	wrdreg s8  }
0xd: {  	s11 =	sadd.s32 $0x1800, s9;
	[dreg:$0xb] =	wrdreg s10  }
0xe: {  	s12 =	sadd.s32 $0x2000, s9;
	[dreg:$0xc] =	wrdreg s11  }
0xf: {  	s13 =	sadd.s32 $0x2800, s9;
	[dreg:$0xd] =	wrdreg s12  }
0x10: {  	s15 =	sadd.s32 $0x3000, s9;
	[dreg:$0xe] =	wrdreg s13  }
0x11: {  	s16 =	sadd.s32 $0x3800, s9;
	[dreg:$0xf] =	wrdreg s15  }
0x12: {  	s17 =	sadd.s32 $0x4000, s9;
	[dreg:$0x10] =	wrdreg s16  }
0x13: {  	s18 =	sadd.s32 $0x4800, s9;
	[dreg:$0x11] =	wrdreg s17  }
0x14: {  	s2 =	simm.s32 $0x13200;
	s21 =	sadd.s32 $0x5000, s9;
	[dreg:$0x12] =	wrdreg s18  }
0x15: {  	s7 =	simm.s32 $0x80;
	s22 =	sadd.s32 $0x5800, s9;
	[dreg:$0x13] =	wrdreg s21  }
0x16: {  	s3 =	simm.s32 $0xB200;
	s23 =	sadd.s32 $0x6000, s9;
	[dreg:$0x14] =	wrdreg s22  }
0x17: {  	s6 =	simm.s32 $0xF200;
	s24 =	sadd.s32 $0x6800, s9;
	[dreg:$0x15] =	wrdreg s23  }
0x18: {  	s25 =	sadd.s32 $0x7000, s9;
	s26 =	sadd.s32 $0x7800, s9;
	[dreg:$0x16] =	wrdreg s24  }
.Ltmp0:
0x19: {  	s28 =	sadd.s32 $0x8000, s9;
	[dreg:$0x17] =	wrdreg s25;
	(pc) =	sbr.rel .LBB2_1-.Ltmp0, $4  }
0x1a: {  	s29 =	sadd.s32 $0x8800, s9;
	s30 =	sadd.s32 $0x9000, s9;
	[dreg:$0x18] =	wrdreg s26  }
0x1b: {  	s31 =	sadd.s32 $0x9800, s9;
	s5 =	simm.s32 $0xB080;
	[dreg:$0x19] =	wrdreg s28  }
0x1c: {  	v0 =	vimm.f32 $0.0e+00;
	v1 =	vlaneseq.u32;
	s0 =	simm.s32 $0x3;
	s11 =	simm.s32 $0x1;
	s10 =	simm.s32 $0xB000  }
0x1d: {  	v2 =	vimm.s32 $0x0;
	v3 =	vimm.s32 $0xFFFFFFF;
	v4 =	vmul.u32 $0x2000, v1;
	s8 =	simm.s32 $0xB100;
	s12 =	simm.s32 $0x2;
	s13 =	simm.s32 $0xB180  }
.LBB2_35:
0x1e: {  	s14 =	rddreg [dreg:$0x3]  }
0x1f: {  	s15 =	rddreg [dreg:$0x9];
	s14 =	sadd.s32 $0x1, s14  }
0x20: {  	p0 =	sne.s32 s14, s15  }
.Ltmp1:
0x21: {  	_ = 	snop;
	(pc) =	sbr.rel @!p0 .LBB2_36-.Ltmp1, $1  }
0x22: {  	_ =	sdelay $0x3  }
.LBB2_1:
0x23: {  	[dreg:$0x3] =	wrdreg s14;
	s14 =	simm.s32 $0x0;
	s15 =	simm.s32 $0x200  }
.LBB2_2:
0x24: {  	p0 =	sne.s32 s15, $0x1E00;
	[tilespmem:s14+$0x13270] =	vst v0  }
0x25: {  	[tilespmem:s14+$0x13200] =	vst v0  }
0x26: {  	[tilespmem:s14+$0x13210] =	vst v0  }
.Ltmp2:
0x27: {  	[tilespmem:s14+$0x13220] =	vst v0;
	(pc) =	sbr.rel @p0 .LBB2_2-.Ltmp2, $4  }
0x28: {  	[tilespmem:s14+$0x13230] =	vst v0  }
0x29: {  	[tilespmem:s14+$0x13240] =	vst v0  }
0x2a: {  	[tilespmem:s14+$0x13250] =	vst v0  }
0x2b: {  	[tilespmem:s14+$0x13260] =	vst v0;
	s14 =	sshra.s32 s15, $0x2;
	s15 =	sadd.s32 $0x200, s15  }
0x2c: {  	[tilespmem:s14+$0x13270] =	vst v0  }
0x2d: {  	[tilespmem:s14+$0x13200] =	vst v0  }
0x2e: {  	[tilespmem:s14+$0x13210] =	vst v0  }
.Ltmp3:
0x2f: {  	[tilespmem:s14+$0x13220] =	vst v0;
	(pc) =	sbr.rel .LBB2_4-.Ltmp3, $4  }
0x30: {  	[tilespmem:s14+$0x13230] =	vst v0  }
0x31: {  	[tilespmem:s14+$0x13240] =	vst v0  }
0x32: {  	[tilespmem:s14+$0x13250] =	vst v0  }
0x33: {  	[tilespmem:s14+$0x13260] =	vst v0;
	s14 =	simm.s32 $0x0;
	p1 =	por $0x1, $0x1  }
.LBB2_34:
.Ltmp4:
0x34: {  	(pc) =	sbr.rel @!p0 .LBB2_35-.Ltmp4, $3  }
0x35: {  	_ =	sdelay $0x1  }
0x36: {  	s19 =	rddreg [dreg:$0x4]  }
0x37: {  	s14 =	simm.s32 $0x1;
	p1 =	por $0x0, $0x0;
	s20 =	rddreg [dreg:$0x7]  }
.LBB2_4:
0x38: {  	s15 =	rddreg [dreg:$0x6]  }
0x39: {  	s14 =	sor.u32 s15, s14  }
0x3a: {  	p0 =	por p1, p1;
	s17 =	simm.s32 $0x0;
	s15 =	simm.s32 $0x0;
	v5 =	vmov s14  }
.LBB2_5:
0x3b: {  	s16 =	smul.u32 $0xFA0, s15;
	_ =	sdelay $0x1  }
0x3c: {  	s16 =	sadd.s32 s20, s16  }
0x3d: {  	s16 =	sshrl.u32 s16, $0x3  }
0x3e: {  	s18 =	simm.s32 $0x0;
	s16 =	sadd.s32 s19, s16  }
0x3f: {  	[tilespmem:s18], [sflag:$0x3] =	stream.linear.gather [hbm4b:s16+s18], $0xFA0, $0x38;
	[tilespmem:$0x1DA00] =	vst v63  }
0x40: {  	_ =	swait.ge [sflag:s0], $0xFA0  }
0x41: {  	[sflag:s0] =	ssyncset.done $0x0  }
0x42: {  	s28 =	simm.s32 $0x0;
	[sflag:s0] =	ssyncadd.s32 $0xFFFFF060  }
0x43: {  	v6 =	vld [tilespmem:s28+$0x0];
	_ =	sdelay $0x4  }
0x44: {  	v7 =	vshra.s32 v6, $0x1F  }
0x45: {  	v7 =	vshrl.u32 v7, $0x4  }
0x46: {  	v7 =	vadd.s32 v7, v6  }
0x47: {  	v7 =	vshra.s32 v7, $0x1C  }
0x48: {  	v8 =	vshll.u32 v7, $0x1C  }
0x49: {  	vm0 =	vlt.s32 v6, $0x1;
	vm1 =	vne.s32 v6, v8  }
0x4a: {  	vm0 =	vmand vm0, vm1  }
0x4b: {  	v63 =	vsel vm0, $0xFFFFFFFF, v2  }
0x4c: {  	v7 =	vadd.s32 v63, v7  }
0x4d: {  	vm15 =	veq.s32 v7, v5  }
0x4e: {  	v7 =	vsel vm15, $0x1, v2  }
0x4f: {  	(xrf0) =	vadd.scan.msk.s32 $0xffff, v7;
	_ =	sdelay $0x2  }
0x50: {  	v6 =	vand.u32 $0xFFFFFFF, v6  }
0x51: {  	s18 =	simm.s32 $0x10;
	s16 =	simm.s32 $0x80;
	[tilespmem:s17+$0x1000] =	vst.msk vm15, v6  }
.LBB2_6:
0x52: {  	p1 =	sne.s32 s16, $0x3E40;
	v6 =	vld [tilespmem:s18+$0x0]  }
0x53: {  	v7, _, _ =	vpop (xrf0)  }
0x54: {  	(v2sf) =	vpush v7, $0xF;
	_ =	sdelay $0x2  }
0x55: {  	v7 =	vshra.s32 v6, $0x1F;
	v8 =	vand.u32 $0xFFFFFFF, v6  }
0x56: {  	v7 =	vshrl.u32 v7, $0x4  }
0x57: {  	v7 =	vadd.s32 v7, v6  }
0x58: {  	v7 =	vshra.s32 v7, $0x1C  }
0x59: {  	v9 =	vshll.u32 v7, $0x1C  }
0x5a: {  	vm0 =	vlt.s32 v6, $0x1;
	vm1 =	vne.s32 v6, v9  }
0x5b: {  	vm0 =	vmand vm0, vm1  }
0x5c: {  	v6 =	vsel vm0, $0xFFFFFFFF, v2  }
0x5d: {  	v6 =	vadd.s32 v6, v7  }
0x5e: {  	vm0 =	veq.s32 v6, v5  }
0x5f: {  	v6 =	vsel vm0, $0x1, v2  }
.Ltmp5:
0x60: {  	(xrf0) =	vadd.scan.msk.s32 $0xffff, v6;
	(pc) =	sbr.rel @p1 .LBB2_6-.Ltmp5, $4  }
0x61: {  	s18 =	spop (v2sf)  }
0x62: {  	s17 =	sadd.s32 s17, s18  }
0x63: {  	[tilespmem:s17+$0x1000] =	vst.msk vm0, v8  }
0x64: {  	s18 =	sshra.s32 s16, $0x2;
	s16 =	sadd.s32 $0x40, s16  }
0x65: {  	v6 =	vld [tilespmem:s18+$0x0];
	_ =	sdelay $0x4  }
0x66: {  	v7 =	vshra.s32 v6, $0x1F  }
0x67: {  	v7 =	vshrl.u32 v7, $0x4  }
0x68: {  	v7 =	vadd.s32 v7, v6  }
0x69: {  	v7 =	vshra.s32 v7, $0x1C  }
0x6a: {  	v8 =	vshll.u32 v7, $0x1C  }
0x6b: {  	vm0 =	vlt.s32 v6, $0x1;
	vm1 =	vne.s32 v6, v8  }
0x6c: {  	vm0 =	vmand vm0, vm1  }
0x6d: {  	v63 =	vsel vm0, $0xFFFFFFFF, v2  }
0x6e: {  	v7 =	vadd.s32 v63, v7  }
0x6f: {  	vm15 =	veq.s32 v7, v5  }
0x70: {  	v7 =	vsel vm15, $0x1, v2  }
0x71: {  	(xrf0) =	vadd.scan.msk.s32 $0xffff, v7;
	_ =	sdelay $0x4  }
0x72: {  	v7, _, _ =	vpop (xrf0)  }
0x73: {  	(v2sf) =	vpush v7, $0xF;
	v7, _, _ =	vpop (xrf0)  }
0x74: {  	(v2sf) =	vpush v7, $0xF;
	_ =	sdelay $0x9  }
0x75: {  	s15 =	sadd.s32 $0x1, s15  }
0x76: {  	p1 =	sne.s32 s15, $0x5  }
.Ltmp6:
0x77: {  	_ = 	snop;
	(pc) =	sbr.rel @p1 .LBB2_5-.Ltmp6, $4  }
0x78: {  	_ = 	snop  }
0x79: {  	s16 =	spop (v2sf)  }
0x7a: {  	v6 =	vand.u32 $0xFFFFFFF, v6;
	s16 =	sadd.s32 s17, s16;
	s28 =	spop (v2sf)  }
0x7b: {  	[tilespmem:s16+$0x1000] =	vst.msk vm15, v6;
	s17 =	sadd.s32 s16, s28  }
0x7c: {  	s15 =	sadd.s32 $0xF, s17  }
0x7d: {  	s25 =	smul.u32 $0x2800, s14;
	s18 =	sand.u32 $0xF, s15  }
0x7e: {  	s16 =	sshra.s32 s15, $0x1F;
	p1 =	slt.s32 s15, $0x1;
	p2 =	sne.s32 s18, $0x0  }
.Ltmp7:
0x7f: {  	s16 =	sshrl.u32 s16, $0x1C;
	p1 =	por !p1, !p2;
	(pc) =	sbr.rel .LBB2_9-.Ltmp7, $4  }
0x80: {  	s15 =	sadd.s32 s16, s15;
	s16 =	simm.s32 $0x1;
	p1 =	por !p1, !p1  }
0x81: {  	s28 =	rddreg [dreg:$0x8];
	s26 =	sshra.s32 s15, $0x4;
	s16 =	simm.s32 @!p1 $0x0  }
0x82: {  	[tilespmem:s17+$0x1000] =	vst v3;
	s17 =	simm.s32 $0x0;
	p3 =	por $0x1, $0x1;
	s14 =	ssub.s32 s26, s16  }
0x83: {  	v5 =	vmov s25;
	s15 =	sadd.s32 $0x2710, s25;
	s16 =	sadd.s32 s28, s25;
	p1 =	slt.s32 s14, $0x1  }
.LBB2_33:
0x84: {  	s17 =	sadd.s32 s17, s16;
	[bflag:$0x0] =	sbarrier.arrive $0xFFFF;
	s18 =	stileid.u32  }
0x85: {  	s17 =	sshll.u32 s17, $0x4;
	s18 =	sshll.u32 s18, $0x6;
	s19 =	rddreg [dreg:$0x5]  }
0x86: {  	s28 =	sshrl.u32 s9, $0x3;
	s17 =	sadd.s32 s19, s17;
	s18 =	sor.u32 $0x1C03, s18  }
0x87: {  	[hbm:s17], [sflag:s18] =	dma.local [spmem:s28], $0x1400  }
.Ltmp8:
0x88: {  	_ =	swait.ge [sflag:s0], $0x1400;
	(pc) =	sbr.rel @!p2 .LBB2_34-.Ltmp8, $4  }
0x89: {  	[sflag:s0] =	ssyncset.done $0x0  }
0x8a: {  	[sflag:s0] =	ssyncadd.s32 $0xFFFFEC00  }
0x8b: {  	[bflag:$0x0] =	sbarrier.arrive $0xFFFF  }
0x8c: {  	p3 =	por $0x0, $0x0;
	s17 =	simm.s32 $0x1400  }
.LBB2_9:
0x8d: {  	[spmem:s9] =	stream.linear.scatter [tilespmem:s2], [sflag:$0x3], $0x800, $0x38;
	[tilespmem:$0x1DA00] =	vst v63  }
0x8e: {  	_ =	swait.ge [sflag:s0], $0x800  }
0x8f: {  	[sflag:s0] =	ssyncset.done $0x0  }
0x90: {  	s18 =	rddreg [dreg:$0xa];
	[sflag:s0] =	ssyncadd.s32 $0xFFFFF800  }
0x91: {  	[spmem:s18] =	stream.linear.scatter [tilespmem:s2], [sflag:$0x3], $0x800, $0x38;
	[tilespmem:$0x1DA00] =	vst v63  }
0x92: {  	_ =	swait.ge [sflag:s0], $0x800  }
0x93: {  	[sflag:s0] =	ssyncset.done $0x0  }
0x94: {  	s22 =	rddreg [dreg:$0xb];
	[sflag:s0] =	ssyncadd.s32 $0xFFFFF800  }
0x95: {  	[spmem:s22] =	stream.linear.scatter [tilespmem:s2], [sflag:$0x3], $0x800, $0x38;
	[tilespmem:$0x1DA00] =	vst v63  }
0x96: {  	_ =	swait.ge [sflag:s0], $0x800  }
0x97: {  	[sflag:s0] =	ssyncset.done $0x0  }
0x98: {  	s23 =	rddreg [dreg:$0xc];
	[sflag:s0] =	ssyncadd.s32 $0xFFFFF800  }
0x99: {  	[spmem:s23] =	stream.linear.scatter [tilespmem:s2], [sflag:$0x3], $0x800, $0x38;
	[tilespmem:$0x1DA00] =	vst v63  }
0x9a: {  	_ =	swait.ge [sflag:s0], $0x800  }
0x9b: {  	[sflag:s0] =	ssyncset.done $0x0  }
0x9c: {  	s24 =	rddreg [dreg:$0xd];
	[sflag:s0] =	ssyncadd.s32 $0xFFFFF800  }
0x9d: {  	[spmem:s24] =	stream.linear.scatter [tilespmem:s2], [sflag:$0x3], $0x800, $0x38;
	[tilespmem:$0x1DA00] =	vst v63  }
0x9e: {  	_ =	swait.ge [sflag:s0], $0x800  }
0x9f: {  	[sflag:s0] =	ssyncset.done $0x0  }
0xa0: {  	s25 =	rddreg [dreg:$0xe];
	[sflag:s0] =	ssyncadd.s32 $0xFFFFF800  }
0xa1: {  	[spmem:s25] =	stream.linear.scatter [tilespmem:s2], [sflag:$0x3], $0x800, $0x38;
	[tilespmem:$0x1DA00] =	vst v63  }
0xa2: {  	_ =	swait.ge [sflag:s0], $0x800  }
0xa3: {  	[sflag:s0] =	ssyncset.done $0x0  }
0xa4: {  	s26 =	rddreg [dreg:$0xf];
	[sflag:s0] =	ssyncadd.s32 $0xFFFFF800  }
0xa5: {  	[spmem:s26] =	stream.linear.scatter [tilespmem:s2], [sflag:$0x3], $0x800, $0x38;
	[tilespmem:$0x1DA00] =	vst v63  }
0xa6: {  	_ =	swait.ge [sflag:s0], $0x800  }
0xa7: {  	[sflag:s0] =	ssyncset.done $0x0  }
0xa8: {  	s28 =	rddreg [dreg:$0x10];
	[sflag:s0] =	ssyncadd.s32 $0xFFFFF800  }
0xa9: {  	[spmem:s28] =	stream.linear.scatter [tilespmem:s2], [sflag:$0x3], $0x800, $0x38;
	[tilespmem:$0x1DA00] =	vst v63  }
0xaa: {  	_ =	swait.ge [sflag:s0], $0x800  }
0xab: {  	[sflag:s0] =	ssyncset.done $0x0  }
0xac: {  	s19 =	rddreg [dreg:$0x11];
	[sflag:s0] =	ssyncadd.s32 $0xFFFFF800  }
0xad: {  	[spmem:s19] =	stream.linear.scatter [tilespmem:s2], [sflag:$0x3], $0x800, $0x38;
	[tilespmem:$0x1DA00] =	vst v63  }
0xae: {  	_ =	swait.ge [sflag:s0], $0x800  }
0xaf: {  	[sflag:s0] =	ssyncset.done $0x0  }
0xb0: {  	s20 =	rddreg [dreg:$0x12];
	[sflag:s0] =	ssyncadd.s32 $0xFFFFF800  }
0xb1: {  	[spmem:s20] =	stream.linear.scatter [tilespmem:s2], [sflag:$0x3], $0x800, $0x38;
	[tilespmem:$0x1DA00] =	vst v63  }
0xb2: {  	_ =	swait.ge [sflag:s0], $0x800  }
0xb3: {  	[sflag:s0] =	ssyncset.done $0x0  }
0xb4: {  	s21 =	rddreg [dreg:$0x13];
	[sflag:s0] =	ssyncadd.s32 $0xFFFFF800  }
0xb5: {  	[spmem:s21] =	stream.linear.scatter [tilespmem:s2], [sflag:$0x3], $0x800, $0x38;
	[tilespmem:$0x1DA00] =	vst v63  }
0xb6: {  	_ =	swait.ge [sflag:s0], $0x800  }
0xb7: {  	[sflag:s0] =	ssyncset.done $0x0  }
0xb8: {  	s22 =	rddreg [dreg:$0x14];
	[sflag:s0] =	ssyncadd.s32 $0xFFFFF800  }
0xb9: {  	[spmem:s22] =	stream.linear.scatter [tilespmem:s2], [sflag:$0x3], $0x800, $0x38;
	[tilespmem:$0x1DA00] =	vst v63  }
0xba: {  	_ =	swait.ge [sflag:s0], $0x800  }
0xbb: {  	[sflag:s0] =	ssyncset.done $0x0  }
0xbc: {  	s23 =	rddreg [dreg:$0x15];
	[sflag:s0] =	ssyncadd.s32 $0xFFFFF800  }
0xbd: {  	[spmem:s23] =	stream.linear.scatter [tilespmem:s2], [sflag:$0x3], $0x800, $0x38;
	[tilespmem:$0x1DA00] =	vst v63  }
0xbe: {  	_ =	swait.ge [sflag:s0], $0x800  }
0xbf: {  	[sflag:s0] =	ssyncset.done $0x0  }
0xc0: {  	s24 =	rddreg [dreg:$0x16];
	[sflag:s0] =	ssyncadd.s32 $0xFFFFF800  }
0xc1: {  	[spmem:s24] =	stream.linear.scatter [tilespmem:s2], [sflag:$0x3], $0x800, $0x38;
	[tilespmem:$0x1DA00] =	vst v63  }
0xc2: {  	_ =	swait.ge [sflag:s0], $0x800  }
0xc3: {  	[sflag:s0] =	ssyncset.done $0x0  }
0xc4: {  	s25 =	rddreg [dreg:$0x17];
	[sflag:s0] =	ssyncadd.s32 $0xFFFFF800  }
0xc5: {  	[spmem:s25] =	stream.linear.scatter [tilespmem:s2], [sflag:$0x3], $0x800, $0x38;
	[tilespmem:$0x1DA00] =	vst v63  }
0xc6: {  	_ =	swait.ge [sflag:s0], $0x800  }
0xc7: {  	[sflag:s0] =	ssyncset.done $0x0  }
0xc8: {  	s26 =	rddreg [dreg:$0x18];
	[sflag:s0] =	ssyncadd.s32 $0xFFFFF800  }
0xc9: {  	[spmem:s26] =	stream.linear.scatter [tilespmem:s2], [sflag:$0x3], $0x800, $0x38;
	[tilespmem:$0x1DA00] =	vst v63  }
0xca: {  	_ =	swait.ge [sflag:s0], $0x800  }
0xcb: {  	[sflag:s0] =	ssyncset.done $0x0  }
0xcc: {  	s28 =	rddreg [dreg:$0x19];
	[sflag:s0] =	ssyncadd.s32 $0xFFFFF800  }
0xcd: {  	[spmem:s28] =	stream.linear.scatter [tilespmem:s2], [sflag:$0x3], $0x800, $0x38;
	[tilespmem:$0x1DA00] =	vst v63  }
0xce: {  	_ =	swait.ge [sflag:s0], $0x800  }
0xcf: {  	[sflag:s0] =	ssyncset.done $0x0  }
0xd0: {  	[sflag:s0] =	ssyncadd.s32 $0xFFFFF800  }
0xd1: {  	[spmem:s29] =	stream.linear.scatter [tilespmem:s2], [sflag:$0x3], $0x800, $0x38;
	[tilespmem:$0x1DA00] =	vst v63  }
0xd2: {  	_ =	swait.ge [sflag:s0], $0x800  }
0xd3: {  	[sflag:s0] =	ssyncset.done $0x0  }
0xd4: {  	[sflag:s0] =	ssyncadd.s32 $0xFFFFF800  }
0xd5: {  	[spmem:s30] =	stream.linear.scatter [tilespmem:s2], [sflag:$0x3], $0x800, $0x38;
	[tilespmem:$0x1DA00] =	vst v63  }
0xd6: {  	_ =	swait.ge [sflag:s0], $0x800  }
0xd7: {  	[sflag:s0] =	ssyncset.done $0x0  }
0xd8: {  	[sflag:s0] =	ssyncadd.s32 $0xFFFFF800  }
0xd9: {  	[spmem:s31] =	stream.linear.scatter [tilespmem:s2], [sflag:$0x3], $0x800, $0x38;
	[tilespmem:$0x1DA00] =	vst v63  }
.Ltmp9:
0xda: {  	_ =	swait.ge [sflag:s0], $0x800;
	(pc) =	sbr.rel @p1 .LBB2_16-.Ltmp9, $4  }
0xdb: {  	[sflag:s0] =	ssyncset.done $0x0  }
0xdc: {  	[sflag:s0] =	ssyncadd.s32 $0xFFFFF800  }
0xdd: {  	[bflag:$0x0] =	sbarrier.arrive $0xFFFF  }
0xde: {  	p2 =	por p3, p3;
	s18 =	simm.s32 $0x0  }
0xdf: {  	s19 =	simm.s32 $0x1000  }
0xe0: {  	v7 =	vld [tilespmem:s19+$0x0];
	_ =	sdelay $0x4  }
0xe1: {  	v8 =	vshra.s32 v7, $0x1F  }
0xe2: {  	v8 =	vshrl.u32 v8, $0x12  }
0xe3: {  	v8 =	vadd.s32 v8, v7  }
0xe4: {  	v8 =	vshra.s32 v8, $0xE  }
0xe5: {  	v6 =	vmov s17;
	p4 =	seq.s32 s14, $0x1;
	v9 =	vshll.u32 v8, $0xE  }
.Ltmp10:
0xe6: {  	v10 =	vand.u32 $0x3FFF, v7;
	vm1 =	vlt.s32 v7, $0x1;
	vm0 =	vne.s32 v7, v9;
	(pc) =	sbr.rel @p4 .LBB2_11-.Ltmp10, $4  }
0xe7: {  	v7 =	vsub.s32 v10, v6;
	vm1 =	vmand vm1, vm0  }
0xe8: {  	v8 =	vadd.s32 v5, v8;
	vm0 =	vlt.u32 v7, $0x1400;
	v9 =	vsel vm1, $0xFFFFFFFF, v2  }
0xe9: {  	v10 =	vsel vm0, $0x1, v2;
	v8 =	vadd.s32 v9, v8  }
0xea: {  	s18 =	simm.s32 $0x0;
	s20 =	sadd.s32 $0xFFFFFFFF, s14;
	p3 =	por $0x0, $0x0;
	(xrf0) =	vadd.scan.msk.s32 $0xffff, v10;
	v8 =	vshll.u32 v8, $0xD  }
0xeb: {  	_ = 	snop  }
0xec: {  	v7 =	vadd.s32 v7, v8  }
0xed: {  	s19 =	simm.s32 $0x1010;
	[tilespmem:s18+$0x6000] =	vst.msk vm0, v7  }
0xee: {  	v7 =	vld [tilespmem:s19+$0x0];
	_ =	sdelay $0x1  }
0xef: {  	v8, _, _ =	vpop (xrf0)  }
0xf0: {  	(v2sf) =	vpush v8, $0xF;
	_ =	sdelay $0x1  }
0xf1: {  	v8 =	vshra.s32 v7, $0x1F  }
0xf2: {  	v8 =	vshrl.u32 v8, $0x12  }
0xf3: {  	v8 =	vadd.s32 v8, v7  }
0xf4: {  	v8 =	vshra.s32 v8, $0xE  }
0xf5: {  	v10 =	vand.u32 $0x3FFF, v7;
	v9 =	vshll.u32 v8, $0xE  }
0xf6: {  	vm1 =	vlt.s32 v7, $0x1;
	vm0 =	vne.s32 v7, v9;
	v7 =	vsub.s32 v10, v6  }
0xf7: {  	vm1 =	vmand vm1, vm0;
	vm0 =	vlt.u32 v7, $0x1400  }
0xf8: {  	v10 =	vsel vm0, $0x1, v2  }
0xf9: {  	p4 =	seq.s32 s20, $0x1;
	(xrf0) =	vadd.scan.msk.s32 $0xffff, v10  }
.Ltmp11:
0xfa: {  	_ = 	snop;
	(pc) =	sbr.rel @p4 .LBB2_13-.Ltmp11, $4  }
0xfb: {  	_ = 	snop  }
0xfc: {  	v8 =	vadd.s32 v5, v8;
	v9 =	vsel vm1, $0xFFFFFFFF, v2  }
0xfd: {  	s21 =	sadd.s32 $0xFFFFFFFF, s20;
	v8 =	vadd.s32 v9, v8  }
0xfe: {  	p3 =	por $0x1, $0x1;
	s20 =	simm.s32 $0x0;
	v8 =	vshll.u32 v8, $0xD;
	s22 =	spop (v2sf)  }
.LBB2_14:
0xff: {  	p4 =	seq.s32 s21, $0x1;
	s21 =	sadd.s32 $0xFFFFFFFF, s21;
	v7 =	vadd.s32 v7, v8;
	v8, _, _ =	vpop (xrf0);
	s20 =	sadd.s32 s20, s22  }
0x100: {  	s19 =	sadd.s32 $0x10, s19;
	[tilespmem:s20+$0x6000] =	vst.msk vm0, v7;
	(v2sf) =	vpush v8, $0xF  }
0x101: {  	v8 =	vld [tilespmem:s19+$0x0];
	_ =	sdelay $0x4  }
0x102: {  	v7 =	vshra.s32 v8, $0x1F;
	v9 =	vand.u32 $0x3FFF, v8  }
0x103: {  	v10 =	vshrl.u32 v7, $0x12;
	v7 =	vsub.s32 v9, v6  }
0x104: {  	v9 =	vadd.s32 v10, v8;
	vm0 =	vlt.u32 v7, $0x1400  }
0x105: {  	v9 =	vshra.s32 v9, $0xE;
	v10 =	vsel vm0, $0x1, v2  }
0x106: {  	v11 =	vshll.u32 v9, $0xE;
	(xrf0) =	vadd.scan.msk.s32 $0xffff, v10  }
.Ltmp12:
0x107: {  	vm2 =	vlt.s32 v8, $0x1;
	vm1 =	vne.s32 v8, v11;
	(pc) =	sbr.rel @!p4 .LBB2_14-.Ltmp12, $4  }
0x108: {  	vm1 =	vmand vm2, vm1  }
0x109: {  	v9 =	vadd.s32 v5, v9;
	v8 =	vsel vm1, $0xFFFFFFFF, v2  }
0x10a: {  	v8 =	vadd.s32 v8, v9  }
0x10b: {  	v8 =	vshll.u32 v8, $0xD;
	s22 =	spop (v2sf)  }
.LBB2_15:
0x10c: {  	v6, _, _ =	vpop (xrf0)  }
0x10d: {  	(v2sf) =	vpush v6, $0xF;
	_ =	sdelay $0xd  }
0x10e: {  	s19 =	sadd.s32 @p3 s20, s22  }
0x10f: {  	v6 =	vadd.s32 v7, v8;
	s18 =	smov.u32 @p3 s19;
	s28 =	spop (v2sf)  }
0x110: {  	[tilespmem:s18+$0x6000] =	vst.msk vm0, v6;
	s18 =	sadd.s32 s18, s28  }
.LBB2_16:
0x111: {  	s20 =	simm.s32 $0x0  }
0x112: {  	s21 =	sand.u32 $0x30, s20  }
0x113: {  	s20 =	sadd.s32 s21, s15  }
0x114: {  	v6 =	vmov s20  }
0x115: {  	v6 =	vshll.u32 v6, $0xD  }
0x116: {  	v6 =	vor.u32 v4, v6  }
0x117: {  	s19 =	sadd.s32 $0x6000, s18;
	s20 =	simm.s32 $0x10;
	v6 =	vor.u32 s21, v6  }
.LBB2_17:
0x118: {  	s21 =	sand.u32 $0x30, s20;
	p3 =	sne.s32 s20, $0xF0;
	s20 =	sadd.s32 $0x10, s20;
	v6 =	vor.u32 v1, v6  }
.Ltmp13:
0x119: {  	s22 =	sadd.s32 s21, s15;
	[tilespmem:s19+$0x0] =	vst v6;
	(pc) =	sbr.rel @p3 .LBB2_17-.Ltmp13, $4  }
0x11a: {  	v6 =	vmov s22  }
0x11b: {  	v6 =	vshll.u32 v6, $0xD  }
0x11c: {  	v6 =	vor.u32 v4, v6  }
0x11d: {  	s19 =	sadd.s32 $0x10, s19;
	v6 =	vor.u32 s21, v6  }
0x11e: {  	s18 =	sadd.s32 $0xFF, s18  }
0x11f: {  	s20 =	sand.u32 $0xFF, s18  }
0x120: {  	s28 =	sshra.s32 s18, $0x1F;
	p4 =	slt.s32 s18, $0x1;
	p3 =	sne.s32 s20, $0x0  }
0x121: {  	s20 =	sshrl.u32 s28, $0x18;
	p3 =	por !p4, !p3  }
0x122: {  	s18 =	sadd.s32 s20, s18;
	s20 =	simm.s32 $0x1;
	p3 =	por !p3, !p3  }
0x123: {  	s18 =	sshra.s32 s18, $0x8;
	s20 =	simm.s32 @!p3 $0x0  }
0x124: {  	s18 =	ssub.s32 s18, s20  }
0x125: {  	p3 =	slt.s32 s18, $0x1  }
.Ltmp14:
0x126: {  	_ = 	snop;
	(pc) =	sbr.rel @p3 .LBB2_33-.Ltmp14, $3  }
0x127: {  	_ =	sdelay $0x1  }
0x128: {  	v6 =	vor.u32 v1, v6  }
0x129: {  	[tilespmem:s19+$0x0] =	vst v6  }
0x12a: {  	s20 =	simm.s32 $0x0  }
0x12b: {  	v8 =	vld [tilespmem:s20+$0x6000];
	_ =	sdelay $0x4  }
0x12c: {  	s21 =	simm.s32 $0x10;
	v6 =	vshra.s32 v8, $0x1F  }
0x12d: {  	v7 =	vld [tilespmem:s21+$0x6000];
	v6 =	vshrl.u32 v6, $0x13  }
0x12e: {  	v6 =	vadd.s32 v6, v8  }
0x12f: {  	v6 =	vshra.s32 v6, $0xD  }
0x130: {  	v9 =	vand.u32 $0x1FFF, v8;
	v10 =	vshll.u32 v6, $0xD  }
0x131: {  	s19 =	sshll.u32 s18, $0x1;
	s22 =	simm.s32 $0x80;
	vm0 =	vlt.s32 v8, $0x1;
	[tilespmem:s20+$0xB100] =	vst v9;
	vm1 =	vne.s32 v8, v10  }
.LBB2_20:
0x132: {  	s23 =	sshra.s32 s22, $0x2;
	p3 =	sne.s32 s22, $0x1C0;
	s22 =	sadd.s32 $0x40, s22;
	v8 =	vshra.s32 v7, $0x1F;
	v9 =	vand.u32 $0x1FFF, v7;
	vm0 =	vmand vm0, vm1;
	v10 =	vmovc v7  }
.Ltmp15:
0x133: {  	v7 =	vld [tilespmem:s23+$0x6000];
	v8 =	vshrl.u32 v8, $0x13;
	[tilespmem:s21+$0xB100] =	vst v9;
	v9 =	vsel vm0, $0xFFFFFFFF, v2;
	(pc) =	sbr.rel @p3 .LBB2_20-.Ltmp15, $4  }
0x134: {  	v8 =	vadd.s32 v8, v10;
	v9 =	vadd.s32 v9, v6  }
0x135: {  	v6 =	vshra.s32 v8, $0xD;
	[tilespmem:s20+$0xB000] =	vst v9;
	s20 =	smov.u32 s21;
	s21 =	smov.u32 s23  }
0x136: {  	v8 =	vshll.u32 v6, $0xD  }
0x137: {  	vm0 =	vlt.s32 v10, $0x1;
	vm1 =	vne.s32 v10, v8  }
0x138: {  	v8 =	vshra.s32 v7, $0x1F  }
0x139: {  	v8 =	vshrl.u32 v8, $0x13  }
0x13a: {  	v8 =	vadd.s32 v8, v7  }
0x13b: {  	v8 =	vshra.s32 v8, $0xD  }
0x13c: {  	v9 =	vshll.u32 v8, $0xD  }
0x13d: {  	vm0 =	vmand vm0, vm1;
	vm1 =	vlt.s32 v7, $0x1;
	vm2 =	vne.s32 v7, v9  }
0x13e: {  	v62 =	vsel vm0, $0xFFFFFFFF, v2;
	v7 =	vand.u32 $0x1FFF, v7;
	vm0 =	vmand vm1, vm2  }
0x13f: {  	v6 =	vadd.s32 v62, v6;
	[tilespmem:s21+$0xB100] =	vst v7;
	v7 =	vsel vm0, $0xFFFFFFFF, v2  }
0x140: {  	[tilespmem:s20+$0xB000] =	vst v6;
	v6 =	vadd.s32 v7, v8  }
0x141: {  	s20 =	simm.s32 $0x0;
	[tilespmem:s21+$0xB000] =	vst v6  }
0x142: {  	[tilespmem:s3], [sflag:$0x1] =	stream.indirect.gather [hbm4b:s4+s7], $0x80, s10, s7, $0xb8;
	[tilespmem:$0x1DA00] =	vst v63  }
0x143: {  	v8 =	vld [tilespmem:s20+$0x6080];
	_ =	sdelay $0x4  }
0x144: {  	s21 =	simm.s32 $0x10;
	v6 =	vshra.s32 v8, $0x1F  }
0x145: {  	v7 =	vld [tilespmem:s21+$0x6080];
	v6 =	vshrl.u32 v6, $0x13  }
0x146: {  	v6 =	vadd.s32 v6, v8  }
0x147: {  	v6 =	vshra.s32 v6, $0xD  }
0x148: {  	v63 =	vand.u32 $0x1FFF, v8;
	v10 =	vshll.u32 v6, $0xD  }
0x149: {  	s22 =	simm.s32 $0x80;
	vm0 =	vlt.s32 v8, $0x1;
	[tilespmem:s20+$0xB180] =	vst v63;
	vm1 =	vne.s32 v8, v10  }
.LBB2_22:
0x14a: {  	s23 =	sshra.s32 s22, $0x2;
	p3 =	sne.s32 s22, $0x1C0;
	s22 =	sadd.s32 $0x40, s22;
	v8 =	vshra.s32 v7, $0x1F;
	v9 =	vand.u32 $0x1FFF, v7;
	vm0 =	vmand vm0, vm1;
	v10 =	vmovc v7  }
.Ltmp16:
0x14b: {  	v7 =	vld [tilespmem:s23+$0x6080];
	v8 =	vshrl.u32 v8, $0x13;
	[tilespmem:s21+$0xB180] =	vst v9;
	v9 =	vsel vm0, $0xFFFFFFFF, v2;
	(pc) =	sbr.rel @p3 .LBB2_22-.Ltmp16, $4  }
0x14c: {  	v8 =	vadd.s32 v8, v10;
	v9 =	vadd.s32 v9, v6  }
0x14d: {  	v6 =	vshra.s32 v8, $0xD;
	[tilespmem:s20+$0xB080] =	vst v9;
	s20 =	smov.u32 s21;
	s21 =	smov.u32 s23  }
0x14e: {  	v8 =	vshll.u32 v6, $0xD  }
0x14f: {  	vm0 =	vlt.s32 v10, $0x1;
	vm1 =	vne.s32 v10, v8  }
0x150: {  	v8 =	vshra.s32 v7, $0x1F  }
0x151: {  	v8 =	vshrl.u32 v8, $0x13  }
0x152: {  	v8 =	vadd.s32 v8, v7  }
0x153: {  	v8 =	vshra.s32 v8, $0xD  }
0x154: {  	v9 =	vshll.u32 v8, $0xD  }
0x155: {  	vm0 =	vmand vm0, vm1;
	vm14 =	vlt.s32 v7, $0x1;
	vm2 =	vne.s32 v7, v9  }
.Ltmp17:
0x156: {  	v63 =	vsel vm0, $0xFFFFFFFF, v2;
	v7 =	vand.u32 $0x1FFF, v7;
	vm15 =	vmand vm14, vm2;
	(pc) =	sbr.rel .LBB2_24-.Ltmp17, $4  }
0x157: {  	v6 =	vadd.s32 v63, v6;
	[tilespmem:s21+$0xB180] =	vst v7;
	v7 =	vsel vm15, $0xFFFFFFFF, v2  }
0x158: {  	[tilespmem:s20+$0xB080] =	vst v6;
	v6 =	vadd.s32 v7, v8  }
0x159: {  	s22 =	simm.s32 $0x6180;
	s20 =	simm.s32 $0x0;
	[tilespmem:s21+$0xB080] =	vst v6;
	s21 =	simm.s32 $0x6100  }
0x15a: {  	[tilespmem:s6], [sflag:$0x2] =	stream.indirect.gather [hbm4b:s4+s7], $0x80, s5, s7, $0xb8;
	[tilespmem:$0x1DA00] =	vst v63  }
.LBB2_32:
0x15b: {  	s20 =	sadd.s32 $0x1, s20  }
0x15c: {  	p3 =	sne.s32 s20, s18  }
.Ltmp18:
0x15d: {  	_ = 	snop;
	(pc) =	sbr.rel @!p3 .LBB2_33-.Ltmp18, $2  }
0x15e: {  	_ =	sdelay $0x2  }
0x15f: {  	s21 =	sadd.s32 $0x100, s21;
	s22 =	sadd.s32 $0x100, s22  }
.LBB2_24:
0x160: {  	s23 =	sshll.u32 s20, $0x1  }
0x161: {  	_ =	swait.ge [sflag:s11], $0x4000;
	s24 =	sadd.s32 $0x2, s23  }
0x162: {  	[sflag:s11] =	ssyncset.done $0x0;
	p3 =	sge.s32 s24, s19  }
.Ltmp19:
0x163: {  	[sflag:s11] =	ssyncadd.s32 $0xFFFFC000;
	(pc) =	sbr.rel @p3 .LBB2_28-.Ltmp19, $4  }
0x164: {  	[spmem:s1] =	stream.indirect.scatter.add.f32 [tilespmem:s3], [sflag:$0x3], $0x80, s8, s7, $0xb8;
	[tilespmem:$0x1DA00] =	vst v63  }
0x165: {  	_ =	swait.ge [sflag:s0], $0x4000  }
0x166: {  	[sflag:s0] =	ssyncset.done $0x0  }
0x167: {  	[sflag:s0] =	ssyncadd.s32 $0xFFFFC000  }
0x168: {  	s24 =	sadd.s32 $0x0, s21  }
0x169: {  	v6 =	vld [tilespmem:s24+$0x0];
	_ =	sdelay $0x4  }
0x16a: {  	v7 =	vshra.s32 v6, $0x1F  }
0x16b: {  	v7 =	vshrl.u32 v7, $0x13  }
0x16c: {  	v7 =	vadd.s32 v7, v6  }
0x16d: {  	v7 =	vshra.s32 v7, $0xD  }
0x16e: {  	v8 =	vshll.u32 v7, $0xD  }
0x16f: {  	vm0 =	vlt.s32 v6, $0x1;
	vm1 =	vne.s32 v6, v8  }
0x170: {  	vm0 =	vmand vm0, vm1  }
0x171: {  	s24 =	simm.s32 $0x0;
	v6 =	vand.u32 $0x1FFF, v6;
	v8 =	vsel vm0, $0xFFFFFFFF, v2  }
0x172: {  	s26 =	simm.s32 $0x10;
	s25 =	simm.s32 $0x80;
	[tilespmem:s24+$0xB100] =	vst v6;
	v6 =	vadd.s32 v8, v7  }
.LBB2_26:
0x173: {  	p3 =	sne.s32 s25, $0x1C0;
	s28 =	sadd.s32 s26, s21;
	[tilespmem:s24+$0xB000] =	vst v6;
	s24 =	smov.u32 s26  }
0x174: {  	v6 =	vld [tilespmem:s28+$0x0];
	_ =	sdelay $0x4  }
0x175: {  	v7 =	vshra.s32 v6, $0x1F;
	v8 =	vand.u32 $0x1FFF, v6  }
0x176: {  	v7 =	vshrl.u32 v7, $0x13;
	[tilespmem:s24+$0xB100] =	vst v8  }
0x177: {  	v7 =	vadd.s32 v7, v6  }
0x178: {  	v7 =	vshra.s32 v7, $0xD  }
.Ltmp20:
0x179: {  	v8 =	vshll.u32 v7, $0xD;
	(pc) =	sbr.rel @p3 .LBB2_26-.Ltmp20, $4  }
0x17a: {  	vm0 =	vlt.s32 v6, $0x1;
	vm1 =	vne.s32 v6, v8  }
0x17b: {  	vm0 =	vmand vm0, vm1  }
0x17c: {  	v6 =	vsel vm0, $0xFFFFFFFF, v2  }
0x17d: {  	s26 =	sshra.s32 s25, $0x2;
	s25 =	sadd.s32 $0x40, s25;
	v6 =	vadd.s32 v6, v7  }
0x17e: {  	s25 =	sadd.s32 s26, s21;
	[tilespmem:s24+$0xB000] =	vst v6  }
0x17f: {  	v6 =	vld [tilespmem:s25+$0x0];
	_ =	sdelay $0x4  }
0x180: {  	v7 =	vshra.s32 v6, $0x1F  }
0x181: {  	v7 =	vshrl.u32 v7, $0x13  }
0x182: {  	v7 =	vadd.s32 v7, v6  }
0x183: {  	v7 =	vshra.s32 v7, $0xD  }
0x184: {  	v8 =	vshll.u32 v7, $0xD  }
0x185: {  	vm0 =	vlt.s32 v6, $0x1;
	vm1 =	vne.s32 v6, v8  }
0x186: {  	vm0 =	vmand vm0, vm1  }
0x187: {  	v6 =	vand.u32 $0x1FFF, v6;
	v63 =	vsel vm0, $0xFFFFFFFF, v2  }
0x188: {  	[tilespmem:s26+$0xB100] =	vst v6;
	v6 =	vadd.s32 v63, v7  }
0x189: {  	[tilespmem:s26+$0xB000] =	vst v6  }
0x18a: {  	[tilespmem:s3], [sflag:$0x1] =	stream.indirect.gather [hbm4b:s4+s7], $0x80, s10, s7, $0xb8;
	[tilespmem:$0x1DA00] =	vst v63  }
.LBB2_28:
0x18b: {  	_ =	swait.ge [sflag:s12], $0x4000;
	s23 =	sadd.s32 $0x3, s23  }
0x18c: {  	[sflag:s12] =	ssyncset.done $0x0;
	p3 =	sge.s32 s23, s19  }
.Ltmp21:
0x18d: {  	[sflag:s12] =	ssyncadd.s32 $0xFFFFC000;
	(pc) =	sbr.rel @p3 .LBB2_32-.Ltmp21, $4  }
0x18e: {  	[spmem:s1] =	stream.indirect.scatter.add.f32 [tilespmem:s6], [sflag:$0x3], $0x80, s13, s7, $0xb8;
	[tilespmem:$0x1DA00] =	vst v63  }
0x18f: {  	_ =	swait.ge [sflag:s0], $0x4000  }
0x190: {  	[sflag:s0] =	ssyncset.done $0x0  }
0x191: {  	[sflag:s0] =	ssyncadd.s32 $0xFFFFC000  }
0x192: {  	s23 =	sadd.s32 $0x0, s22  }
0x193: {  	v6 =	vld [tilespmem:s23+$0x0];
	_ =	sdelay $0x4  }
0x194: {  	v7 =	vshra.s32 v6, $0x1F  }
0x195: {  	v7 =	vshrl.u32 v7, $0x13  }
0x196: {  	v7 =	vadd.s32 v7, v6  }
0x197: {  	v7 =	vshra.s32 v7, $0xD  }
0x198: {  	v8 =	vshll.u32 v7, $0xD  }
0x199: {  	vm0 =	vlt.s32 v6, $0x1;
	vm1 =	vne.s32 v6, v8  }
0x19a: {  	vm0 =	vmand vm0, vm1  }
0x19b: {  	s23 =	simm.s32 $0x0;
	v6 =	vand.u32 $0x1FFF, v6;
	v8 =	vsel vm0, $0xFFFFFFFF, v2  }
0x19c: {  	s25 =	simm.s32 $0x10;
	s24 =	simm.s32 $0x80;
	[tilespmem:s23+$0xB180] =	vst v6;
	v6 =	vadd.s32 v8, v7  }
.LBB2_30:
0x19d: {  	p3 =	sne.s32 s24, $0x1C0;
	s26 =	sadd.s32 s25, s22;
	[tilespmem:s23+$0xB080] =	vst v6;
	s23 =	smov.u32 s25  }
0x19e: {  	v6 =	vld [tilespmem:s26+$0x0];
	_ =	sdelay $0x4  }
0x19f: {  	v7 =	vshra.s32 v6, $0x1F;
	v8 =	vand.u32 $0x1FFF, v6  }
0x1a0: {  	v7 =	vshrl.u32 v7, $0x13;
	[tilespmem:s23+$0xB180] =	vst v8  }
0x1a1: {  	v7 =	vadd.s32 v7, v6  }
0x1a2: {  	v7 =	vshra.s32 v7, $0xD  }
.Ltmp22:
0x1a3: {  	v8 =	vshll.u32 v7, $0xD;
	(pc) =	sbr.rel @p3 .LBB2_30-.Ltmp22, $4  }
0x1a4: {  	vm0 =	vlt.s32 v6, $0x1;
	vm1 =	vne.s32 v6, v8  }
0x1a5: {  	vm0 =	vmand vm0, vm1  }
0x1a6: {  	v6 =	vsel vm0, $0xFFFFFFFF, v2  }
0x1a7: {  	s25 =	sshra.s32 s24, $0x2;
	s24 =	sadd.s32 $0x40, s24;
	v6 =	vadd.s32 v6, v7  }
0x1a8: {  	s24 =	sadd.s32 s25, s22;
	[tilespmem:s23+$0xB080] =	vst v6  }
0x1a9: {  	v6 =	vld [tilespmem:s24+$0x0];
	_ =	sdelay $0x4  }
0x1aa: {  	v7 =	vshra.s32 v6, $0x1F  }
0x1ab: {  	v7 =	vshrl.u32 v7, $0x13  }
0x1ac: {  	v7 =	vadd.s32 v7, v6  }
0x1ad: {  	v7 =	vshra.s32 v7, $0xD  }
0x1ae: {  	v8 =	vshll.u32 v7, $0xD  }
0x1af: {  	vm0 =	vlt.s32 v6, $0x1;
	vm1 =	vne.s32 v6, v8  }
.Ltmp23:
0x1b0: {  	vm0 =	vmand vm0, vm1;
	(pc) =	sbr.rel .LBB2_32-.Ltmp23, $4  }
0x1b1: {  	v6 =	vand.u32 $0x1FFF, v6;
	v63 =	vsel vm0, $0xFFFFFFFF, v2  }
0x1b2: {  	[tilespmem:s25+$0xB180] =	vst v6;
	v6 =	vadd.s32 v63, v7  }
0x1b3: {  	[tilespmem:s25+$0xB080] =	vst v6  }
0x1b4: {  	[tilespmem:s6], [sflag:$0x2] =	stream.indirect.gather [hbm4b:s4+s7], $0x80, s5, s7, $0xb8;
	[tilespmem:$0x1DA00] =	vst v63  }
.LBB2_11:
.Ltmp24:
0x1b5: {  	(pc) =	sbr.rel .LBB2_15-.Ltmp24, $2  }
0x1b6: {  	_ =	sdelay $0x2  }
0x1b7: {  	s20 =	simm.s32 $0x0  }
.LBB2_13:
.Ltmp25:
0x1b8: {  	(pc) =	sbr.rel .LBB2_15-.Ltmp25, $2  }
0x1b9: {  	_ =	sdelay $0x2  }
0x1ba: {  	s20 =	simm.s32 $0x0  }
.LBB2_36:
0x1bb: {  	_ =	sfence.sel $0x180000  }
0x1bc: {  	[bflag:$0x0] =	sbarrier.arrive $0xFFFF  }
0x1bd: {  	_ =	strace $0x9000004D  }
0x1be: {  	s0 =	stileid.u32;
	[bflag:$0x2] =	sbarrier.arrive $0xFFFF  }
0x1bf: {  	p0 =	sne.s32 s0, $0x0;
	s0 =	rddreg [dreg:$0x2]  }
0x1c0: {  	s0 =	sadd.s32 @!p0 $0x100000, s0  }
0x1c1: {  	[sflag:s0] =	ssyncadd.tile.s32 @!p0 $0x1;
	_ =	shalt  }
.Lfunc_end2:
_tile_overlayer_lowered:
.L_overlay_start_2:
0x1c2: {  	(tag) =	ssettag $0x2  }
0x1c3: {  	s0 =	rddreg [dreg:$0x0];
	s2 =	stileid.u32  }
0x1c4: {  	s1 =	rddreg [dreg:$0x1];
	p0 =	sne.s32 s2, $0x0  }
0x1c5: {  	s3 =	rddreg [dreg:$0x2];
	[bflag:$0x3] =	sbarrier.arrive $0xFFFF;
	s2 =	simm.s32 @!p0 $0x1C03  }
0x1c6: {  	[timem:s3], [sflag:s2] =	dma.local @!p0 [hbm:s0], s1  }
0x1c7: {  	s0 =	simm.s32 @!p0 $0x3  }
0x1c8: {  	_ =	swait.ge @!p0 [sflag:s0], s1  }
0x1c9: {  	s1 =	ssub.s32 @!p0 $0x0, s1;
	[sflag:s0] =	ssyncset.done @!p0 $0x0  }
0x1ca: {  	[sflag:s0] =	ssyncadd.s32 @!p0 s1  }
0x1cb: {  	[bflag:$0x3] =	sbarrier.arrive $0xFFFF  }
0x1cc: {  	_ =	shalt  }

// kernel: kernel.8.cloned.1.call-start
scs
__scs_entry_jumppad:
0x0: {  	(pc) =	sbr.rel $0x88, $3  }
0x1: {  	(tag) =	ssettag $0x0;
	lr =	simm.s32 $0x1  }
0x2: {  	[smem:$0x3F99] =	sst lr;
	_ =	strace $0xD0000000  }
0x3: {  	_ = 	snop  }
0x4: {  	_ = 	snop  }
0x5: {  	_ = 	snop  }
0x6: {  	_ = 	snop  }
0x7: {  	_ = 	snop  }
__scs_overlays_trampoline_lowered:
0x8: {  	[smem:$0x3FA8] =	sst s0  }
0x9: {  	[smem:$0x3FA9] =	sst s1  }
0xa: {  	[smem:$0x3FAA] =	sst s2  }
0xb: {  	[smem:$0x3FAB] =	sst s3  }
0xc: {  	[smem:$0x3FAC] =	sst s4  }
0xd: {  	[smem:$0x3FAD] =	sst s5  }
0xe: {  	[smem:$0x3FAE] =	sst s6  }
0xf: {  	[smem:$0x3FAF] =	sst s7  }
0x10: {  	[smem:$0x3FB0] =	sst s8  }
0x11: {  	[smem:$0x3FB1] =	sst s9;
	s0 =	simm.s32 @!p0 $0x0  }
0x12: {  	s1 =	sld [smem:$0x3F97];
	s0 =	simm.s32 @p0 $0x1  }
0x13: {  	[smem:$0x3FB2] =	sst s0;
	s0 =	simm.s32 @!p1 $0x0  }
0x14: {  	s2 =	sld [smem:$0x3F96];
	s0 =	simm.s32 @p1 $0x1  }
0x15: {  	[smem:$0x3FB3] =	sst s0;
	s0 =	simm.s32 @!p2 $0x0  }
0x16: {  	s3 =	sld [smem:$0x3FDB];
	s0 =	simm.s32 @p2 $0x1  }
0x17: {  	s4 =	simm.s32 $0x1BF5;
	[smem:$0x3FB5] =	sst s0  }
0x18: {  	s0 =	sld [smem:$0x3F98];
	_ =	swait.ge [sflag:s4], $0x0  }
0x19: {  	s7 =	sld [smem:$0x3F99]  }
0x1a: {  	s8 =	sadd.s32 $0xFFFFE003, lr  }
0x1b: {  	s9 =	sadd.s32 $0xFFFFFEF7, lr;
	s5 =	simm.s32 $0xFFFFFFFF;
	p2 =	slt.u32 s8, $0xFFFFF086  }
0x1c: {  	p1 =	slt.u32 s9, $0xF7A;
	s5 =	simm.s32 @!p2 $0x0  }
0x1d: {  	s5 =	simm.s32 @p1 $0x1;
	p0 =	seq.s32 s7, s2  }
0x1e: {  	s7 =	smul.u32 @!p0 $0xF7A, s2;
	p2 =	seq.s32 @!p0 s5, $0x0  }
0x1f: {  	s9 =	smul.u32 $0xF7A, s1;
	s8 =	simm.s32 @!p0 $0x1BF5;
	p2 =	por !p2, p0  }
0x20: {  	[sflag:s8] =	ssyncset.s32 @!p0 $0xFFFFF086;
	s6 =	sadd.s32 @!p0 s3, s7;
	s7 =	simm.s32 @!p0 $0x108  }
0x21: {  	s3 =	sadd.s32 s3, s9;
	s6 =	sadd.s32 @!p0 $0x88, s6;
	s7 =	simm.s32 @p2 $0x1082  }
0x22: {  	[simem:s7], [sflag:s8] =	dma.local @!p0 [hbm:s6], $0xF7A  }
0x23: {  	s9 =	sor.u32 $0xD0000000, s2;
	s6 =	simm.s32 $0x108;
	_ =	swait.ge @!p0 [sflag:s8], $0x0  }
0x24: {  	s3 =	sadd.s32 $0x88, s3;
	s6 =	simm.s32 @!p1 $0x1082;
	[sflag:s4] =	ssyncset.s32 $0xFFFFF086  }
0x25: {  	[simem:s6], [sflag:s4] =	dma.local [hbm:s3], $0xF7A  }
0x26: {  	[smem:$0x3F99] =	sst s1;
	(tag) =	ssettag s2;
	_ =	strace s9  }
0x27: {  	s1 =	sld [smem:$0x3FA9]  }
0x28: {  	s2 =	sld [smem:$0x3FAA]  }
0x29: {  	s4 =	sld [smem:$0x3FAC]  }
0x2a: {  	p0 =	seq.s32 s5, $0x0;
	s5 =	sld [smem:$0x3FAD]  }
0x2b: {  	s6 =	sld [smem:$0x3FAE]  }
0x2c: {  	s7 =	sld [smem:$0x3FAF]  }
0x2d: {  	s3 =	simm.s32 $0x108;
	s8 =	sld [smem:$0x3FB0]  }
0x2e: {  	s3 =	simm.s32 @!p0 $0x1082;
	s9 =	sld [smem:$0x3FB1]  }
0x2f: {  	lr =	sadd.s32 s0, s3;
	s0 =	sld [smem:$0x3FA8]  }
0x30: {  	s3 =	sld [smem:$0x3FAB]  }
0x31: {  	[smem:$0x3FB4] =	sst s10  }
0x32: {  	s10 =	sld [smem:$0x3FB2];
	_ =	sdelay $0x3  }
0x33: {  	p0 =	seq.s32 s10, $0x1;
	s10 =	sld [smem:$0x3FB4];
	_ =	sdelay $0x3  }
0x34: {  	[smem:$0x3FB4] =	sst s10  }
0x35: {  	s10 =	sld [smem:$0x3FB3];
	_ =	sdelay $0x3  }
0x36: {  	p1 =	seq.s32 s10, $0x1;
	s10 =	sld [smem:$0x3FB4];
	_ =	sdelay $0x3  }
0x37: {  	[smem:$0x3FB4] =	sst s10  }
0x38: {  	s10 =	sld [smem:$0x3FB5]  }
0x39: {  	_ = 	snop;
	(pc) =	sbr.ind lr, $3  }
0x3a: {  	_ = 	snop  }
0x3b: {  	_ = 	snop  }
0x3c: {  	p2 =	seq.s32 s10, $0x1;
	s10 =	sld [smem:$0x3FB4]  }
0x3d: {  	_ =	shalt  }
0x3e: {  	_ =	shalt  }
0x3f: {  	_ =	shalt  }
0x40: {  	_ =	shalt  }
0x41: {  	_ =	shalt  }
0x42: {  	_ =	shalt  }
0x43: {  	_ =	shalt  }
0x44: {  	_ =	shalt  }
0x45: {  	_ =	shalt  }
0x46: {  	_ =	shalt  }
0x47: {  	_ =	shalt  }
0x48: {  	_ =	shalt  }
0x49: {  	_ =	shalt  }
0x4a: {  	_ =	shalt  }
0x4b: {  	_ =	shalt  }
0x4c: {  	_ =	shalt  }
0x4d: {  	_ =	shalt  }
0x4e: {  	_ =	shalt  }
0x4f: {  	_ =	shalt  }
0x50: {  	_ =	shalt  }
0x51: {  	_ =	shalt  }
0x52: {  	_ =	shalt  }
0x53: {  	_ =	shalt  }
0x54: {  	_ =	shalt  }
0x55: {  	_ =	shalt  }
0x56: {  	_ =	shalt  }
0x57: {  	_ =	shalt  }
0x58: {  	_ =	shalt  }
0x59: {  	_ =	shalt  }
0x5a: {  	_ =	shalt  }
0x5b: {  	_ =	shalt  }
0x5c: {  	_ =	shalt  }
0x5d: {  	_ =	shalt  }
0x5e: {  	_ =	shalt  }
0x5f: {  	_ =	shalt  }
0x60: {  	_ =	shalt  }
0x61: {  	_ =	shalt  }
0x62: {  	_ =	shalt  }
0x63: {  	_ =	shalt  }
0x64: {  	_ =	shalt  }
0x65: {  	_ =	shalt  }
0x66: {  	_ =	shalt  }
0x67: {  	_ =	shalt  }
0x68: {  	_ =	shalt  }
0x69: {  	_ =	shalt  }
0x6a: {  	_ =	shalt  }
0x6b: {  	_ =	shalt  }
0x6c: {  	_ =	shalt  }
0x6d: {  	_ =	shalt  }
0x6e: {  	_ =	shalt  }
0x6f: {  	_ =	shalt  }
0x70: {  	_ =	shalt  }
0x71: {  	_ =	shalt  }
0x72: {  	_ =	shalt  }
0x73: {  	_ =	shalt  }
0x74: {  	_ =	shalt  }
0x75: {  	_ =	shalt  }
0x76: {  	_ =	shalt  }
0x77: {  	_ =	shalt  }
0x78: {  	_ =	shalt  }
0x79: {  	_ =	shalt  }
0x7a: {  	_ =	shalt  }
0x7b: {  	_ =	shalt  }
0x7c: {  	_ =	shalt  }
0x7d: {  	_ =	shalt  }
0x7e: {  	_ =	shalt  }
0x7f: {  	_ =	shalt  }
0x80: {  	_ =	shalt  }
0x81: {  	_ =	shalt  }
0x82: {  	_ =	shalt  }
0x83: {  	_ =	shalt  }
0x84: {  	_ =	shalt  }
0x85: {  	_ =	shalt  }
0x86: {  	_ =	shalt  }
0x87: {  	_ =	shalt  }
.Lfunc_end0:
.L_simem_size_0:
called_computation_lowered:
.L_overlay_start_0:
0x88: {  	s2 =	sld [smem:$0x3FD9]  }
0x89: {  	s3 =	sld [smem:$0x3FFE];
	_ =	sdelay $0x1  }
0x8a: {  	s1 =	srdreg.scid  }
0x8b: {  	s0 =	sand.u32 $0x1, s1  }
0x8c: {  	s17 =	sshll.u32 s0, $0xA;
	s2 =	sadd.s32 s3, s2  }
0x8d: {  	s2 =	sadd.s32 s2, s17  }
0x8e: {  	[smem:$0x3FC0] =	sst s2  }
0x8f: {  	_ = 	snop  }
0x90: {  	s2 =	sld [smem:$0x3FC7]  }
0x91: {  	s18 =	sld [smem:$0x3FD0];
	(tm) =	ssettm $0x1  }
0x92: {  	s4 =	sld [smem:$0x3FFB];
	_ =	sdelay $0x3  }
0x93: {  	_ =	strace s4  }
0x94: {  	s4 =	sld [smem:$0x3FFC];
	_ =	sdelay $0x3  }
0x95: {  	_ =	strace s4  }
0x96: {  	s4 =	sld [smem:$0x3FFD];
	_ =	sdelay $0x3  }
0x97: {  	_ =	strace s4  }
0x98: {  	_ =	strace $0x8FFFFFFF  }
0x99: {  	s19 =	sld [smem:$0x3FDB];
	_ =	sdelay $0x1  }
0x9a: {  	s5 =	simm.s32 $_scs_section_size  }
0x9b: {  	s6 =	simm.s32 $_size__tile_overlayer_lowered;
	s7 =	simm.s32 $_tile_overlayer_lowered  }
0x9c: {  	s22 =	simm.s32 $0x1BFF;
	s21 =	sshll.u32 s7, $0x1;
	s4 =	sadd.s32 s5, s19  }
0x9d: {  	s8 =	simm.s32 $0x0;
	s20 =	sshll.u32 s6, $0x1;
	s6 =	sadd.s32 s21, s4  }
0x9e: {  	[timem:s8], [sflag:s22] =	dma.local [hbm:s6], s20  }
0x9f: {  	_ =	swait.ge [sflag:s22], s20  }
0xa0: {  	s5 =	ssub.s32 $0x0, s20;
	[sflag:s22] =	ssyncset.done $0x0  }
0xa1: {  	[sflag:s22] =	ssyncadd.s32 s5;
	_ =	sdelay $0x1  }
0xa2: {  	s23 =	simm.s32 $0x1B8B  }
0xa3: {  	_ =	swait.ge [sflag:s23], $0x1  }
0xa4: {  	[sflag:s23] =	ssyncset.done $0x0  }
0xa5: {  	s25 =	simm.s32 $0x1B8E;
	s24 =	sld [smem:$0x3FFE];
	[sflag:s23] =	ssyncadd.s32 $0xFFFFFFFF  }
0xa6: {  	s26 =	simm.s32 $execute0_lowered;
	[smem:$0x3FD2] =	sst s25  }
0xa7: {  	s6 =	sshll.u32 s26, $0x1;
	_ =	strace $0x80000046;
	[dreg:$0x1] =	wrdreg $0xFFFFFFFF  }
0xa8: {  	s28 =	simm.s32 $_size_execute0_lowered;
	s4 =	sadd.s32 s4, s6;
	[dreg:$0x0] =	wrdreg $0x0  }
0xa9: {  	s6 =	sshll.u32 s28, $0x1;
	[dreg:$0x2] =	wrdreg s4  }
0xaa: {  	[dreg:$0x3] =	wrdreg s6  }
0xab: {  	[dreg:$0x4] =	wrdreg $0xC0  }
0xac: {  	_ =	task [dreg:s8], $0x5FFFF  }
0xad: {  	[dreg:$0x1] =	wrdreg $0xFFFFFFFF  }
0xae: {  	[dreg:$0x0] =	wrdreg $0x60  }
0xaf: {  	[dreg:$0x2] =	wrdreg s24  }
0xb0: {  	[dreg:$0x3] =	wrdreg s18  }
0xb1: {  	[dreg:$0x4] =	wrdreg s2  }
0xb2: {  	[dreg:$0x5] =	wrdreg $0x9  }
0xb3: {  	_ =	task.clear_ibuf [dreg:s8], $0x6FFFF;
	_ =	strace $0x90000046  }
0xb4: {  	s29 =	simm.s32 $0x9;
	_ =	strace $0x80000048  }
0xb5: {  	_ =	swait.ge [sflag:s29], $0x1  }
0xb6: {  	[sflag:s29] =	ssyncadd.s32 $0xFFFFFFFF  }
0xb7: {  	_ =	strace $0x90000048  }
0xb8: {  	_ =	sfence  }
0xb9: {  	s30 =	sld [smem:$0x0];
	_ =	sdelay $0x2  }
0xba: {  	s31 =	sshll.u32 s1, $0xD;
	s1 =	sshrl.u32 s1, $0x2  }
0xbb: {  	s3 =	sand.u32 $0x4000, s31;
	s1 =	sadd.s32 s1, s30  }
0xbc: {  	s0 =	sor.u32 s3, s0;
	s1 =	sshll.u32 s1, $0x11  }
0xbd: {  	s0 =	sor.u32 s1, s0  }
0xbe: {  	s0 =	sadd.s32 $0x8F2B, s0  }
0xbf: {  	[sflag:s0] =	ssyncadd.remote.s32 $0x1  }
0xc0: {  	_ =	sfence.sel $0xFFFF  }
0xc1: {  	[dreg:$0x0] =	wrdreg $0xFFFFFFFF;
	(pc) =	sbr.abs _section_cstart, $3  }
0xc2: {  	[dreg:$0x1] =	wrdreg $0xFFFFFFFF  }
0xc3: {  	_ =	task.clear_ibuf [dreg:s8], $0x2FFFF;
	_ =	strace $0x9FFFFFFF  }
0xc4: {  	(tm) =	ssettm $0x7FFFFFFF  }
0xc5: {  	_ =	shalt  }
tec
execute0_lowered:
.L_overlay_start_1:
0x0: {  	(tag) =	ssettag $0x1  }
0x1: {  	s6 =	rddreg [dreg:$0x0]  }
0x2: {  	s2 =	rddreg [dreg:$0x1];
	s1 =	srdreg.scid  }
0x3: {  	s0 =	stileid.u32;
	s3 =	rddreg [dreg:$0x2]  }
0x4: {  	s11 =	simm.s32 $0x800;
	s12 =	simm.s32 $0x1000;
	s13 =	simm.s32 $0x2000  }
0x5: {  	s14 =	simm.s32 $0x1800;
	s15 =	simm.s32 $0x80;
	s16 =	simm.s32 $0x400  }
0x6: {  	s17 =	simm.s32 $0x0;
	s7 =	sand.u32 $0x1, s1;
	s4 =	sshll.u32 s0, $0x1  }
0x7: {  	s1 =	rddreg [dreg:$0x3];
	s5 =	sshrl.u32 s0, $0x2;
	s8 =	sor.u32 s7, s4  }
0x8: {  	s4 =	simm.s32 $0x0;
	s5 =	smul.u32 $0x50000, s5;
	s9 =	sshll.u32 s8, $0x7  }
0x9: {  	s7 =	ssub.s32 $0x2, s7;
	[smem:$0x7FF] =	sst s4;
	s9 =	sand.u32 $0x380, s9  }
0xa: {  	s10 =	sshrl.u32 s7, $0x1;
	_ =	strace $0x80000047;
	s9 =	sor.u32 s5, s9  }
0xb: {  	s10 =	ssub.s32 s7, s10;
	s7 =	smul.u32 $0x2710, s8;
	s9 =	sshrl.u32 s9, $0x3  }
0xc: {  	s5 =	sadd.s32 $0x1E00, s6;
	s9 =	sadd.s32 s9, s6;
	s6 =	sadd.s32 $0x33C00, s6  }
0xd: {  	v0 =	vimm.f32 $0.0e+00;
	v1 =	vimm.f32 $1.000000000e+00;
	s8 =	sadd.s32 $0xBC00, s9;
	s9 =	smax.u32 s10, $0x1;
	s10 =	simm.s32 $0x1  }
.LBB2_1:
0xe: {  	s18 =	simm.s32 $0x40;
	s19 =	simm.s32 $0x0  }
.LBB2_2:
0xf: {  	p0 =	sne.s32 s18, $0x27FC0;
	[tilespmem:s19+$0x2000] =	vst v0;
	s19 =	smov.u32 s18;
	s18 =	sadd.s32 $0x40, s18  }
.Ltmp0:
0x10: {  	(pc) =	sbr.rel @p0 .LBB2_2-.Ltmp0, $2  }
0x11: {  	_ =	sdelay $0x2  }
0x12: {  	s19 =	sshra.s32 s19, $0x2  }
0x13: {  	[tilespmem:s19+$0x2000] =	vst v0;
	s18 =	simm.s32 $0x0;
	s19 =	simm.s32 $0x0  }
.LBB2_4:
0x14: {  	s20 =	smul.u32 $0x7D0, s19;
	_ =	sdelay $0x1  }
0x15: {  	s20 =	sadd.s32 s7, s20  }
0x16: {  	s20 =	sshrl.u32 s20, $0x3  }
0x17: {  	s21 =	sadd.s32 s5, s20  }
0x18: {  	[tilespmem:s18], [sflag:$0x1] =	stream.linear.gather [hbm4b:s21+s18], $0x7D0, $0x38;
	[tilespmem:$0xC000] =	vst v63  }
0x19: {  	_ =	swait.ge [sflag:s10], $0x7D0  }
0x1a: {  	[sflag:s10] =	ssyncset.done $0x0  }
0x1b: {  	s30 =	sadd.s32 s2, s20;
	[sflag:s10] =	ssyncadd.s32 $0xFFFFF830  }
0x1c: {  	[tilespmem:s11], [sflag:$0x1] =	stream.linear.gather [hbm4b:s30+s18], $0x7D0, $0x38;
	[tilespmem:$0xC000] =	vst v63  }
0x1d: {  	_ =	swait.ge [sflag:s10], $0x7D0  }
0x1e: {  	[sflag:s10] =	ssyncset.done $0x0  }
0x1f: {  	s31 =	sadd.s32 s3, s20;
	[sflag:s10] =	ssyncadd.s32 $0xFFFFF830  }
0x20: {  	[tilespmem:s12], [sflag:$0x1] =	stream.linear.gather [hbm4b:s31+s18], $0x7D0, $0x38;
	[tilespmem:$0xC000] =	vst v63  }
0x21: {  	_ =	swait.ge [sflag:s10], $0x7D0  }
0x22: {  	[sflag:s10] =	ssyncset.done $0x0  }
0x23: {  	s21 =	simm.s32 $0x0;
	[sflag:s10] =	ssyncadd.s32 $0xFFFFF830  }
0x24: {  	v2 =	vld [tilespmem:s21+$0x1000];
	_ =	sdelay $0x1  }
0x25: {  	v3 =	vld [tilespmem:s21+$0x800];
	_ =	sdelay $0x2  }
0x26: {  	v4 =	vld [tilespmem:s21+$0x0];
	v5 =	vmul.u32 $0x2800, v2;
	_ =	sdelay $0x1  }
0x27: {  	v5 =	vadd.s32 v3, v5;
	_ =	sdelay $0x2  }
0x28: {  	v4 =	vshll.u32 v4, $0xE  }
0x29: {  	v2 =	vshll.u32 v2, $0x1C;
	v3 =	vadd.s32 v4, v3  }
0x2a: {  	s22 =	simm.s32 $0x80;
	s23 =	simm.s32 $0x10;
	v2 =	vadd.s32 v2, v3;
	[tilespmem:v5+s13+$0x0] =	vst.idx.add.f32.msk $0xffff, v1  }
.LBB2_5:
0x2b: {  	p0 =	sne.s32 s22, $0x1F00;
	v3 =	vld [tilespmem:s23+$0x1000];
	[tilespmem:s21+$0x1800] =	vst v2;
	s24 =	smov.u32 s22;
	s22 =	sadd.s32 $0x40, s22  }
0x2c: {  	s21 =	smov.u32 s23  }
0x2d: {  	v2 =	vld [tilespmem:s21+$0x800];
	_ =	sdelay $0x2  }
0x2e: {  	v4 =	vld [tilespmem:s21+$0x0];
	v5 =	vmul.u32 $0x2800, v3;
	_ =	sdelay $0x1  }
0x2f: {  	v5 =	vadd.s32 v2, v5  }
.Ltmp1:
0x30: {  	(pc) =	sbr.rel @p0 .LBB2_5-.Ltmp1, $4  }
0x31: {  	_ = 	snop  }
0x32: {  	v4 =	vshll.u32 v4, $0xE  }
0x33: {  	v3 =	vshll.u32 v3, $0x1C;
	v2 =	vadd.s32 v4, v2  }
0x34: {  	s23 =	sshra.s32 s24, $0x2;
	[tilespmem:v5+s13+$0x0] =	vst.idx.add.f32.msk $0xffff, v1;
	v2 =	vadd.s32 v3, v2  }
0x35: {  	v3 =	vld [tilespmem:s23+$0x1000]  }
0x36: {  	[tilespmem:s21+$0x1800] =	vst v2  }
0x37: {  	v2 =	vld [tilespmem:s23+$0x800];
	_ =	sdelay $0x2  }
0x38: {  	v4 =	vld [tilespmem:s23+$0x0];
	v5 =	vmul.u32 $0x2800, v3;
	_ =	sdelay $0x1  }
0x39: {  	v5 =	vadd.s32 v2, v5;
	_ =	sdelay $0x2  }
0x3a: {  	v4 =	vshll.u32 v4, $0xE  }
0x3b: {  	s19 =	sadd.s32 $0x1, s19;
	v3 =	vshll.u32 v3, $0x1C;
	v2 =	vadd.s32 v4, v2  }
0x3c: {  	p0 =	sne.s32 s19, $0x5;
	v2 =	vadd.s32 v3, v2;
	[tilespmem:v5+s13+$0x0] =	vst.idx.add.f32.msk $0xffff, v1  }
.Ltmp2:
0x3d: {  	s20 =	sadd.s32 s6, s20;
	[tilespmem:s23+$0x1800] =	vst v2;
	(pc) =	sbr.rel @p0 .LBB2_4-.Ltmp2, $4  }
0x3e: {  	[hbm4b:s20+s4] =	stream.linear.scatter [tilespmem:s14], [sflag:$0x1], $0x7D0, $0x38;
	[tilespmem:$0xC000] =	vst v63  }
0x3f: {  	_ =	swait.ge [sflag:s10], $0x7D0  }
0x40: {  	[sflag:s10] =	ssyncset.done $0x0  }
0x41: {  	[sflag:s10] =	ssyncadd.s32 $0xFFFFF830  }
0x42: {  	s17 =	sadd.s32 $0x1, s17  }
0x43: {  	p0 =	sne.s32 s17, s9  }
.Ltmp3:
0x44: {  	_ = 	snop;
	(pc) =	sbr.rel @p0 .LBB2_1-.Ltmp3, $4  }
0x45: {  	[hbm4b:s8+s15] =	stream.strided.scatter [tilespmem:s13], [sflag:$0x1], $0xA000, s16, s15, $0x38;
	[tilespmem:$0xC000] =	vst v63  }
0x46: {  	_ =	swait.ge [sflag:s10], $0xA000  }
0x47: {  	[sflag:s10] =	ssyncset.done $0x0  }
0x48: {  	[sflag:s10] =	ssyncadd.s32 $0xFFFF6000  }
0x49: {  	_ =	sfence.sel $0x180000  }
0x4a: {  	[bflag:$0x0] =	sbarrier.arrive $0xFFFF  }
0x4b: {  	p0 =	sne.s32 s0, $0x0;
	_ =	strace $0x90000047  }
0x4c: {  	s0 =	sadd.s32 @!p0 $0x100000, s1;
	[bflag:$0x2] =	sbarrier.arrive $0xFFFF  }
0x4d: {  	[sflag:s0] =	ssyncadd.tile.s32 @!p0 $0x1;
	_ =	shalt  }
.Lfunc_end2:
_tile_overlayer_lowered:
.L_overlay_start_2:
0x4e: {  	(tag) =	ssettag $0x2  }
0x4f: {  	s0 =	rddreg [dreg:$0x0];
	s2 =	stileid.u32  }
0x50: {  	s1 =	rddreg [dreg:$0x1];
	p0 =	sne.s32 s2, $0x0  }
0x51: {  	s3 =	rddreg [dreg:$0x2];
	[bflag:$0x3] =	sbarrier.arrive $0xFFFF;
	s2 =	simm.s32 @!p0 $0x1C01  }
0x52: {  	[timem:s3], [sflag:s2] =	dma.local @!p0 [hbm:s0], s1  }
0x53: {  	s0 =	simm.s32 @!p0 $0x1  }
0x54: {  	_ =	swait.ge @!p0 [sflag:s0], s1  }
0x55: {  	s1 =	ssub.s32 @!p0 $0x0, s1;
	[sflag:s0] =	ssyncset.done @!p0 $0x0  }
0x56: {  	[sflag:s0] =	ssyncadd.s32 @!p0 s1  }
0x57: {  	[bflag:$0x3] =	sbarrier.arrive $0xFFFF  }
0x58: {  	_ =	shalt  }

</sc_bundles>
